<compile_context>
chip_gen: v7x
topology: tpu7x:2x2x1
jax: 0.10.2.dev20260603
libtpu: 0.0.44.dev20260713+nightly
codegen_flags: <defaults>
</compile_context>

<pallas_src>
import functools

import jax
import jax.numpy as jnp
from jax import lax
from jax.experimental import pallas as pl
from jax.experimental.pallas import tpu as pltpu
from jax.experimental.pallas import tpu_sc as plsc

G = 64
EK = 125



def _init_body(x_ref, wT_ref, b_ref, wg_ref, h_ref, m_ref):
    h = jnp.dot(x_ref[...], wT_ref[...], preferred_element_type=jnp.float32)
    h = h + b_ref[...]
    h_ref[...] = h
    m = jnp.dot(h, wg_ref[...], preferred_element_type=jnp.float32)
    m_ref[...] = m.astype(m_ref.dtype)


def _init_proj(x, lin_WT, lin_b2, wg0, blk):
    n, f = x.shape
    return pl.pallas_call(
        _init_body,
        grid=(n // blk,),
        in_specs=[
            pl.BlockSpec((blk, f), lambda i: (i, 0)),
            pl.BlockSpec((f, f), lambda i: (0, 0)),
            pl.BlockSpec((1, f), lambda i: (0, 0)),
            pl.BlockSpec((f, f), lambda i: (0, 0)),
        ],
        out_specs=[
            pl.BlockSpec((blk, f), lambda i: (i, 0)),
            pl.BlockSpec((blk, f), lambda i: (i, 0)),
        ],
        out_shape=[jax.ShapeDtypeStruct((n, f), jnp.float32)] * 2,
    )(x, lin_WT, lin_b2, wg0)


def _gru_body(h_ref, agg_ref, wihT_ref, whhT_ref, bih_ref, bhh_ref, wgn_ref,
              hn_ref, mn_ref):
    f = h_ref.shape[1]
    h = h_ref[...]
    agg = agg_ref[0] + agg_ref[1]
    gi = jnp.dot(agg, wihT_ref[...], preferred_element_type=jnp.float32)
    gi = gi + bih_ref[...]
    gh = jnp.dot(h, whhT_ref[...], preferred_element_type=jnp.float32)
    gh = gh + bhh_ref[...]
    r = jax.nn.sigmoid(gi[:, :f] + gh[:, :f])
    z = jax.nn.sigmoid(gi[:, f:2 * f] + gh[:, f:2 * f])
    n = jnp.tanh(gi[:, 2 * f:] + r * gh[:, 2 * f:])
    hn = (1.0 - z) * n + z * h
    hn_ref[...] = hn
    mn = jnp.dot(hn, wgn_ref[...], preferred_element_type=jnp.float32)
    mn_ref[...] = mn.astype(mn_ref.dtype)


def _gru_step(h, agg2, wihT, whhT, bih2, bhh2, wg_next, blk):
    n, f = h.shape
    return pl.pallas_call(
        _gru_body,
        grid=(n // blk,),
        in_specs=[
            pl.BlockSpec((blk, f), lambda i: (i, 0)),
            pl.BlockSpec((2, blk, f), lambda i: (0, i, 0)),
            pl.BlockSpec((f, 3 * f), lambda i: (0, 0)),
            pl.BlockSpec((f, 3 * f), lambda i: (0, 0)),
            pl.BlockSpec((1, 3 * f), lambda i: (0, 0)),
            pl.BlockSpec((1, 3 * f), lambda i: (0, 0)),
            pl.BlockSpec((f, f), lambda i: (0, 0)),
        ],
        out_specs=[
            pl.BlockSpec((blk, f), lambda i: (i, 0)),
            pl.BlockSpec((blk, f), lambda i: (i, 0)),
        ],
        out_shape=[jax.ShapeDtypeStruct((n, f), jnp.float32)] * 2,
    )(h, agg2, wihT, whhT, bih2, bhh2, wg_next)


def _final_body(h_ref, agg_ref, wihT_ref, whhT_ref, bih_ref, bhh_ref,
                b3_ref, c1T_ref, c1b_ref, c2T_ref, c2b_ref, out_ref,
                sum_ref, cnt_ref):
    i = pl.program_id(0)
    nb = pl.num_programs(0)
    g = sum_ref.shape[0]
    f = h_ref.shape[1]

    @pl.when(i == 0)
    def _():
        sum_ref[...] = jnp.zeros_like(sum_ref)
        cnt_ref[...] = jnp.zeros_like(cnt_ref)

    h = h_ref[...]
    agg = agg_ref[0] + agg_ref[1]
    gi = jnp.dot(agg, wihT_ref[...], preferred_element_type=jnp.float32)
    gi = gi + bih_ref[...]
    gh = jnp.dot(h, whhT_ref[...], preferred_element_type=jnp.float32)
    gh = gh + bhh_ref[...]
    r = jax.nn.sigmoid(gi[:, :f] + gh[:, :f])
    z = jax.nn.sigmoid(gi[:, f:2 * f] + gh[:, f:2 * f])
    n = jnp.tanh(gi[:, 2 * f:] + r * gh[:, 2 * f:])
    hn = (1.0 - z) * n + z * h

    batch = b3_ref[0, 0, :]
    gids = lax.broadcasted_iota(jnp.int32, (g, batch.shape[0]), 0)
    onehot = (batch[None, :] == gids).astype(jnp.float32)
    sum_ref[...] += jnp.dot(onehot, hn, preferred_element_type=jnp.float32)
    cnt_ref[...] += jnp.sum(onehot, axis=1, keepdims=True)

    @pl.when(i == nb - 1)
    def _():
        pooled = sum_ref[...] / jnp.maximum(cnt_ref[...], 1.0)
        hid = jnp.dot(pooled, c1T_ref[...], preferred_element_type=jnp.float32)
        hid = jax.nn.relu(hid + c1b_ref[...])
        logits = jnp.dot(hid, c2T_ref[...], preferred_element_type=jnp.float32)
        out_ref[...] = jax.nn.sigmoid(logits + c2b_ref[...])


def _final_step(h, agg2, wihT, whhT, bih2, bhh2, batch3, c1T, c1b2, c2T,
                c2b2, blk):
    n, f = h.shape
    nb = n // blk
    return pl.pallas_call(
        _final_body,
        grid=(nb,),
        in_specs=[
            pl.BlockSpec((blk, f), lambda i: (i, 0)),
            pl.BlockSpec((2, blk, f), lambda i: (0, i, 0)),
            pl.BlockSpec((f, 3 * f), lambda i: (0, 0)),
            pl.BlockSpec((f, 3 * f), lambda i: (0, 0)),
            pl.BlockSpec((1, 3 * f), lambda i: (0, 0)),
            pl.BlockSpec((1, 3 * f), lambda i: (0, 0)),
            pl.BlockSpec((1, 1, blk), lambda i: (i, 0, 0)),
            pl.BlockSpec((f, f), lambda i: (0, 0)),
            pl.BlockSpec((1, f), lambda i: (0, 0)),
            pl.BlockSpec((f, 1), lambda i: (0, 0)),
            pl.BlockSpec((1, 1), lambda i: (0, 0)),
        ],
        out_specs=pl.BlockSpec((G, 1), lambda i: (0, 0)),
        out_shape=jax.ShapeDtypeStruct((G, 1), jnp.float32),
        scratch_shapes=[
            pltpu.VMEM((G, f), jnp.float32),
            pltpu.VMEM((G, 1), jnp.float32),
        ],
    )(h, agg2, wihT, whhT, bih2, bhh2, batch3, c1T, c1b2, c2T, c2b2)



@functools.lru_cache(maxsize=None)
def _make_edge_agg(n, f, nchunk):
    info = plsc.get_sparse_core_info()
    nc, ns = info.num_cores, info.num_subcores
    nw = nc * ns
    cpw = nchunk // nw
    rpt = (n // ns) // 8 * 8
    tail = n - rpt * ns
    mesh = plsc.VectorSubcoreMesh(core_axis_name="c", subcore_axis_name="s")

    nbuf = 2
    nph = 2
    hpc = cpw // nph
    nq = hpc // nbuf

    @functools.partial(
        pl.kernel, mesh=mesh,
        out_type=jax.ShapeDtypeStruct((nc, n, f), jnp.float32),
        scratch_types=[
            pltpu.VMEM((hpc, EK), jnp.int32),
            pltpu.VMEM((hpc, EK), jnp.int32),
        ] + [pltpu.VMEM((EK, f), jnp.float32)] * nbuf
          + [pltpu.VMEM_SHARED((n, f), jnp.float32)]
          + [pltpu.SemaphoreType.DMA] * nbuf,
    )
    def edge_agg(m_hbm, src_hbm, dst_hbm, z_hbm, out_hbm,
                 src_v, dst_v, *rest):
        bufs = rest[:nbuf]
        acc = rest[nbuf]
        gsems = rest[nbuf + 1:nbuf + 1 + nbuf]
        c = lax.axis_index("c")
        s = lax.axis_index("s")
        wid = s * nc + c
        base_r = s * rpt

        def gather(j, b):
            pltpu.async_copy(m_hbm.at[src_v.at[j]], bufs[b], gsems[b])

        def gather_wait(j, b):
            pltpu.make_async_copy(m_hbm.at[src_v.at[j]], bufs[b],
                                  gsems[b]).wait()

        def scat(j, b):
            pltpu.sync_copy(bufs[b], acc.at[dst_v.at[j]], add=True)

        def body(q, carry, last):
            j0 = q * nbuf
            for b in range(nbuf):
                gather_wait(j0 + b, b)
                scat(j0 + b, b)
                if not last:
                    gather(j0 + nbuf + b, b)
            return carry

        pltpu.sync_copy(src_hbm.at[pl.ds(wid * cpw, hpc)], src_v)
        pltpu.sync_copy(dst_hbm.at[pl.ds(wid * cpw, hpc)], dst_v)
        for b in range(nbuf):
            gather(b, b)
        pltpu.sync_copy(z_hbm.at[pl.ds(base_r, rpt)], acc.at[pl.ds(base_r, rpt)])
        if tail:
            @pl.when(s == ns - 1)
            def _():
                pltpu.sync_copy(z_hbm.at[pl.ds(rpt * ns, tail)],
                                acc.at[pl.ds(rpt * ns, tail)])
        plsc.subcore_barrier()

        for ph in range(nph):
            if ph:
                cbase = wid * cpw + ph * hpc
                pltpu.sync_copy(src_hbm.at[pl.ds(cbase, hpc)], src_v)
                pltpu.sync_copy(dst_hbm.at[pl.ds(cbase, hpc)], dst_v)
                for b in range(nbuf):
                    gather(b, b)
            lax.fori_loop(0, nq - 1, lambda q, cy: body(q, cy, False), 0)
            body(nq - 1, 0, True)
        plsc.subcore_barrier()
        pltpu.sync_copy(acc.at[pl.ds(base_r, rpt)],
                        out_hbm.at[c].at[pl.ds(base_r, rpt)])
        if tail:
            @pl.when(s == ns - 1)
            def _():
                pltpu.sync_copy(acc.at[pl.ds(rpt * ns, tail)],
                                out_hbm.at[c].at[pl.ds(rpt * ns, tail)])

    return edge_agg



def kernel(x, edge_index, batch, lin_W, lin_b, ggnn_W, gru_W_ih, gru_W_hh,
           gru_b_ih, gru_b_hh, c1_W, c1_b, c2_W, c2_b):
    n, f = x.shape
    num_layers = ggnn_W.shape[0]
    e = edge_index.shape[1]
    blk = 5000

    src2d = edge_index[0].reshape(e // EK, EK)
    dst2d = edge_index[1].reshape(e // EK, EK)
    zeros = jnp.zeros((n, f), jnp.float32)
    lin_WT = lin_W.T
    lin_b2 = lin_b.reshape(1, f)
    wihT = gru_W_ih.T
    whhT = gru_W_hh.T
    bih2 = gru_b_ih.reshape(1, 3 * f)
    bhh2 = gru_b_hh.reshape(1, 3 * f)
    c1T = c1_W.T
    c1b2 = c1_b.reshape(1, f)
    c2T = c2_W.T
    c2b2 = c2_b.reshape(1, 1)
    batch3 = batch.reshape(n // blk, 1, blk)

    edge_agg = _make_edge_agg(n, f, e // EK)

    h, m = _init_proj(x, lin_WT, lin_b2, ggnn_W[0], blk)
    for i in range(num_layers - 1):
        agg2 = edge_agg(m, src2d, dst2d, zeros)
        h, m = _gru_step(h, agg2, wihT, whhT, bih2, bhh2, ggnn_W[i + 1], blk)
    agg2 = edge_agg(m, src2d, dst2d, zeros)
    return _final_step(h, agg2, wihT, whhT, bih2, bhh2, batch3, c1T, c1b2,
                       c2T, c2b2, blk)

# --- scband reference (transcript-rebuilt; emitter-appended) ---
"""Pipeline reference for scband-devign2-linear-33243046871385 (READ-ONLY COPY).

The authoritative reference and input builder live on the scoring server;
editing this copy changes nothing except your own understanding.
"""

import jax, jax.numpy as jnp
import numpy as np

N = 10000
E = 320000
EMB = 128
OUT = 128
L = 6
G = 64


def setup_inputs(seed: int = 0) -> dict:
    key = jax.random.key(seed)
    ks = jax.random.split(key, 14)
    x = jax.random.normal(ks[0], (N, EMB), dtype=jnp.float32)
    edge_index = jax.random.randint(ks[1], (2, E), 0, N, dtype=jnp.int32)
    batch = jnp.sort(jax.random.randint(ks[2], (N,), 0, G, dtype=jnp.int32))
    s = 0.05
    lin_W = s * jax.random.normal(ks[3], (OUT, EMB), dtype=jnp.float32)
    lin_b = s * jax.random.normal(ks[4], (OUT,), dtype=jnp.float32)
    ggnn_W = s * jax.random.normal(ks[5], (L, OUT, OUT), dtype=jnp.float32)
    gru_W_ih = s * jax.random.normal(ks[6], (3 * OUT, OUT), dtype=jnp.float32)
    gru_W_hh = s * jax.random.normal(ks[7], (3 * OUT, OUT), dtype=jnp.float32)
    gru_b_ih = s * jax.random.normal(ks[8], (3 * OUT,), dtype=jnp.float32)
    gru_b_hh = s * jax.random.normal(ks[9], (3 * OUT,), dtype=jnp.float32)
    c1_W = s * jax.random.normal(ks[10], (128, OUT), dtype=jnp.float32)
    c1_b = s * jax.random.normal(ks[11], (128,), dtype=jnp.float32)
    c2_W = s * jax.random.normal(ks[12], (1, 128), dtype=jnp.float32)
    c2_b = s * jax.random.normal(ks[13], (1,), dtype=jnp.float32)
    return {"x": x, "edge_index": edge_index, "batch": batch, "lin_W": lin_W, "lin_b": lin_b,
            "ggnn_W": ggnn_W, "gru_W_ih": gru_W_ih, "gru_W_hh": gru_W_hh, "gru_b_ih": gru_b_ih,
            "gru_b_hh": gru_b_hh, "c1_W": c1_W, "c1_b": c1_b, "c2_W": c2_W, "c2_b": c2_b}


def reference(x, edge_index, batch, lin_W, lin_b, ggnn_W, gru_W_ih, gru_W_hh, gru_b_ih, gru_b_hh, c1_W, c1_b, c2_W, c2_b):
    # input linear: emb_size -> out_channels
    h = x @ lin_W.T + lin_b
    src = edge_index[0]
    dst = edge_index[1]
    # GatedGraphConv: num_layers of (linear transform -> scatter-add message passing -> GRUCell)
    for i in range(L):
        m = h @ ggnn_W[i]
        agg = jnp.zeros_like(h).at[dst].add(m[src])
        gi = agg @ gru_W_ih.T + gru_b_ih
        gh = h @ gru_W_hh.T + gru_b_hh
        i_r, i_z, i_n = jnp.split(gi, 3, axis=1)
        h_r, h_z, h_n = jnp.split(gh, 3, axis=1)
        r = jax.nn.sigmoid(i_r + h_r)
        z = jax.nn.sigmoid(i_z + h_z)
        n = jnp.tanh(i_n + r * h_n)
        h = (1.0 - z) * n + z * h
    # global mean pool over graphs
    sums = jax.ops.segment_sum(h, batch, num_segments=G)
    cnts = jax.ops.segment_sum(jnp.ones((h.shape[0], 1), h.dtype), batch, num_segments=G)
    pooled = sums / jnp.maximum(cnts, 1.0)
    # classifier (dropout is identity in eval)
    hid = jax.nn.relu(pooled @ c1_W.T + c1_b)
    logits = hid @ c2_W.T + c2_b
    return jax.nn.sigmoid(logits)

if __name__ == "__main__":
    import jax
    _d = setup_inputs()
    print(jax.jit(kernel)(*tuple(_d.values())))

</pallas_src>

<mosaic_0001>
#map = affine_map<(d0, d1) -> (0, 0)>
#map1 = affine_map<(d0, d1) -> (0, 0, 0)>
module attributes {stable_mosaic.version = 14 : i64} {
  func.func @edge_agg(%arg0: i32, %arg1: i32, %arg2: memref<10000x128xf32, #tpu.memory_space<hbm>>, %arg3: memref<2560x125xi32, #tpu.memory_space<hbm>>, %arg4: memref<2560x125xi32, #tpu.memory_space<hbm>>, %arg5: memref<10000x128xf32, #tpu.memory_space<hbm>>, %arg6: memref<2x10000x128xf32, #tpu.memory_space<hbm>>, %arg7: memref<40x125xi32, #tpu.memory_space<vmem>>, %arg8: memref<40x125xi32, #tpu.memory_space<vmem>>, %arg9: memref<125x128xf32, #tpu.memory_space<vmem>>, %arg10: memref<125x128xf32, #tpu.memory_space<vmem>>, %arg11: memref<10000x128xf32, #tpu.memory_space<vmem_shared>>, %arg12: memref<!tpu.dma_semaphore, #tpu.memory_space<semaphore_mem>>, %arg13: memref<!tpu.dma_semaphore, #tpu.memory_space<semaphore_mem>>) attributes {dimension_semantics = [#tpu.dimension_semantics<core_parallel>, #tpu.dimension_semantics<subcore_parallel>], iteration_bounds = array<i64: 2, 16>, scalar_prefetch = 0 : i64, scratch_operands = 7 : i64, tpu.core_type = #tpu.core_type<sc_vector_subcore>, window_params = [{transform_indices = #map}, {transform_indices = #map}, {transform_indices = #map}, {transform_indices = #map}, {transform_indices = #map1}]} {
    %mul3A = arith.constant 2 : i32
    %mul3A_0 = arith.muli %arg1, %mul3A : i32
    %add3A = arith.addi %mul3A_0, %arg0 : i32
    %mul3A_1 = arith.constant 624 : i32
    %mul3A_2 = arith.muli %arg1, %mul3A_1 : i32
    %mul3A_3 = arith.constant 80 : i32
    %mul3A_4 = arith.muli %add3A, %mul3A_3 : i32
    "tpu.region"() ({
      %run_scoped3A_87 = tpu.sem_alloc : memref<!tpu.dma_semaphore, #tpu.memory_space<semaphore_mem>>
      %dma_start3A_88 = arith.constant 0 : i32
      %dma_start3A_89 = tpu.memref_slice %arg3[%mul3A_4, %dma_start3A_88] : memref<2560x125xi32, #tpu.memory_space<hbm>> -> memref<40x125xi32, #tpu.memory_space<hbm>>
      %dma_start3A_90 = arith.constant 0 : i32
      %dma_start3A_91 = tpu.memref_slice %arg3[%mul3A_4, %dma_start3A_90] : memref<2560x125xi32, #tpu.memory_space<hbm>> -> memref<40x125xi32, #tpu.memory_space<hbm>>
      tpu.enqueue_dma source(%dma_start3A_91 : memref<40x125xi32, #tpu.memory_space<hbm>>) target(%arg7 : memref<40x125xi32, #tpu.memory_space<vmem>>) target_semaphore(%run_scoped3A_87 : memref<!tpu.dma_semaphore, #tpu.memory_space<semaphore_mem>>)
      %dma_wait3A_92 = arith.constant 0 : i32
      %dma_wait3A_93 = tpu.memref_slice %arg3[%mul3A_4, %dma_wait3A_92] : memref<2560x125xi32, #tpu.memory_space<hbm>> -> memref<40x125xi32, #tpu.memory_space<hbm>>
      %dma_wait3A_94 = arith.constant 0 : i32
      %dma_wait3A_95 = tpu.memref_slice %arg3[%mul3A_4, %dma_wait3A_94] : memref<2560x125xi32, #tpu.memory_space<hbm>> -> memref<40x125xi32, #tpu.memory_space<hbm>>
      tpu.wait_dma2 semaphore(%run_scoped3A_87 : memref<!tpu.dma_semaphore, #tpu.memory_space<semaphore_mem>>) src(%dma_wait3A_95 : memref<40x125xi32, #tpu.memory_space<hbm>>) dst(%arg7 : memref<40x125xi32, #tpu.memory_space<vmem>>)
      tpu.yield
    }) : () -> ()
    %mul3A_5 = arith.constant 80 : i32
    %mul3A_6 = arith.muli %add3A, %mul3A_5 : i32
    "tpu.region"() ({
      %run_scoped3A_87 = tpu.sem_alloc : memref<!tpu.dma_semaphore, #tpu.memory_space<semaphore_mem>>
      %dma_start3A_88 = arith.constant 0 : i32
      %dma_start3A_89 = tpu.memref_slice %arg4[%mul3A_6, %dma_start3A_88] : memref<2560x125xi32, #tpu.memory_space<hbm>> -> memref<40x125xi32, #tpu.memory_space<hbm>>
      %dma_start3A_90 = arith.constant 0 : i32
      %dma_start3A_91 = tpu.memref_slice %arg4[%mul3A_6, %dma_start3A_90] : memref<2560x125xi32, #tpu.memory_space<hbm>> -> memref<40x125xi32, #tpu.memory_space<hbm>>
      tpu.enqueue_dma source(%dma_start3A_91 : memref<40x125xi32, #tpu.memory_space<hbm>>) target(%arg8 : memref<40x125xi32, #tpu.memory_space<vmem>>) target_semaphore(%run_scoped3A_87 : memref<!tpu.dma_semaphore, #tpu.memory_space<semaphore_mem>>)
      %dma_wait3A_92 = arith.constant 0 : i32
      %dma_wait3A_93 = tpu.memref_slice %arg4[%mul3A_6, %dma_wait3A_92] : memref<2560x125xi32, #tpu.memory_space<hbm>> -> memref<40x125xi32, #tpu.memory_space<hbm>>
      %dma_wait3A_94 = arith.constant 0 : i32
      %dma_wait3A_95 = tpu.memref_slice %arg4[%mul3A_6, %dma_wait3A_94] : memref<2560x125xi32, #tpu.memory_space<hbm>> -> memref<40x125xi32, #tpu.memory_space<hbm>>
      tpu.wait_dma2 semaphore(%run_scoped3A_87 : memref<!tpu.dma_semaphore, #tpu.memory_space<semaphore_mem>>) src(%dma_wait3A_95 : memref<40x125xi32, #tpu.memory_space<hbm>>) dst(%arg8 : memref<40x125xi32, #tpu.memory_space<vmem>>)
      tpu.yield
    }) : () -> ()
    %dma_start3A = arith.constant 0 : i32
    %dma_start3A_7 = arith.constant 0 : i32
    %dma_start3A_8 = tpu.memref_slice %arg7[%dma_start3A, %dma_start3A_7] : memref<40x125xi32, #tpu.memory_space<vmem>> -> memref<1x125xi32, #tpu.memory_space<vmem>>
    %dma_start3A_9 = tpu.memref_squeeze %dma_start3A_8 : memref<1x125xi32, #tpu.memory_space<vmem>> -> memref<125xi32, #tpu.memory_space<vmem>>
    %dma_start3A_10 = arith.constant 0 : i32
    %dma_start3A_11 = arith.constant 0 : i32
    %dma_start3A_12 = tpu.memref_slice %arg2[%dma_start3A_10, %dma_start3A_11] : memref<10000x128xf32, #tpu.memory_space<hbm>> -> memref<10000x128xf32, #tpu.memory_space<hbm>>
    tpu.enqueue_indirect_dma source(%dma_start3A_12 : memref<10000x128xf32, #tpu.memory_space<hbm>>) target(%arg9 : memref<125x128xf32, #tpu.memory_space<vmem>>) offsets(%dma_start3A_9 : memref<125xi32, #tpu.memory_space<vmem>>) semaphore(%arg12 : memref<!tpu.dma_semaphore, #tpu.memory_space<semaphore_mem>>)
    %dma_start3A_13 = arith.constant 1 : i32
    %dma_start3A_14 = arith.constant 0 : i32
    %dma_start3A_15 = tpu.memref_slice %arg7[%dma_start3A_13, %dma_start3A_14] : memref<40x125xi32, #tpu.memory_space<vmem>> -> memref<1x125xi32, #tpu.memory_space<vmem>>
    %dma_start3A_16 = tpu.memref_squeeze %dma_start3A_15 : memref<1x125xi32, #tpu.memory_space<vmem>> -> memref<125xi32, #tpu.memory_space<vmem>>
    %dma_start3A_17 = arith.constant 0 : i32
    %dma_start3A_18 = arith.constant 0 : i32
    %dma_start3A_19 = tpu.memref_slice %arg2[%dma_start3A_17, %dma_start3A_18] : memref<10000x128xf32, #tpu.memory_space<hbm>> -> memref<10000x128xf32, #tpu.memory_space<hbm>>
    tpu.enqueue_indirect_dma source(%dma_start3A_19 : memref<10000x128xf32, #tpu.memory_space<hbm>>) target(%arg10 : memref<125x128xf32, #tpu.memory_space<vmem>>) offsets(%dma_start3A_16 : memref<125xi32, #tpu.memory_space<vmem>>) semaphore(%arg13 : memref<!tpu.dma_semaphore, #tpu.memory_space<semaphore_mem>>)
    "tpu.region"() ({
      %run_scoped3A_87 = tpu.sem_alloc : memref<!tpu.dma_semaphore, #tpu.memory_space<semaphore_mem>>
      %dma_start3A_88 = arith.constant 0 : i32
      %dma_start3A_89 = tpu.memref_slice %arg11[%mul3A_2, %dma_start3A_88] : memref<10000x128xf32, #tpu.memory_space<vmem_shared>> -> memref<624x128xf32, #tpu.memory_space<vmem_shared>>
      %dma_start3A_90 = arith.constant 0 : i32
      %dma_start3A_91 = tpu.memref_slice %arg5[%mul3A_2, %dma_start3A_90] : memref<10000x128xf32, #tpu.memory_space<hbm>> -> memref<624x128xf32, #tpu.memory_space<hbm>>
      tpu.enqueue_dma source(%dma_start3A_91 : memref<624x128xf32, #tpu.memory_space<hbm>>) target(%dma_start3A_89 : memref<624x128xf32, #tpu.memory_space<vmem_shared>>) target_semaphore(%run_scoped3A_87 : memref<!tpu.dma_semaphore, #tpu.memory_space<semaphore_mem>>)
      %dma_wait3A_92 = arith.constant 0 : i32
      %dma_wait3A_93 = tpu.memref_slice %arg11[%mul3A_2, %dma_wait3A_92] : memref<10000x128xf32, #tpu.memory_space<vmem_shared>> -> memref<624x128xf32, #tpu.memory_space<vmem_shared>>
      %dma_wait3A_94 = arith.constant 0 : i32
      %dma_wait3A_95 = tpu.memref_slice %arg5[%mul3A_2, %dma_wait3A_94] : memref<10000x128xf32, #tpu.memory_space<hbm>> -> memref<624x128xf32, #tpu.memory_space<hbm>>
      tpu.wait_dma2 semaphore(%run_scoped3A_87 : memref<!tpu.dma_semaphore, #tpu.memory_space<semaphore_mem>>) src(%dma_wait3A_95 : memref<624x128xf32, #tpu.memory_space<hbm>>) dst(%dma_wait3A_93 : memref<624x128xf32, #tpu.memory_space<vmem_shared>>)
      tpu.yield
    }) : () -> ()
    %eq3A = arith.constant 15 : i32
    %eq3A_20 = arith.cmpi eq, %arg1, %eq3A : i32
    %convert_element_type3A = arith.extui %eq3A_20 : i1 to i32
    %cond3A = arith.constant 0 : i32
    %cond3A_21 = arith.cmpi ne, %convert_element_type3A, %cond3A : i32
    scf.if %cond3A_21 {
      "tpu.region"() ({
        %run_scoped3A_87 = tpu.sem_alloc : memref<!tpu.dma_semaphore, #tpu.memory_space<semaphore_mem>>
        %dma_start3A_88 = arith.constant 9984 : i32
        %dma_start3A_89 = arith.constant 0 : i32
        %dma_start3A_90 = tpu.memref_slice %arg11[%dma_start3A_88, %dma_start3A_89] : memref<10000x128xf32, #tpu.memory_space<vmem_shared>> -> memref<16x128xf32, #tpu.memory_space<vmem_shared>>
        %dma_start3A_91 = arith.constant 9984 : i32
        %dma_start3A_92 = arith.constant 0 : i32
        %dma_start3A_93 = tpu.memref_slice %arg5[%dma_start3A_91, %dma_start3A_92] : memref<10000x128xf32, #tpu.memory_space<hbm>> -> memref<16x128xf32, #tpu.memory_space<hbm>>
        tpu.enqueue_dma source(%dma_start3A_93 : memref<16x128xf32, #tpu.memory_space<hbm>>) target(%dma_start3A_90 : memref<16x128xf32, #tpu.memory_space<vmem_shared>>) target_semaphore(%run_scoped3A_87 : memref<!tpu.dma_semaphore, #tpu.memory_space<semaphore_mem>>)
        %dma_wait3A_94 = arith.constant 9984 : i32
        %dma_wait3A_95 = arith.constant 0 : i32
        %dma_wait3A_96 = tpu.memref_slice %arg11[%dma_wait3A_94, %dma_wait3A_95] : memref<10000x128xf32, #tpu.memory_space<vmem_shared>> -> memref<16x128xf32, #tpu.memory_space<vmem_shared>>
        %dma_wait3A_97 = arith.constant 9984 : i32
        %dma_wait3A_98 = arith.constant 0 : i32
        %dma_wait3A_99 = tpu.memref_slice %arg5[%dma_wait3A_97, %dma_wait3A_98] : memref<10000x128xf32, #tpu.memory_space<hbm>> -> memref<16x128xf32, #tpu.memory_space<hbm>>
        tpu.wait_dma2 semaphore(%run_scoped3A_87 : memref<!tpu.dma_semaphore, #tpu.memory_space<semaphore_mem>>) src(%dma_wait3A_99 : memref<16x128xf32, #tpu.memory_space<hbm>>) dst(%dma_wait3A_96 : memref<16x128xf32, #tpu.memory_space<vmem_shared>>)
        tpu.yield
      }) : () -> ()
    } else {
    }
    %barrier3A = arith.constant 0 : index
    tpu.barrier barrier_id(%barrier3A)
    %scan3A = arith.constant 0 : i32
    %scan3A_22 = arith.constant 0 : i32
    %scan3A_23 = arith.constant 19 : i32
    %scan3A_24 = arith.addi %scan3A_22, %scan3A_23 : i32
    %scan3A_25 = arith.constant 1 : i32
    scf.for %scan3A_87 = %scan3A_22 to %scan3A_24 step %scan3A_25  : i32 {
      %mul3A_88 = arith.constant 2 : i32
      %mul3A_89 = arith.muli %scan3A_87, %mul3A_88 : i32
      %add3A_90 = arith.constant 0 : i32
      %add3A_91 = arith.addi %mul3A_89, %add3A_90 : i32
      %dma_wait3A_92 = arith.constant 0 : i32
      %dma_wait3A_93 = tpu.memref_slice %arg7[%add3A_91, %dma_wait3A_92] : memref<40x125xi32, #tpu.memory_space<vmem>> -> memref<1x125xi32, #tpu.memory_space<vmem>>
      %dma_wait3A_94 = tpu.memref_squeeze %dma_wait3A_93 : memref<1x125xi32, #tpu.memory_space<vmem>> -> memref<125xi32, #tpu.memory_space<vmem>>
      %dma_wait3A_95 = arith.constant 0 : i32
      %dma_wait3A_96 = arith.constant 0 : i32
      %dma_wait3A_97 = tpu.memref_slice %arg2[%dma_wait3A_95, %dma_wait3A_96] : memref<10000x128xf32, #tpu.memory_space<hbm>> -> memref<10000x128xf32, #tpu.memory_space<hbm>>
      tpu.wait_indirect_dma semaphore(%arg12 : memref<!tpu.dma_semaphore, #tpu.memory_space<semaphore_mem>>) src(%dma_wait3A_97 : memref<10000x128xf32, #tpu.memory_space<hbm>>) dst(%arg9 : memref<125x128xf32, #tpu.memory_space<vmem>>)
      %add3A_98 = arith.constant 0 : i32
      %add3A_99 = arith.addi %mul3A_89, %add3A_98 : i32
      "tpu.region"() ({
        %run_scoped3A_130 = tpu.sem_alloc : memref<!tpu.dma_semaphore, #tpu.memory_space<semaphore_mem>>
        %dma_start3A_131 = arith.constant 0 : i32
        %dma_start3A_132 = tpu.memref_slice %arg8[%add3A_99, %dma_start3A_131] : memref<40x125xi32, #tpu.memory_space<vmem>> -> memref<1x125xi32, #tpu.memory_space<vmem>>
        %dma_start3A_133 = tpu.memref_squeeze %dma_start3A_132 : memref<1x125xi32, #tpu.memory_space<vmem>> -> memref<125xi32, #tpu.memory_space<vmem>>
        %dma_start3A_134 = arith.constant 0 : i32
        %dma_start3A_135 = arith.constant 0 : i32
        %dma_start3A_136 = tpu.memref_slice %arg11[%dma_start3A_134, %dma_start3A_135] : memref<10000x128xf32, #tpu.memory_space<vmem_shared>> -> memref<10000x128xf32, #tpu.memory_space<vmem_shared>>
        tpu.enqueue_indirect_dma source(%arg9 : memref<125x128xf32, #tpu.memory_space<vmem>>) target(%dma_start3A_136 : memref<10000x128xf32, #tpu.memory_space<vmem_shared>>) offsets(%dma_start3A_133 : memref<125xi32, #tpu.memory_space<vmem>>) semaphore(%run_scoped3A_130 : memref<!tpu.dma_semaphore, #tpu.memory_space<semaphore_mem>>) {add = true}
        %dma_wait3A_137 = arith.constant 0 : i32
        %dma_wait3A_138 = tpu.memref_slice %arg8[%add3A_99, %dma_wait3A_137] : memref<40x125xi32, #tpu.memory_space<vmem>> -> memref<1x125xi32, #tpu.memory_space<vmem>>
        %dma_wait3A_139 = tpu.memref_squeeze %dma_wait3A_138 : memref<1x125xi32, #tpu.memory_space<vmem>> -> memref<125xi32, #tpu.memory_space<vmem>>
        %dma_wait3A_140 = arith.constant 0 : i32
        %dma_wait3A_141 = arith.constant 0 : i32
        %dma_wait3A_142 = tpu.memref_slice %arg11[%dma_wait3A_140, %dma_wait3A_141] : memref<10000x128xf32, #tpu.memory_space<vmem_shared>> -> memref<10000x128xf32, #tpu.memory_space<vmem_shared>>
        tpu.wait_indirect_dma semaphore(%run_scoped3A_130 : memref<!tpu.dma_semaphore, #tpu.memory_space<semaphore_mem>>) src(%arg9 : memref<125x128xf32, #tpu.memory_space<vmem>>) dst(%dma_wait3A_142 : memref<10000x128xf32, #tpu.memory_space<vmem_shared>>)
        tpu.yield
      }) : () -> ()
      %add3A_100 = arith.constant 2 : i32
      %add3A_101 = arith.addi %mul3A_89, %add3A_100 : i32
      %add3A_102 = arith.constant 0 : i32
      %add3A_103 = arith.addi %add3A_101, %add3A_102 : i32
      %dma_start3A_104 = arith.constant 0 : i32
      %dma_start3A_105 = tpu.memref_slice %arg7[%add3A_103, %dma_start3A_104] : memref<40x125xi32, #tpu.memory_space<vmem>> -> memref<1x125xi32, #tpu.memory_space<vmem>>
      %dma_start3A_106 = tpu.memref_squeeze %dma_start3A_105 : memref<1x125xi32, #tpu.memory_space<vmem>> -> memref<125xi32, #tpu.memory_space<vmem>>
      %dma_start3A_107 = arith.constant 0 : i32
      %dma_start3A_108 = arith.constant 0 : i32
      %dma_start3A_109 = tpu.memref_slice %arg2[%dma_start3A_107, %dma_start3A_108] : memref<10000x128xf32, #tpu.memory_space<hbm>> -> memref<10000x128xf32, #tpu.memory_space<hbm>>
      tpu.enqueue_indirect_dma source(%dma_start3A_109 : memref<10000x128xf32, #tpu.memory_space<hbm>>) target(%arg9 : memref<125x128xf32, #tpu.memory_space<vmem>>) offsets(%dma_start3A_106 : memref<125xi32, #tpu.memory_space<vmem>>) semaphore(%arg12 : memref<!tpu.dma_semaphore, #tpu.memory_space<semaphore_mem>>)
      %add3A_110 = arith.constant 1 : i32
      %add3A_111 = arith.addi %mul3A_89, %add3A_110 : i32
      %dma_wait3A_112 = arith.constant 0 : i32
      %dma_wait3A_113 = tpu.memref_slice %arg7[%add3A_111, %dma_wait3A_112] : memref<40x125xi32, #tpu.memory_space<vmem>> -> memref<1x125xi32, #tpu.memory_space<vmem>>
      %dma_wait3A_114 = tpu.memref_squeeze %dma_wait3A_113 : memref<1x125xi32, #tpu.memory_space<vmem>> -> memref<125xi32, #tpu.memory_space<vmem>>
      %dma_wait3A_115 = arith.constant 0 : i32
      %dma_wait3A_116 = arith.constant 0 : i32
      %dma_wait3A_117 = tpu.memref_slice %arg2[%dma_wait3A_115, %dma_wait3A_116] : memref<10000x128xf32, #tpu.memory_space<hbm>> -> memref<10000x128xf32, #tpu.memory_space<hbm>>
      tpu.wait_indirect_dma semaphore(%arg13 : memref<!tpu.dma_semaphore, #tpu.memory_space<semaphore_mem>>) src(%dma_wait3A_117 : memref<10000x128xf32, #tpu.memory_space<hbm>>) dst(%arg10 : memref<125x128xf32, #tpu.memory_space<vmem>>)
      %add3A_118 = arith.constant 1 : i32
      %add3A_119 = arith.addi %mul3A_89, %add3A_118 : i32
      "tpu.region"() ({
        %run_scoped3A_130 = tpu.sem_alloc : memref<!tpu.dma_semaphore, #tpu.memory_space<semaphore_mem>>
        %dma_start3A_131 = arith.constant 0 : i32
        %dma_start3A_132 = tpu.memref_slice %arg8[%add3A_119, %dma_start3A_131] : memref<40x125xi32, #tpu.memory_space<vmem>> -> memref<1x125xi32, #tpu.memory_space<vmem>>
        %dma_start3A_133 = tpu.memref_squeeze %dma_start3A_132 : memref<1x125xi32, #tpu.memory_space<vmem>> -> memref<125xi32, #tpu.memory_space<vmem>>
        %dma_start3A_134 = arith.constant 0 : i32
        %dma_start3A_135 = arith.constant 0 : i32
        %dma_start3A_136 = tpu.memref_slice %arg11[%dma_start3A_134, %dma_start3A_135] : memref<10000x128xf32, #tpu.memory_space<vmem_shared>> -> memref<10000x128xf32, #tpu.memory_space<vmem_shared>>
        tpu.enqueue_indirect_dma source(%arg10 : memref<125x128xf32, #tpu.memory_space<vmem>>) target(%dma_start3A_136 : memref<10000x128xf32, #tpu.memory_space<vmem_shared>>) offsets(%dma_start3A_133 : memref<125xi32, #tpu.memory_space<vmem>>) semaphore(%run_scoped3A_130 : memref<!tpu.dma_semaphore, #tpu.memory_space<semaphore_mem>>) {add = true}
        %dma_wait3A_137 = arith.constant 0 : i32
        %dma_wait3A_138 = tpu.memref_slice %arg8[%add3A_119, %dma_wait3A_137] : memref<40x125xi32, #tpu.memory_space<vmem>> -> memref<1x125xi32, #tpu.memory_space<vmem>>
        %dma_wait3A_139 = tpu.memref_squeeze %dma_wait3A_138 : memref<1x125xi32, #tpu.memory_space<vmem>> -> memref<125xi32, #tpu.memory_space<vmem>>
        %dma_wait3A_140 = arith.constant 0 : i32
        %dma_wait3A_141 = arith.constant 0 : i32
        %dma_wait3A_142 = tpu.memref_slice %arg11[%dma_wait3A_140, %dma_wait3A_141] : memref<10000x128xf32, #tpu.memory_space<vmem_shared>> -> memref<10000x128xf32, #tpu.memory_space<vmem_shared>>
        tpu.wait_indirect_dma semaphore(%run_scoped3A_130 : memref<!tpu.dma_semaphore, #tpu.memory_space<semaphore_mem>>) src(%arg10 : memref<125x128xf32, #tpu.memory_space<vmem>>) dst(%dma_wait3A_142 : memref<10000x128xf32, #tpu.memory_space<vmem_shared>>)
        tpu.yield
      }) : () -> ()
      %add3A_120 = arith.constant 2 : i32
      %add3A_121 = arith.addi %mul3A_89, %add3A_120 : i32
      %add3A_122 = arith.constant 1 : i32
      %add3A_123 = arith.addi %add3A_121, %add3A_122 : i32
      %dma_start3A_124 = arith.constant 0 : i32
      %dma_start3A_125 = tpu.memref_slice %arg7[%add3A_123, %dma_start3A_124] : memref<40x125xi32, #tpu.memory_space<vmem>> -> memref<1x125xi32, #tpu.memory_space<vmem>>
      %dma_start3A_126 = tpu.memref_squeeze %dma_start3A_125 : memref<1x125xi32, #tpu.memory_space<vmem>> -> memref<125xi32, #tpu.memory_space<vmem>>
      %dma_start3A_127 = arith.constant 0 : i32
      %dma_start3A_128 = arith.constant 0 : i32
      %dma_start3A_129 = tpu.memref_slice %arg2[%dma_start3A_127, %dma_start3A_128] : memref<10000x128xf32, #tpu.memory_space<hbm>> -> memref<10000x128xf32, #tpu.memory_space<hbm>>
      tpu.enqueue_indirect_dma source(%dma_start3A_129 : memref<10000x128xf32, #tpu.memory_space<hbm>>) target(%arg10 : memref<125x128xf32, #tpu.memory_space<vmem>>) offsets(%dma_start3A_126 : memref<125xi32, #tpu.memory_space<vmem>>) semaphore(%arg13 : memref<!tpu.dma_semaphore, #tpu.memory_space<semaphore_mem>>)
    }
    %scan3A_26 = arith.constant 19 : i32
    %dma_wait3A = arith.constant 38 : i32
    %dma_wait3A_27 = arith.constant 0 : i32
    %dma_wait3A_28 = tpu.memref_slice %arg7[%dma_wait3A, %dma_wait3A_27] : memref<40x125xi32, #tpu.memory_space<vmem>> -> memref<1x125xi32, #tpu.memory_space<vmem>>
    %dma_wait3A_29 = tpu.memref_squeeze %dma_wait3A_28 : memref<1x125xi32, #tpu.memory_space<vmem>> -> memref<125xi32, #tpu.memory_space<vmem>>
    %dma_wait3A_30 = arith.constant 0 : i32
    %dma_wait3A_31 = arith.constant 0 : i32
    %dma_wait3A_32 = tpu.memref_slice %arg2[%dma_wait3A_30, %dma_wait3A_31] : memref<10000x128xf32, #tpu.memory_space<hbm>> -> memref<10000x128xf32, #tpu.memory_space<hbm>>
    tpu.wait_indirect_dma semaphore(%arg12 : memref<!tpu.dma_semaphore, #tpu.memory_space<semaphore_mem>>) src(%dma_wait3A_32 : memref<10000x128xf32, #tpu.memory_space<hbm>>) dst(%arg9 : memref<125x128xf32, #tpu.memory_space<vmem>>)
    %run_scoped3A = arith.constant 38 : i32
    "tpu.region"() ({
      %run_scoped3A_87 = tpu.sem_alloc : memref<!tpu.dma_semaphore, #tpu.memory_space<semaphore_mem>>
      %dma_start3A_88 = arith.constant 0 : i32
      %dma_start3A_89 = tpu.memref_slice %arg8[%run_scoped3A, %dma_start3A_88] : memref<40x125xi32, #tpu.memory_space<vmem>> -> memref<1x125xi32, #tpu.memory_space<vmem>>
      %dma_start3A_90 = tpu.memref_squeeze %dma_start3A_89 : memref<1x125xi32, #tpu.memory_space<vmem>> -> memref<125xi32, #tpu.memory_space<vmem>>
      %dma_start3A_91 = arith.constant 0 : i32
      %dma_start3A_92 = arith.constant 0 : i32
      %dma_start3A_93 = tpu.memref_slice %arg11[%dma_start3A_91, %dma_start3A_92] : memref<10000x128xf32, #tpu.memory_space<vmem_shared>> -> memref<10000x128xf32, #tpu.memory_space<vmem_shared>>
      tpu.enqueue_indirect_dma source(%arg9 : memref<125x128xf32, #tpu.memory_space<vmem>>) target(%dma_start3A_93 : memref<10000x128xf32, #tpu.memory_space<vmem_shared>>) offsets(%dma_start3A_90 : memref<125xi32, #tpu.memory_space<vmem>>) semaphore(%run_scoped3A_87 : memref<!tpu.dma_semaphore, #tpu.memory_space<semaphore_mem>>) {add = true}
      %dma_wait3A_94 = arith.constant 0 : i32
      %dma_wait3A_95 = tpu.memref_slice %arg8[%run_scoped3A, %dma_wait3A_94] : memref<40x125xi32, #tpu.memory_space<vmem>> -> memref<1x125xi32, #tpu.memory_space<vmem>>
      %dma_wait3A_96 = tpu.memref_squeeze %dma_wait3A_95 : memref<1x125xi32, #tpu.memory_space<vmem>> -> memref<125xi32, #tpu.memory_space<vmem>>
      %dma_wait3A_97 = arith.constant 0 : i32
      %dma_wait3A_98 = arith.constant 0 : i32
      %dma_wait3A_99 = tpu.memref_slice %arg11[%dma_wait3A_97, %dma_wait3A_98] : memref<10000x128xf32, #tpu.memory_space<vmem_shared>> -> memref<10000x128xf32, #tpu.memory_space<vmem_shared>>
      tpu.wait_indirect_dma semaphore(%run_scoped3A_87 : memref<!tpu.dma_semaphore, #tpu.memory_space<semaphore_mem>>) src(%arg9 : memref<125x128xf32, #tpu.memory_space<vmem>>) dst(%dma_wait3A_99 : memref<10000x128xf32, #tpu.memory_space<vmem_shared>>)
      tpu.yield
    }) : () -> ()
    %dma_wait3A_33 = arith.constant 39 : i32
    %dma_wait3A_34 = arith.constant 0 : i32
    %dma_wait3A_35 = tpu.memref_slice %arg7[%dma_wait3A_33, %dma_wait3A_34] : memref<40x125xi32, #tpu.memory_space<vmem>> -> memref<1x125xi32, #tpu.memory_space<vmem>>
    %dma_wait3A_36 = tpu.memref_squeeze %dma_wait3A_35 : memref<1x125xi32, #tpu.memory_space<vmem>> -> memref<125xi32, #tpu.memory_space<vmem>>
    %dma_wait3A_37 = arith.constant 0 : i32
    %dma_wait3A_38 = arith.constant 0 : i32
    %dma_wait3A_39 = tpu.memref_slice %arg2[%dma_wait3A_37, %dma_wait3A_38] : memref<10000x128xf32, #tpu.memory_space<hbm>> -> memref<10000x128xf32, #tpu.memory_space<hbm>>
    tpu.wait_indirect_dma semaphore(%arg13 : memref<!tpu.dma_semaphore, #tpu.memory_space<semaphore_mem>>) src(%dma_wait3A_39 : memref<10000x128xf32, #tpu.memory_space<hbm>>) dst(%arg10 : memref<125x128xf32, #tpu.memory_space<vmem>>)
    %run_scoped3A_40 = arith.constant 39 : i32
    "tpu.region"() ({
      %run_scoped3A_87 = tpu.sem_alloc : memref<!tpu.dma_semaphore, #tpu.memory_space<semaphore_mem>>
      %dma_start3A_88 = arith.constant 0 : i32
      %dma_start3A_89 = tpu.memref_slice %arg8[%run_scoped3A_40, %dma_start3A_88] : memref<40x125xi32, #tpu.memory_space<vmem>> -> memref<1x125xi32, #tpu.memory_space<vmem>>
      %dma_start3A_90 = tpu.memref_squeeze %dma_start3A_89 : memref<1x125xi32, #tpu.memory_space<vmem>> -> memref<125xi32, #tpu.memory_space<vmem>>
      %dma_start3A_91 = arith.constant 0 : i32
      %dma_start3A_92 = arith.constant 0 : i32
      %dma_start3A_93 = tpu.memref_slice %arg11[%dma_start3A_91, %dma_start3A_92] : memref<10000x128xf32, #tpu.memory_space<vmem_shared>> -> memref<10000x128xf32, #tpu.memory_space<vmem_shared>>
      tpu.enqueue_indirect_dma source(%arg10 : memref<125x128xf32, #tpu.memory_space<vmem>>) target(%dma_start3A_93 : memref<10000x128xf32, #tpu.memory_space<vmem_shared>>) offsets(%dma_start3A_90 : memref<125xi32, #tpu.memory_space<vmem>>) semaphore(%run_scoped3A_87 : memref<!tpu.dma_semaphore, #tpu.memory_space<semaphore_mem>>) {add = true}
      %dma_wait3A_94 = arith.constant 0 : i32
      %dma_wait3A_95 = tpu.memref_slice %arg8[%run_scoped3A_40, %dma_wait3A_94] : memref<40x125xi32, #tpu.memory_space<vmem>> -> memref<1x125xi32, #tpu.memory_space<vmem>>
      %dma_wait3A_96 = tpu.memref_squeeze %dma_wait3A_95 : memref<1x125xi32, #tpu.memory_space<vmem>> -> memref<125xi32, #tpu.memory_space<vmem>>
      %dma_wait3A_97 = arith.constant 0 : i32
      %dma_wait3A_98 = arith.constant 0 : i32
      %dma_wait3A_99 = tpu.memref_slice %arg11[%dma_wait3A_97, %dma_wait3A_98] : memref<10000x128xf32, #tpu.memory_space<vmem_shared>> -> memref<10000x128xf32, #tpu.memory_space<vmem_shared>>
      tpu.wait_indirect_dma semaphore(%run_scoped3A_87 : memref<!tpu.dma_semaphore, #tpu.memory_space<semaphore_mem>>) src(%arg10 : memref<125x128xf32, #tpu.memory_space<vmem>>) dst(%dma_wait3A_99 : memref<10000x128xf32, #tpu.memory_space<vmem_shared>>)
      tpu.yield
    }) : () -> ()
    %mul3A_41 = arith.constant 80 : i32
    %mul3A_42 = arith.muli %add3A, %mul3A_41 : i32
    %add3A_43 = arith.constant 40 : i32
    %add3A_44 = arith.addi %mul3A_42, %add3A_43 : i32
    "tpu.region"() ({
      %run_scoped3A_87 = tpu.sem_alloc : memref<!tpu.dma_semaphore, #tpu.memory_space<semaphore_mem>>
      %dma_start3A_88 = arith.constant 0 : i32
      %dma_start3A_89 = tpu.memref_slice %arg3[%add3A_44, %dma_start3A_88] : memref<2560x125xi32, #tpu.memory_space<hbm>> -> memref<40x125xi32, #tpu.memory_space<hbm>>
      %dma_start3A_90 = arith.constant 0 : i32
      %dma_start3A_91 = tpu.memref_slice %arg3[%add3A_44, %dma_start3A_90] : memref<2560x125xi32, #tpu.memory_space<hbm>> -> memref<40x125xi32, #tpu.memory_space<hbm>>
      tpu.enqueue_dma source(%dma_start3A_91 : memref<40x125xi32, #tpu.memory_space<hbm>>) target(%arg7 : memref<40x125xi32, #tpu.memory_space<vmem>>) target_semaphore(%run_scoped3A_87 : memref<!tpu.dma_semaphore, #tpu.memory_space<semaphore_mem>>)
      %dma_wait3A_92 = arith.constant 0 : i32
      %dma_wait3A_93 = tpu.memref_slice %arg3[%add3A_44, %dma_wait3A_92] : memref<2560x125xi32, #tpu.memory_space<hbm>> -> memref<40x125xi32, #tpu.memory_space<hbm>>
      %dma_wait3A_94 = arith.constant 0 : i32
      %dma_wait3A_95 = tpu.memref_slice %arg3[%add3A_44, %dma_wait3A_94] : memref<2560x125xi32, #tpu.memory_space<hbm>> -> memref<40x125xi32, #tpu.memory_space<hbm>>
      tpu.wait_dma2 semaphore(%run_scoped3A_87 : memref<!tpu.dma_semaphore, #tpu.memory_space<semaphore_mem>>) src(%dma_wait3A_95 : memref<40x125xi32, #tpu.memory_space<hbm>>) dst(%arg7 : memref<40x125xi32, #tpu.memory_space<vmem>>)
      tpu.yield
    }) : () -> ()
    "tpu.region"() ({
      %run_scoped3A_87 = tpu.sem_alloc : memref<!tpu.dma_semaphore, #tpu.memory_space<semaphore_mem>>
      %dma_start3A_88 = arith.constant 0 : i32
      %dma_start3A_89 = tpu.memref_slice %arg4[%add3A_44, %dma_start3A_88] : memref<2560x125xi32, #tpu.memory_space<hbm>> -> memref<40x125xi32, #tpu.memory_space<hbm>>
      %dma_start3A_90 = arith.constant 0 : i32
      %dma_start3A_91 = tpu.memref_slice %arg4[%add3A_44, %dma_start3A_90] : memref<2560x125xi32, #tpu.memory_space<hbm>> -> memref<40x125xi32, #tpu.memory_space<hbm>>
      tpu.enqueue_dma source(%dma_start3A_91 : memref<40x125xi32, #tpu.memory_space<hbm>>) target(%arg8 : memref<40x125xi32, #tpu.memory_space<vmem>>) target_semaphore(%run_scoped3A_87 : memref<!tpu.dma_semaphore, #tpu.memory_space<semaphore_mem>>)
      %dma_wait3A_92 = arith.constant 0 : i32
      %dma_wait3A_93 = tpu.memref_slice %arg4[%add3A_44, %dma_wait3A_92] : memref<2560x125xi32, #tpu.memory_space<hbm>> -> memref<40x125xi32, #tpu.memory_space<hbm>>
      %dma_wait3A_94 = arith.constant 0 : i32
      %dma_wait3A_95 = tpu.memref_slice %arg4[%add3A_44, %dma_wait3A_94] : memref<2560x125xi32, #tpu.memory_space<hbm>> -> memref<40x125xi32, #tpu.memory_space<hbm>>
      tpu.wait_dma2 semaphore(%run_scoped3A_87 : memref<!tpu.dma_semaphore, #tpu.memory_space<semaphore_mem>>) src(%dma_wait3A_95 : memref<40x125xi32, #tpu.memory_space<hbm>>) dst(%arg8 : memref<40x125xi32, #tpu.memory_space<vmem>>)
      tpu.yield
    }) : () -> ()
    %dma_start3A_45 = arith.constant 0 : i32
    %dma_start3A_46 = arith.constant 0 : i32
    %dma_start3A_47 = tpu.memref_slice %arg7[%dma_start3A_45, %dma_start3A_46] : memref<40x125xi32, #tpu.memory_space<vmem>> -> memref<1x125xi32, #tpu.memory_space<vmem>>
    %dma_start3A_48 = tpu.memref_squeeze %dma_start3A_47 : memref<1x125xi32, #tpu.memory_space<vmem>> -> memref<125xi32, #tpu.memory_space<vmem>>
    %dma_start3A_49 = arith.constant 0 : i32
    %dma_start3A_50 = arith.constant 0 : i32
    %dma_start3A_51 = tpu.memref_slice %arg2[%dma_start3A_49, %dma_start3A_50] : memref<10000x128xf32, #tpu.memory_space<hbm>> -> memref<10000x128xf32, #tpu.memory_space<hbm>>
    tpu.enqueue_indirect_dma source(%dma_start3A_51 : memref<10000x128xf32, #tpu.memory_space<hbm>>) target(%arg9 : memref<125x128xf32, #tpu.memory_space<vmem>>) offsets(%dma_start3A_48 : memref<125xi32, #tpu.memory_space<vmem>>) semaphore(%arg12 : memref<!tpu.dma_semaphore, #tpu.memory_space<semaphore_mem>>)
    %dma_start3A_52 = arith.constant 1 : i32
    %dma_start3A_53 = arith.constant 0 : i32
    %dma_start3A_54 = tpu.memref_slice %arg7[%dma_start3A_52, %dma_start3A_53] : memref<40x125xi32, #tpu.memory_space<vmem>> -> memref<1x125xi32, #tpu.memory_space<vmem>>
    %dma_start3A_55 = tpu.memref_squeeze %dma_start3A_54 : memref<1x125xi32, #tpu.memory_space<vmem>> -> memref<125xi32, #tpu.memory_space<vmem>>
    %dma_start3A_56 = arith.constant 0 : i32
    %dma_start3A_57 = arith.constant 0 : i32
    %dma_start3A_58 = tpu.memref_slice %arg2[%dma_start3A_56, %dma_start3A_57] : memref<10000x128xf32, #tpu.memory_space<hbm>> -> memref<10000x128xf32, #tpu.memory_space<hbm>>
    tpu.enqueue_indirect_dma source(%dma_start3A_58 : memref<10000x128xf32, #tpu.memory_space<hbm>>) target(%arg10 : memref<125x128xf32, #tpu.memory_space<vmem>>) offsets(%dma_start3A_55 : memref<125xi32, #tpu.memory_space<vmem>>) semaphore(%arg13 : memref<!tpu.dma_semaphore, #tpu.memory_space<semaphore_mem>>)
    %scan3A_59 = arith.constant 0 : i32
    %scan3A_60 = arith.constant 0 : i32
    %scan3A_61 = arith.constant 19 : i32
    %scan3A_62 = arith.addi %scan3A_60, %scan3A_61 : i32
    %scan3A_63 = arith.constant 1 : i32
    scf.for %scan3A_87 = %scan3A_60 to %scan3A_62 step %scan3A_63  : i32 {
      %mul3A_88 = arith.constant 2 : i32
      %mul3A_89 = arith.muli %scan3A_87, %mul3A_88 : i32
      %add3A_90 = arith.constant 0 : i32
      %add3A_91 = arith.addi %mul3A_89, %add3A_90 : i32
      %dma_wait3A_92 = arith.constant 0 : i32
      %dma_wait3A_93 = tpu.memref_slice %arg7[%add3A_91, %dma_wait3A_92] : memref<40x125xi32, #tpu.memory_space<vmem>> -> memref<1x125xi32, #tpu.memory_space<vmem>>
      %dma_wait3A_94 = tpu.memref_squeeze %dma_wait3A_93 : memref<1x125xi32, #tpu.memory_space<vmem>> -> memref<125xi32, #tpu.memory_space<vmem>>
      %dma_wait3A_95 = arith.constant 0 : i32
      %dma_wait3A_96 = arith.constant 0 : i32
      %dma_wait3A_97 = tpu.memref_slice %arg2[%dma_wait3A_95, %dma_wait3A_96] : memref<10000x128xf32, #tpu.memory_space<hbm>> -> memref<10000x128xf32, #tpu.memory_space<hbm>>
      tpu.wait_indirect_dma semaphore(%arg12 : memref<!tpu.dma_semaphore, #tpu.memory_space<semaphore_mem>>) src(%dma_wait3A_97 : memref<10000x128xf32, #tpu.memory_space<hbm>>) dst(%arg9 : memref<125x128xf32, #tpu.memory_space<vmem>>)
      %add3A_98 = arith.constant 0 : i32
      %add3A_99 = arith.addi %mul3A_89, %add3A_98 : i32
      "tpu.region"() ({
        %run_scoped3A_130 = tpu.sem_alloc : memref<!tpu.dma_semaphore, #tpu.memory_space<semaphore_mem>>
        %dma_start3A_131 = arith.constant 0 : i32
        %dma_start3A_132 = tpu.memref_slice %arg8[%add3A_99, %dma_start3A_131] : memref<40x125xi32, #tpu.memory_space<vmem>> -> memref<1x125xi32, #tpu.memory_space<vmem>>
        %dma_start3A_133 = tpu.memref_squeeze %dma_start3A_132 : memref<1x125xi32, #tpu.memory_space<vmem>> -> memref<125xi32, #tpu.memory_space<vmem>>
        %dma_start3A_134 = arith.constant 0 : i32
        %dma_start3A_135 = arith.constant 0 : i32
        %dma_start3A_136 = tpu.memref_slice %arg11[%dma_start3A_134, %dma_start3A_135] : memref<10000x128xf32, #tpu.memory_space<vmem_shared>> -> memref<10000x128xf32, #tpu.memory_space<vmem_shared>>
        tpu.enqueue_indirect_dma source(%arg9 : memref<125x128xf32, #tpu.memory_space<vmem>>) target(%dma_start3A_136 : memref<10000x128xf32, #tpu.memory_space<vmem_shared>>) offsets(%dma_start3A_133 : memref<125xi32, #tpu.memory_space<vmem>>) semaphore(%run_scoped3A_130 : memref<!tpu.dma_semaphore, #tpu.memory_space<semaphore_mem>>) {add = true}
        %dma_wait3A_137 = arith.constant 0 : i32
        %dma_wait3A_138 = tpu.memref_slice %arg8[%add3A_99, %dma_wait3A_137] : memref<40x125xi32, #tpu.memory_space<vmem>> -> memref<1x125xi32, #tpu.memory_space<vmem>>
        %dma_wait3A_139 = tpu.memref_squeeze %dma_wait3A_138 : memref<1x125xi32, #tpu.memory_space<vmem>> -> memref<125xi32, #tpu.memory_space<vmem>>
        %dma_wait3A_140 = arith.constant 0 : i32
        %dma_wait3A_141 = arith.constant 0 : i32
        %dma_wait3A_142 = tpu.memref_slice %arg11[%dma_wait3A_140, %dma_wait3A_141] : memref<10000x128xf32, #tpu.memory_space<vmem_shared>> -> memref<10000x128xf32, #tpu.memory_space<vmem_shared>>
        tpu.wait_indirect_dma semaphore(%run_scoped3A_130 : memref<!tpu.dma_semaphore, #tpu.memory_space<semaphore_mem>>) src(%arg9 : memref<125x128xf32, #tpu.memory_space<vmem>>) dst(%dma_wait3A_142 : memref<10000x128xf32, #tpu.memory_space<vmem_shared>>)
        tpu.yield
      }) : () -> ()
      %add3A_100 = arith.constant 2 : i32
      %add3A_101 = arith.addi %mul3A_89, %add3A_100 : i32
      %add3A_102 = arith.constant 0 : i32
      %add3A_103 = arith.addi %add3A_101, %add3A_102 : i32
      %dma_start3A_104 = arith.constant 0 : i32
      %dma_start3A_105 = tpu.memref_slice %arg7[%add3A_103, %dma_start3A_104] : memref<40x125xi32, #tpu.memory_space<vmem>> -> memref<1x125xi32, #tpu.memory_space<vmem>>
      %dma_start3A_106 = tpu.memref_squeeze %dma_start3A_105 : memref<1x125xi32, #tpu.memory_space<vmem>> -> memref<125xi32, #tpu.memory_space<vmem>>
      %dma_start3A_107 = arith.constant 0 : i32
      %dma_start3A_108 = arith.constant 0 : i32
      %dma_start3A_109 = tpu.memref_slice %arg2[%dma_start3A_107, %dma_start3A_108] : memref<10000x128xf32, #tpu.memory_space<hbm>> -> memref<10000x128xf32, #tpu.memory_space<hbm>>
      tpu.enqueue_indirect_dma source(%dma_start3A_109 : memref<10000x128xf32, #tpu.memory_space<hbm>>) target(%arg9 : memref<125x128xf32, #tpu.memory_space<vmem>>) offsets(%dma_start3A_106 : memref<125xi32, #tpu.memory_space<vmem>>) semaphore(%arg12 : memref<!tpu.dma_semaphore, #tpu.memory_space<semaphore_mem>>)
      %add3A_110 = arith.constant 1 : i32
      %add3A_111 = arith.addi %mul3A_89, %add3A_110 : i32
      %dma_wait3A_112 = arith.constant 0 : i32
      %dma_wait3A_113 = tpu.memref_slice %arg7[%add3A_111, %dma_wait3A_112] : memref<40x125xi32, #tpu.memory_space<vmem>> -> memref<1x125xi32, #tpu.memory_space<vmem>>
      %dma_wait3A_114 = tpu.memref_squeeze %dma_wait3A_113 : memref<1x125xi32, #tpu.memory_space<vmem>> -> memref<125xi32, #tpu.memory_space<vmem>>
      %dma_wait3A_115 = arith.constant 0 : i32
      %dma_wait3A_116 = arith.constant 0 : i32
      %dma_wait3A_117 = tpu.memref_slice %arg2[%dma_wait3A_115, %dma_wait3A_116] : memref<10000x128xf32, #tpu.memory_space<hbm>> -> memref<10000x128xf32, #tpu.memory_space<hbm>>
      tpu.wait_indirect_dma semaphore(%arg13 : memref<!tpu.dma_semaphore, #tpu.memory_space<semaphore_mem>>) src(%dma_wait3A_117 : memref<10000x128xf32, #tpu.memory_space<hbm>>) dst(%arg10 : memref<125x128xf32, #tpu.memory_space<vmem>>)
      %add3A_118 = arith.constant 1 : i32
      %add3A_119 = arith.addi %mul3A_89, %add3A_118 : i32
      "tpu.region"() ({
        %run_scoped3A_130 = tpu.sem_alloc : memref<!tpu.dma_semaphore, #tpu.memory_space<semaphore_mem>>
        %dma_start3A_131 = arith.constant 0 : i32
        %dma_start3A_132 = tpu.memref_slice %arg8[%add3A_119, %dma_start3A_131] : memref<40x125xi32, #tpu.memory_space<vmem>> -> memref<1x125xi32, #tpu.memory_space<vmem>>
        %dma_start3A_133 = tpu.memref_squeeze %dma_start3A_132 : memref<1x125xi32, #tpu.memory_space<vmem>> -> memref<125xi32, #tpu.memory_space<vmem>>
        %dma_start3A_134 = arith.constant 0 : i32
        %dma_start3A_135 = arith.constant 0 : i32
        %dma_start3A_136 = tpu.memref_slice %arg11[%dma_start3A_134, %dma_start3A_135] : memref<10000x128xf32, #tpu.memory_space<vmem_shared>> -> memref<10000x128xf32, #tpu.memory_space<vmem_shared>>
        tpu.enqueue_indirect_dma source(%arg10 : memref<125x128xf32, #tpu.memory_space<vmem>>) target(%dma_start3A_136 : memref<10000x128xf32, #tpu.memory_space<vmem_shared>>) offsets(%dma_start3A_133 : memref<125xi32, #tpu.memory_space<vmem>>) semaphore(%run_scoped3A_130 : memref<!tpu.dma_semaphore, #tpu.memory_space<semaphore_mem>>) {add = true}
        %dma_wait3A_137 = arith.constant 0 : i32
        %dma_wait3A_138 = tpu.memref_slice %arg8[%add3A_119, %dma_wait3A_137] : memref<40x125xi32, #tpu.memory_space<vmem>> -> memref<1x125xi32, #tpu.memory_space<vmem>>
        %dma_wait3A_139 = tpu.memref_squeeze %dma_wait3A_138 : memref<1x125xi32, #tpu.memory_space<vmem>> -> memref<125xi32, #tpu.memory_space<vmem>>
        %dma_wait3A_140 = arith.constant 0 : i32
        %dma_wait3A_141 = arith.constant 0 : i32
        %dma_wait3A_142 = tpu.memref_slice %arg11[%dma_wait3A_140, %dma_wait3A_141] : memref<10000x128xf32, #tpu.memory_space<vmem_shared>> -> memref<10000x128xf32, #tpu.memory_space<vmem_shared>>
        tpu.wait_indirect_dma semaphore(%run_scoped3A_130 : memref<!tpu.dma_semaphore, #tpu.memory_space<semaphore_mem>>) src(%arg10 : memref<125x128xf32, #tpu.memory_space<vmem>>) dst(%dma_wait3A_142 : memref<10000x128xf32, #tpu.memory_space<vmem_shared>>)
        tpu.yield
      }) : () -> ()
      %add3A_120 = arith.constant 2 : i32
      %add3A_121 = arith.addi %mul3A_89, %add3A_120 : i32
      %add3A_122 = arith.constant 1 : i32
      %add3A_123 = arith.addi %add3A_121, %add3A_122 : i32
      %dma_start3A_124 = arith.constant 0 : i32
      %dma_start3A_125 = tpu.memref_slice %arg7[%add3A_123, %dma_start3A_124] : memref<40x125xi32, #tpu.memory_space<vmem>> -> memref<1x125xi32, #tpu.memory_space<vmem>>
      %dma_start3A_126 = tpu.memref_squeeze %dma_start3A_125 : memref<1x125xi32, #tpu.memory_space<vmem>> -> memref<125xi32, #tpu.memory_space<vmem>>
      %dma_start3A_127 = arith.constant 0 : i32
      %dma_start3A_128 = arith.constant 0 : i32
      %dma_start3A_129 = tpu.memref_slice %arg2[%dma_start3A_127, %dma_start3A_128] : memref<10000x128xf32, #tpu.memory_space<hbm>> -> memref<10000x128xf32, #tpu.memory_space<hbm>>
      tpu.enqueue_indirect_dma source(%dma_start3A_129 : memref<10000x128xf32, #tpu.memory_space<hbm>>) target(%arg10 : memref<125x128xf32, #tpu.memory_space<vmem>>) offsets(%dma_start3A_126 : memref<125xi32, #tpu.memory_space<vmem>>) semaphore(%arg13 : memref<!tpu.dma_semaphore, #tpu.memory_space<semaphore_mem>>)
    }
    %scan3A_64 = arith.constant 19 : i32
    %dma_wait3A_65 = arith.constant 38 : i32
    %dma_wait3A_66 = arith.constant 0 : i32
    %dma_wait3A_67 = tpu.memref_slice %arg7[%dma_wait3A_65, %dma_wait3A_66] : memref<40x125xi32, #tpu.memory_space<vmem>> -> memref<1x125xi32, #tpu.memory_space<vmem>>
    %dma_wait3A_68 = tpu.memref_squeeze %dma_wait3A_67 : memref<1x125xi32, #tpu.memory_space<vmem>> -> memref<125xi32, #tpu.memory_space<vmem>>
    %dma_wait3A_69 = arith.constant 0 : i32
    %dma_wait3A_70 = arith.constant 0 : i32
    %dma_wait3A_71 = tpu.memref_slice %arg2[%dma_wait3A_69, %dma_wait3A_70] : memref<10000x128xf32, #tpu.memory_space<hbm>> -> memref<10000x128xf32, #tpu.memory_space<hbm>>
    tpu.wait_indirect_dma semaphore(%arg12 : memref<!tpu.dma_semaphore, #tpu.memory_space<semaphore_mem>>) src(%dma_wait3A_71 : memref<10000x128xf32, #tpu.memory_space<hbm>>) dst(%arg9 : memref<125x128xf32, #tpu.memory_space<vmem>>)
    %run_scoped3A_72 = arith.constant 38 : i32
    "tpu.region"() ({
      %run_scoped3A_87 = tpu.sem_alloc : memref<!tpu.dma_semaphore, #tpu.memory_space<semaphore_mem>>
      %dma_start3A_88 = arith.constant 0 : i32
      %dma_start3A_89 = tpu.memref_slice %arg8[%run_scoped3A_72, %dma_start3A_88] : memref<40x125xi32, #tpu.memory_space<vmem>> -> memref<1x125xi32, #tpu.memory_space<vmem>>
      %dma_start3A_90 = tpu.memref_squeeze %dma_start3A_89 : memref<1x125xi32, #tpu.memory_space<vmem>> -> memref<125xi32, #tpu.memory_space<vmem>>
      %dma_start3A_91 = arith.constant 0 : i32
      %dma_start3A_92 = arith.constant 0 : i32
      %dma_start3A_93 = tpu.memref_slice %arg11[%dma_start3A_91, %dma_start3A_92] : memref<10000x128xf32, #tpu.memory_space<vmem_shared>> -> memref<10000x128xf32, #tpu.memory_space<vmem_shared>>
      tpu.enqueue_indirect_dma source(%arg9 : memref<125x128xf32, #tpu.memory_space<vmem>>) target(%dma_start3A_93 : memref<10000x128xf32, #tpu.memory_space<vmem_shared>>) offsets(%dma_start3A_90 : memref<125xi32, #tpu.memory_space<vmem>>) semaphore(%run_scoped3A_87 : memref<!tpu.dma_semaphore, #tpu.memory_space<semaphore_mem>>) {add = true}
      %dma_wait3A_94 = arith.constant 0 : i32
      %dma_wait3A_95 = tpu.memref_slice %arg8[%run_scoped3A_72, %dma_wait3A_94] : memref<40x125xi32, #tpu.memory_space<vmem>> -> memref<1x125xi32, #tpu.memory_space<vmem>>
      %dma_wait3A_96 = tpu.memref_squeeze %dma_wait3A_95 : memref<1x125xi32, #tpu.memory_space<vmem>> -> memref<125xi32, #tpu.memory_space<vmem>>
      %dma_wait3A_97 = arith.constant 0 : i32
      %dma_wait3A_98 = arith.constant 0 : i32
      %dma_wait3A_99 = tpu.memref_slice %arg11[%dma_wait3A_97, %dma_wait3A_98] : memref<10000x128xf32, #tpu.memory_space<vmem_shared>> -> memref<10000x128xf32, #tpu.memory_space<vmem_shared>>
      tpu.wait_indirect_dma semaphore(%run_scoped3A_87 : memref<!tpu.dma_semaphore, #tpu.memory_space<semaphore_mem>>) src(%arg9 : memref<125x128xf32, #tpu.memory_space<vmem>>) dst(%dma_wait3A_99 : memref<10000x128xf32, #tpu.memory_space<vmem_shared>>)
      tpu.yield
    }) : () -> ()
    %dma_wait3A_73 = arith.constant 39 : i32
    %dma_wait3A_74 = arith.constant 0 : i32
    %dma_wait3A_75 = tpu.memref_slice %arg7[%dma_wait3A_73, %dma_wait3A_74] : memref<40x125xi32, #tpu.memory_space<vmem>> -> memref<1x125xi32, #tpu.memory_space<vmem>>
    %dma_wait3A_76 = tpu.memref_squeeze %dma_wait3A_75 : memref<1x125xi32, #tpu.memory_space<vmem>> -> memref<125xi32, #tpu.memory_space<vmem>>
    %dma_wait3A_77 = arith.constant 0 : i32
    %dma_wait3A_78 = arith.constant 0 : i32
    %dma_wait3A_79 = tpu.memref_slice %arg2[%dma_wait3A_77, %dma_wait3A_78] : memref<10000x128xf32, #tpu.memory_space<hbm>> -> memref<10000x128xf32, #tpu.memory_space<hbm>>
    tpu.wait_indirect_dma semaphore(%arg13 : memref<!tpu.dma_semaphore, #tpu.memory_space<semaphore_mem>>) src(%dma_wait3A_79 : memref<10000x128xf32, #tpu.memory_space<hbm>>) dst(%arg10 : memref<125x128xf32, #tpu.memory_space<vmem>>)
    %run_scoped3A_80 = arith.constant 39 : i32
    "tpu.region"() ({
      %run_scoped3A_87 = tpu.sem_alloc : memref<!tpu.dma_semaphore, #tpu.memory_space<semaphore_mem>>
      %dma_start3A_88 = arith.constant 0 : i32
      %dma_start3A_89 = tpu.memref_slice %arg8[%run_scoped3A_80, %dma_start3A_88] : memref<40x125xi32, #tpu.memory_space<vmem>> -> memref<1x125xi32, #tpu.memory_space<vmem>>
      %dma_start3A_90 = tpu.memref_squeeze %dma_start3A_89 : memref<1x125xi32, #tpu.memory_space<vmem>> -> memref<125xi32, #tpu.memory_space<vmem>>
      %dma_start3A_91 = arith.constant 0 : i32
      %dma_start3A_92 = arith.constant 0 : i32
      %dma_start3A_93 = tpu.memref_slice %arg11[%dma_start3A_91, %dma_start3A_92] : memref<10000x128xf32, #tpu.memory_space<vmem_shared>> -> memref<10000x128xf32, #tpu.memory_space<vmem_shared>>
      tpu.enqueue_indirect_dma source(%arg10 : memref<125x128xf32, #tpu.memory_space<vmem>>) target(%dma_start3A_93 : memref<10000x128xf32, #tpu.memory_space<vmem_shared>>) offsets(%dma_start3A_90 : memref<125xi32, #tpu.memory_space<vmem>>) semaphore(%run_scoped3A_87 : memref<!tpu.dma_semaphore, #tpu.memory_space<semaphore_mem>>) {add = true}
      %dma_wait3A_94 = arith.constant 0 : i32
      %dma_wait3A_95 = tpu.memref_slice %arg8[%run_scoped3A_80, %dma_wait3A_94] : memref<40x125xi32, #tpu.memory_space<vmem>> -> memref<1x125xi32, #tpu.memory_space<vmem>>
      %dma_wait3A_96 = tpu.memref_squeeze %dma_wait3A_95 : memref<1x125xi32, #tpu.memory_space<vmem>> -> memref<125xi32, #tpu.memory_space<vmem>>
      %dma_wait3A_97 = arith.constant 0 : i32
      %dma_wait3A_98 = arith.constant 0 : i32
      %dma_wait3A_99 = tpu.memref_slice %arg11[%dma_wait3A_97, %dma_wait3A_98] : memref<10000x128xf32, #tpu.memory_space<vmem_shared>> -> memref<10000x128xf32, #tpu.memory_space<vmem_shared>>
      tpu.wait_indirect_dma semaphore(%run_scoped3A_87 : memref<!tpu.dma_semaphore, #tpu.memory_space<semaphore_mem>>) src(%arg10 : memref<125x128xf32, #tpu.memory_space<vmem>>) dst(%dma_wait3A_99 : memref<10000x128xf32, #tpu.memory_space<vmem_shared>>)
      tpu.yield
    }) : () -> ()
    %barrier3A_81 = arith.constant 0 : index
    tpu.barrier barrier_id(%barrier3A_81)
    "tpu.region"() ({
      %run_scoped3A_87 = tpu.sem_alloc : memref<!tpu.dma_semaphore, #tpu.memory_space<semaphore_mem>>
      %dma_start3A_88 = arith.constant 0 : i32
      %dma_start3A_89 = arith.constant 0 : i32
      %dma_start3A_90 = tpu.memref_slice %arg6[%arg0, %dma_start3A_88, %dma_start3A_89] : memref<2x10000x128xf32, #tpu.memory_space<hbm>> -> memref<1x10000x128xf32, #tpu.memory_space<hbm>>
      %dma_start3A_91 = tpu.memref_squeeze %dma_start3A_90 : memref<1x10000x128xf32, #tpu.memory_space<hbm>> -> memref<10000x128xf32, #tpu.memory_space<hbm>>
      %dma_start3A_92 = arith.constant 0 : i32
      %dma_start3A_93 = tpu.memref_slice %dma_start3A_91[%mul3A_2, %dma_start3A_92] : memref<10000x128xf32, #tpu.memory_space<hbm>> -> memref<624x128xf32, #tpu.memory_space<hbm>>
      %dma_start3A_94 = arith.constant 0 : i32
      %dma_start3A_95 = tpu.memref_slice %arg11[%mul3A_2, %dma_start3A_94] : memref<10000x128xf32, #tpu.memory_space<vmem_shared>> -> memref<624x128xf32, #tpu.memory_space<vmem_shared>>
      tpu.enqueue_dma source(%dma_start3A_95 : memref<624x128xf32, #tpu.memory_space<vmem_shared>>) target(%dma_start3A_93 : memref<624x128xf32, #tpu.memory_space<hbm>>) target_semaphore(%run_scoped3A_87 : memref<!tpu.dma_semaphore, #tpu.memory_space<semaphore_mem>>)
      %dma_wait3A_96 = arith.constant 0 : i32
      %dma_wait3A_97 = arith.constant 0 : i32
      %dma_wait3A_98 = tpu.memref_slice %arg6[%arg0, %dma_wait3A_96, %dma_wait3A_97] : memref<2x10000x128xf32, #tpu.memory_space<hbm>> -> memref<1x10000x128xf32, #tpu.memory_space<hbm>>
      %dma_wait3A_99 = tpu.memref_squeeze %dma_wait3A_98 : memref<1x10000x128xf32, #tpu.memory_space<hbm>> -> memref<10000x128xf32, #tpu.memory_space<hbm>>
      %dma_wait3A_100 = arith.constant 0 : i32
      %dma_wait3A_101 = tpu.memref_slice %dma_wait3A_99[%mul3A_2, %dma_wait3A_100] : memref<10000x128xf32, #tpu.memory_space<hbm>> -> memref<624x128xf32, #tpu.memory_space<hbm>>
      %dma_wait3A_102 = arith.constant 0 : i32
      %dma_wait3A_103 = tpu.memref_slice %arg11[%mul3A_2, %dma_wait3A_102] : memref<10000x128xf32, #tpu.memory_space<vmem_shared>> -> memref<624x128xf32, #tpu.memory_space<vmem_shared>>
      tpu.wait_dma2 semaphore(%run_scoped3A_87 : memref<!tpu.dma_semaphore, #tpu.memory_space<semaphore_mem>>) src(%dma_wait3A_103 : memref<624x128xf32, #tpu.memory_space<vmem_shared>>) dst(%dma_wait3A_101 : memref<624x128xf32, #tpu.memory_space<hbm>>)
      tpu.yield
    }) : () -> ()
    %eq3A_82 = arith.constant 15 : i32
    %eq3A_83 = arith.cmpi eq, %arg1, %eq3A_82 : i32
    %convert_element_type3A_84 = arith.extui %eq3A_83 : i1 to i32
    %cond3A_85 = arith.constant 0 : i32
    %cond3A_86 = arith.cmpi ne, %convert_element_type3A_84, %cond3A_85 : i32
    scf.if %cond3A_86 {
      "tpu.region"() ({
        %run_scoped3A_87 = tpu.sem_alloc : memref<!tpu.dma_semaphore, #tpu.memory_space<semaphore_mem>>
        %dma_start3A_88 = arith.constant 0 : i32
        %dma_start3A_89 = arith.constant 0 : i32
        %dma_start3A_90 = tpu.memref_slice %arg6[%arg0, %dma_start3A_88, %dma_start3A_89] : memref<2x10000x128xf32, #tpu.memory_space<hbm>> -> memref<1x10000x128xf32, #tpu.memory_space<hbm>>
        %dma_start3A_91 = tpu.memref_squeeze %dma_start3A_90 : memref<1x10000x128xf32, #tpu.memory_space<hbm>> -> memref<10000x128xf32, #tpu.memory_space<hbm>>
        %dma_start3A_92 = arith.constant 9984 : i32
        %dma_start3A_93 = arith.constant 0 : i32
        %dma_start3A_94 = tpu.memref_slice %dma_start3A_91[%dma_start3A_92, %dma_start3A_93] : memref<10000x128xf32, #tpu.memory_space<hbm>> -> memref<16x128xf32, #tpu.memory_space<hbm>>
        %dma_start3A_95 = arith.constant 9984 : i32
        %dma_start3A_96 = arith.constant 0 : i32
        %dma_start3A_97 = tpu.memref_slice %arg11[%dma_start3A_95, %dma_start3A_96] : memref<10000x128xf32, #tpu.memory_space<vmem_shared>> -> memref<16x128xf32, #tpu.memory_space<vmem_shared>>
        tpu.enqueue_dma source(%dma_start3A_97 : memref<16x128xf32, #tpu.memory_space<vmem_shared>>) target(%dma_start3A_94 : memref<16x128xf32, #tpu.memory_space<hbm>>) target_semaphore(%run_scoped3A_87 : memref<!tpu.dma_semaphore, #tpu.memory_space<semaphore_mem>>)
        %dma_wait3A_98 = arith.constant 0 : i32
        %dma_wait3A_99 = arith.constant 0 : i32
        %dma_wait3A_100 = tpu.memref_slice %arg6[%arg0, %dma_wait3A_98, %dma_wait3A_99] : memref<2x10000x128xf32, #tpu.memory_space<hbm>> -> memref<1x10000x128xf32, #tpu.memory_space<hbm>>
        %dma_wait3A_101 = tpu.memref_squeeze %dma_wait3A_100 : memref<1x10000x128xf32, #tpu.memory_space<hbm>> -> memref<10000x128xf32, #tpu.memory_space<hbm>>
        %dma_wait3A_102 = arith.constant 9984 : i32
        %dma_wait3A_103 = arith.constant 0 : i32
        %dma_wait3A_104 = tpu.memref_slice %dma_wait3A_101[%dma_wait3A_102, %dma_wait3A_103] : memref<10000x128xf32, #tpu.memory_space<hbm>> -> memref<16x128xf32, #tpu.memory_space<hbm>>
        %dma_wait3A_105 = arith.constant 9984 : i32
        %dma_wait3A_106 = arith.constant 0 : i32
        %dma_wait3A_107 = tpu.memref_slice %arg11[%dma_wait3A_105, %dma_wait3A_106] : memref<10000x128xf32, #tpu.memory_space<vmem_shared>> -> memref<16x128xf32, #tpu.memory_space<vmem_shared>>
        tpu.wait_dma2 semaphore(%run_scoped3A_87 : memref<!tpu.dma_semaphore, #tpu.memory_space<semaphore_mem>>) src(%dma_wait3A_107 : memref<16x128xf32, #tpu.memory_space<vmem_shared>>) dst(%dma_wait3A_104 : memref<16x128xf32, #tpu.memory_space<hbm>>)
        tpu.yield
      }) : () -> ()
    } else {
    }
    return
  }
}

#map = affine_map<(d0, d1) -> (0, 0)>
#map1 = affine_map<(d0, d1) -> (0, 0, 0)>
module attributes {stable_mosaic.version = 14 : i64} {
  func.func @edge_agg(%arg0: i32, %arg1: i32, %arg2: memref<10000x128xf32, #tpu.memory_space<hbm>>, %arg3: memref<2560x125xi32, #tpu.memory_space<hbm>>, %arg4: memref<2560x125xi32, #tpu.memory_space<hbm>>, %arg5: memref<10000x128xf32, #tpu.memory_space<hbm>>, %arg6: memref<2x10000x128xf32, #tpu.memory_space<hbm>>, %arg7: memref<40x125xi32, #tpu.memory_space<vmem>>, %arg8: memref<40x125xi32, #tpu.memory_space<vmem>>, %arg9: memref<125x128xf32, #tpu.memory_space<vmem>>, %arg10: memref<125x128xf32, #tpu.memory_space<vmem>>, %arg11: memref<10000x128xf32, #tpu.memory_space<vmem_shared>>, %arg12: memref<!tpu.dma_semaphore, #tpu.memory_space<semaphore_mem>>, %arg13: memref<!tpu.dma_semaphore, #tpu.memory_space<semaphore_mem>>) attributes {dimension_semantics = [#tpu.dimension_semantics<core_parallel>, #tpu.dimension_semantics<subcore_parallel>], iteration_bounds = array<i64: 2, 16>, scalar_prefetch = 0 : i64, scratch_operands = 7 : i64, tpu.core_type = #tpu.core_type<sc_vector_subcore>, window_params = [{transform_indices = #map}, {transform_indices = #map}, {transform_indices = #map}, {transform_indices = #map}, {transform_indices = #map1}]} {
    %mul3A = arith.constant 2 : i32
    %mul3A_0 = arith.muli %arg1, %mul3A : i32
    %add3A = arith.addi %mul3A_0, %arg0 : i32
    %mul3A_1 = arith.constant 624 : i32
    %mul3A_2 = arith.muli %arg1, %mul3A_1 : i32
    %mul3A_3 = arith.constant 80 : i32
    %mul3A_4 = arith.muli %add3A, %mul3A_3 : i32
    "tpu.region"() ({
      %run_scoped3A_87 = tpu.sem_alloc : memref<!tpu.dma_semaphore, #tpu.memory_space<semaphore_mem>>
      %dma_start3A_88 = arith.constant 0 : i32
      %dma_start3A_89 = tpu.memref_slice %arg3[%mul3A_4, %dma_start3A_88] : memref<2560x125xi32, #tpu.memory_space<hbm>> -> memref<40x125xi32, #tpu.memory_space<hbm>>
      %dma_start3A_90 = arith.constant 0 : i32
      %dma_start3A_91 = tpu.memref_slice %arg3[%mul3A_4, %dma_start3A_90] : memref<2560x125xi32, #tpu.memory_space<hbm>> -> memref<40x125xi32, #tpu.memory_space<hbm>>
      tpu.enqueue_dma source(%dma_start3A_91 : memref<40x125xi32, #tpu.memory_space<hbm>>) target(%arg7 : memref<40x125xi32, #tpu.memory_space<vmem>>) target_semaphore(%run_scoped3A_87 : memref<!tpu.dma_semaphore, #tpu.memory_space<semaphore_mem>>)
      %dma_wait3A_92 = arith.constant 0 : i32
      %dma_wait3A_93 = tpu.memref_slice %arg3[%mul3A_4, %dma_wait3A_92] : memref<2560x125xi32, #tpu.memory_space<hbm>> -> memref<40x125xi32, #tpu.memory_space<hbm>>
      %dma_wait3A_94 = arith.constant 0 : i32
      %dma_wait3A_95 = tpu.memref_slice %arg3[%mul3A_4, %dma_wait3A_94] : memref<2560x125xi32, #tpu.memory_space<hbm>> -> memref<40x125xi32, #tpu.memory_space<hbm>>
      tpu.wait_dma2 semaphore(%run_scoped3A_87 : memref<!tpu.dma_semaphore, #tpu.memory_space<semaphore_mem>>) src(%dma_wait3A_95 : memref<40x125xi32, #tpu.memory_space<hbm>>) dst(%arg7 : memref<40x125xi32, #tpu.memory_space<vmem>>)
      tpu.yield
    }) : () -> ()
    %mul3A_5 = arith.constant 80 : i32
    %mul3A_6 = arith.muli %add3A, %mul3A_5 : i32
    "tpu.region"() ({
      %run_scoped3A_87 = tpu.sem_alloc : memref<!tpu.dma_semaphore, #tpu.memory_space<semaphore_mem>>
      %dma_start3A_88 = arith.constant 0 : i32
      %dma_start3A_89 = tpu.memref_slice %arg4[%mul3A_6, %dma_start3A_88] : memref<2560x125xi32, #tpu.memory_space<hbm>> -> memref<40x125xi32, #tpu.memory_space<hbm>>
      %dma_start3A_90 = arith.constant 0 : i32
      %dma_start3A_91 = tpu.memref_slice %arg4[%mul3A_6, %dma_start3A_90] : memref<2560x125xi32, #tpu.memory_space<hbm>> -> memref<40x125xi32, #tpu.memory_space<hbm>>
      tpu.enqueue_dma source(%dma_start3A_91 : memref<40x125xi32, #tpu.memory_space<hbm>>) target(%arg8 : memref<40x125xi32, #tpu.memory_space<vmem>>) target_semaphore(%run_scoped3A_87 : memref<!tpu.dma_semaphore, #tpu.memory_space<semaphore_mem>>)
      %dma_wait3A_92 = arith.constant 0 : i32
      %dma_wait3A_93 = tpu.memref_slice %arg4[%mul3A_6, %dma_wait3A_92] : memref<2560x125xi32, #tpu.memory_space<hbm>> -> memref<40x125xi32, #tpu.memory_space<hbm>>
      %dma_wait3A_94 = arith.constant 0 : i32
      %dma_wait3A_95 = tpu.memref_slice %arg4[%mul3A_6, %dma_wait3A_94] : memref<2560x125xi32, #tpu.memory_space<hbm>> -> memref<40x125xi32, #tpu.memory_space<hbm>>
      tpu.wait_dma2 semaphore(%run_scoped3A_87 : memref<!tpu.dma_semaphore, #tpu.memory_space<semaphore_mem>>) src(%dma_wait3A_95 : memref<40x125xi32, #tpu.memory_space<hbm>>) dst(%arg8 : memref<40x125xi32, #tpu.memory_space<vmem>>)
      tpu.yield
    }) : () -> ()
    %dma_start3A = arith.constant 0 : i32
    %dma_start3A_7 = arith.constant 0 : i32
    %dma_start3A_8 = tpu.memref_slice %arg7[%dma_start3A, %dma_start3A_7] : memref<40x125xi32, #tpu.memory_space<vmem>> -> memref<1x125xi32, #tpu.memory_space<vmem>>
    %dma_start3A_9 = tpu.memref_squeeze %dma_start3A_8 : memref<1x125xi32, #tpu.memory_space<vmem>> -> memref<125xi32, #tpu.memory_space<vmem>>
    %dma_start3A_10 = arith.constant 0 : i32
    %dma_start3A_11 = arith.constant 0 : i32
    %dma_start3A_12 = tpu.memref_slice %arg2[%dma_start3A_10, %dma_start3A_11] : memref<10000x128xf32, #tpu.memory_space<hbm>> -> memref<10000x128xf32, #tpu.memory_space<hbm>>
    tpu.enqueue_indirect_dma source(%dma_start3A_12 : memref<10000x128xf32, #tpu.memory_space<hbm>>) target(%arg9 : memref<125x128xf32, #tpu.memory_space<vmem>>) offsets(%dma_start3A_9 : memref<125xi32, #tpu.memory_space<vmem>>) semaphore(%arg12 : memref<!tpu.dma_semaphore, #tpu.memory_space<semaphore_mem>>)
    %dma_start3A_13 = arith.constant 1 : i32
    %dma_start3A_14 = arith.constant 0 : i32
    %dma_start3A_15 = tpu.memref_slice %arg7[%dma_start3A_13, %dma_start3A_14] : memref<40x125xi32, #tpu.memory_space<vmem>> -> memref<1x125xi32, #tpu.memory_space<vmem>>
    %dma_start3A_16 = tpu.memref_squeeze %dma_start3A_15 : memref<1x125xi32, #tpu.memory_space<vmem>> -> memref<125xi32, #tpu.memory_space<vmem>>
    %dma_start3A_17 = arith.constant 0 : i32
    %dma_start3A_18 = arith.constant 0 : i32
    %dma_start3A_19 = tpu.memref_slice %arg2[%dma_start3A_17, %dma_start3A_18] : memref<10000x128xf32, #tpu.memory_space<hbm>> -> memref<10000x128xf32, #tpu.memory_space<hbm>>
    tpu.enqueue_indirect_dma source(%dma_start3A_19 : memref<10000x128xf32, #tpu.memory_space<hbm>>) target(%arg10 : memref<125x128xf32, #tpu.memory_space<vmem>>) offsets(%dma_start3A_16 : memref<125xi32, #tpu.memory_space<vmem>>) semaphore(%arg13 : memref<!tpu.dma_semaphore, #tpu.memory_space<semaphore_mem>>)
    "tpu.region"() ({
      %run_scoped3A_87 = tpu.sem_alloc : memref<!tpu.dma_semaphore, #tpu.memory_space<semaphore_mem>>
      %dma_start3A_88 = arith.constant 0 : i32
      %dma_start3A_89 = tpu.memref_slice %arg11[%mul3A_2, %dma_start3A_88] : memref<10000x128xf32, #tpu.memory_space<vmem_shared>> -> memref<624x128xf32, #tpu.memory_space<vmem_shared>>
      %dma_start3A_90 = arith.constant 0 : i32
      %dma_start3A_91 = tpu.memref_slice %arg5[%mul3A_2, %dma_start3A_90] : memref<10000x128xf32, #tpu.memory_space<hbm>> -> memref<624x128xf32, #tpu.memory_space<hbm>>
      tpu.enqueue_dma source(%dma_start3A_91 : memref<624x128xf32, #tpu.memory_space<hbm>>) target(%dma_start3A_89 : memref<624x128xf32, #tpu.memory_space<vmem_shared>>) target_semaphore(%run_scoped3A_87 : memref<!tpu.dma_semaphore, #tpu.memory_space<semaphore_mem>>)
      %dma_wait3A_92 = arith.constant 0 : i32
      %dma_wait3A_93 = tpu.memref_slice %arg11[%mul3A_2, %dma_wait3A_92] : memref<10000x128xf32, #tpu.memory_space<vmem_shared>> -> memref<624x128xf32, #tpu.memory_space<vmem_shared>>
      %dma_wait3A_94 = arith.constant 0 : i32
      %dma_wait3A_95 = tpu.memref_slice %arg5[%mul3A_2, %dma_wait3A_94] : memref<10000x128xf32, #tpu.memory_space<hbm>> -> memref<624x128xf32, #tpu.memory_space<hbm>>
      tpu.wait_dma2 semaphore(%run_scoped3A_87 : memref<!tpu.dma_semaphore, #tpu.memory_space<semaphore_mem>>) src(%dma_wait3A_95 : memref<624x128xf32, #tpu.memory_space<hbm>>) dst(%dma_wait3A_93 : memref<624x128xf32, #tpu.memory_space<vmem_shared>>)
      tpu.yield
    }) : () -> ()
    %eq3A = arith.constant 15 : i32
    %eq3A_20 = arith.cmpi eq, %arg1, %eq3A : i32
    %convert_element_type3A = arith.extui %eq3A_20 : i1 to i32
    %cond3A = arith.constant 0 : i32
    %cond3A_21 = arith.cmpi ne, %convert_element_type3A, %cond3A : i32
    scf.if %cond3A_21 {
      "tpu.region"() ({
        %run_scoped3A_87 = tpu.sem_alloc : memref<!tpu.dma_semaphore, #tpu.memory_space<semaphore_mem>>
        %dma_start3A_88 = arith.constant 9984 : i32
        %dma_start3A_89 = arith.constant 0 : i32
        %dma_start3A_90 = tpu.memref_slice %arg11[%dma_start3A_88, %dma_start3A_89] : memref<10000x128xf32, #tpu.memory_space<vmem_shared>> -> memref<16x128xf32, #tpu.memory_space<vmem_shared>>
        %dma_start3A_91 = arith.constant 9984 : i32
        %dma_start3A_92 = arith.constant 0 : i32
        %dma_start3A_93 = tpu.memref_slice %arg5[%dma_start3A_91, %dma_start3A_92] : memref<10000x128xf32, #tpu.memory_space<hbm>> -> memref<16x128xf32, #tpu.memory_space<hbm>>
        tpu.enqueue_dma source(%dma_start3A_93 : memref<16x128xf32, #tpu.memory_space<hbm>>) target(%dma_start3A_90 : memref<16x128xf32, #tpu.memory_space<vmem_shared>>) target_semaphore(%run_scoped3A_87 : memref<!tpu.dma_semaphore, #tpu.memory_space<semaphore_mem>>)
        %dma_wait3A_94 = arith.constant 9984 : i32
        %dma_wait3A_95 = arith.constant 0 : i32
        %dma_wait3A_96 = tpu.memref_slice %arg11[%dma_wait3A_94, %dma_wait3A_95] : memref<10000x128xf32, #tpu.memory_space<vmem_shared>> -> memref<16x128xf32, #tpu.memory_space<vmem_shared>>
        %dma_wait3A_97 = arith.constant 9984 : i32
        %dma_wait3A_98 = arith.constant 0 : i32
        %dma_wait3A_99 = tpu.memref_slice %arg5[%dma_wait3A_97, %dma_wait3A_98] : memref<10000x128xf32, #tpu.memory_space<hbm>> -> memref<16x128xf32, #tpu.memory_space<hbm>>
        tpu.wait_dma2 semaphore(%run_scoped3A_87 : memref<!tpu.dma_semaphore, #tpu.memory_space<semaphore_mem>>) src(%dma_wait3A_99 : memref<16x128xf32, #tpu.memory_space<hbm>>) dst(%dma_wait3A_96 : memref<16x128xf32, #tpu.memory_space<vmem_shared>>)
        tpu.yield
      }) : () -> ()
    } else {
    }
    %barrier3A = arith.constant 0 : index
    tpu.barrier barrier_id(%barrier3A)
    %scan3A = arith.constant 0 : i32
    %scan3A_22 = arith.constant 0 : i32
    %scan3A_23 = arith.constant 19 : i32
    %scan3A_24 = arith.addi %scan3A_22, %scan3A_23 : i32
    %scan3A_25 = arith.constant 1 : i32
    scf.for %scan3A_87 = %scan3A_22 to %scan3A_24 step %scan3A_25  : i32 {
      %mul3A_88 = arith.constant 2 : i32
      %mul3A_89 = arith.muli %scan3A_87, %mul3A_88 : i32
      %add3A_90 = arith.constant 0 : i32
      %add3A_91 = arith.addi %mul3A_89, %add3A_90 : i32
      %dma_wait3A_92 = arith.constant 0 : i32
      %dma_wait3A_93 = tpu.memref_slice %arg7[%add3A_91, %dma_wait3A_92] : memref<40x125xi32, #tpu.memory_space<vmem>> -> memref<1x125xi32, #tpu.memory_space<vmem>>
      %dma_wait3A_94 = tpu.memref_squeeze %dma_wait3A_93 : memref<1x125xi32, #tpu.memory_space<vmem>> -> memref<125xi32, #tpu.memory_space<vmem>>
      %dma_wait3A_95 = arith.constant 0 : i32
      %dma_wait3A_96 = arith.constant 0 : i32
      %dma_wait3A_97 = tpu.memref_slice %arg2[%dma_wait3A_95, %dma_wait3A_96] : memref<10000x128xf32, #tpu.memory_space<hbm>> -> memref<10000x128xf32, #tpu.memory_space<hbm>>
      tpu.wait_indirect_dma semaphore(%arg12 : memref<!tpu.dma_semaphore, #tpu.memory_space<semaphore_mem>>) src(%dma_wait3A_97 : memref<10000x128xf32, #tpu.memory_space<hbm>>) dst(%arg9 : memref<125x128xf32, #tpu.memory_space<vmem>>)
      %add3A_98 = arith.constant 0 : i32
      %add3A_99 = arith.addi %mul3A_89, %add3A_98 : i32
      "tpu.region"() ({
        %run_scoped3A_130 = tpu.sem_alloc : memref<!tpu.dma_semaphore, #tpu.memory_space<semaphore_mem>>
        %dma_start3A_131 = arith.constant 0 : i32
        %dma_start3A_132 = tpu.memref_slice %arg8[%add3A_99, %dma_start3A_131] : memref<40x125xi32, #tpu.memory_space<vmem>> -> memref<1x125xi32, #tpu.memory_space<vmem>>
        %dma_start3A_133 = tpu.memref_squeeze %dma_start3A_132 : memref<1x125xi32, #tpu.memory_space<vmem>> -> memref<125xi32, #tpu.memory_space<vmem>>
        %dma_start3A_134 = arith.constant 0 : i32
        %dma_start3A_135 = arith.constant 0 : i32
        %dma_start3A_136 = tpu.memref_slice %arg11[%dma_start3A_134, %dma_start3A_135] : memref<10000x128xf32, #tpu.memory_space<vmem_shared>> -> memref<10000x128xf32, #tpu.memory_space<vmem_shared>>
        tpu.enqueue_indirect_dma source(%arg9 : memref<125x128xf32, #tpu.memory_space<vmem>>) target(%dma_start3A_136 : memref<10000x128xf32, #tpu.memory_space<vmem_shared>>) offsets(%dma_start3A_133 : memref<125xi32, #tpu.memory_space<vmem>>) semaphore(%run_scoped3A_130 : memref<!tpu.dma_semaphore, #tpu.memory_space<semaphore_mem>>) {add = true}
        %dma_wait3A_137 = arith.constant 0 : i32
        %dma_wait3A_138 = tpu.memref_slice %arg8[%add3A_99, %dma_wait3A_137] : memref<40x125xi32, #tpu.memory_space<vmem>> -> memref<1x125xi32, #tpu.memory_space<vmem>>
        %dma_wait3A_139 = tpu.memref_squeeze %dma_wait3A_138 : memref<1x125xi32, #tpu.memory_space<vmem>> -> memref<125xi32, #tpu.memory_space<vmem>>
        %dma_wait3A_140 = arith.constant 0 : i32
        %dma_wait3A_141 = arith.constant 0 : i32
        %dma_wait3A_142 = tpu.memref_slice %arg11[%dma_wait3A_140, %dma_wait3A_141] : memref<10000x128xf32, #tpu.memory_space<vmem_shared>> -> memref<10000x128xf32, #tpu.memory_space<vmem_shared>>
        tpu.wait_indirect_dma semaphore(%run_scoped3A_130 : memref<!tpu.dma_semaphore, #tpu.memory_space<semaphore_mem>>) src(%arg9 : memref<125x128xf32, #tpu.memory_space<vmem>>) dst(%dma_wait3A_142 : memref<10000x128xf32, #tpu.memory_space<vmem_shared>>)
        tpu.yield
      }) : () -> ()
      %add3A_100 = arith.constant 2 : i32
      %add3A_101 = arith.addi %mul3A_89, %add3A_100 : i32
      %add3A_102 = arith.constant 0 : i32
      %add3A_103 = arith.addi %add3A_101, %add3A_102 : i32
      %dma_start3A_104 = arith.constant 0 : i32
      %dma_start3A_105 = tpu.memref_slice %arg7[%add3A_103, %dma_start3A_104] : memref<40x125xi32, #tpu.memory_space<vmem>> -> memref<1x125xi32, #tpu.memory_space<vmem>>
      %dma_start3A_106 = tpu.memref_squeeze %dma_start3A_105 : memref<1x125xi32, #tpu.memory_space<vmem>> -> memref<125xi32, #tpu.memory_space<vmem>>
      %dma_start3A_107 = arith.constant 0 : i32
      %dma_start3A_108 = arith.constant 0 : i32
      %dma_start3A_109 = tpu.memref_slice %arg2[%dma_start3A_107, %dma_start3A_108] : memref<10000x128xf32, #tpu.memory_space<hbm>> -> memref<10000x128xf32, #tpu.memory_space<hbm>>
      tpu.enqueue_indirect_dma source(%dma_start3A_109 : memref<10000x128xf32, #tpu.memory_space<hbm>>) target(%arg9 : memref<125x128xf32, #tpu.memory_space<vmem>>) offsets(%dma_start3A_106 : memref<125xi32, #tpu.memory_space<vmem>>) semaphore(%arg12 : memref<!tpu.dma_semaphore, #tpu.memory_space<semaphore_mem>>)
      %add3A_110 = arith.constant 1 : i32
      %add3A_111 = arith.addi %mul3A_89, %add3A_110 : i32
      %dma_wait3A_112 = arith.constant 0 : i32
      %dma_wait3A_113 = tpu.memref_slice %arg7[%add3A_111, %dma_wait3A_112] : memref<40x125xi32, #tpu.memory_space<vmem>> -> memref<1x125xi32, #tpu.memory_space<vmem>>
      %dma_wait3A_114 = tpu.memref_squeeze %dma_wait3A_113 : memref<1x125xi32, #tpu.memory_space<vmem>> -> memref<125xi32, #tpu.memory_space<vmem>>
      %dma_wait3A_115 = arith.constant 0 : i32
      %dma_wait3A_116 = arith.constant 0 : i32
      %dma_wait3A_117 = tpu.memref_slice %arg2[%dma_wait3A_115, %dma_wait3A_116] : memref<10000x128xf32, #tpu.memory_space<hbm>> -> memref<10000x128xf32, #tpu.memory_space<hbm>>
      tpu.wait_indirect_dma semaphore(%arg13 : memref<!tpu.dma_semaphore, #tpu.memory_space<semaphore_mem>>) src(%dma_wait3A_117 : memref<10000x128xf32, #tpu.memory_space<hbm>>) dst(%arg10 : memref<125x128xf32, #tpu.memory_space<vmem>>)
      %add3A_118 = arith.constant 1 : i32
      %add3A_119 = arith.addi %mul3A_89, %add3A_118 : i32
      "tpu.region"() ({
        %run_scoped3A_130 = tpu.sem_alloc : memref<!tpu.dma_semaphore, #tpu.memory_space<semaphore_mem>>
        %dma_start3A_131 = arith.constant 0 : i32
        %dma_start3A_132 = tpu.memref_slice %arg8[%add3A_119, %dma_start3A_131] : memref<40x125xi32, #tpu.memory_space<vmem>> -> memref<1x125xi32, #tpu.memory_space<vmem>>
        %dma_start3A_133 = tpu.memref_squeeze %dma_start3A_132 : memref<1x125xi32, #tpu.memory_space<vmem>> -> memref<125xi32, #tpu.memory_space<vmem>>
        %dma_start3A_134 = arith.constant 0 : i32
        %dma_start3A_135 = arith.constant 0 : i32
        %dma_start3A_136 = tpu.memref_slice %arg11[%dma_start3A_134, %dma_start3A_135] : memref<10000x128xf32, #tpu.memory_space<vmem_shared>> -> memref<10000x128xf32, #tpu.memory_space<vmem_shared>>
        tpu.enqueue_indirect_dma source(%arg10 : memref<125x128xf32, #tpu.memory_space<vmem>>) target(%dma_start3A_136 : memref<10000x128xf32, #tpu.memory_space<vmem_shared>>) offsets(%dma_start3A_133 : memref<125xi32, #tpu.memory_space<vmem>>) semaphore(%run_scoped3A_130 : memref<!tpu.dma_semaphore, #tpu.memory_space<semaphore_mem>>) {add = true}
        %dma_wait3A_137 = arith.constant 0 : i32
        %dma_wait3A_138 = tpu.memref_slice %arg8[%add3A_119, %dma_wait3A_137] : memref<40x125xi32, #tpu.memory_space<vmem>> -> memref<1x125xi32, #tpu.memory_space<vmem>>
        %dma_wait3A_139 = tpu.memref_squeeze %dma_wait3A_138 : memref<1x125xi32, #tpu.memory_space<vmem>> -> memref<125xi32, #tpu.memory_space<vmem>>
        %dma_wait3A_140 = arith.constant 0 : i32
        %dma_wait3A_141 = arith.constant 0 : i32
        %dma_wait3A_142 = tpu.memref_slice %arg11[%dma_wait3A_140, %dma_wait3A_141] : memref<10000x128xf32, #tpu.memory_space<vmem_shared>> -> memref<10000x128xf32, #tpu.memory_space<vmem_shared>>
        tpu.wait_indirect_dma semaphore(%run_scoped3A_130 : memref<!tpu.dma_semaphore, #tpu.memory_space<semaphore_mem>>) src(%arg10 : memref<125x128xf32, #tpu.memory_space<vmem>>) dst(%dma_wait3A_142 : memref<10000x128xf32, #tpu.memory_space<vmem_shared>>)
        tpu.yield
      }) : () -> ()
      %add3A_120 = arith.constant 2 : i32
      %add3A_121 = arith.addi %mul3A_89, %add3A_120 : i32
      %add3A_122 = arith.constant 1 : i32
      %add3A_123 = arith.addi %add3A_121, %add3A_122 : i32
      %dma_start3A_124 = arith.constant 0 : i32
      %dma_start3A_125 = tpu.memref_slice %arg7[%add3A_123, %dma_start3A_124] : memref<40x125xi32, #tpu.memory_space<vmem>> -> memref<1x125xi32, #tpu.memory_space<vmem>>
      %dma_start3A_126 = tpu.memref_squeeze %dma_start3A_125 : memref<1x125xi32, #tpu.memory_space<vmem>> -> memref<125xi32, #tpu.memory_space<vmem>>
      %dma_start3A_127 = arith.constant 0 : i32
      %dma_start3A_128 = arith.constant 0 : i32
      %dma_start3A_129 = tpu.memref_slice %arg2[%dma_start3A_127, %dma_start3A_128] : memref<10000x128xf32, #tpu.memory_space<hbm>> -> memref<10000x128xf32, #tpu.memory_space<hbm>>
      tpu.enqueue_indirect_dma source(%dma_start3A_129 : memref<10000x128xf32, #tpu.memory_space<hbm>>) target(%arg10 : memref<125x128xf32, #tpu.memory_space<vmem>>) offsets(%dma_start3A_126 : memref<125xi32, #tpu.memory_space<vmem>>) semaphore(%arg13 : memref<!tpu.dma_semaphore, #tpu.memory_space<semaphore_mem>>)
    }
    %scan3A_26 = arith.constant 19 : i32
    %dma_wait3A = arith.constant 38 : i32
    %dma_wait3A_27 = arith.constant 0 : i32
    %dma_wait3A_28 = tpu.memref_slice %arg7[%dma_wait3A, %dma_wait3A_27] : memref<40x125xi32, #tpu.memory_space<vmem>> -> memref<1x125xi32, #tpu.memory_space<vmem>>
    %dma_wait3A_29 = tpu.memref_squeeze %dma_wait3A_28 : memref<1x125xi32, #tpu.memory_space<vmem>> -> memref<125xi32, #tpu.memory_space<vmem>>
    %dma_wait3A_30 = arith.constant 0 : i32
    %dma_wait3A_31 = arith.constant 0 : i32
    %dma_wait3A_32 = tpu.memref_slice %arg2[%dma_wait3A_30, %dma_wait3A_31] : memref<10000x128xf32, #tpu.memory_space<hbm>> -> memref<10000x128xf32, #tpu.memory_space<hbm>>
    tpu.wait_indirect_dma semaphore(%arg12 : memref<!tpu.dma_semaphore, #tpu.memory_space<semaphore_mem>>) src(%dma_wait3A_32 : memref<10000x128xf32, #tpu.memory_space<hbm>>) dst(%arg9 : memref<125x128xf32, #tpu.memory_space<vmem>>)
    %run_scoped3A = arith.constant 38 : i32
    "tpu.region"() ({
      %run_scoped3A_87 = tpu.sem_alloc : memref<!tpu.dma_semaphore, #tpu.memory_space<semaphore_mem>>
      %dma_start3A_88 = arith.constant 0 : i32
      %dma_start3A_89 = tpu.memref_slice %arg8[%run_scoped3A, %dma_start3A_88] : memref<40x125xi32, #tpu.memory_space<vmem>> -> memref<1x125xi32, #tpu.memory_space<vmem>>
      %dma_start3A_90 = tpu.memref_squeeze %dma_start3A_89 : memref<1x125xi32, #tpu.memory_space<vmem>> -> memref<125xi32, #tpu.memory_space<vmem>>
      %dma_start3A_91 = arith.constant 0 : i32
      %dma_start3A_92 = arith.constant 0 : i32
      %dma_start3A_93 = tpu.memref_slice %arg11[%dma_start3A_91, %dma_start3A_92] : memref<10000x128xf32, #tpu.memory_space<vmem_shared>> -> memref<10000x128xf32, #tpu.memory_space<vmem_shared>>
      tpu.enqueue_indirect_dma source(%arg9 : memref<125x128xf32, #tpu.memory_space<vmem>>) target(%dma_start3A_93 : memref<10000x128xf32, #tpu.memory_space<vmem_shared>>) offsets(%dma_start3A_90 : memref<125xi32, #tpu.memory_space<vmem>>) semaphore(%run_scoped3A_87 : memref<!tpu.dma_semaphore, #tpu.memory_space<semaphore_mem>>) {add = true}
      %dma_wait3A_94 = arith.constant 0 : i32
      %dma_wait3A_95 = tpu.memref_slice %arg8[%run_scoped3A, %dma_wait3A_94] : memref<40x125xi32, #tpu.memory_space<vmem>> -> memref<1x125xi32, #tpu.memory_space<vmem>>
      %dma_wait3A_96 = tpu.memref_squeeze %dma_wait3A_95 : memref<1x125xi32, #tpu.memory_space<vmem>> -> memref<125xi32, #tpu.memory_space<vmem>>
      %dma_wait3A_97 = arith.constant 0 : i32
      %dma_wait3A_98 = arith.constant 0 : i32
      %dma_wait3A_99 = tpu.memref_slice %arg11[%dma_wait3A_97, %dma_wait3A_98] : memref<10000x128xf32, #tpu.memory_space<vmem_shared>> -> memref<10000x128xf32, #tpu.memory_space<vmem_shared>>
      tpu.wait_indirect_dma semaphore(%run_scoped3A_87 : memref<!tpu.dma_semaphore, #tpu.memory_space<semaphore_mem>>) src(%arg9 : memref<125x128xf32, #tpu.memory_space<vmem>>) dst(%dma_wait3A_99 : memref<10000x128xf32, #tpu.memory_space<vmem_shared>>)
      tpu.yield
    }) : () -> ()
    %dma_wait3A_33 = arith.constant 39 : i32
    %dma_wait3A_34 = arith.constant 0 : i32
    %dma_wait3A_35 = tpu.memref_slice %arg7[%dma_wait3A_33, %dma_wait3A_34] : memref<40x125xi32, #tpu.memory_space<vmem>> -> memref<1x125xi32, #tpu.memory_space<vmem>>
    %dma_wait3A_36 = tpu.memref_squeeze %dma_wait3A_35 : memref<1x125xi32, #tpu.memory_space<vmem>> -> memref<125xi32, #tpu.memory_space<vmem>>
    %dma_wait3A_37 = arith.constant 0 : i32
    %dma_wait3A_38 = arith.constant 0 : i32
    %dma_wait3A_39 = tpu.memref_slice %arg2[%dma_wait3A_37, %dma_wait3A_38] : memref<10000x128xf32, #tpu.memory_space<hbm>> -> memref<10000x128xf32, #tpu.memory_space<hbm>>
    tpu.wait_indirect_dma semaphore(%arg13 : memref<!tpu.dma_semaphore, #tpu.memory_space<semaphore_mem>>) src(%dma_wait3A_39 : memref<10000x128xf32, #tpu.memory_space<hbm>>) dst(%arg10 : memref<125x128xf32, #tpu.memory_space<vmem>>)
    %run_scoped3A_40 = arith.constant 39 : i32
    "tpu.region"() ({
      %run_scoped3A_87 = tpu.sem_alloc : memref<!tpu.dma_semaphore, #tpu.memory_space<semaphore_mem>>
      %dma_start3A_88 = arith.constant 0 : i32
      %dma_start3A_89 = tpu.memref_slice %arg8[%run_scoped3A_40, %dma_start3A_88] : memref<40x125xi32, #tpu.memory_space<vmem>> -> memref<1x125xi32, #tpu.memory_space<vmem>>
      %dma_start3A_90 = tpu.memref_squeeze %dma_start3A_89 : memref<1x125xi32, #tpu.memory_space<vmem>> -> memref<125xi32, #tpu.memory_space<vmem>>
      %dma_start3A_91 = arith.constant 0 : i32
      %dma_start3A_92 = arith.constant 0 : i32
      %dma_start3A_93 = tpu.memref_slice %arg11[%dma_start3A_91, %dma_start3A_92] : memref<10000x128xf32, #tpu.memory_space<vmem_shared>> -> memref<10000x128xf32, #tpu.memory_space<vmem_shared>>
      tpu.enqueue_indirect_dma source(%arg10 : memref<125x128xf32, #tpu.memory_space<vmem>>) target(%dma_start3A_93 : memref<10000x128xf32, #tpu.memory_space<vmem_shared>>) offsets(%dma_start3A_90 : memref<125xi32, #tpu.memory_space<vmem>>) semaphore(%run_scoped3A_87 : memref<!tpu.dma_semaphore, #tpu.memory_space<semaphore_mem>>) {add = true}
      %dma_wait3A_94 = arith.constant 0 : i32
      %dma_wait3A_95 = tpu.memref_slice %arg8[%run_scoped3A_40, %dma_wait3A_94] : memref<40x125xi32, #tpu.memory_space<vmem>> -> memref<1x125xi32, #tpu.memory_space<vmem>>
      %dma_wait3A_96 = tpu.memref_squeeze %dma_wait3A_95 : memref<1x125xi32, #tpu.memory_space<vmem>> -> memref<125xi32, #tpu.memory_space<vmem>>
      %dma_wait3A_97 = arith.constant 0 : i32
      %dma_wait3A_98 = arith.constant 0 : i32
      %dma_wait3A_99 = tpu.memref_slice %arg11[%dma_wait3A_97, %dma_wait3A_98] : memref<10000x128xf32, #tpu.memory_space<vmem_shared>> -> memref<10000x128xf32, #tpu.memory_space<vmem_shared>>
      tpu.wait_indirect_dma semaphore(%run_scoped3A_87 : memref<!tpu.dma_semaphore, #tpu.memory_space<semaphore_mem>>) src(%arg10 : memref<125x128xf32, #tpu.memory_space<vmem>>) dst(%dma_wait3A_99 : memref<10000x128xf32, #tpu.memory_space<vmem_shared>>)
      tpu.yield
    }) : () -> ()
    %mul3A_41 = arith.constant 80 : i32
    %mul3A_42 = arith.muli %add3A, %mul3A_41 : i32
    %add3A_43 = arith.constant 40 : i32
    %add3A_44 = arith.addi %mul3A_42, %add3A_43 : i32
    "tpu.region"() ({
      %run_scoped3A_87 = tpu.sem_alloc : memref<!tpu.dma_semaphore, #tpu.memory_space<semaphore_mem>>
      %dma_start3A_88 = arith.constant 0 : i32
      %dma_start3A_89 = tpu.memref_slice %arg3[%add3A_44, %dma_start3A_88] : memref<2560x125xi32, #tpu.memory_space<hbm>> -> memref<40x125xi32, #tpu.memory_space<hbm>>
      %dma_start3A_90 = arith.constant 0 : i32
      %dma_start3A_91 = tpu.memref_slice %arg3[%add3A_44, %dma_start3A_90] : memref<2560x125xi32, #tpu.memory_space<hbm>> -> memref<40x125xi32, #tpu.memory_space<hbm>>
      tpu.enqueue_dma source(%dma_start3A_91 : memref<40x125xi32, #tpu.memory_space<hbm>>) target(%arg7 : memref<40x125xi32, #tpu.memory_space<vmem>>) target_semaphore(%run_scoped3A_87 : memref<!tpu.dma_semaphore, #tpu.memory_space<semaphore_mem>>)
      %dma_wait3A_92 = arith.constant 0 : i32
      %dma_wait3A_93 = tpu.memref_slice %arg3[%add3A_44, %dma_wait3A_92] : memref<2560x125xi32, #tpu.memory_space<hbm>> -> memref<40x125xi32, #tpu.memory_space<hbm>>
      %dma_wait3A_94 = arith.constant 0 : i32
      %dma_wait3A_95 = tpu.memref_slice %arg3[%add3A_44, %dma_wait3A_94] : memref<2560x125xi32, #tpu.memory_space<hbm>> -> memref<40x125xi32, #tpu.memory_space<hbm>>
      tpu.wait_dma2 semaphore(%run_scoped3A_87 : memref<!tpu.dma_semaphore, #tpu.memory_space<semaphore_mem>>) src(%dma_wait3A_95 : memref<40x125xi32, #tpu.memory_space<hbm>>) dst(%arg7 : memref<40x125xi32, #tpu.memory_space<vmem>>)
      tpu.yield
    }) : () -> ()
    "tpu.region"() ({
      %run_scoped3A_87 = tpu.sem_alloc : memref<!tpu.dma_semaphore, #tpu.memory_space<semaphore_mem>>
      %dma_start3A_88 = arith.constant 0 : i32
      %dma_start3A_89 = tpu.memref_slice %arg4[%add3A_44, %dma_start3A_88] : memref<2560x125xi32, #tpu.memory_space<hbm>> -> memref<40x125xi32, #tpu.memory_space<hbm>>
      %dma_start3A_90 = arith.constant 0 : i32
      %dma_start3A_91 = tpu.memref_slice %arg4[%add3A_44, %dma_start3A_90] : memref<2560x125xi32, #tpu.memory_space<hbm>> -> memref<40x125xi32, #tpu.memory_space<hbm>>
      tpu.enqueue_dma source(%dma_start3A_91 : memref<40x125xi32, #tpu.memory_space<hbm>>) target(%arg8 : memref<40x125xi32, #tpu.memory_space<vmem>>) target_semaphore(%run_scoped3A_87 : memref<!tpu.dma_semaphore, #tpu.memory_space<semaphore_mem>>)
      %dma_wait3A_92 = arith.constant 0 : i32
      %dma_wait3A_93 = tpu.memref_slice %arg4[%add3A_44, %dma_wait3A_92] : memref<2560x125xi32, #tpu.memory_space<hbm>> -> memref<40x125xi32, #tpu.memory_space<hbm>>
      %dma_wait3A_94 = arith.constant 0 : i32
      %dma_wait3A_95 = tpu.memref_slice %arg4[%add3A_44, %dma_wait3A_94] : memref<2560x125xi32, #tpu.memory_space<hbm>> -> memref<40x125xi32, #tpu.memory_space<hbm>>
      tpu.wait_dma2 semaphore(%run_scoped3A_87 : memref<!tpu.dma_semaphore, #tpu.memory_space<semaphore_mem>>) src(%dma_wait3A_95 : memref<40x125xi32, #tpu.memory_space<hbm>>) dst(%arg8 : memref<40x125xi32, #tpu.memory_space<vmem>>)
      tpu.yield
    }) : () -> ()
    %dma_start3A_45 = arith.constant 0 : i32
    %dma_start3A_46 = arith.constant 0 : i32
    %dma_start3A_47 = tpu.memref_slice %arg7[%dma_start3A_45, %dma_start3A_46] : memref<40x125xi32, #tpu.memory_space<vmem>> -> memref<1x125xi32, #tpu.memory_space<vmem>>
    %dma_start3A_48 = tpu.memref_squeeze %dma_start3A_47 : memref<1x125xi32, #tpu.memory_space<vmem>> -> memref<125xi32, #tpu.memory_space<vmem>>
    %dma_start3A_49 = arith.constant 0 : i32
    %dma_start3A_50 = arith.constant 0 : i32
    %dma_start3A_51 = tpu.memref_slice %arg2[%dma_start3A_49, %dma_start3A_50] : memref<10000x128xf32, #tpu.memory_space<hbm>> -> memref<10000x128xf32, #tpu.memory_space<hbm>>
    tpu.enqueue_indirect_dma source(%dma_start3A_51 : memref<10000x128xf32, #tpu.memory_space<hbm>>) target(%arg9 : memref<125x128xf32, #tpu.memory_space<vmem>>) offsets(%dma_start3A_48 : memref<125xi32, #tpu.memory_space<vmem>>) semaphore(%arg12 : memref<!tpu.dma_semaphore, #tpu.memory_space<semaphore_mem>>)
    %dma_start3A_52 = arith.constant 1 : i32
    %dma_start3A_53 = arith.constant 0 : i32
    %dma_start3A_54 = tpu.memref_slice %arg7[%dma_start3A_52, %dma_start3A_53] : memref<40x125xi32, #tpu.memory_space<vmem>> -> memref<1x125xi32, #tpu.memory_space<vmem>>
    %dma_start3A_55 = tpu.memref_squeeze %dma_start3A_54 : memref<1x125xi32, #tpu.memory_space<vmem>> -> memref<125xi32, #tpu.memory_space<vmem>>
    %dma_start3A_56 = arith.constant 0 : i32
    %dma_start3A_57 = arith.constant 0 : i32
    %dma_start3A_58 = tpu.memref_slice %arg2[%dma_start3A_56, %dma_start3A_57] : memref<10000x128xf32, #tpu.memory_space<hbm>> -> memref<10000x128xf32, #tpu.memory_space<hbm>>
    tpu.enqueue_indirect_dma source(%dma_start3A_58 : memref<10000x128xf32, #tpu.memory_space<hbm>>) target(%arg10 : memref<125x128xf32, #tpu.memory_space<vmem>>) offsets(%dma_start3A_55 : memref<125xi32, #tpu.memory_space<vmem>>) semaphore(%arg13 : memref<!tpu.dma_semaphore, #tpu.memory_space<semaphore_mem>>)
    %scan3A_59 = arith.constant 0 : i32
    %scan3A_60 = arith.constant 0 : i32
    %scan3A_61 = arith.constant 19 : i32
    %scan3A_62 = arith.addi %scan3A_60, %scan3A_61 : i32
    %scan3A_63 = arith.constant 1 : i32
    scf.for %scan3A_87 = %scan3A_60 to %scan3A_62 step %scan3A_63  : i32 {
      %mul3A_88 = arith.constant 2 : i32
      %mul3A_89 = arith.muli %scan3A_87, %mul3A_88 : i32
      %add3A_90 = arith.constant 0 : i32
      %add3A_91 = arith.addi %mul3A_89, %add3A_90 : i32
      %dma_wait3A_92 = arith.constant 0 : i32
      %dma_wait3A_93 = tpu.memref_slice %arg7[%add3A_91, %dma_wait3A_92] : memref<40x125xi32, #tpu.memory_space<vmem>> -> memref<1x125xi32, #tpu.memory_space<vmem>>
      %dma_wait3A_94 = tpu.memref_squeeze %dma_wait3A_93 : memref<1x125xi32, #tpu.memory_space<vmem>> -> memref<125xi32, #tpu.memory_space<vmem>>
      %dma_wait3A_95 = arith.constant 0 : i32
      %dma_wait3A_96 = arith.constant 0 : i32
      %dma_wait3A_97 = tpu.memref_slice %arg2[%dma_wait3A_95, %dma_wait3A_96] : memref<10000x128xf32, #tpu.memory_space<hbm>> -> memref<10000x128xf32, #tpu.memory_space<hbm>>
      tpu.wait_indirect_dma semaphore(%arg12 : memref<!tpu.dma_semaphore, #tpu.memory_space<semaphore_mem>>) src(%dma_wait3A_97 : memref<10000x128xf32, #tpu.memory_space<hbm>>) dst(%arg9 : memref<125x128xf32, #tpu.memory_space<vmem>>)
      %add3A_98 = arith.constant 0 : i32
      %add3A_99 = arith.addi %mul3A_89, %add3A_98 : i32
      "tpu.region"() ({
        %run_scoped3A_130 = tpu.sem_alloc : memref<!tpu.dma_semaphore, #tpu.memory_space<semaphore_mem>>
        %dma_start3A_131 = arith.constant 0 : i32
        %dma_start3A_132 = tpu.memref_slice %arg8[%add3A_99, %dma_start3A_131] : memref<40x125xi32, #tpu.memory_space<vmem>> -> memref<1x125xi32, #tpu.memory_space<vmem>>
        %dma_start3A_133 = tpu.memref_squeeze %dma_start3A_132 : memref<1x125xi32, #tpu.memory_space<vmem>> -> memref<125xi32, #tpu.memory_space<vmem>>
        %dma_start3A_134 = arith.constant 0 : i32
        %dma_start3A_135 = arith.constant 0 : i32
        %dma_start3A_136 = tpu.memref_slice %arg11[%dma_start3A_134, %dma_start3A_135] : memref<10000x128xf32, #tpu.memory_space<vmem_shared>> -> memref<10000x128xf32, #tpu.memory_space<vmem_shared>>
        tpu.enqueue_indirect_dma source(%arg9 : memref<125x128xf32, #tpu.memory_space<vmem>>) target(%dma_start3A_136 : memref<10000x128xf32, #tpu.memory_space<vmem_shared>>) offsets(%dma_start3A_133 : memref<125xi32, #tpu.memory_space<vmem>>) semaphore(%run_scoped3A_130 : memref<!tpu.dma_semaphore, #tpu.memory_space<semaphore_mem>>) {add = true}
        %dma_wait3A_137 = arith.constant 0 : i32
        %dma_wait3A_138 = tpu.memref_slice %arg8[%add3A_99, %dma_wait3A_137] : memref<40x125xi32, #tpu.memory_space<vmem>> -> memref<1x125xi32, #tpu.memory_space<vmem>>
        %dma_wait3A_139 = tpu.memref_squeeze %dma_wait3A_138 : memref<1x125xi32, #tpu.memory_space<vmem>> -> memref<125xi32, #tpu.memory_space<vmem>>
        %dma_wait3A_140 = arith.constant 0 : i32
        %dma_wait3A_141 = arith.constant 0 : i32
        %dma_wait3A_142 = tpu.memref_slice %arg11[%dma_wait3A_140, %dma_wait3A_141] : memref<10000x128xf32, #tpu.memory_space<vmem_shared>> -> memref<10000x128xf32, #tpu.memory_space<vmem_shared>>
        tpu.wait_indirect_dma semaphore(%run_scoped3A_130 : memref<!tpu.dma_semaphore, #tpu.memory_space<semaphore_mem>>) src(%arg9 : memref<125x128xf32, #tpu.memory_space<vmem>>) dst(%dma_wait3A_142 : memref<10000x128xf32, #tpu.memory_space<vmem_shared>>)
        tpu.yield
      }) : () -> ()
      %add3A_100 = arith.constant 2 : i32
      %add3A_101 = arith.addi %mul3A_89, %add3A_100 : i32
      %add3A_102 = arith.constant 0 : i32
      %add3A_103 = arith.addi %add3A_101, %add3A_102 : i32
      %dma_start3A_104 = arith.constant 0 : i32
      %dma_start3A_105 = tpu.memref_slice %arg7[%add3A_103, %dma_start3A_104] : memref<40x125xi32, #tpu.memory_space<vmem>> -> memref<1x125xi32, #tpu.memory_space<vmem>>
      %dma_start3A_106 = tpu.memref_squeeze %dma_start3A_105 : memref<1x125xi32, #tpu.memory_space<vmem>> -> memref<125xi32, #tpu.memory_space<vmem>>
      %dma_start3A_107 = arith.constant 0 : i32
      %dma_start3A_108 = arith.constant 0 : i32
      %dma_start3A_109 = tpu.memref_slice %arg2[%dma_start3A_107, %dma_start3A_108] : memref<10000x128xf32, #tpu.memory_space<hbm>> -> memref<10000x128xf32, #tpu.memory_space<hbm>>
      tpu.enqueue_indirect_dma source(%dma_start3A_109 : memref<10000x128xf32, #tpu.memory_space<hbm>>) target(%arg9 : memref<125x128xf32, #tpu.memory_space<vmem>>) offsets(%dma_start3A_106 : memref<125xi32, #tpu.memory_space<vmem>>) semaphore(%arg12 : memref<!tpu.dma_semaphore, #tpu.memory_space<semaphore_mem>>)
      %add3A_110 = arith.constant 1 : i32
      %add3A_111 = arith.addi %mul3A_89, %add3A_110 : i32
      %dma_wait3A_112 = arith.constant 0 : i32
      %dma_wait3A_113 = tpu.memref_slice %arg7[%add3A_111, %dma_wait3A_112] : memref<40x125xi32, #tpu.memory_space<vmem>> -> memref<1x125xi32, #tpu.memory_space<vmem>>
      %dma_wait3A_114 = tpu.memref_squeeze %dma_wait3A_113 : memref<1x125xi32, #tpu.memory_space<vmem>> -> memref<125xi32, #tpu.memory_space<vmem>>
      %dma_wait3A_115 = arith.constant 0 : i32
      %dma_wait3A_116 = arith.constant 0 : i32
      %dma_wait3A_117 = tpu.memref_slice %arg2[%dma_wait3A_115, %dma_wait3A_116] : memref<10000x128xf32, #tpu.memory_space<hbm>> -> memref<10000x128xf32, #tpu.memory_space<hbm>>
      tpu.wait_indirect_dma semaphore(%arg13 : memref<!tpu.dma_semaphore, #tpu.memory_space<semaphore_mem>>) src(%dma_wait3A_117 : memref<10000x128xf32, #tpu.memory_space<hbm>>) dst(%arg10 : memref<125x128xf32, #tpu.memory_space<vmem>>)
      %add3A_118 = arith.constant 1 : i32
      %add3A_119 = arith.addi %mul3A_89, %add3A_118 : i32
      "tpu.region"() ({
        %run_scoped3A_130 = tpu.sem_alloc : memref<!tpu.dma_semaphore, #tpu.memory_space<semaphore_mem>>
        %dma_start3A_131 = arith.constant 0 : i32
        %dma_start3A_132 = tpu.memref_slice %arg8[%add3A_119, %dma_start3A_131] : memref<40x125xi32, #tpu.memory_space<vmem>> -> memref<1x125xi32, #tpu.memory_space<vmem>>
        %dma_start3A_133 = tpu.memref_squeeze %dma_start3A_132 : memref<1x125xi32, #tpu.memory_space<vmem>> -> memref<125xi32, #tpu.memory_space<vmem>>
        %dma_start3A_134 = arith.constant 0 : i32
        %dma_start3A_135 = arith.constant 0 : i32
        %dma_start3A_136 = tpu.memref_slice %arg11[%dma_start3A_134, %dma_start3A_135] : memref<10000x128xf32, #tpu.memory_space<vmem_shared>> -> memref<10000x128xf32, #tpu.memory_space<vmem_shared>>
        tpu.enqueue_indirect_dma source(%arg10 : memref<125x128xf32, #tpu.memory_space<vmem>>) target(%dma_start3A_136 : memref<10000x128xf32, #tpu.memory_space<vmem_shared>>) offsets(%dma_start3A_133 : memref<125xi32, #tpu.memory_space<vmem>>) semaphore(%run_scoped3A_130 : memref<!tpu.dma_semaphore, #tpu.memory_space<semaphore_mem>>) {add = true}
        %dma_wait3A_137 = arith.constant 0 : i32
        %dma_wait3A_138 = tpu.memref_slice %arg8[%add3A_119, %dma_wait3A_137] : memref<40x125xi32, #tpu.memory_space<vmem>> -> memref<1x125xi32, #tpu.memory_space<vmem>>
        %dma_wait3A_139 = tpu.memref_squeeze %dma_wait3A_138 : memref<1x125xi32, #tpu.memory_space<vmem>> -> memref<125xi32, #tpu.memory_space<vmem>>
        %dma_wait3A_140 = arith.constant 0 : i32
        %dma_wait3A_141 = arith.constant 0 : i32
        %dma_wait3A_142 = tpu.memref_slice %arg11[%dma_wait3A_140, %dma_wait3A_141] : memref<10000x128xf32, #tpu.memory_space<vmem_shared>> -> memref<10000x128xf32, #tpu.memory_space<vmem_shared>>
        tpu.wait_indirect_dma semaphore(%run_scoped3A_130 : memref<!tpu.dma_semaphore, #tpu.memory_space<semaphore_mem>>) src(%arg10 : memref<125x128xf32, #tpu.memory_space<vmem>>) dst(%dma_wait3A_142 : memref<10000x128xf32, #tpu.memory_space<vmem_shared>>)
        tpu.yield
      }) : () -> ()
      %add3A_120 = arith.constant 2 : i32
      %add3A_121 = arith.addi %mul3A_89, %add3A_120 : i32
      %add3A_122 = arith.constant 1 : i32
      %add3A_123 = arith.addi %add3A_121, %add3A_122 : i32
      %dma_start3A_124 = arith.constant 0 : i32
      %dma_start3A_125 = tpu.memref_slice %arg7[%add3A_123, %dma_start3A_124] : memref<40x125xi32, #tpu.memory_space<vmem>> -> memref<1x125xi32, #tpu.memory_space<vmem>>
      %dma_start3A_126 = tpu.memref_squeeze %dma_start3A_125 : memref<1x125xi32, #tpu.memory_space<vmem>> -> memref<125xi32, #tpu.memory_space<vmem>>
      %dma_start3A_127 = arith.constant 0 : i32
      %dma_start3A_128 = arith.constant 0 : i32
      %dma_start3A_129 = tpu.memref_slice %arg2[%dma_start3A_127, %dma_start3A_128] : memref<10000x128xf32, #tpu.memory_space<hbm>> -> memref<10000x128xf32, #tpu.memory_space<hbm>>
      tpu.enqueue_indirect_dma source(%dma_start3A_129 : memref<10000x128xf32, #tpu.memory_space<hbm>>) target(%arg10 : memref<125x128xf32, #tpu.memory_space<vmem>>) offsets(%dma_start3A_126 : memref<125xi32, #tpu.memory_space<vmem>>) semaphore(%arg13 : memref<!tpu.dma_semaphore, #tpu.memory_space<semaphore_mem>>)
    }
    %scan3A_64 = arith.constant 19 : i32
    %dma_wait3A_65 = arith.constant 38 : i32
    %dma_wait3A_66 = arith.constant 0 : i32
    %dma_wait3A_67 = tpu.memref_slice %arg7[%dma_wait3A_65, %dma_wait3A_66] : memref<40x125xi32, #tpu.memory_space<vmem>> -> memref<1x125xi32, #tpu.memory_space<vmem>>
    %dma_wait3A_68 = tpu.memref_squeeze %dma_wait3A_67 : memref<1x125xi32, #tpu.memory_space<vmem>> -> memref<125xi32, #tpu.memory_space<vmem>>
    %dma_wait3A_69 = arith.constant 0 : i32
    %dma_wait3A_70 = arith.constant 0 : i32
    %dma_wait3A_71 = tpu.memref_slice %arg2[%dma_wait3A_69, %dma_wait3A_70] : memref<10000x128xf32, #tpu.memory_space<hbm>> -> memref<10000x128xf32, #tpu.memory_space<hbm>>
    tpu.wait_indirect_dma semaphore(%arg12 : memref<!tpu.dma_semaphore, #tpu.memory_space<semaphore_mem>>) src(%dma_wait3A_71 : memref<10000x128xf32, #tpu.memory_space<hbm>>) dst(%arg9 : memref<125x128xf32, #tpu.memory_space<vmem>>)
    %run_scoped3A_72 = arith.constant 38 : i32
    "tpu.region"() ({
      %run_scoped3A_87 = tpu.sem_alloc : memref<!tpu.dma_semaphore, #tpu.memory_space<semaphore_mem>>
      %dma_start3A_88 = arith.constant 0 : i32
      %dma_start3A_89 = tpu.memref_slice %arg8[%run_scoped3A_72, %dma_start3A_88] : memref<40x125xi32, #tpu.memory_space<vmem>> -> memref<1x125xi32, #tpu.memory_space<vmem>>
      %dma_start3A_90 = tpu.memref_squeeze %dma_start3A_89 : memref<1x125xi32, #tpu.memory_space<vmem>> -> memref<125xi32, #tpu.memory_space<vmem>>
      %dma_start3A_91 = arith.constant 0 : i32
      %dma_start3A_92 = arith.constant 0 : i32
      %dma_start3A_93 = tpu.memref_slice %arg11[%dma_start3A_91, %dma_start3A_92] : memref<10000x128xf32, #tpu.memory_space<vmem_shared>> -> memref<10000x128xf32, #tpu.memory_space<vmem_shared>>
      tpu.enqueue_indirect_dma source(%arg9 : memref<125x128xf32, #tpu.memory_space<vmem>>) target(%dma_start3A_93 : memref<10000x128xf32, #tpu.memory_space<vmem_shared>>) offsets(%dma_start3A_90 : memref<125xi32, #tpu.memory_space<vmem>>) semaphore(%run_scoped3A_87 : memref<!tpu.dma_semaphore, #tpu.memory_space<semaphore_mem>>) {add = true}
      %dma_wait3A_94 = arith.constant 0 : i32
      %dma_wait3A_95 = tpu.memref_slice %arg8[%run_scoped3A_72, %dma_wait3A_94] : memref<40x125xi32, #tpu.memory_space<vmem>> -> memref<1x125xi32, #tpu.memory_space<vmem>>
      %dma_wait3A_96 = tpu.memref_squeeze %dma_wait3A_95 : memref<1x125xi32, #tpu.memory_space<vmem>> -> memref<125xi32, #tpu.memory_space<vmem>>
      %dma_wait3A_97 = arith.constant 0 : i32
      %dma_wait3A_98 = arith.constant 0 : i32
      %dma_wait3A_99 = tpu.memref_slice %arg11[%dma_wait3A_97, %dma_wait3A_98] : memref<10000x128xf32, #tpu.memory_space<vmem_shared>> -> memref<10000x128xf32, #tpu.memory_space<vmem_shared>>
      tpu.wait_indirect_dma semaphore(%run_scoped3A_87 : memref<!tpu.dma_semaphore, #tpu.memory_space<semaphore_mem>>) src(%arg9 : memref<125x128xf32, #tpu.memory_space<vmem>>) dst(%dma_wait3A_99 : memref<10000x128xf32, #tpu.memory_space<vmem_shared>>)
      tpu.yield
    }) : () -> ()
    %dma_wait3A_73 = arith.constant 39 : i32
    %dma_wait3A_74 = arith.constant 0 : i32
    %dma_wait3A_75 = tpu.memref_slice %arg7[%dma_wait3A_73, %dma_wait3A_74] : memref<40x125xi32, #tpu.memory_space<vmem>> -> memref<1x125xi32, #tpu.memory_space<vmem>>
    %dma_wait3A_76 = tpu.memref_squeeze %dma_wait3A_75 : memref<1x125xi32, #tpu.memory_space<vmem>> -> memref<125xi32, #tpu.memory_space<vmem>>
    %dma_wait3A_77 = arith.constant 0 : i32
    %dma_wait3A_78 = arith.constant 0 : i32
    %dma_wait3A_79 = tpu.memref_slice %arg2[%dma_wait3A_77, %dma_wait3A_78] : memref<10000x128xf32, #tpu.memory_space<hbm>> -> memref<10000x128xf32, #tpu.memory_space<hbm>>
    tpu.wait_indirect_dma semaphore(%arg13 : memref<!tpu.dma_semaphore, #tpu.memory_space<semaphore_mem>>) src(%dma_wait3A_79 : memref<10000x128xf32, #tpu.memory_space<hbm>>) dst(%arg10 : memref<125x128xf32, #tpu.memory_space<vmem>>)
    %run_scoped3A_80 = arith.constant 39 : i32
    "tpu.region"() ({
      %run_scoped3A_87 = tpu.sem_alloc : memref<!tpu.dma_semaphore, #tpu.memory_space<semaphore_mem>>
      %dma_start3A_88 = arith.constant 0 : i32
      %dma_start3A_89 = tpu.memref_slice %arg8[%run_scoped3A_80, %dma_start3A_88] : memref<40x125xi32, #tpu.memory_space<vmem>> -> memref<1x125xi32, #tpu.memory_space<vmem>>
      %dma_start3A_90 = tpu.memref_squeeze %dma_start3A_89 : memref<1x125xi32, #tpu.memory_space<vmem>> -> memref<125xi32, #tpu.memory_space<vmem>>
      %dma_start3A_91 = arith.constant 0 : i32
      %dma_start3A_92 = arith.constant 0 : i32
      %dma_start3A_93 = tpu.memref_slice %arg11[%dma_start3A_91, %dma_start3A_92] : memref<10000x128xf32, #tpu.memory_space<vmem_shared>> -> memref<10000x128xf32, #tpu.memory_space<vmem_shared>>
      tpu.enqueue_indirect_dma source(%arg10 : memref<125x128xf32, #tpu.memory_space<vmem>>) target(%dma_start3A_93 : memref<10000x128xf32, #tpu.memory_space<vmem_shared>>) offsets(%dma_start3A_90 : memref<125xi32, #tpu.memory_space<vmem>>) semaphore(%run_scoped3A_87 : memref<!tpu.dma_semaphore, #tpu.memory_space<semaphore_mem>>) {add = true}
      %dma_wait3A_94 = arith.constant 0 : i32
      %dma_wait3A_95 = tpu.memref_slice %arg8[%run_scoped3A_80, %dma_wait3A_94] : memref<40x125xi32, #tpu.memory_space<vmem>> -> memref<1x125xi32, #tpu.memory_space<vmem>>
      %dma_wait3A_96 = tpu.memref_squeeze %dma_wait3A_95 : memref<1x125xi32, #tpu.memory_space<vmem>> -> memref<125xi32, #tpu.memory_space<vmem>>
      %dma_wait3A_97 = arith.constant 0 : i32
      %dma_wait3A_98 = arith.constant 0 : i32
      %dma_wait3A_99 = tpu.memref_slice %arg11[%dma_wait3A_97, %dma_wait3A_98] : memref<10000x128xf32, #tpu.memory_space<vmem_shared>> -> memref<10000x128xf32, #tpu.memory_space<vmem_shared>>
      tpu.wait_indirect_dma semaphore(%run_scoped3A_87 : memref<!tpu.dma_semaphore, #tpu.memory_space<semaphore_mem>>) src(%arg10 : memref<125x128xf32, #tpu.memory_space<vmem>>) dst(%dma_wait3A_99 : memref<10000x128xf32, #tpu.memory_space<vmem_shared>>)
      tpu.yield
    }) : () -> ()
    %barrier3A_81 = arith.constant 0 : index
    tpu.barrier barrier_id(%barrier3A_81)
    "tpu.region"() ({
      %run_scoped3A_87 = tpu.sem_alloc : memref<!tpu.dma_semaphore, #tpu.memory_space<semaphore_mem>>
      %dma_start3A_88 = arith.constant 0 : i32
      %dma_start3A_89 = arith.constant 0 : i32
      %dma_start3A_90 = tpu.memref_slice %arg6[%arg0, %dma_start3A_88, %dma_start3A_89] : memref<2x10000x128xf32, #tpu.memory_space<hbm>> -> memref<1x10000x128xf32, #tpu.memory_space<hbm>>
      %dma_start3A_91 = tpu.memref_squeeze %dma_start3A_90 : memref<1x10000x128xf32, #tpu.memory_space<hbm>> -> memref<10000x128xf32, #tpu.memory_space<hbm>>
      %dma_start3A_92 = arith.constant 0 : i32
      %dma_start3A_93 = tpu.memref_slice %dma_start3A_91[%mul3A_2, %dma_start3A_92] : memref<10000x128xf32, #tpu.memory_space<hbm>> -> memref<624x128xf32, #tpu.memory_space<hbm>>
      %dma_start3A_94 = arith.constant 0 : i32
      %dma_start3A_95 = tpu.memref_slice %arg11[%mul3A_2, %dma_start3A_94] : memref<10000x128xf32, #tpu.memory_space<vmem_shared>> -> memref<624x128xf32, #tpu.memory_space<vmem_shared>>
      tpu.enqueue_dma source(%dma_start3A_95 : memref<624x128xf32, #tpu.memory_space<vmem_shared>>) target(%dma_start3A_93 : memref<624x128xf32, #tpu.memory_space<hbm>>) target_semaphore(%run_scoped3A_87 : memref<!tpu.dma_semaphore, #tpu.memory_space<semaphore_mem>>)
      %dma_wait3A_96 = arith.constant 0 : i32
      %dma_wait3A_97 = arith.constant 0 : i32
      %dma_wait3A_98 = tpu.memref_slice %arg6[%arg0, %dma_wait3A_96, %dma_wait3A_97] : memref<2x10000x128xf32, #tpu.memory_space<hbm>> -> memref<1x10000x128xf32, #tpu.memory_space<hbm>>
      %dma_wait3A_99 = tpu.memref_squeeze %dma_wait3A_98 : memref<1x10000x128xf32, #tpu.memory_space<hbm>> -> memref<10000x128xf32, #tpu.memory_space<hbm>>
      %dma_wait3A_100 = arith.constant 0 : i32
      %dma_wait3A_101 = tpu.memref_slice %dma_wait3A_99[%mul3A_2, %dma_wait3A_100] : memref<10000x128xf32, #tpu.memory_space<hbm>> -> memref<624x128xf32, #tpu.memory_space<hbm>>
      %dma_wait3A_102 = arith.constant 0 : i32
      %dma_wait3A_103 = tpu.memref_slice %arg11[%mul3A_2, %dma_wait3A_102] : memref<10000x128xf32, #tpu.memory_space<vmem_shared>> -> memref<624x128xf32, #tpu.memory_space<vmem_shared>>
      tpu.wait_dma2 semaphore(%run_scoped3A_87 : memref<!tpu.dma_semaphore, #tpu.memory_space<semaphore_mem>>) src(%dma_wait3A_103 : memref<624x128xf32, #tpu.memory_space<vmem_shared>>) dst(%dma_wait3A_101 : memref<624x128xf32, #tpu.memory_space<hbm>>)
      tpu.yield
    }) : () -> ()
    %eq3A_82 = arith.constant 15 : i32
    %eq3A_83 = arith.cmpi eq, %arg1, %eq3A_82 : i32
    %convert_element_type3A_84 = arith.extui %eq3A_83 : i1 to i32
    %cond3A_85 = arith.constant 0 : i32
    %cond3A_86 = arith.cmpi ne, %convert_element_type3A_84, %cond3A_85 : i32
    scf.if %cond3A_86 {
      "tpu.region"() ({
        %run_scoped3A_87 = tpu.sem_alloc : memref<!tpu.dma_semaphore, #tpu.memory_space<semaphore_mem>>
        %dma_start3A_88 = arith.constant 0 : i32
        %dma_start3A_89 = arith.constant 0 : i32
        %dma_start3A_90 = tpu.memref_slice %arg6[%arg0, %dma_start3A_88, %dma_start3A_89] : memref<2x10000x128xf32, #tpu.memory_space<hbm>> -> memref<1x10000x128xf32, #tpu.memory_space<hbm>>
        %dma_start3A_91 = tpu.memref_squeeze %dma_start3A_90 : memref<1x10000x128xf32, #tpu.memory_space<hbm>> -> memref<10000x128xf32, #tpu.memory_space<hbm>>
        %dma_start3A_92 = arith.constant 9984 : i32
        %dma_start3A_93 = arith.constant 0 : i32
        %dma_start3A_94 = tpu.memref_slice %dma_start3A_91[%dma_start3A_92, %dma_start3A_93] : memref<10000x128xf32, #tpu.memory_space<hbm>> -> memref<16x128xf32, #tpu.memory_space<hbm>>
        %dma_start3A_95 = arith.constant 9984 : i32
        %dma_start3A_96 = arith.constant 0 : i32
        %dma_start3A_97 = tpu.memref_slice %arg11[%dma_start3A_95, %dma_start3A_96] : memref<10000x128xf32, #tpu.memory_space<vmem_shared>> -> memref<16x128xf32, #tpu.memory_space<vmem_shared>>
        tpu.enqueue_dma source(%dma_start3A_97 : memref<16x128xf32, #tpu.memory_space<vmem_shared>>) target(%dma_start3A_94 : memref<16x128xf32, #tpu.memory_space<hbm>>) target_semaphore(%run_scoped3A_87 : memref<!tpu.dma_semaphore, #tpu.memory_space<semaphore_mem>>)
        %dma_wait3A_98 = arith.constant 0 : i32
        %dma_wait3A_99 = arith.constant 0 : i32
        %dma_wait3A_100 = tpu.memref_slice %arg6[%arg0, %dma_wait3A_98, %dma_wait3A_99] : memref<2x10000x128xf32, #tpu.memory_space<hbm>> -> memref<1x10000x128xf32, #tpu.memory_space<hbm>>
        %dma_wait3A_101 = tpu.memref_squeeze %dma_wait3A_100 : memref<1x10000x128xf32, #tpu.memory_space<hbm>> -> memref<10000x128xf32, #tpu.memory_space<hbm>>
        %dma_wait3A_102 = arith.constant 9984 : i32
        %dma_wait3A_103 = arith.constant 0 : i32
        %dma_wait3A_104 = tpu.memref_slice %dma_wait3A_101[%dma_wait3A_102, %dma_wait3A_103] : memref<10000x128xf32, #tpu.memory_space<hbm>> -> memref<16x128xf32, #tpu.memory_space<hbm>>
        %dma_wait3A_105 = arith.constant 9984 : i32
        %dma_wait3A_106 = arith.constant 0 : i32
        %dma_wait3A_107 = tpu.memref_slice %arg11[%dma_wait3A_105, %dma_wait3A_106] : memref<10000x128xf32, #tpu.memory_space<vmem_shared>> -> memref<16x128xf32, #tpu.memory_space<vmem_shared>>
        tpu.wait_dma2 semaphore(%run_scoped3A_87 : memref<!tpu.dma_semaphore, #tpu.memory_space<semaphore_mem>>) src(%dma_wait3A_107 : memref<16x128xf32, #tpu.memory_space<vmem_shared>>) dst(%dma_wait3A_104 : memref<16x128xf32, #tpu.memory_space<hbm>>)
        tpu.yield
      }) : () -> ()
    } else {
    }
    return
  }
}

#map = affine_map<(d0, d1) -> (0, 0)>
#map1 = affine_map<(d0, d1) -> (0, 0, 0)>
module attributes {stable_mosaic.version = 14 : i64} {
  func.func @edge_agg(%arg0: i32, %arg1: i32, %arg2: memref<10000x128xf32, #tpu.memory_space<hbm>>, %arg3: memref<2560x125xi32, #tpu.memory_space<hbm>>, %arg4: memref<2560x125xi32, #tpu.memory_space<hbm>>, %arg5: memref<10000x128xf32, #tpu.memory_space<hbm>>, %arg6: memref<2x10000x128xf32, #tpu.memory_space<hbm>>, %arg7: memref<40x125xi32, #tpu.memory_space<vmem>>, %arg8: memref<40x125xi32, #tpu.memory_space<vmem>>, %arg9: memref<125x128xf32, #tpu.memory_space<vmem>>, %arg10: memref<125x128xf32, #tpu.memory_space<vmem>>, %arg11: memref<10000x128xf32, #tpu.memory_space<vmem_shared>>, %arg12: memref<!tpu.dma_semaphore, #tpu.memory_space<semaphore_mem>>, %arg13: memref<!tpu.dma_semaphore, #tpu.memory_space<semaphore_mem>>) attributes {dimension_semantics = [#tpu.dimension_semantics<core_parallel>, #tpu.dimension_semantics<subcore_parallel>], iteration_bounds = array<i64: 2, 16>, scalar_prefetch = 0 : i64, scratch_operands = 7 : i64, tpu.core_type = #tpu.core_type<sc_vector_subcore>, window_params = [{transform_indices = #map}, {transform_indices = #map}, {transform_indices = #map}, {transform_indices = #map}, {transform_indices = #map1}]} {
    %mul3A = arith.constant 2 : i32
    %mul3A_0 = arith.muli %arg1, %mul3A : i32
    %add3A = arith.addi %mul3A_0, %arg0 : i32
    %mul3A_1 = arith.constant 624 : i32
    %mul3A_2 = arith.muli %arg1, %mul3A_1 : i32
    %mul3A_3 = arith.constant 80 : i32
    %mul3A_4 = arith.muli %add3A, %mul3A_3 : i32
    "tpu.region"() ({
      %run_scoped3A_87 = tpu.sem_alloc : memref<!tpu.dma_semaphore, #tpu.memory_space<semaphore_mem>>
      %dma_start3A_88 = arith.constant 0 : i32
      %dma_start3A_89 = tpu.memref_slice %arg3[%mul3A_4, %dma_start3A_88] : memref<2560x125xi32, #tpu.memory_space<hbm>> -> memref<40x125xi32, #tpu.memory_space<hbm>>
      %dma_start3A_90 = arith.constant 0 : i32
      %dma_start3A_91 = tpu.memref_slice %arg3[%mul3A_4, %dma_start3A_90] : memref<2560x125xi32, #tpu.memory_space<hbm>> -> memref<40x125xi32, #tpu.memory_space<hbm>>
      tpu.enqueue_dma source(%dma_start3A_91 : memref<40x125xi32, #tpu.memory_space<hbm>>) target(%arg7 : memref<40x125xi32, #tpu.memory_space<vmem>>) target_semaphore(%run_scoped3A_87 : memref<!tpu.dma_semaphore, #tpu.memory_space<semaphore_mem>>)
      %dma_wait3A_92 = arith.constant 0 : i32
      %dma_wait3A_93 = tpu.memref_slice %arg3[%mul3A_4, %dma_wait3A_92] : memref<2560x125xi32, #tpu.memory_space<hbm>> -> memref<40x125xi32, #tpu.memory_space<hbm>>
      %dma_wait3A_94 = arith.constant 0 : i32
      %dma_wait3A_95 = tpu.memref_slice %arg3[%mul3A_4, %dma_wait3A_94] : memref<2560x125xi32, #tpu.memory_space<hbm>> -> memref<40x125xi32, #tpu.memory_space<hbm>>
      tpu.wait_dma2 semaphore(%run_scoped3A_87 : memref<!tpu.dma_semaphore, #tpu.memory_space<semaphore_mem>>) src(%dma_wait3A_95 : memref<40x125xi32, #tpu.memory_space<hbm>>) dst(%arg7 : memref<40x125xi32, #tpu.memory_space<vmem>>)
      tpu.yield
    }) : () -> ()
    %mul3A_5 = arith.constant 80 : i32
    %mul3A_6 = arith.muli %add3A, %mul3A_5 : i32
    "tpu.region"() ({
      %run_scoped3A_87 = tpu.sem_alloc : memref<!tpu.dma_semaphore, #tpu.memory_space<semaphore_mem>>
      %dma_start3A_88 = arith.constant 0 : i32
      %dma_start3A_89 = tpu.memref_slice %arg4[%mul3A_6, %dma_start3A_88] : memref<2560x125xi32, #tpu.memory_space<hbm>> -> memref<40x125xi32, #tpu.memory_space<hbm>>
      %dma_start3A_90 = arith.constant 0 : i32
      %dma_start3A_91 = tpu.memref_slice %arg4[%mul3A_6, %dma_start3A_90] : memref<2560x125xi32, #tpu.memory_space<hbm>> -> memref<40x125xi32, #tpu.memory_space<hbm>>
      tpu.enqueue_dma source(%dma_start3A_91 : memref<40x125xi32, #tpu.memory_space<hbm>>) target(%arg8 : memref<40x125xi32, #tpu.memory_space<vmem>>) target_semaphore(%run_scoped3A_87 : memref<!tpu.dma_semaphore, #tpu.memory_space<semaphore_mem>>)
      %dma_wait3A_92 = arith.constant 0 : i32
      %dma_wait3A_93 = tpu.memref_slice %arg4[%mul3A_6, %dma_wait3A_92] : memref<2560x125xi32, #tpu.memory_space<hbm>> -> memref<40x125xi32, #tpu.memory_space<hbm>>
      %dma_wait3A_94 = arith.constant 0 : i32
      %dma_wait3A_95 = tpu.memref_slice %arg4[%mul3A_6, %dma_wait3A_94] : memref<2560x125xi32, #tpu.memory_space<hbm>> -> memref<40x125xi32, #tpu.memory_space<hbm>>
      tpu.wait_dma2 semaphore(%run_scoped3A_87 : memref<!tpu.dma_semaphore, #tpu.memory_space<semaphore_mem>>) src(%dma_wait3A_95 : memref<40x125xi32, #tpu.memory_space<hbm>>) dst(%arg8 : memref<40x125xi32, #tpu.memory_space<vmem>>)
      tpu.yield
    }) : () -> ()
    %dma_start3A = arith.constant 0 : i32
    %dma_start3A_7 = arith.constant 0 : i32
    %dma_start3A_8 = tpu.memref_slice %arg7[%dma_start3A, %dma_start3A_7] : memref<40x125xi32, #tpu.memory_space<vmem>> -> memref<1x125xi32, #tpu.memory_space<vmem>>
    %dma_start3A_9 = tpu.memref_squeeze %dma_start3A_8 : memref<1x125xi32, #tpu.memory_space<vmem>> -> memref<125xi32, #tpu.memory_space<vmem>>
    %dma_start3A_10 = arith.constant 0 : i32
    %dma_start3A_11 = arith.constant 0 : i32
    %dma_start3A_12 = tpu.memref_slice %arg2[%dma_start3A_10, %dma_start3A_11] : memref<10000x128xf32, #tpu.memory_space<hbm>> -> memref<10000x128xf32, #tpu.memory_space<hbm>>
    tpu.enqueue_indirect_dma source(%dma_start3A_12 : memref<10000x128xf32, #tpu.memory_space<hbm>>) target(%arg9 : memref<125x128xf32, #tpu.memory_space<vmem>>) offsets(%dma_start3A_9 : memref<125xi32, #tpu.memory_space<vmem>>) semaphore(%arg12 : memref<!tpu.dma_semaphore, #tpu.memory_space<semaphore_mem>>)
    %dma_start3A_13 = arith.constant 1 : i32
    %dma_start3A_14 = arith.constant 0 : i32
    %dma_start3A_15 = tpu.memref_slice %arg7[%dma_start3A_13, %dma_start3A_14] : memref<40x125xi32, #tpu.memory_space<vmem>> -> memref<1x125xi32, #tpu.memory_space<vmem>>
    %dma_start3A_16 = tpu.memref_squeeze %dma_start3A_15 : memref<1x125xi32, #tpu.memory_space<vmem>> -> memref<125xi32, #tpu.memory_space<vmem>>
    %dma_start3A_17 = arith.constant 0 : i32
    %dma_start3A_18 = arith.constant 0 : i32
    %dma_start3A_19 = tpu.memref_slice %arg2[%dma_start3A_17, %dma_start3A_18] : memref<10000x128xf32, #tpu.memory_space<hbm>> -> memref<10000x128xf32, #tpu.memory_space<hbm>>
    tpu.enqueue_indirect_dma source(%dma_start3A_19 : memref<10000x128xf32, #tpu.memory_space<hbm>>) target(%arg10 : memref<125x128xf32, #tpu.memory_space<vmem>>) offsets(%dma_start3A_16 : memref<125xi32, #tpu.memory_space<vmem>>) semaphore(%arg13 : memref<!tpu.dma_semaphore, #tpu.memory_space<semaphore_mem>>)
    "tpu.region"() ({
      %run_scoped3A_87 = tpu.sem_alloc : memref<!tpu.dma_semaphore, #tpu.memory_space<semaphore_mem>>
      %dma_start3A_88 = arith.constant 0 : i32
      %dma_start3A_89 = tpu.memref_slice %arg11[%mul3A_2, %dma_start3A_88] : memref<10000x128xf32, #tpu.memory_space<vmem_shared>> -> memref<624x128xf32, #tpu.memory_space<vmem_shared>>
      %dma_start3A_90 = arith.constant 0 : i32
      %dma_start3A_91 = tpu.memref_slice %arg5[%mul3A_2, %dma_start3A_90] : memref<10000x128xf32, #tpu.memory_space<hbm>> -> memref<624x128xf32, #tpu.memory_space<hbm>>
      tpu.enqueue_dma source(%dma_start3A_91 : memref<624x128xf32, #tpu.memory_space<hbm>>) target(%dma_start3A_89 : memref<624x128xf32, #tpu.memory_space<vmem_shared>>) target_semaphore(%run_scoped3A_87 : memref<!tpu.dma_semaphore, #tpu.memory_space<semaphore_mem>>)
      %dma_wait3A_92 = arith.constant 0 : i32
      %dma_wait3A_93 = tpu.memref_slice %arg11[%mul3A_2, %dma_wait3A_92] : memref<10000x128xf32, #tpu.memory_space<vmem_shared>> -> memref<624x128xf32, #tpu.memory_space<vmem_shared>>
      %dma_wait3A_94 = arith.constant 0 : i32
      %dma_wait3A_95 = tpu.memref_slice %arg5[%mul3A_2, %dma_wait3A_94] : memref<10000x128xf32, #tpu.memory_space<hbm>> -> memref<624x128xf32, #tpu.memory_space<hbm>>
      tpu.wait_dma2 semaphore(%run_scoped3A_87 : memref<!tpu.dma_semaphore, #tpu.memory_space<semaphore_mem>>) src(%dma_wait3A_95 : memref<624x128xf32, #tpu.memory_space<hbm>>) dst(%dma_wait3A_93 : memref<624x128xf32, #tpu.memory_space<vmem_shared>>)
      tpu.yield
    }) : () -> ()
    %eq3A = arith.constant 15 : i32
    %eq3A_20 = arith.cmpi eq, %arg1, %eq3A : i32
    %convert_element_type3A = arith.extui %eq3A_20 : i1 to i32
    %cond3A = arith.constant 0 : i32
    %cond3A_21 = arith.cmpi ne, %convert_element_type3A, %cond3A : i32
    scf.if %cond3A_21 {
      "tpu.region"() ({
        %run_scoped3A_87 = tpu.sem_alloc : memref<!tpu.dma_semaphore, #tpu.memory_space<semaphore_mem>>
        %dma_start3A_88 = arith.constant 9984 : i32
        %dma_start3A_89 = arith.constant 0 : i32
        %dma_start3A_90 = tpu.memref_slice %arg11[%dma_start3A_88, %dma_start3A_89] : memref<10000x128xf32, #tpu.memory_space<vmem_shared>> -> memref<16x128xf32, #tpu.memory_space<vmem_shared>>
        %dma_start3A_91 = arith.constant 9984 : i32
        %dma_start3A_92 = arith.constant 0 : i32
        %dma_start3A_93 = tpu.memref_slice %arg5[%dma_start3A_91, %dma_start3A_92] : memref<10000x128xf32, #tpu.memory_space<hbm>> -> memref<16x128xf32, #tpu.memory_space<hbm>>
        tpu.enqueue_dma source(%dma_start3A_93 : memref<16x128xf32, #tpu.memory_space<hbm>>) target(%dma_start3A_90 : memref<16x128xf32, #tpu.memory_space<vmem_shared>>) target_semaphore(%run_scoped3A_87 : memref<!tpu.dma_semaphore, #tpu.memory_space<semaphore_mem>>)
        %dma_wait3A_94 = arith.constant 9984 : i32
        %dma_wait3A_95 = arith.constant 0 : i32
        %dma_wait3A_96 = tpu.memref_slice %arg11[%dma_wait3A_94, %dma_wait3A_95] : memref<10000x128xf32, #tpu.memory_space<vmem_shared>> -> memref<16x128xf32, #tpu.memory_space<vmem_shared>>
        %dma_wait3A_97 = arith.constant 9984 : i32
        %dma_wait3A_98 = arith.constant 0 : i32
        %dma_wait3A_99 = tpu.memref_slice %arg5[%dma_wait3A_97, %dma_wait3A_98] : memref<10000x128xf32, #tpu.memory_space<hbm>> -> memref<16x128xf32, #tpu.memory_space<hbm>>
        tpu.wait_dma2 semaphore(%run_scoped3A_87 : memref<!tpu.dma_semaphore, #tpu.memory_space<semaphore_mem>>) src(%dma_wait3A_99 : memref<16x128xf32, #tpu.memory_space<hbm>>) dst(%dma_wait3A_96 : memref<16x128xf32, #tpu.memory_space<vmem_shared>>)
        tpu.yield
      }) : () -> ()
    } else {
    }
    %barrier3A = arith.constant 0 : index
    tpu.barrier barrier_id(%barrier3A)
    %scan3A = arith.constant 0 : i32
    %scan3A_22 = arith.constant 0 : i32
    %scan3A_23 = arith.constant 19 : i32
    %scan3A_24 = arith.addi %scan3A_22, %scan3A_23 : i32
    %scan3A_25 = arith.constant 1 : i32
    scf.for %scan3A_87 = %scan3A_22 to %scan3A_24 step %scan3A_25  : i32 {
      %mul3A_88 = arith.constant 2 : i32
      %mul3A_89 = arith.muli %scan3A_87, %mul3A_88 : i32
      %add3A_90 = arith.constant 0 : i32
      %add3A_91 = arith.addi %mul3A_89, %add3A_90 : i32
      %dma_wait3A_92 = arith.constant 0 : i32
      %dma_wait3A_93 = tpu.memref_slice %arg7[%add3A_91, %dma_wait3A_92] : memref<40x125xi32, #tpu.memory_space<vmem>> -> memref<1x125xi32, #tpu.memory_space<vmem>>
      %dma_wait3A_94 = tpu.memref_squeeze %dma_wait3A_93 : memref<1x125xi32, #tpu.memory_space<vmem>> -> memref<125xi32, #tpu.memory_space<vmem>>
      %dma_wait3A_95 = arith.constant 0 : i32
      %dma_wait3A_96 = arith.constant 0 : i32
      %dma_wait3A_97 = tpu.memref_slice %arg2[%dma_wait3A_95, %dma_wait3A_96] : memref<10000x128xf32, #tpu.memory_space<hbm>> -> memref<10000x128xf32, #tpu.memory_space<hbm>>
      tpu.wait_indirect_dma semaphore(%arg12 : memref<!tpu.dma_semaphore, #tpu.memory_space<semaphore_mem>>) src(%dma_wait3A_97 : memref<10000x128xf32, #tpu.memory_space<hbm>>) dst(%arg9 : memref<125x128xf32, #tpu.memory_space<vmem>>)
      %add3A_98 = arith.constant 0 : i32
      %add3A_99 = arith.addi %mul3A_89, %add3A_98 : i32
      "tpu.region"() ({
        %run_scoped3A_130 = tpu.sem_alloc : memref<!tpu.dma_semaphore, #tpu.memory_space<semaphore_mem>>
        %dma_start3A_131 = arith.constant 0 : i32
        %dma_start3A_132 = tpu.memref_slice %arg8[%add3A_99, %dma_start3A_131] : memref<40x125xi32, #tpu.memory_space<vmem>> -> memref<1x125xi32, #tpu.memory_space<vmem>>
        %dma_start3A_133 = tpu.memref_squeeze %dma_start3A_132 : memref<1x125xi32, #tpu.memory_space<vmem>> -> memref<125xi32, #tpu.memory_space<vmem>>
        %dma_start3A_134 = arith.constant 0 : i32
        %dma_start3A_135 = arith.constant 0 : i32
        %dma_start3A_136 = tpu.memref_slice %arg11[%dma_start3A_134, %dma_start3A_135] : memref<10000x128xf32, #tpu.memory_space<vmem_shared>> -> memref<10000x128xf32, #tpu.memory_space<vmem_shared>>
        tpu.enqueue_indirect_dma source(%arg9 : memref<125x128xf32, #tpu.memory_space<vmem>>) target(%dma_start3A_136 : memref<10000x128xf32, #tpu.memory_space<vmem_shared>>) offsets(%dma_start3A_133 : memref<125xi32, #tpu.memory_space<vmem>>) semaphore(%run_scoped3A_130 : memref<!tpu.dma_semaphore, #tpu.memory_space<semaphore_mem>>) {add = true}
        %dma_wait3A_137 = arith.constant 0 : i32
        %dma_wait3A_138 = tpu.memref_slice %arg8[%add3A_99, %dma_wait3A_137] : memref<40x125xi32, #tpu.memory_space<vmem>> -> memref<1x125xi32, #tpu.memory_space<vmem>>
        %dma_wait3A_139 = tpu.memref_squeeze %dma_wait3A_138 : memref<1x125xi32, #tpu.memory_space<vmem>> -> memref<125xi32, #tpu.memory_space<vmem>>
        %dma_wait3A_140 = arith.constant 0 : i32
        %dma_wait3A_141 = arith.constant 0 : i32
        %dma_wait3A_142 = tpu.memref_slice %arg11[%dma_wait3A_140, %dma_wait3A_141] : memref<10000x128xf32, #tpu.memory_space<vmem_shared>> -> memref<10000x128xf32, #tpu.memory_space<vmem_shared>>
        tpu.wait_indirect_dma semaphore(%run_scoped3A_130 : memref<!tpu.dma_semaphore, #tpu.memory_space<semaphore_mem>>) src(%arg9 : memref<125x128xf32, #tpu.memory_space<vmem>>) dst(%dma_wait3A_142 : memref<10000x128xf32, #tpu.memory_space<vmem_shared>>)
        tpu.yield
      }) : () -> ()
      %add3A_100 = arith.constant 2 : i32
      %add3A_101 = arith.addi %mul3A_89, %add3A_100 : i32
      %add3A_102 = arith.constant 0 : i32
      %add3A_103 = arith.addi %add3A_101, %add3A_102 : i32
      %dma_start3A_104 = arith.constant 0 : i32
      %dma_start3A_105 = tpu.memref_slice %arg7[%add3A_103, %dma_start3A_104] : memref<40x125xi32, #tpu.memory_space<vmem>> -> memref<1x125xi32, #tpu.memory_space<vmem>>
      %dma_start3A_106 = tpu.memref_squeeze %dma_start3A_105 : memref<1x125xi32, #tpu.memory_space<vmem>> -> memref<125xi32, #tpu.memory_space<vmem>>
      %dma_start3A_107 = arith.constant 0 : i32
      %dma_start3A_108 = arith.constant 0 : i32
      %dma_start3A_109 = tpu.memref_slice %arg2[%dma_start3A_107, %dma_start3A_108] : memref<10000x128xf32, #tpu.memory_space<hbm>> -> memref<10000x128xf32, #tpu.memory_space<hbm>>
      tpu.enqueue_indirect_dma source(%dma_start3A_109 : memref<10000x128xf32, #tpu.memory_space<hbm>>) target(%arg9 : memref<125x128xf32, #tpu.memory_space<vmem>>) offsets(%dma_start3A_106 : memref<125xi32, #tpu.memory_space<vmem>>) semaphore(%arg12 : memref<!tpu.dma_semaphore, #tpu.memory_space<semaphore_mem>>)
      %add3A_110 = arith.constant 1 : i32
      %add3A_111 = arith.addi %mul3A_89, %add3A_110 : i32
      %dma_wait3A_112 = arith.constant 0 : i32
      %dma_wait3A_113 = tpu.memref_slice %arg7[%add3A_111, %dma_wait3A_112] : memref<40x125xi32, #tpu.memory_space<vmem>> -> memref<1x125xi32, #tpu.memory_space<vmem>>
      %dma_wait3A_114 = tpu.memref_squeeze %dma_wait3A_113 : memref<1x125xi32, #tpu.memory_space<vmem>> -> memref<125xi32, #tpu.memory_space<vmem>>
      %dma_wait3A_115 = arith.constant 0 : i32
      %dma_wait3A_116 = arith.constant 0 : i32
      %dma_wait3A_117 = tpu.memref_slice %arg2[%dma_wait3A_115, %dma_wait3A_116] : memref<10000x128xf32, #tpu.memory_space<hbm>> -> memref<10000x128xf32, #tpu.memory_space<hbm>>
      tpu.wait_indirect_dma semaphore(%arg13 : memref<!tpu.dma_semaphore, #tpu.memory_space<semaphore_mem>>) src(%dma_wait3A_117 : memref<10000x128xf32, #tpu.memory_space<hbm>>) dst(%arg10 : memref<125x128xf32, #tpu.memory_space<vmem>>)
      %add3A_118 = arith.constant 1 : i32
      %add3A_119 = arith.addi %mul3A_89, %add3A_118 : i32
      "tpu.region"() ({
        %run_scoped3A_130 = tpu.sem_alloc : memref<!tpu.dma_semaphore, #tpu.memory_space<semaphore_mem>>
        %dma_start3A_131 = arith.constant 0 : i32
        %dma_start3A_132 = tpu.memref_slice %arg8[%add3A_119, %dma_start3A_131] : memref<40x125xi32, #tpu.memory_space<vmem>> -> memref<1x125xi32, #tpu.memory_space<vmem>>
        %dma_start3A_133 = tpu.memref_squeeze %dma_start3A_132 : memref<1x125xi32, #tpu.memory_space<vmem>> -> memref<125xi32, #tpu.memory_space<vmem>>
        %dma_start3A_134 = arith.constant 0 : i32
        %dma_start3A_135 = arith.constant 0 : i32
        %dma_start3A_136 = tpu.memref_slice %arg11[%dma_start3A_134, %dma_start3A_135] : memref<10000x128xf32, #tpu.memory_space<vmem_shared>> -> memref<10000x128xf32, #tpu.memory_space<vmem_shared>>
        tpu.enqueue_indirect_dma source(%arg10 : memref<125x128xf32, #tpu.memory_space<vmem>>) target(%dma_start3A_136 : memref<10000x128xf32, #tpu.memory_space<vmem_shared>>) offsets(%dma_start3A_133 : memref<125xi32, #tpu.memory_space<vmem>>) semaphore(%run_scoped3A_130 : memref<!tpu.dma_semaphore, #tpu.memory_space<semaphore_mem>>) {add = true}
        %dma_wait3A_137 = arith.constant 0 : i32
        %dma_wait3A_138 = tpu.memref_slice %arg8[%add3A_119, %dma_wait3A_137] : memref<40x125xi32, #tpu.memory_space<vmem>> -> memref<1x125xi32, #tpu.memory_space<vmem>>
        %dma_wait3A_139 = tpu.memref_squeeze %dma_wait3A_138 : memref<1x125xi32, #tpu.memory_space<vmem>> -> memref<125xi32, #tpu.memory_space<vmem>>
        %dma_wait3A_140 = arith.constant 0 : i32
        %dma_wait3A_141 = arith.constant 0 : i32
        %dma_wait3A_142 = tpu.memref_slice %arg11[%dma_wait3A_140, %dma_wait3A_141] : memref<10000x128xf32, #tpu.memory_space<vmem_shared>> -> memref<10000x128xf32, #tpu.memory_space<vmem_shared>>
        tpu.wait_indirect_dma semaphore(%run_scoped3A_130 : memref<!tpu.dma_semaphore, #tpu.memory_space<semaphore_mem>>) src(%arg10 : memref<125x128xf32, #tpu.memory_space<vmem>>) dst(%dma_wait3A_142 : memref<10000x128xf32, #tpu.memory_space<vmem_shared>>)
        tpu.yield
      }) : () -> ()
      %add3A_120 = arith.constant 2 : i32
      %add3A_121 = arith.addi %mul3A_89, %add3A_120 : i32
      %add3A_122 = arith.constant 1 : i32
      %add3A_123 = arith.addi %add3A_121, %add3A_122 : i32
      %dma_start3A_124 = arith.constant 0 : i32
      %dma_start3A_125 = tpu.memref_slice %arg7[%add3A_123, %dma_start3A_124] : memref<40x125xi32, #tpu.memory_space<vmem>> -> memref<1x125xi32, #tpu.memory_space<vmem>>
      %dma_start3A_126 = tpu.memref_squeeze %dma_start3A_125 : memref<1x125xi32, #tpu.memory_space<vmem>> -> memref<125xi32, #tpu.memory_space<vmem>>
      %dma_start3A_127 = arith.constant 0 : i32
      %dma_start3A_128 = arith.constant 0 : i32
      %dma_start3A_129 = tpu.memref_slice %arg2[%dma_start3A_127, %dma_start3A_128] : memref<10000x128xf32, #tpu.memory_space<hbm>> -> memref<10000x128xf32, #tpu.memory_space<hbm>>
      tpu.enqueue_indirect_dma source(%dma_start3A_129 : memref<10000x128xf32, #tpu.memory_space<hbm>>) target(%arg10 : memref<125x128xf32, #tpu.memory_space<vmem>>) offsets(%dma_start3A_126 : memref<125xi32, #tpu.memory_space<vmem>>) semaphore(%arg13 : memref<!tpu.dma_semaphore, #tpu.memory_space<semaphore_mem>>)
    }
    %scan3A_26 = arith.constant 19 : i32
    %dma_wait3A = arith.constant 38 : i32
    %dma_wait3A_27 = arith.constant 0 : i32
    %dma_wait3A_28 = tpu.memref_slice %arg7[%dma_wait3A, %dma_wait3A_27] : memref<40x125xi32, #tpu.memory_space<vmem>> -> memref<1x125xi32, #tpu.memory_space<vmem>>
    %dma_wait3A_29 = tpu.memref_squeeze %dma_wait3A_28 : memref<1x125xi32, #tpu.memory_space<vmem>> -> memref<125xi32, #tpu.memory_space<vmem>>
    %dma_wait3A_30 = arith.constant 0 : i32
    %dma_wait3A_31 = arith.constant 0 : i32
    %dma_wait3A_32 = tpu.memref_slice %arg2[%dma_wait3A_30, %dma_wait3A_31] : memref<10000x128xf32, #tpu.memory_space<hbm>> -> memref<10000x128xf32, #tpu.memory_space<hbm>>
    tpu.wait_indirect_dma semaphore(%arg12 : memref<!tpu.dma_semaphore, #tpu.memory_space<semaphore_mem>>) src(%dma_wait3A_32 : memref<10000x128xf32, #tpu.memory_space<hbm>>) dst(%arg9 : memref<125x128xf32, #tpu.memory_space<vmem>>)
    %run_scoped3A = arith.constant 38 : i32
    "tpu.region"() ({
      %run_scoped3A_87 = tpu.sem_alloc : memref<!tpu.dma_semaphore, #tpu.memory_space<semaphore_mem>>
      %dma_start3A_88 = arith.constant 0 : i32
      %dma_start3A_89 = tpu.memref_slice %arg8[%run_scoped3A, %dma_start3A_88] : memref<40x125xi32, #tpu.memory_space<vmem>> -> memref<1x125xi32, #tpu.memory_space<vmem>>
      %dma_start3A_90 = tpu.memref_squeeze %dma_start3A_89 : memref<1x125xi32, #tpu.memory_space<vmem>> -> memref<125xi32, #tpu.memory_space<vmem>>
      %dma_start3A_91 = arith.constant 0 : i32
      %dma_start3A_92 = arith.constant 0 : i32
      %dma_start3A_93 = tpu.memref_slice %arg11[%dma_start3A_91, %dma_start3A_92] : memref<10000x128xf32, #tpu.memory_space<vmem_shared>> -> memref<10000x128xf32, #tpu.memory_space<vmem_shared>>
      tpu.enqueue_indirect_dma source(%arg9 : memref<125x128xf32, #tpu.memory_space<vmem>>) target(%dma_start3A_93 : memref<10000x128xf32, #tpu.memory_space<vmem_shared>>) offsets(%dma_start3A_90 : memref<125xi32, #tpu.memory_space<vmem>>) semaphore(%run_scoped3A_87 : memref<!tpu.dma_semaphore, #tpu.memory_space<semaphore_mem>>) {add = true}
      %dma_wait3A_94 = arith.constant 0 : i32
      %dma_wait3A_95 = tpu.memref_slice %arg8[%run_scoped3A, %dma_wait3A_94] : memref<40x125xi32, #tpu.memory_space<vmem>> -> memref<1x125xi32, #tpu.memory_space<vmem>>
      %dma_wait3A_96 = tpu.memref_squeeze %dma_wait3A_95 : memref<1x125xi32, #tpu.memory_space<vmem>> -> memref<125xi32, #tpu.memory_space<vmem>>
      %dma_wait3A_97 = arith.constant 0 : i32
      %dma_wait3A_98 = arith.constant 0 : i32
      %dma_wait3A_99 = tpu.memref_slice %arg11[%dma_wait3A_97, %dma_wait3A_98] : memref<10000x128xf32, #tpu.memory_space<vmem_shared>> -> memref<10000x128xf32, #tpu.memory_space<vmem_shared>>
      tpu.wait_indirect_dma semaphore(%run_scoped3A_87 : memref<!tpu.dma_semaphore, #tpu.memory_space<semaphore_mem>>) src(%arg9 : memref<125x128xf32, #tpu.memory_space<vmem>>) dst(%dma_wait3A_99 : memref<10000x128xf32, #tpu.memory_space<vmem_shared>>)
      tpu.yield
    }) : () -> ()
    %dma_wait3A_33 = arith.constant 39 : i32
    %dma_wait3A_34 = arith.constant 0 : i32
    %dma_wait3A_35 = tpu.memref_slice %arg7[%dma_wait3A_33, %dma_wait3A_34] : memref<40x125xi32, #tpu.memory_space<vmem>> -> memref<1x125xi32, #tpu.memory_space<vmem>>
    %dma_wait3A_36 = tpu.memref_squeeze %dma_wait3A_35 : memref<1x125xi32, #tpu.memory_space<vmem>> -> memref<125xi32, #tpu.memory_space<vmem>>
    %dma_wait3A_37 = arith.constant 0 : i32
    %dma_wait3A_38 = arith.constant 0 : i32
    %dma_wait3A_39 = tpu.memref_slice %arg2[%dma_wait3A_37, %dma_wait3A_38] : memref<10000x128xf32, #tpu.memory_space<hbm>> -> memref<10000x128xf32, #tpu.memory_space<hbm>>
    tpu.wait_indirect_dma semaphore(%arg13 : memref<!tpu.dma_semaphore, #tpu.memory_space<semaphore_mem>>) src(%dma_wait3A_39 : memref<10000x128xf32, #tpu.memory_space<hbm>>) dst(%arg10 : memref<125x128xf32, #tpu.memory_space<vmem>>)
    %run_scoped3A_40 = arith.constant 39 : i32
    "tpu.region"() ({
      %run_scoped3A_87 = tpu.sem_alloc : memref<!tpu.dma_semaphore, #tpu.memory_space<semaphore_mem>>
      %dma_start3A_88 = arith.constant 0 : i32
      %dma_start3A_89 = tpu.memref_slice %arg8[%run_scoped3A_40, %dma_start3A_88] : memref<40x125xi32, #tpu.memory_space<vmem>> -> memref<1x125xi32, #tpu.memory_space<vmem>>
      %dma_start3A_90 = tpu.memref_squeeze %dma_start3A_89 : memref<1x125xi32, #tpu.memory_space<vmem>> -> memref<125xi32, #tpu.memory_space<vmem>>
      %dma_start3A_91 = arith.constant 0 : i32
      %dma_start3A_92 = arith.constant 0 : i32
      %dma_start3A_93 = tpu.memref_slice %arg11[%dma_start3A_91, %dma_start3A_92] : memref<10000x128xf32, #tpu.memory_space<vmem_shared>> -> memref<10000x128xf32, #tpu.memory_space<vmem_shared>>
      tpu.enqueue_indirect_dma source(%arg10 : memref<125x128xf32, #tpu.memory_space<vmem>>) target(%dma_start3A_93 : memref<10000x128xf32, #tpu.memory_space<vmem_shared>>) offsets(%dma_start3A_90 : memref<125xi32, #tpu.memory_space<vmem>>) semaphore(%run_scoped3A_87 : memref<!tpu.dma_semaphore, #tpu.memory_space<semaphore_mem>>) {add = true}
      %dma_wait3A_94 = arith.constant 0 : i32
      %dma_wait3A_95 = tpu.memref_slice %arg8[%run_scoped3A_40, %dma_wait3A_94] : memref<40x125xi32, #tpu.memory_space<vmem>> -> memref<1x125xi32, #tpu.memory_space<vmem>>
      %dma_wait3A_96 = tpu.memref_squeeze %dma_wait3A_95 : memref<1x125xi32, #tpu.memory_space<vmem>> -> memref<125xi32, #tpu.memory_space<vmem>>
      %dma_wait3A_97 = arith.constant 0 : i32
      %dma_wait3A_98 = arith.constant 0 : i32
      %dma_wait3A_99 = tpu.memref_slice %arg11[%dma_wait3A_97, %dma_wait3A_98] : memref<10000x128xf32, #tpu.memory_space<vmem_shared>> -> memref<10000x128xf32, #tpu.memory_space<vmem_shared>>
      tpu.wait_indirect_dma semaphore(%run_scoped3A_87 : memref<!tpu.dma_semaphore, #tpu.memory_space<semaphore_mem>>) src(%arg10 : memref<125x128xf32, #tpu.memory_space<vmem>>) dst(%dma_wait3A_99 : memref<10000x128xf32, #tpu.memory_space<vmem_shared>>)
      tpu.yield
    }) : () -> ()
    %mul3A_41 = arith.constant 80 : i32
    %mul3A_42 = arith.muli %add3A, %mul3A_41 : i32
    %add3A_43 = arith.constant 40 : i32
    %add3A_44 = arith.addi %mul3A_42, %add3A_43 : i32
    "tpu.region"() ({
      %run_scoped3A_87 = tpu.sem_alloc : memref<!tpu.dma_semaphore, #tpu.memory_space<semaphore_mem>>
      %dma_start3A_88 = arith.constant 0 : i32
      %dma_start3A_89 = tpu.memref_slice %arg3[%add3A_44, %dma_start3A_88] : memref<2560x125xi32, #tpu.memory_space<hbm>> -> memref<40x125xi32, #tpu.memory_space<hbm>>
      %dma_start3A_90 = arith.constant 0 : i32
      %dma_start3A_91 = tpu.memref_slice %arg3[%add3A_44, %dma_start3A_90] : memref<2560x125xi32, #tpu.memory_space<hbm>> -> memref<40x125xi32, #tpu.memory_space<hbm>>
      tpu.enqueue_dma source(%dma_start3A_91 : memref<40x125xi32, #tpu.memory_space<hbm>>) target(%arg7 : memref<40x125xi32, #tpu.memory_space<vmem>>) target_semaphore(%run_scoped3A_87 : memref<!tpu.dma_semaphore, #tpu.memory_space<semaphore_mem>>)
      %dma_wait3A_92 = arith.constant 0 : i32
      %dma_wait3A_93 = tpu.memref_slice %arg3[%add3A_44, %dma_wait3A_92] : memref<2560x125xi32, #tpu.memory_space<hbm>> -> memref<40x125xi32, #tpu.memory_space<hbm>>
      %dma_wait3A_94 = arith.constant 0 : i32
      %dma_wait3A_95 = tpu.memref_slice %arg3[%add3A_44, %dma_wait3A_94] : memref<2560x125xi32, #tpu.memory_space<hbm>> -> memref<40x125xi32, #tpu.memory_space<hbm>>
      tpu.wait_dma2 semaphore(%run_scoped3A_87 : memref<!tpu.dma_semaphore, #tpu.memory_space<semaphore_mem>>) src(%dma_wait3A_95 : memref<40x125xi32, #tpu.memory_space<hbm>>) dst(%arg7 : memref<40x125xi32, #tpu.memory_space<vmem>>)
      tpu.yield
    }) : () -> ()
    "tpu.region"() ({
      %run_scoped3A_87 = tpu.sem_alloc : memref<!tpu.dma_semaphore, #tpu.memory_space<semaphore_mem>>
      %dma_start3A_88 = arith.constant 0 : i32
      %dma_start3A_89 = tpu.memref_slice %arg4[%add3A_44, %dma_start3A_88] : memref<2560x125xi32, #tpu.memory_space<hbm>> -> memref<40x125xi32, #tpu.memory_space<hbm>>
      %dma_start3A_90 = arith.constant 0 : i32
      %dma_start3A_91 = tpu.memref_slice %arg4[%add3A_44, %dma_start3A_90] : memref<2560x125xi32, #tpu.memory_space<hbm>> -> memref<40x125xi32, #tpu.memory_space<hbm>>
      tpu.enqueue_dma source(%dma_start3A_91 : memref<40x125xi32, #tpu.memory_space<hbm>>) target(%arg8 : memref<40x125xi32, #tpu.memory_space<vmem>>) target_semaphore(%run_scoped3A_87 : memref<!tpu.dma_semaphore, #tpu.memory_space<semaphore_mem>>)
      %dma_wait3A_92 = arith.constant 0 : i32
      %dma_wait3A_93 = tpu.memref_slice %arg4[%add3A_44, %dma_wait3A_92] : memref<2560x125xi32, #tpu.memory_space<hbm>> -> memref<40x125xi32, #tpu.memory_space<hbm>>
      %dma_wait3A_94 = arith.constant 0 : i32
      %dma_wait3A_95 = tpu.memref_slice %arg4[%add3A_44, %dma_wait3A_94] : memref<2560x125xi32, #tpu.memory_space<hbm>> -> memref<40x125xi32, #tpu.memory_space<hbm>>
      tpu.wait_dma2 semaphore(%run_scoped3A_87 : memref<!tpu.dma_semaphore, #tpu.memory_space<semaphore_mem>>) src(%dma_wait3A_95 : memref<40x125xi32, #tpu.memory_space<hbm>>) dst(%arg8 : memref<40x125xi32, #tpu.memory_space<vmem>>)
      tpu.yield
    }) : () -> ()
    %dma_start3A_45 = arith.constant 0 : i32
    %dma_start3A_46 = arith.constant 0 : i32
    %dma_start3A_47 = tpu.memref_slice %arg7[%dma_start3A_45, %dma_start3A_46] : memref<40x125xi32, #tpu.memory_space<vmem>> -> memref<1x125xi32, #tpu.memory_space<vmem>>
    %dma_start3A_48 = tpu.memref_squeeze %dma_start3A_47 : memref<1x125xi32, #tpu.memory_space<vmem>> -> memref<125xi32, #tpu.memory_space<vmem>>
    %dma_start3A_49 = arith.constant 0 : i32
    %dma_start3A_50 = arith.constant 0 : i32
    %dma_start3A_51 = tpu.memref_slice %arg2[%dma_start3A_49, %dma_start3A_50] : memref<10000x128xf32, #tpu.memory_space<hbm>> -> memref<10000x128xf32, #tpu.memory_space<hbm>>
    tpu.enqueue_indirect_dma source(%dma_start3A_51 : memref<10000x128xf32, #tpu.memory_space<hbm>>) target(%arg9 : memref<125x128xf32, #tpu.memory_space<vmem>>) offsets(%dma_start3A_48 : memref<125xi32, #tpu.memory_space<vmem>>) semaphore(%arg12 : memref<!tpu.dma_semaphore, #tpu.memory_space<semaphore_mem>>)
    %dma_start3A_52 = arith.constant 1 : i32
    %dma_start3A_53 = arith.constant 0 : i32
    %dma_start3A_54 = tpu.memref_slice %arg7[%dma_start3A_52, %dma_start3A_53] : memref<40x125xi32, #tpu.memory_space<vmem>> -> memref<1x125xi32, #tpu.memory_space<vmem>>
    %dma_start3A_55 = tpu.memref_squeeze %dma_start3A_54 : memref<1x125xi32, #tpu.memory_space<vmem>> -> memref<125xi32, #tpu.memory_space<vmem>>
    %dma_start3A_56 = arith.constant 0 : i32
    %dma_start3A_57 = arith.constant 0 : i32
    %dma_start3A_58 = tpu.memref_slice %arg2[%dma_start3A_56, %dma_start3A_57] : memref<10000x128xf32, #tpu.memory_space<hbm>> -> memref<10000x128xf32, #tpu.memory_space<hbm>>
    tpu.enqueue_indirect_dma source(%dma_start3A_58 : memref<10000x128xf32, #tpu.memory_space<hbm>>) target(%arg10 : memref<125x128xf32, #tpu.memory_space<vmem>>) offsets(%dma_start3A_55 : memref<125xi32, #tpu.memory_space<vmem>>) semaphore(%arg13 : memref<!tpu.dma_semaphore, #tpu.memory_space<semaphore_mem>>)
    %scan3A_59 = arith.constant 0 : i32
    %scan3A_60 = arith.constant 0 : i32
    %scan3A_61 = arith.constant 19 : i32
    %scan3A_62 = arith.addi %scan3A_60, %scan3A_61 : i32
    %scan3A_63 = arith.constant 1 : i32
    scf.for %scan3A_87 = %scan3A_60 to %scan3A_62 step %scan3A_63  : i32 {
      %mul3A_88 = arith.constant 2 : i32
      %mul3A_89 = arith.muli %scan3A_87, %mul3A_88 : i32
      %add3A_90 = arith.constant 0 : i32
      %add3A_91 = arith.addi %mul3A_89, %add3A_90 : i32
      %dma_wait3A_92 = arith.constant 0 : i32
      %dma_wait3A_93 = tpu.memref_slice %arg7[%add3A_91, %dma_wait3A_92] : memref<40x125xi32, #tpu.memory_space<vmem>> -> memref<1x125xi32, #tpu.memory_space<vmem>>
      %dma_wait3A_94 = tpu.memref_squeeze %dma_wait3A_93 : memref<1x125xi32, #tpu.memory_space<vmem>> -> memref<125xi32, #tpu.memory_space<vmem>>
      %dma_wait3A_95 = arith.constant 0 : i32
      %dma_wait3A_96 = arith.constant 0 : i32
      %dma_wait3A_97 = tpu.memref_slice %arg2[%dma_wait3A_95, %dma_wait3A_96] : memref<10000x128xf32, #tpu.memory_space<hbm>> -> memref<10000x128xf32, #tpu.memory_space<hbm>>
      tpu.wait_indirect_dma semaphore(%arg12 : memref<!tpu.dma_semaphore, #tpu.memory_space<semaphore_mem>>) src(%dma_wait3A_97 : memref<10000x128xf32, #tpu.memory_space<hbm>>) dst(%arg9 : memref<125x128xf32, #tpu.memory_space<vmem>>)
      %add3A_98 = arith.constant 0 : i32
      %add3A_99 = arith.addi %mul3A_89, %add3A_98 : i32
      "tpu.region"() ({
        %run_scoped3A_130 = tpu.sem_alloc : memref<!tpu.dma_semaphore, #tpu.memory_space<semaphore_mem>>
        %dma_start3A_131 = arith.constant 0 : i32
        %dma_start3A_132 = tpu.memref_slice %arg8[%add3A_99, %dma_start3A_131] : memref<40x125xi32, #tpu.memory_space<vmem>> -> memref<1x125xi32, #tpu.memory_space<vmem>>
        %dma_start3A_133 = tpu.memref_squeeze %dma_start3A_132 : memref<1x125xi32, #tpu.memory_space<vmem>> -> memref<125xi32, #tpu.memory_space<vmem>>
        %dma_start3A_134 = arith.constant 0 : i32
        %dma_start3A_135 = arith.constant 0 : i32
        %dma_start3A_136 = tpu.memref_slice %arg11[%dma_start3A_134, %dma_start3A_135] : memref<10000x128xf32, #tpu.memory_space<vmem_shared>> -> memref<10000x128xf32, #tpu.memory_space<vmem_shared>>
        tpu.enqueue_indirect_dma source(%arg9 : memref<125x128xf32, #tpu.memory_space<vmem>>) target(%dma_start3A_136 : memref<10000x128xf32, #tpu.memory_space<vmem_shared>>) offsets(%dma_start3A_133 : memref<125xi32, #tpu.memory_space<vmem>>) semaphore(%run_scoped3A_130 : memref<!tpu.dma_semaphore, #tpu.memory_space<semaphore_mem>>) {add = true}
        %dma_wait3A_137 = arith.constant 0 : i32
        %dma_wait3A_138 = tpu.memref_slice %arg8[%add3A_99, %dma_wait3A_137] : memref<40x125xi32, #tpu.memory_space<vmem>> -> memref<1x125xi32, #tpu.memory_space<vmem>>
        %dma_wait3A_139 = tpu.memref_squeeze %dma_wait3A_138 : memref<1x125xi32, #tpu.memory_space<vmem>> -> memref<125xi32, #tpu.memory_space<vmem>>
        %dma_wait3A_140 = arith.constant 0 : i32
        %dma_wait3A_141 = arith.constant 0 : i32
        %dma_wait3A_142 = tpu.memref_slice %arg11[%dma_wait3A_140, %dma_wait3A_141] : memref<10000x128xf32, #tpu.memory_space<vmem_shared>> -> memref<10000x128xf32, #tpu.memory_space<vmem_shared>>
        tpu.wait_indirect_dma semaphore(%run_scoped3A_130 : memref<!tpu.dma_semaphore, #tpu.memory_space<semaphore_mem>>) src(%arg9 : memref<125x128xf32, #tpu.memory_space<vmem>>) dst(%dma_wait3A_142 : memref<10000x128xf32, #tpu.memory_space<vmem_shared>>)
        tpu.yield
      }) : () -> ()
      %add3A_100 = arith.constant 2 : i32
      %add3A_101 = arith.addi %mul3A_89, %add3A_100 : i32
      %add3A_102 = arith.constant 0 : i32
      %add3A_103 = arith.addi %add3A_101, %add3A_102 : i32
      %dma_start3A_104 = arith.constant 0 : i32
      %dma_start3A_105 = tpu.memref_slice %arg7[%add3A_103, %dma_start3A_104] : memref<40x125xi32, #tpu.memory_space<vmem>> -> memref<1x125xi32, #tpu.memory_space<vmem>>
      %dma_start3A_106 = tpu.memref_squeeze %dma_start3A_105 : memref<1x125xi32, #tpu.memory_space<vmem>> -> memref<125xi32, #tpu.memory_space<vmem>>
      %dma_start3A_107 = arith.constant 0 : i32
      %dma_start3A_108 = arith.constant 0 : i32
      %dma_start3A_109 = tpu.memref_slice %arg2[%dma_start3A_107, %dma_start3A_108] : memref<10000x128xf32, #tpu.memory_space<hbm>> -> memref<10000x128xf32, #tpu.memory_space<hbm>>
      tpu.enqueue_indirect_dma source(%dma_start3A_109 : memref<10000x128xf32, #tpu.memory_space<hbm>>) target(%arg9 : memref<125x128xf32, #tpu.memory_space<vmem>>) offsets(%dma_start3A_106 : memref<125xi32, #tpu.memory_space<vmem>>) semaphore(%arg12 : memref<!tpu.dma_semaphore, #tpu.memory_space<semaphore_mem>>)
      %add3A_110 = arith.constant 1 : i32
      %add3A_111 = arith.addi %mul3A_89, %add3A_110 : i32
      %dma_wait3A_112 = arith.constant 0 : i32
      %dma_wait3A_113 = tpu.memref_slice %arg7[%add3A_111, %dma_wait3A_112] : memref<40x125xi32, #tpu.memory_space<vmem>> -> memref<1x125xi32, #tpu.memory_space<vmem>>
      %dma_wait3A_114 = tpu.memref_squeeze %dma_wait3A_113 : memref<1x125xi32, #tpu.memory_space<vmem>> -> memref<125xi32, #tpu.memory_space<vmem>>
      %dma_wait3A_115 = arith.constant 0 : i32
      %dma_wait3A_116 = arith.constant 0 : i32
      %dma_wait3A_117 = tpu.memref_slice %arg2[%dma_wait3A_115, %dma_wait3A_116] : memref<10000x128xf32, #tpu.memory_space<hbm>> -> memref<10000x128xf32, #tpu.memory_space<hbm>>
      tpu.wait_indirect_dma semaphore(%arg13 : memref<!tpu.dma_semaphore, #tpu.memory_space<semaphore_mem>>) src(%dma_wait3A_117 : memref<10000x128xf32, #tpu.memory_space<hbm>>) dst(%arg10 : memref<125x128xf32, #tpu.memory_space<vmem>>)
      %add3A_118 = arith.constant 1 : i32
      %add3A_119 = arith.addi %mul3A_89, %add3A_118 : i32
      "tpu.region"() ({
        %run_scoped3A_130 = tpu.sem_alloc : memref<!tpu.dma_semaphore, #tpu.memory_space<semaphore_mem>>
        %dma_start3A_131 = arith.constant 0 : i32
        %dma_start3A_132 = tpu.memref_slice %arg8[%add3A_119, %dma_start3A_131] : memref<40x125xi32, #tpu.memory_space<vmem>> -> memref<1x125xi32, #tpu.memory_space<vmem>>
        %dma_start3A_133 = tpu.memref_squeeze %dma_start3A_132 : memref<1x125xi32, #tpu.memory_space<vmem>> -> memref<125xi32, #tpu.memory_space<vmem>>
        %dma_start3A_134 = arith.constant 0 : i32
        %dma_start3A_135 = arith.constant 0 : i32
        %dma_start3A_136 = tpu.memref_slice %arg11[%dma_start3A_134, %dma_start3A_135] : memref<10000x128xf32, #tpu.memory_space<vmem_shared>> -> memref<10000x128xf32, #tpu.memory_space<vmem_shared>>
        tpu.enqueue_indirect_dma source(%arg10 : memref<125x128xf32, #tpu.memory_space<vmem>>) target(%dma_start3A_136 : memref<10000x128xf32, #tpu.memory_space<vmem_shared>>) offsets(%dma_start3A_133 : memref<125xi32, #tpu.memory_space<vmem>>) semaphore(%run_scoped3A_130 : memref<!tpu.dma_semaphore, #tpu.memory_space<semaphore_mem>>) {add = true}
        %dma_wait3A_137 = arith.constant 0 : i32
        %dma_wait3A_138 = tpu.memref_slice %arg8[%add3A_119, %dma_wait3A_137] : memref<40x125xi32, #tpu.memory_space<vmem>> -> memref<1x125xi32, #tpu.memory_space<vmem>>
        %dma_wait3A_139 = tpu.memref_squeeze %dma_wait3A_138 : memref<1x125xi32, #tpu.memory_space<vmem>> -> memref<125xi32, #tpu.memory_space<vmem>>
        %dma_wait3A_140 = arith.constant 0 : i32
        %dma_wait3A_141 = arith.constant 0 : i32
        %dma_wait3A_142 = tpu.memref_slice %arg11[%dma_wait3A_140, %dma_wait3A_141] : memref<10000x128xf32, #tpu.memory_space<vmem_shared>> -> memref<10000x128xf32, #tpu.memory_space<vmem_shared>>
        tpu.wait_indirect_dma semaphore(%run_scoped3A_130 : memref<!tpu.dma_semaphore, #tpu.memory_space<semaphore_mem>>) src(%arg10 : memref<125x128xf32, #tpu.memory_space<vmem>>) dst(%dma_wait3A_142 : memref<10000x128xf32, #tpu.memory_space<vmem_shared>>)
        tpu.yield
      }) : () -> ()
      %add3A_120 = arith.constant 2 : i32
      %add3A_121 = arith.addi %mul3A_89, %add3A_120 : i32
      %add3A_122 = arith.constant 1 : i32
      %add3A_123 = arith.addi %add3A_121, %add3A_122 : i32
      %dma_start3A_124 = arith.constant 0 : i32
      %dma_start3A_125 = tpu.memref_slice %arg7[%add3A_123, %dma_start3A_124] : memref<40x125xi32, #tpu.memory_space<vmem>> -> memref<1x125xi32, #tpu.memory_space<vmem>>
      %dma_start3A_126 = tpu.memref_squeeze %dma_start3A_125 : memref<1x125xi32, #tpu.memory_space<vmem>> -> memref<125xi32, #tpu.memory_space<vmem>>
      %dma_start3A_127 = arith.constant 0 : i32
      %dma_start3A_128 = arith.constant 0 : i32
      %dma_start3A_129 = tpu.memref_slice %arg2[%dma_start3A_127, %dma_start3A_128] : memref<10000x128xf32, #tpu.memory_space<hbm>> -> memref<10000x128xf32, #tpu.memory_space<hbm>>
      tpu.enqueue_indirect_dma source(%dma_start3A_129 : memref<10000x128xf32, #tpu.memory_space<hbm>>) target(%arg10 : memref<125x128xf32, #tpu.memory_space<vmem>>) offsets(%dma_start3A_126 : memref<125xi32, #tpu.memory_space<vmem>>) semaphore(%arg13 : memref<!tpu.dma_semaphore, #tpu.memory_space<semaphore_mem>>)
    }
    %scan3A_64 = arith.constant 19 : i32
    %dma_wait3A_65 = arith.constant 38 : i32
    %dma_wait3A_66 = arith.constant 0 : i32
    %dma_wait3A_67 = tpu.memref_slice %arg7[%dma_wait3A_65, %dma_wait3A_66] : memref<40x125xi32, #tpu.memory_space<vmem>> -> memref<1x125xi32, #tpu.memory_space<vmem>>
    %dma_wait3A_68 = tpu.memref_squeeze %dma_wait3A_67 : memref<1x125xi32, #tpu.memory_space<vmem>> -> memref<125xi32, #tpu.memory_space<vmem>>
    %dma_wait3A_69 = arith.constant 0 : i32
    %dma_wait3A_70 = arith.constant 0 : i32
    %dma_wait3A_71 = tpu.memref_slice %arg2[%dma_wait3A_69, %dma_wait3A_70] : memref<10000x128xf32, #tpu.memory_space<hbm>> -> memref<10000x128xf32, #tpu.memory_space<hbm>>
    tpu.wait_indirect_dma semaphore(%arg12 : memref<!tpu.dma_semaphore, #tpu.memory_space<semaphore_mem>>) src(%dma_wait3A_71 : memref<10000x128xf32, #tpu.memory_space<hbm>>) dst(%arg9 : memref<125x128xf32, #tpu.memory_space<vmem>>)
    %run_scoped3A_72 = arith.constant 38 : i32
    "tpu.region"() ({
      %run_scoped3A_87 = tpu.sem_alloc : memref<!tpu.dma_semaphore, #tpu.memory_space<semaphore_mem>>
      %dma_start3A_88 = arith.constant 0 : i32
      %dma_start3A_89 = tpu.memref_slice %arg8[%run_scoped3A_72, %dma_start3A_88] : memref<40x125xi32, #tpu.memory_space<vmem>> -> memref<1x125xi32, #tpu.memory_space<vmem>>
      %dma_start3A_90 = tpu.memref_squeeze %dma_start3A_89 : memref<1x125xi32, #tpu.memory_space<vmem>> -> memref<125xi32, #tpu.memory_space<vmem>>
      %dma_start3A_91 = arith.constant 0 : i32
      %dma_start3A_92 = arith.constant 0 : i32
      %dma_start3A_93 = tpu.memref_slice %arg11[%dma_start3A_91, %dma_start3A_92] : memref<10000x128xf32, #tpu.memory_space<vmem_shared>> -> memref<10000x128xf32, #tpu.memory_space<vmem_shared>>
      tpu.enqueue_indirect_dma source(%arg9 : memref<125x128xf32, #tpu.memory_space<vmem>>) target(%dma_start3A_93 : memref<10000x128xf32, #tpu.memory_space<vmem_shared>>) offsets(%dma_start3A_90 : memref<125xi32, #tpu.memory_space<vmem>>) semaphore(%run_scoped3A_87 : memref<!tpu.dma_semaphore, #tpu.memory_space<semaphore_mem>>) {add = true}
      %dma_wait3A_94 = arith.constant 0 : i32
      %dma_wait3A_95 = tpu.memref_slice %arg8[%run_scoped3A_72, %dma_wait3A_94] : memref<40x125xi32, #tpu.memory_space<vmem>> -> memref<1x125xi32, #tpu.memory_space<vmem>>
      %dma_wait3A_96 = tpu.memref_squeeze %dma_wait3A_95 : memref<1x125xi32, #tpu.memory_space<vmem>> -> memref<125xi32, #tpu.memory_space<vmem>>
      %dma_wait3A_97 = arith.constant 0 : i32
      %dma_wait3A_98 = arith.constant 0 : i32
      %dma_wait3A_99 = tpu.memref_slice %arg11[%dma_wait3A_97, %dma_wait3A_98] : memref<10000x128xf32, #tpu.memory_space<vmem_shared>> -> memref<10000x128xf32, #tpu.memory_space<vmem_shared>>
      tpu.wait_indirect_dma semaphore(%run_scoped3A_87 : memref<!tpu.dma_semaphore, #tpu.memory_space<semaphore_mem>>) src(%arg9 : memref<125x128xf32, #tpu.memory_space<vmem>>) dst(%dma_wait3A_99 : memref<10000x128xf32, #tpu.memory_space<vmem_shared>>)
      tpu.yield
    }) : () -> ()
    %dma_wait3A_73 = arith.constant 39 : i32
    %dma_wait3A_74 = arith.constant 0 : i32
    %dma_wait3A_75 = tpu.memref_slice %arg7[%dma_wait3A_73, %dma_wait3A_74] : memref<40x125xi32, #tpu.memory_space<vmem>> -> memref<1x125xi32, #tpu.memory_space<vmem>>
    %dma_wait3A_76 = tpu.memref_squeeze %dma_wait3A_75 : memref<1x125xi32, #tpu.memory_space<vmem>> -> memref<125xi32, #tpu.memory_space<vmem>>
    %dma_wait3A_77 = arith.constant 0 : i32
    %dma_wait3A_78 = arith.constant 0 : i32
    %dma_wait3A_79 = tpu.memref_slice %arg2[%dma_wait3A_77, %dma_wait3A_78] : memref<10000x128xf32, #tpu.memory_space<hbm>> -> memref<10000x128xf32, #tpu.memory_space<hbm>>
    tpu.wait_indirect_dma semaphore(%arg13 : memref<!tpu.dma_semaphore, #tpu.memory_space<semaphore_mem>>) src(%dma_wait3A_79 : memref<10000x128xf32, #tpu.memory_space<hbm>>) dst(%arg10 : memref<125x128xf32, #tpu.memory_space<vmem>>)
    %run_scoped3A_80 = arith.constant 39 : i32
    "tpu.region"() ({
      %run_scoped3A_87 = tpu.sem_alloc : memref<!tpu.dma_semaphore, #tpu.memory_space<semaphore_mem>>
      %dma_start3A_88 = arith.constant 0 : i32
      %dma_start3A_89 = tpu.memref_slice %arg8[%run_scoped3A_80, %dma_start3A_88] : memref<40x125xi32, #tpu.memory_space<vmem>> -> memref<1x125xi32, #tpu.memory_space<vmem>>
      %dma_start3A_90 = tpu.memref_squeeze %dma_start3A_89 : memref<1x125xi32, #tpu.memory_space<vmem>> -> memref<125xi32, #tpu.memory_space<vmem>>
      %dma_start3A_91 = arith.constant 0 : i32
      %dma_start3A_92 = arith.constant 0 : i32
      %dma_start3A_93 = tpu.memref_slice %arg11[%dma_start3A_91, %dma_start3A_92] : memref<10000x128xf32, #tpu.memory_space<vmem_shared>> -> memref<10000x128xf32, #tpu.memory_space<vmem_shared>>
      tpu.enqueue_indirect_dma source(%arg10 : memref<125x128xf32, #tpu.memory_space<vmem>>) target(%dma_start3A_93 : memref<10000x128xf32, #tpu.memory_space<vmem_shared>>) offsets(%dma_start3A_90 : memref<125xi32, #tpu.memory_space<vmem>>) semaphore(%run_scoped3A_87 : memref<!tpu.dma_semaphore, #tpu.memory_space<semaphore_mem>>) {add = true}
      %dma_wait3A_94 = arith.constant 0 : i32
      %dma_wait3A_95 = tpu.memref_slice %arg8[%run_scoped3A_80, %dma_wait3A_94] : memref<40x125xi32, #tpu.memory_space<vmem>> -> memref<1x125xi32, #tpu.memory_space<vmem>>
      %dma_wait3A_96 = tpu.memref_squeeze %dma_wait3A_95 : memref<1x125xi32, #tpu.memory_space<vmem>> -> memref<125xi32, #tpu.memory_space<vmem>>
      %dma_wait3A_97 = arith.constant 0 : i32
      %dma_wait3A_98 = arith.constant 0 : i32
      %dma_wait3A_99 = tpu.memref_slice %arg11[%dma_wait3A_97, %dma_wait3A_98] : memref<10000x128xf32, #tpu.memory_space<vmem_shared>> -> memref<10000x128xf32, #tpu.memory_space<vmem_shared>>
      tpu.wait_indirect_dma semaphore(%run_scoped3A_87 : memref<!tpu.dma_semaphore, #tpu.memory_space<semaphore_mem>>) src(%arg10 : memref<125x128xf32, #tpu.memory_space<vmem>>) dst(%dma_wait3A_99 : memref<10000x128xf32, #tpu.memory_space<vmem_shared>>)
      tpu.yield
    }) : () -> ()
    %barrier3A_81 = arith.constant 0 : index
    tpu.barrier barrier_id(%barrier3A_81)
    "tpu.region"() ({
      %run_scoped3A_87 = tpu.sem_alloc : memref<!tpu.dma_semaphore, #tpu.memory_space<semaphore_mem>>
      %dma_start3A_88 = arith.constant 0 : i32
      %dma_start3A_89 = arith.constant 0 : i32
      %dma_start3A_90 = tpu.memref_slice %arg6[%arg0, %dma_start3A_88, %dma_start3A_89] : memref<2x10000x128xf32, #tpu.memory_space<hbm>> -> memref<1x10000x128xf32, #tpu.memory_space<hbm>>
      %dma_start3A_91 = tpu.memref_squeeze %dma_start3A_90 : memref<1x10000x128xf32, #tpu.memory_space<hbm>> -> memref<10000x128xf32, #tpu.memory_space<hbm>>
      %dma_start3A_92 = arith.constant 0 : i32
      %dma_start3A_93 = tpu.memref_slice %dma_start3A_91[%mul3A_2, %dma_start3A_92] : memref<10000x128xf32, #tpu.memory_space<hbm>> -> memref<624x128xf32, #tpu.memory_space<hbm>>
      %dma_start3A_94 = arith.constant 0 : i32
      %dma_start3A_95 = tpu.memref_slice %arg11[%mul3A_2, %dma_start3A_94] : memref<10000x128xf32, #tpu.memory_space<vmem_shared>> -> memref<624x128xf32, #tpu.memory_space<vmem_shared>>
      tpu.enqueue_dma source(%dma_start3A_95 : memref<624x128xf32, #tpu.memory_space<vmem_shared>>) target(%dma_start3A_93 : memref<624x128xf32, #tpu.memory_space<hbm>>) target_semaphore(%run_scoped3A_87 : memref<!tpu.dma_semaphore, #tpu.memory_space<semaphore_mem>>)
      %dma_wait3A_96 = arith.constant 0 : i32
      %dma_wait3A_97 = arith.constant 0 : i32
      %dma_wait3A_98 = tpu.memref_slice %arg6[%arg0, %dma_wait3A_96, %dma_wait3A_97] : memref<2x10000x128xf32, #tpu.memory_space<hbm>> -> memref<1x10000x128xf32, #tpu.memory_space<hbm>>
      %dma_wait3A_99 = tpu.memref_squeeze %dma_wait3A_98 : memref<1x10000x128xf32, #tpu.memory_space<hbm>> -> memref<10000x128xf32, #tpu.memory_space<hbm>>
      %dma_wait3A_100 = arith.constant 0 : i32
      %dma_wait3A_101 = tpu.memref_slice %dma_wait3A_99[%mul3A_2, %dma_wait3A_100] : memref<10000x128xf32, #tpu.memory_space<hbm>> -> memref<624x128xf32, #tpu.memory_space<hbm>>
      %dma_wait3A_102 = arith.constant 0 : i32
      %dma_wait3A_103 = tpu.memref_slice %arg11[%mul3A_2, %dma_wait3A_102] : memref<10000x128xf32, #tpu.memory_space<vmem_shared>> -> memref<624x128xf32, #tpu.memory_space<vmem_shared>>
      tpu.wait_dma2 semaphore(%run_scoped3A_87 : memref<!tpu.dma_semaphore, #tpu.memory_space<semaphore_mem>>) src(%dma_wait3A_103 : memref<624x128xf32, #tpu.memory_space<vmem_shared>>) dst(%dma_wait3A_101 : memref<624x128xf32, #tpu.memory_space<hbm>>)
      tpu.yield
    }) : () -> ()
    %eq3A_82 = arith.constant 15 : i32
    %eq3A_83 = arith.cmpi eq, %arg1, %eq3A_82 : i32
    %convert_element_type3A_84 = arith.extui %eq3A_83 : i1 to i32
    %cond3A_85 = arith.constant 0 : i32
    %cond3A_86 = arith.cmpi ne, %convert_element_type3A_84, %cond3A_85 : i32
    scf.if %cond3A_86 {
      "tpu.region"() ({
        %run_scoped3A_87 = tpu.sem_alloc : memref<!tpu.dma_semaphore, #tpu.memory_space<semaphore_mem>>
        %dma_start3A_88 = arith.constant 0 : i32
        %dma_start3A_89 = arith.constant 0 : i32
        %dma_start3A_90 = tpu.memref_slice %arg6[%arg0, %dma_start3A_88, %dma_start3A_89] : memref<2x10000x128xf32, #tpu.memory_space<hbm>> -> memref<1x10000x128xf32, #tpu.memory_space<hbm>>
        %dma_start3A_91 = tpu.memref_squeeze %dma_start3A_90 : memref<1x10000x128xf32, #tpu.memory_space<hbm>> -> memref<10000x128xf32, #tpu.memory_space<hbm>>
        %dma_start3A_92 = arith.constant 9984 : i32
        %dma_start3A_93 = arith.constant 0 : i32
        %dma_start3A_94 = tpu.memref_slice %dma_start3A_91[%dma_start3A_92, %dma_start3A_93] : memref<10000x128xf32, #tpu.memory_space<hbm>> -> memref<16x128xf32, #tpu.memory_space<hbm>>
        %dma_start3A_95 = arith.constant 9984 : i32
        %dma_start3A_96 = arith.constant 0 : i32
        %dma_start3A_97 = tpu.memref_slice %arg11[%dma_start3A_95, %dma_start3A_96] : memref<10000x128xf32, #tpu.memory_space<vmem_shared>> -> memref<16x128xf32, #tpu.memory_space<vmem_shared>>
        tpu.enqueue_dma source(%dma_start3A_97 : memref<16x128xf32, #tpu.memory_space<vmem_shared>>) target(%dma_start3A_94 : memref<16x128xf32, #tpu.memory_space<hbm>>) target_semaphore(%run_scoped3A_87 : memref<!tpu.dma_semaphore, #tpu.memory_space<semaphore_mem>>)
        %dma_wait3A_98 = arith.constant 0 : i32
        %dma_wait3A_99 = arith.constant 0 : i32
        %dma_wait3A_100 = tpu.memref_slice %arg6[%arg0, %dma_wait3A_98, %dma_wait3A_99] : memref<2x10000x128xf32, #tpu.memory_space<hbm>> -> memref<1x10000x128xf32, #tpu.memory_space<hbm>>
        %dma_wait3A_101 = tpu.memref_squeeze %dma_wait3A_100 : memref<1x10000x128xf32, #tpu.memory_space<hbm>> -> memref<10000x128xf32, #tpu.memory_space<hbm>>
        %dma_wait3A_102 = arith.constant 9984 : i32
        %dma_wait3A_103 = arith.constant 0 : i32
        %dma_wait3A_104 = tpu.memref_slice %dma_wait3A_101[%dma_wait3A_102, %dma_wait3A_103] : memref<10000x128xf32, #tpu.memory_space<hbm>> -> memref<16x128xf32, #tpu.memory_space<hbm>>
        %dma_wait3A_105 = arith.constant 9984 : i32
        %dma_wait3A_106 = arith.constant 0 : i32
        %dma_wait3A_107 = tpu.memref_slice %arg11[%dma_wait3A_105, %dma_wait3A_106] : memref<10000x128xf32, #tpu.memory_space<vmem_shared>> -> memref<16x128xf32, #tpu.memory_space<vmem_shared>>
        tpu.wait_dma2 semaphore(%run_scoped3A_87 : memref<!tpu.dma_semaphore, #tpu.memory_space<semaphore_mem>>) src(%dma_wait3A_107 : memref<16x128xf32, #tpu.memory_space<vmem_shared>>) dst(%dma_wait3A_104 : memref<16x128xf32, #tpu.memory_space<hbm>>)
        tpu.yield
      }) : () -> ()
    } else {
    }
    return
  }
}

#map = affine_map<(d0, d1) -> (0, 0)>
#map1 = affine_map<(d0, d1) -> (0, 0, 0)>
module attributes {stable_mosaic.version = 14 : i64} {
  func.func @edge_agg(%arg0: i32, %arg1: i32, %arg2: memref<10000x128xf32, #tpu.memory_space<hbm>>, %arg3: memref<2560x125xi32, #tpu.memory_space<hbm>>, %arg4: memref<2560x125xi32, #tpu.memory_space<hbm>>, %arg5: memref<10000x128xf32, #tpu.memory_space<hbm>>, %arg6: memref<2x10000x128xf32, #tpu.memory_space<hbm>>, %arg7: memref<40x125xi32, #tpu.memory_space<vmem>>, %arg8: memref<40x125xi32, #tpu.memory_space<vmem>>, %arg9: memref<125x128xf32, #tpu.memory_space<vmem>>, %arg10: memref<125x128xf32, #tpu.memory_space<vmem>>, %arg11: memref<10000x128xf32, #tpu.memory_space<vmem_shared>>, %arg12: memref<!tpu.dma_semaphore, #tpu.memory_space<semaphore_mem>>, %arg13: memref<!tpu.dma_semaphore, #tpu.memory_space<semaphore_mem>>) attributes {dimension_semantics = [#tpu.dimension_semantics<core_parallel>, #tpu.dimension_semantics<subcore_parallel>], iteration_bounds = array<i64: 2, 16>, scalar_prefetch = 0 : i64, scratch_operands = 7 : i64, tpu.core_type = #tpu.core_type<sc_vector_subcore>, window_params = [{transform_indices = #map}, {transform_indices = #map}, {transform_indices = #map}, {transform_indices = #map}, {transform_indices = #map1}]} {
    %mul3A = arith.constant 2 : i32
    %mul3A_0 = arith.muli %arg1, %mul3A : i32
    %add3A = arith.addi %mul3A_0, %arg0 : i32
    %mul3A_1 = arith.constant 624 : i32
    %mul3A_2 = arith.muli %arg1, %mul3A_1 : i32
    %mul3A_3 = arith.constant 80 : i32
    %mul3A_4 = arith.muli %add3A, %mul3A_3 : i32
    "tpu.region"() ({
      %run_scoped3A_87 = tpu.sem_alloc : memref<!tpu.dma_semaphore, #tpu.memory_space<semaphore_mem>>
      %dma_start3A_88 = arith.constant 0 : i32
      %dma_start3A_89 = tpu.memref_slice %arg3[%mul3A_4, %dma_start3A_88] : memref<2560x125xi32, #tpu.memory_space<hbm>> -> memref<40x125xi32, #tpu.memory_space<hbm>>
      %dma_start3A_90 = arith.constant 0 : i32
      %dma_start3A_91 = tpu.memref_slice %arg3[%mul3A_4, %dma_start3A_90] : memref<2560x125xi32, #tpu.memory_space<hbm>> -> memref<40x125xi32, #tpu.memory_space<hbm>>
      tpu.enqueue_dma source(%dma_start3A_91 : memref<40x125xi32, #tpu.memory_space<hbm>>) target(%arg7 : memref<40x125xi32, #tpu.memory_space<vmem>>) target_semaphore(%run_scoped3A_87 : memref<!tpu.dma_semaphore, #tpu.memory_space<semaphore_mem>>)
      %dma_wait3A_92 = arith.constant 0 : i32
      %dma_wait3A_93 = tpu.memref_slice %arg3[%mul3A_4, %dma_wait3A_92] : memref<2560x125xi32, #tpu.memory_space<hbm>> -> memref<40x125xi32, #tpu.memory_space<hbm>>
      %dma_wait3A_94 = arith.constant 0 : i32
      %dma_wait3A_95 = tpu.memref_slice %arg3[%mul3A_4, %dma_wait3A_94] : memref<2560x125xi32, #tpu.memory_space<hbm>> -> memref<40x125xi32, #tpu.memory_space<hbm>>
      tpu.wait_dma2 semaphore(%run_scoped3A_87 : memref<!tpu.dma_semaphore, #tpu.memory_space<semaphore_mem>>) src(%dma_wait3A_95 : memref<40x125xi32, #tpu.memory_space<hbm>>) dst(%arg7 : memref<40x125xi32, #tpu.memory_space<vmem>>)
      tpu.yield
    }) : () -> ()
    %mul3A_5 = arith.constant 80 : i32
    %mul3A_6 = arith.muli %add3A, %mul3A_5 : i32
    "tpu.region"() ({
      %run_scoped3A_87 = tpu.sem_alloc : memref<!tpu.dma_semaphore, #tpu.memory_space<semaphore_mem>>
      %dma_start3A_88 = arith.constant 0 : i32
      %dma_start3A_89 = tpu.memref_slice %arg4[%mul3A_6, %dma_start3A_88] : memref<2560x125xi32, #tpu.memory_space<hbm>> -> memref<40x125xi32, #tpu.memory_space<hbm>>
      %dma_start3A_90 = arith.constant 0 : i32
      %dma_start3A_91 = tpu.memref_slice %arg4[%mul3A_6, %dma_start3A_90] : memref<2560x125xi32, #tpu.memory_space<hbm>> -> memref<40x125xi32, #tpu.memory_space<hbm>>
      tpu.enqueue_dma source(%dma_start3A_91 : memref<40x125xi32, #tpu.memory_space<hbm>>) target(%arg8 : memref<40x125xi32, #tpu.memory_space<vmem>>) target_semaphore(%run_scoped3A_87 : memref<!tpu.dma_semaphore, #tpu.memory_space<semaphore_mem>>)
      %dma_wait3A_92 = arith.constant 0 : i32
      %dma_wait3A_93 = tpu.memref_slice %arg4[%mul3A_6, %dma_wait3A_92] : memref<2560x125xi32, #tpu.memory_space<hbm>> -> memref<40x125xi32, #tpu.memory_space<hbm>>
      %dma_wait3A_94 = arith.constant 0 : i32
      %dma_wait3A_95 = tpu.memref_slice %arg4[%mul3A_6, %dma_wait3A_94] : memref<2560x125xi32, #tpu.memory_space<hbm>> -> memref<40x125xi32, #tpu.memory_space<hbm>>
      tpu.wait_dma2 semaphore(%run_scoped3A_87 : memref<!tpu.dma_semaphore, #tpu.memory_space<semaphore_mem>>) src(%dma_wait3A_95 : memref<40x125xi32, #tpu.memory_space<hbm>>) dst(%arg8 : memref<40x125xi32, #tpu.memory_space<vmem>>)
      tpu.yield
    }) : () -> ()
    %dma_start3A = arith.constant 0 : i32
    %dma_start3A_7 = arith.constant 0 : i32
    %dma_start3A_8 = tpu.memref_slice %arg7[%dma_start3A, %dma_start3A_7] : memref<40x125xi32, #tpu.memory_space<vmem>> -> memref<1x125xi32, #tpu.memory_space<vmem>>
    %dma_start3A_9 = tpu.memref_squeeze %dma_start3A_8 : memref<1x125xi32, #tpu.memory_space<vmem>> -> memref<125xi32, #tpu.memory_space<vmem>>
    %dma_start3A_10 = arith.constant 0 : i32
    %dma_start3A_11 = arith.constant 0 : i32
    %dma_start3A_12 = tpu.memref_slice %arg2[%dma_start3A_10, %dma_start3A_11] : memref<10000x128xf32, #tpu.memory_space<hbm>> -> memref<10000x128xf32, #tpu.memory_space<hbm>>
    tpu.enqueue_indirect_dma source(%dma_start3A_12 : memref<10000x128xf32, #tpu.memory_space<hbm>>) target(%arg9 : memref<125x128xf32, #tpu.memory_space<vmem>>) offsets(%dma_start3A_9 : memref<125xi32, #tpu.memory_space<vmem>>) semaphore(%arg12 : memref<!tpu.dma_semaphore, #tpu.memory_space<semaphore_mem>>)
    %dma_start3A_13 = arith.constant 1 : i32
    %dma_start3A_14 = arith.constant 0 : i32
    %dma_start3A_15 = tpu.memref_slice %arg7[%dma_start3A_13, %dma_start3A_14] : memref<40x125xi32, #tpu.memory_space<vmem>> -> memref<1x125xi32, #tpu.memory_space<vmem>>
    %dma_start3A_16 = tpu.memref_squeeze %dma_start3A_15 : memref<1x125xi32, #tpu.memory_space<vmem>> -> memref<125xi32, #tpu.memory_space<vmem>>
    %dma_start3A_17 = arith.constant 0 : i32
    %dma_start3A_18 = arith.constant 0 : i32
    %dma_start3A_19 = tpu.memref_slice %arg2[%dma_start3A_17, %dma_start3A_18] : memref<10000x128xf32, #tpu.memory_space<hbm>> -> memref<10000x128xf32, #tpu.memory_space<hbm>>
    tpu.enqueue_indirect_dma source(%dma_start3A_19 : memref<10000x128xf32, #tpu.memory_space<hbm>>) target(%arg10 : memref<125x128xf32, #tpu.memory_space<vmem>>) offsets(%dma_start3A_16 : memref<125xi32, #tpu.memory_space<vmem>>) semaphore(%arg13 : memref<!tpu.dma_semaphore, #tpu.memory_space<semaphore_mem>>)
    "tpu.region"() ({
      %run_scoped3A_87 = tpu.sem_alloc : memref<!tpu.dma_semaphore, #tpu.memory_space<semaphore_mem>>
      %dma_start3A_88 = arith.constant 0 : i32
      %dma_start3A_89 = tpu.memref_slice %arg11[%mul3A_2, %dma_start3A_88] : memref<10000x128xf32, #tpu.memory_space<vmem_shared>> -> memref<624x128xf32, #tpu.memory_space<vmem_shared>>
      %dma_start3A_90 = arith.constant 0 : i32
      %dma_start3A_91 = tpu.memref_slice %arg5[%mul3A_2, %dma_start3A_90] : memref<10000x128xf32, #tpu.memory_space<hbm>> -> memref<624x128xf32, #tpu.memory_space<hbm>>
      tpu.enqueue_dma source(%dma_start3A_91 : memref<624x128xf32, #tpu.memory_space<hbm>>) target(%dma_start3A_89 : memref<624x128xf32, #tpu.memory_space<vmem_shared>>) target_semaphore(%run_scoped3A_87 : memref<!tpu.dma_semaphore, #tpu.memory_space<semaphore_mem>>)
      %dma_wait3A_92 = arith.constant 0 : i32
      %dma_wait3A_93 = tpu.memref_slice %arg11[%mul3A_2, %dma_wait3A_92] : memref<10000x128xf32, #tpu.memory_space<vmem_shared>> -> memref<624x128xf32, #tpu.memory_space<vmem_shared>>
      %dma_wait3A_94 = arith.constant 0 : i32
      %dma_wait3A_95 = tpu.memref_slice %arg5[%mul3A_2, %dma_wait3A_94] : memref<10000x128xf32, #tpu.memory_space<hbm>> -> memref<624x128xf32, #tpu.memory_space<hbm>>
      tpu.wait_dma2 semaphore(%run_scoped3A_87 : memref<!tpu.dma_semaphore, #tpu.memory_space<semaphore_mem>>) src(%dma_wait3A_95 : memref<624x128xf32, #tpu.memory_space<hbm>>) dst(%dma_wait3A_93 : memref<624x128xf32, #tpu.memory_space<vmem_shared>>)
      tpu.yield
    }) : () -> ()
    %eq3A = arith.constant 15 : i32
    %eq3A_20 = arith.cmpi eq, %arg1, %eq3A : i32
    %convert_element_type3A = arith.extui %eq3A_20 : i1 to i32
    %cond3A = arith.constant 0 : i32
    %cond3A_21 = arith.cmpi ne, %convert_element_type3A, %cond3A : i32
    scf.if %cond3A_21 {
      "tpu.region"() ({
        %run_scoped3A_87 = tpu.sem_alloc : memref<!tpu.dma_semaphore, #tpu.memory_space<semaphore_mem>>
        %dma_start3A_88 = arith.constant 9984 : i32
        %dma_start3A_89 = arith.constant 0 : i32
        %dma_start3A_90 = tpu.memref_slice %arg11[%dma_start3A_88, %dma_start3A_89] : memref<10000x128xf32, #tpu.memory_space<vmem_shared>> -> memref<16x128xf32, #tpu.memory_space<vmem_shared>>
        %dma_start3A_91 = arith.constant 9984 : i32
        %dma_start3A_92 = arith.constant 0 : i32
        %dma_start3A_93 = tpu.memref_slice %arg5[%dma_start3A_91, %dma_start3A_92] : memref<10000x128xf32, #tpu.memory_space<hbm>> -> memref<16x128xf32, #tpu.memory_space<hbm>>
        tpu.enqueue_dma source(%dma_start3A_93 : memref<16x128xf32, #tpu.memory_space<hbm>>) target(%dma_start3A_90 : memref<16x128xf32, #tpu.memory_space<vmem_shared>>) target_semaphore(%run_scoped3A_87 : memref<!tpu.dma_semaphore, #tpu.memory_space<semaphore_mem>>)
        %dma_wait3A_94 = arith.constant 9984 : i32
        %dma_wait3A_95 = arith.constant 0 : i32
        %dma_wait3A_96 = tpu.memref_slice %arg11[%dma_wait3A_94, %dma_wait3A_95] : memref<10000x128xf32, #tpu.memory_space<vmem_shared>> -> memref<16x128xf32, #tpu.memory_space<vmem_shared>>
        %dma_wait3A_97 = arith.constant 9984 : i32
        %dma_wait3A_98 = arith.constant 0 : i32
        %dma_wait3A_99 = tpu.memref_slice %arg5[%dma_wait3A_97, %dma_wait3A_98] : memref<10000x128xf32, #tpu.memory_space<hbm>> -> memref<16x128xf32, #tpu.memory_space<hbm>>
        tpu.wait_dma2 semaphore(%run_scoped3A_87 : memref<!tpu.dma_semaphore, #tpu.memory_space<semaphore_mem>>) src(%dma_wait3A_99 : memref<16x128xf32, #tpu.memory_space<hbm>>) dst(%dma_wait3A_96 : memref<16x128xf32, #tpu.memory_space<vmem_shared>>)
        tpu.yield
      }) : () -> ()
    } else {
    }
    %barrier3A = arith.constant 0 : index
    tpu.barrier barrier_id(%barrier3A)
    %scan3A = arith.constant 0 : i32
    %scan3A_22 = arith.constant 0 : i32
    %scan3A_23 = arith.constant 19 : i32
    %scan3A_24 = arith.addi %scan3A_22, %scan3A_23 : i32
    %scan3A_25 = arith.constant 1 : i32
    scf.for %scan3A_87 = %scan3A_22 to %scan3A_24 step %scan3A_25  : i32 {
      %mul3A_88 = arith.constant 2 : i32
      %mul3A_89 = arith.muli %scan3A_87, %mul3A_88 : i32
      %add3A_90 = arith.constant 0 : i32
      %add3A_91 = arith.addi %mul3A_89, %add3A_90 : i32
      %dma_wait3A_92 = arith.constant 0 : i32
      %dma_wait3A_93 = tpu.memref_slice %arg7[%add3A_91, %dma_wait3A_92] : memref<40x125xi32, #tpu.memory_space<vmem>> -> memref<1x125xi32, #tpu.memory_space<vmem>>
      %dma_wait3A_94 = tpu.memref_squeeze %dma_wait3A_93 : memref<1x125xi32, #tpu.memory_space<vmem>> -> memref<125xi32, #tpu.memory_space<vmem>>
      %dma_wait3A_95 = arith.constant 0 : i32
      %dma_wait3A_96 = arith.constant 0 : i32
      %dma_wait3A_97 = tpu.memref_slice %arg2[%dma_wait3A_95, %dma_wait3A_96] : memref<10000x128xf32, #tpu.memory_space<hbm>> -> memref<10000x128xf32, #tpu.memory_space<hbm>>
      tpu.wait_indirect_dma semaphore(%arg12 : memref<!tpu.dma_semaphore, #tpu.memory_space<semaphore_mem>>) src(%dma_wait3A_97 : memref<10000x128xf32, #tpu.memory_space<hbm>>) dst(%arg9 : memref<125x128xf32, #tpu.memory_space<vmem>>)
      %add3A_98 = arith.constant 0 : i32
      %add3A_99 = arith.addi %mul3A_89, %add3A_98 : i32
      "tpu.region"() ({
        %run_scoped3A_130 = tpu.sem_alloc : memref<!tpu.dma_semaphore, #tpu.memory_space<semaphore_mem>>
        %dma_start3A_131 = arith.constant 0 : i32
        %dma_start3A_132 = tpu.memref_slice %arg8[%add3A_99, %dma_start3A_131] : memref<40x125xi32, #tpu.memory_space<vmem>> -> memref<1x125xi32, #tpu.memory_space<vmem>>
        %dma_start3A_133 = tpu.memref_squeeze %dma_start3A_132 : memref<1x125xi32, #tpu.memory_space<vmem>> -> memref<125xi32, #tpu.memory_space<vmem>>
        %dma_start3A_134 = arith.constant 0 : i32
        %dma_start3A_135 = arith.constant 0 : i32
        %dma_start3A_136 = tpu.memref_slice %arg11[%dma_start3A_134, %dma_start3A_135] : memref<10000x128xf32, #tpu.memory_space<vmem_shared>> -> memref<10000x128xf32, #tpu.memory_space<vmem_shared>>
        tpu.enqueue_indirect_dma source(%arg9 : memref<125x128xf32, #tpu.memory_space<vmem>>) target(%dma_start3A_136 : memref<10000x128xf32, #tpu.memory_space<vmem_shared>>) offsets(%dma_start3A_133 : memref<125xi32, #tpu.memory_space<vmem>>) semaphore(%run_scoped3A_130 : memref<!tpu.dma_semaphore, #tpu.memory_space<semaphore_mem>>) {add = true}
        %dma_wait3A_137 = arith.constant 0 : i32
        %dma_wait3A_138 = tpu.memref_slice %arg8[%add3A_99, %dma_wait3A_137] : memref<40x125xi32, #tpu.memory_space<vmem>> -> memref<1x125xi32, #tpu.memory_space<vmem>>
        %dma_wait3A_139 = tpu.memref_squeeze %dma_wait3A_138 : memref<1x125xi32, #tpu.memory_space<vmem>> -> memref<125xi32, #tpu.memory_space<vmem>>
        %dma_wait3A_140 = arith.constant 0 : i32
        %dma_wait3A_141 = arith.constant 0 : i32
        %dma_wait3A_142 = tpu.memref_slice %arg11[%dma_wait3A_140, %dma_wait3A_141] : memref<10000x128xf32, #tpu.memory_space<vmem_shared>> -> memref<10000x128xf32, #tpu.memory_space<vmem_shared>>
        tpu.wait_indirect_dma semaphore(%run_scoped3A_130 : memref<!tpu.dma_semaphore, #tpu.memory_space<semaphore_mem>>) src(%arg9 : memref<125x128xf32, #tpu.memory_space<vmem>>) dst(%dma_wait3A_142 : memref<10000x128xf32, #tpu.memory_space<vmem_shared>>)
        tpu.yield
      }) : () -> ()
      %add3A_100 = arith.constant 2 : i32
      %add3A_101 = arith.addi %mul3A_89, %add3A_100 : i32
      %add3A_102 = arith.constant 0 : i32
      %add3A_103 = arith.addi %add3A_101, %add3A_102 : i32
      %dma_start3A_104 = arith.constant 0 : i32
      %dma_start3A_105 = tpu.memref_slice %arg7[%add3A_103, %dma_start3A_104] : memref<40x125xi32, #tpu.memory_space<vmem>> -> memref<1x125xi32, #tpu.memory_space<vmem>>
      %dma_start3A_106 = tpu.memref_squeeze %dma_start3A_105 : memref<1x125xi32, #tpu.memory_space<vmem>> -> memref<125xi32, #tpu.memory_space<vmem>>
      %dma_start3A_107 = arith.constant 0 : i32
      %dma_start3A_108 = arith.constant 0 : i32
      %dma_start3A_109 = tpu.memref_slice %arg2[%dma_start3A_107, %dma_start3A_108] : memref<10000x128xf32, #tpu.memory_space<hbm>> -> memref<10000x128xf32, #tpu.memory_space<hbm>>
      tpu.enqueue_indirect_dma source(%dma_start3A_109 : memref<10000x128xf32, #tpu.memory_space<hbm>>) target(%arg9 : memref<125x128xf32, #tpu.memory_space<vmem>>) offsets(%dma_start3A_106 : memref<125xi32, #tpu.memory_space<vmem>>) semaphore(%arg12 : memref<!tpu.dma_semaphore, #tpu.memory_space<semaphore_mem>>)
      %add3A_110 = arith.constant 1 : i32
      %add3A_111 = arith.addi %mul3A_89, %add3A_110 : i32
      %dma_wait3A_112 = arith.constant 0 : i32
      %dma_wait3A_113 = tpu.memref_slice %arg7[%add3A_111, %dma_wait3A_112] : memref<40x125xi32, #tpu.memory_space<vmem>> -> memref<1x125xi32, #tpu.memory_space<vmem>>
      %dma_wait3A_114 = tpu.memref_squeeze %dma_wait3A_113 : memref<1x125xi32, #tpu.memory_space<vmem>> -> memref<125xi32, #tpu.memory_space<vmem>>
      %dma_wait3A_115 = arith.constant 0 : i32
      %dma_wait3A_116 = arith.constant 0 : i32
      %dma_wait3A_117 = tpu.memref_slice %arg2[%dma_wait3A_115, %dma_wait3A_116] : memref<10000x128xf32, #tpu.memory_space<hbm>> -> memref<10000x128xf32, #tpu.memory_space<hbm>>
      tpu.wait_indirect_dma semaphore(%arg13 : memref<!tpu.dma_semaphore, #tpu.memory_space<semaphore_mem>>) src(%dma_wait3A_117 : memref<10000x128xf32, #tpu.memory_space<hbm>>) dst(%arg10 : memref<125x128xf32, #tpu.memory_space<vmem>>)
      %add3A_118 = arith.constant 1 : i32
      %add3A_119 = arith.addi %mul3A_89, %add3A_118 : i32
      "tpu.region"() ({
        %run_scoped3A_130 = tpu.sem_alloc : memref<!tpu.dma_semaphore, #tpu.memory_space<semaphore_mem>>
        %dma_start3A_131 = arith.constant 0 : i32
        %dma_start3A_132 = tpu.memref_slice %arg8[%add3A_119, %dma_start3A_131] : memref<40x125xi32, #tpu.memory_space<vmem>> -> memref<1x125xi32, #tpu.memory_space<vmem>>
        %dma_start3A_133 = tpu.memref_squeeze %dma_start3A_132 : memref<1x125xi32, #tpu.memory_space<vmem>> -> memref<125xi32, #tpu.memory_space<vmem>>
        %dma_start3A_134 = arith.constant 0 : i32
        %dma_start3A_135 = arith.constant 0 : i32
        %dma_start3A_136 = tpu.memref_slice %arg11[%dma_start3A_134, %dma_start3A_135] : memref<10000x128xf32, #tpu.memory_space<vmem_shared>> -> memref<10000x128xf32, #tpu.memory_space<vmem_shared>>
        tpu.enqueue_indirect_dma source(%arg10 : memref<125x128xf32, #tpu.memory_space<vmem>>) target(%dma_start3A_136 : memref<10000x128xf32, #tpu.memory_space<vmem_shared>>) offsets(%dma_start3A_133 : memref<125xi32, #tpu.memory_space<vmem>>) semaphore(%run_scoped3A_130 : memref<!tpu.dma_semaphore, #tpu.memory_space<semaphore_mem>>) {add = true}
        %dma_wait3A_137 = arith.constant 0 : i32
        %dma_wait3A_138 = tpu.memref_slice %arg8[%add3A_119, %dma_wait3A_137] : memref<40x125xi32, #tpu.memory_space<vmem>> -> memref<1x125xi32, #tpu.memory_space<vmem>>
        %dma_wait3A_139 = tpu.memref_squeeze %dma_wait3A_138 : memref<1x125xi32, #tpu.memory_space<vmem>> -> memref<125xi32, #tpu.memory_space<vmem>>
        %dma_wait3A_140 = arith.constant 0 : i32
        %dma_wait3A_141 = arith.constant 0 : i32
        %dma_wait3A_142 = tpu.memref_slice %arg11[%dma_wait3A_140, %dma_wait3A_141] : memref<10000x128xf32, #tpu.memory_space<vmem_shared>> -> memref<10000x128xf32, #tpu.memory_space<vmem_shared>>
        tpu.wait_indirect_dma semaphore(%run_scoped3A_130 : memref<!tpu.dma_semaphore, #tpu.memory_space<semaphore_mem>>) src(%arg10 : memref<125x128xf32, #tpu.memory_space<vmem>>) dst(%dma_wait3A_142 : memref<10000x128xf32, #tpu.memory_space<vmem_shared>>)
        tpu.yield
      }) : () -> ()
      %add3A_120 = arith.constant 2 : i32
      %add3A_121 = arith.addi %mul3A_89, %add3A_120 : i32
      %add3A_122 = arith.constant 1 : i32
      %add3A_123 = arith.addi %add3A_121, %add3A_122 : i32
      %dma_start3A_124 = arith.constant 0 : i32
      %dma_start3A_125 = tpu.memref_slice %arg7[%add3A_123, %dma_start3A_124] : memref<40x125xi32, #tpu.memory_space<vmem>> -> memref<1x125xi32, #tpu.memory_space<vmem>>
      %dma_start3A_126 = tpu.memref_squeeze %dma_start3A_125 : memref<1x125xi32, #tpu.memory_space<vmem>> -> memref<125xi32, #tpu.memory_space<vmem>>
      %dma_start3A_127 = arith.constant 0 : i32
      %dma_start3A_128 = arith.constant 0 : i32
      %dma_start3A_129 = tpu.memref_slice %arg2[%dma_start3A_127, %dma_start3A_128] : memref<10000x128xf32, #tpu.memory_space<hbm>> -> memref<10000x128xf32, #tpu.memory_space<hbm>>
      tpu.enqueue_indirect_dma source(%dma_start3A_129 : memref<10000x128xf32, #tpu.memory_space<hbm>>) target(%arg10 : memref<125x128xf32, #tpu.memory_space<vmem>>) offsets(%dma_start3A_126 : memref<125xi32, #tpu.memory_space<vmem>>) semaphore(%arg13 : memref<!tpu.dma_semaphore, #tpu.memory_space<semaphore_mem>>)
    }
    %scan3A_26 = arith.constant 19 : i32
    %dma_wait3A = arith.constant 38 : i32
    %dma_wait3A_27 = arith.constant 0 : i32
    %dma_wait3A_28 = tpu.memref_slice %arg7[%dma_wait3A, %dma_wait3A_27] : memref<40x125xi32, #tpu.memory_space<vmem>> -> memref<1x125xi32, #tpu.memory_space<vmem>>
    %dma_wait3A_29 = tpu.memref_squeeze %dma_wait3A_28 : memref<1x125xi32, #tpu.memory_space<vmem>> -> memref<125xi32, #tpu.memory_space<vmem>>
    %dma_wait3A_30 = arith.constant 0 : i32
    %dma_wait3A_31 = arith.constant 0 : i32
    %dma_wait3A_32 = tpu.memref_slice %arg2[%dma_wait3A_30, %dma_wait3A_31] : memref<10000x128xf32, #tpu.memory_space<hbm>> -> memref<10000x128xf32, #tpu.memory_space<hbm>>
    tpu.wait_indirect_dma semaphore(%arg12 : memref<!tpu.dma_semaphore, #tpu.memory_space<semaphore_mem>>) src(%dma_wait3A_32 : memref<10000x128xf32, #tpu.memory_space<hbm>>) dst(%arg9 : memref<125x128xf32, #tpu.memory_space<vmem>>)
    %run_scoped3A = arith.constant 38 : i32
    "tpu.region"() ({
      %run_scoped3A_87 = tpu.sem_alloc : memref<!tpu.dma_semaphore, #tpu.memory_space<semaphore_mem>>
      %dma_start3A_88 = arith.constant 0 : i32
      %dma_start3A_89 = tpu.memref_slice %arg8[%run_scoped3A, %dma_start3A_88] : memref<40x125xi32, #tpu.memory_space<vmem>> -> memref<1x125xi32, #tpu.memory_space<vmem>>
      %dma_start3A_90 = tpu.memref_squeeze %dma_start3A_89 : memref<1x125xi32, #tpu.memory_space<vmem>> -> memref<125xi32, #tpu.memory_space<vmem>>
      %dma_start3A_91 = arith.constant 0 : i32
      %dma_start3A_92 = arith.constant 0 : i32
      %dma_start3A_93 = tpu.memref_slice %arg11[%dma_start3A_91, %dma_start3A_92] : memref<10000x128xf32, #tpu.memory_space<vmem_shared>> -> memref<10000x128xf32, #tpu.memory_space<vmem_shared>>
      tpu.enqueue_indirect_dma source(%arg9 : memref<125x128xf32, #tpu.memory_space<vmem>>) target(%dma_start3A_93 : memref<10000x128xf32, #tpu.memory_space<vmem_shared>>) offsets(%dma_start3A_90 : memref<125xi32, #tpu.memory_space<vmem>>) semaphore(%run_scoped3A_87 : memref<!tpu.dma_semaphore, #tpu.memory_space<semaphore_mem>>) {add = true}
      %dma_wait3A_94 = arith.constant 0 : i32
      %dma_wait3A_95 = tpu.memref_slice %arg8[%run_scoped3A, %dma_wait3A_94] : memref<40x125xi32, #tpu.memory_space<vmem>> -> memref<1x125xi32, #tpu.memory_space<vmem>>
      %dma_wait3A_96 = tpu.memref_squeeze %dma_wait3A_95 : memref<1x125xi32, #tpu.memory_space<vmem>> -> memref<125xi32, #tpu.memory_space<vmem>>
      %dma_wait3A_97 = arith.constant 0 : i32
      %dma_wait3A_98 = arith.constant 0 : i32
      %dma_wait3A_99 = tpu.memref_slice %arg11[%dma_wait3A_97, %dma_wait3A_98] : memref<10000x128xf32, #tpu.memory_space<vmem_shared>> -> memref<10000x128xf32, #tpu.memory_space<vmem_shared>>
      tpu.wait_indirect_dma semaphore(%run_scoped3A_87 : memref<!tpu.dma_semaphore, #tpu.memory_space<semaphore_mem>>) src(%arg9 : memref<125x128xf32, #tpu.memory_space<vmem>>) dst(%dma_wait3A_99 : memref<10000x128xf32, #tpu.memory_space<vmem_shared>>)
      tpu.yield
    }) : () -> ()
    %dma_wait3A_33 = arith.constant 39 : i32
    %dma_wait3A_34 = arith.constant 0 : i32
    %dma_wait3A_35 = tpu.memref_slice %arg7[%dma_wait3A_33, %dma_wait3A_34] : memref<40x125xi32, #tpu.memory_space<vmem>> -> memref<1x125xi32, #tpu.memory_space<vmem>>
    %dma_wait3A_36 = tpu.memref_squeeze %dma_wait3A_35 : memref<1x125xi32, #tpu.memory_space<vmem>> -> memref<125xi32, #tpu.memory_space<vmem>>
    %dma_wait3A_37 = arith.constant 0 : i32
    %dma_wait3A_38 = arith.constant 0 : i32
    %dma_wait3A_39 = tpu.memref_slice %arg2[%dma_wait3A_37, %dma_wait3A_38] : memref<10000x128xf32, #tpu.memory_space<hbm>> -> memref<10000x128xf32, #tpu.memory_space<hbm>>
    tpu.wait_indirect_dma semaphore(%arg13 : memref<!tpu.dma_semaphore, #tpu.memory_space<semaphore_mem>>) src(%dma_wait3A_39 : memref<10000x128xf32, #tpu.memory_space<hbm>>) dst(%arg10 : memref<125x128xf32, #tpu.memory_space<vmem>>)
    %run_scoped3A_40 = arith.constant 39 : i32
    "tpu.region"() ({
      %run_scoped3A_87 = tpu.sem_alloc : memref<!tpu.dma_semaphore, #tpu.memory_space<semaphore_mem>>
      %dma_start3A_88 = arith.constant 0 : i32
      %dma_start3A_89 = tpu.memref_slice %arg8[%run_scoped3A_40, %dma_start3A_88] : memref<40x125xi32, #tpu.memory_space<vmem>> -> memref<1x125xi32, #tpu.memory_space<vmem>>
      %dma_start3A_90 = tpu.memref_squeeze %dma_start3A_89 : memref<1x125xi32, #tpu.memory_space<vmem>> -> memref<125xi32, #tpu.memory_space<vmem>>
      %dma_start3A_91 = arith.constant 0 : i32
      %dma_start3A_92 = arith.constant 0 : i32
      %dma_start3A_93 = tpu.memref_slice %arg11[%dma_start3A_91, %dma_start3A_92] : memref<10000x128xf32, #tpu.memory_space<vmem_shared>> -> memref<10000x128xf32, #tpu.memory_space<vmem_shared>>
      tpu.enqueue_indirect_dma source(%arg10 : memref<125x128xf32, #tpu.memory_space<vmem>>) target(%dma_start3A_93 : memref<10000x128xf32, #tpu.memory_space<vmem_shared>>) offsets(%dma_start3A_90 : memref<125xi32, #tpu.memory_space<vmem>>) semaphore(%run_scoped3A_87 : memref<!tpu.dma_semaphore, #tpu.memory_space<semaphore_mem>>) {add = true}
      %dma_wait3A_94 = arith.constant 0 : i32
      %dma_wait3A_95 = tpu.memref_slice %arg8[%run_scoped3A_40, %dma_wait3A_94] : memref<40x125xi32, #tpu.memory_space<vmem>> -> memref<1x125xi32, #tpu.memory_space<vmem>>
      %dma_wait3A_96 = tpu.memref_squeeze %dma_wait3A_95 : memref<1x125xi32, #tpu.memory_space<vmem>> -> memref<125xi32, #tpu.memory_space<vmem>>
      %dma_wait3A_97 = arith.constant 0 : i32
      %dma_wait3A_98 = arith.constant 0 : i32
      %dma_wait3A_99 = tpu.memref_slice %arg11[%dma_wait3A_97, %dma_wait3A_98] : memref<10000x128xf32, #tpu.memory_space<vmem_shared>> -> memref<10000x128xf32, #tpu.memory_space<vmem_shared>>
      tpu.wait_indirect_dma semaphore(%run_scoped3A_87 : memref<!tpu.dma_semaphore, #tpu.memory_space<semaphore_mem>>) src(%arg10 : memref<125x128xf32, #tpu.memory_space<vmem>>) dst(%dma_wait3A_99 : memref<10000x128xf32, #tpu.memory_space<vmem_shared>>)
      tpu.yield
    }) : () -> ()
    %mul3A_41 = arith.constant 80 : i32
    %mul3A_42 = arith.muli %add3A, %mul3A_41 : i32
    %add3A_43 = arith.constant 40 : i32
    %add3A_44 = arith.addi %mul3A_42, %add3A_43 : i32
    "tpu.region"() ({
      %run_scoped3A_87 = tpu.sem_alloc : memref<!tpu.dma_semaphore, #tpu.memory_space<semaphore_mem>>
      %dma_start3A_88 = arith.constant 0 : i32
      %dma_start3A_89 = tpu.memref_slice %arg3[%add3A_44, %dma_start3A_88] : memref<2560x125xi32, #tpu.memory_space<hbm>> -> memref<40x125xi32, #tpu.memory_space<hbm>>
      %dma_start3A_90 = arith.constant 0 : i32
      %dma_start3A_91 = tpu.memref_slice %arg3[%add3A_44, %dma_start3A_90] : memref<2560x125xi32, #tpu.memory_space<hbm>> -> memref<40x125xi32, #tpu.memory_space<hbm>>
      tpu.enqueue_dma source(%dma_start3A_91 : memref<40x125xi32, #tpu.memory_space<hbm>>) target(%arg7 : memref<40x125xi32, #tpu.memory_space<vmem>>) target_semaphore(%run_scoped3A_87 : memref<!tpu.dma_semaphore, #tpu.memory_space<semaphore_mem>>)
      %dma_wait3A_92 = arith.constant 0 : i32
      %dma_wait3A_93 = tpu.memref_slice %arg3[%add3A_44, %dma_wait3A_92] : memref<2560x125xi32, #tpu.memory_space<hbm>> -> memref<40x125xi32, #tpu.memory_space<hbm>>
      %dma_wait3A_94 = arith.constant 0 : i32
      %dma_wait3A_95 = tpu.memref_slice %arg3[%add3A_44, %dma_wait3A_94] : memref<2560x125xi32, #tpu.memory_space<hbm>> -> memref<40x125xi32, #tpu.memory_space<hbm>>
      tpu.wait_dma2 semaphore(%run_scoped3A_87 : memref<!tpu.dma_semaphore, #tpu.memory_space<semaphore_mem>>) src(%dma_wait3A_95 : memref<40x125xi32, #tpu.memory_space<hbm>>) dst(%arg7 : memref<40x125xi32, #tpu.memory_space<vmem>>)
      tpu.yield
    }) : () -> ()
    "tpu.region"() ({
      %run_scoped3A_87 = tpu.sem_alloc : memref<!tpu.dma_semaphore, #tpu.memory_space<semaphore_mem>>
      %dma_start3A_88 = arith.constant 0 : i32
      %dma_start3A_89 = tpu.memref_slice %arg4[%add3A_44, %dma_start3A_88] : memref<2560x125xi32, #tpu.memory_space<hbm>> -> memref<40x125xi32, #tpu.memory_space<hbm>>
      %dma_start3A_90 = arith.constant 0 : i32
      %dma_start3A_91 = tpu.memref_slice %arg4[%add3A_44, %dma_start3A_90] : memref<2560x125xi32, #tpu.memory_space<hbm>> -> memref<40x125xi32, #tpu.memory_space<hbm>>
      tpu.enqueue_dma source(%dma_start3A_91 : memref<40x125xi32, #tpu.memory_space<hbm>>) target(%arg8 : memref<40x125xi32, #tpu.memory_space<vmem>>) target_semaphore(%run_scoped3A_87 : memref<!tpu.dma_semaphore, #tpu.memory_space<semaphore_mem>>)
      %dma_wait3A_92 = arith.constant 0 : i32
      %dma_wait3A_93 = tpu.memref_slice %arg4[%add3A_44, %dma_wait3A_92] : memref<2560x125xi32, #tpu.memory_space<hbm>> -> memref<40x125xi32, #tpu.memory_space<hbm>>
      %dma_wait3A_94 = arith.constant 0 : i32
      %dma_wait3A_95 = tpu.memref_slice %arg4[%add3A_44, %dma_wait3A_94] : memref<2560x125xi32, #tpu.memory_space<hbm>> -> memref<40x125xi32, #tpu.memory_space<hbm>>
      tpu.wait_dma2 semaphore(%run_scoped3A_87 : memref<!tpu.dma_semaphore, #tpu.memory_space<semaphore_mem>>) src(%dma_wait3A_95 : memref<40x125xi32, #tpu.memory_space<hbm>>) dst(%arg8 : memref<40x125xi32, #tpu.memory_space<vmem>>)
      tpu.yield
    }) : () -> ()
    %dma_start3A_45 = arith.constant 0 : i32
    %dma_start3A_46 = arith.constant 0 : i32
    %dma_start3A_47 = tpu.memref_slice %arg7[%dma_start3A_45, %dma_start3A_46] : memref<40x125xi32, #tpu.memory_space<vmem>> -> memref<1x125xi32, #tpu.memory_space<vmem>>
    %dma_start3A_48 = tpu.memref_squeeze %dma_start3A_47 : memref<1x125xi32, #tpu.memory_space<vmem>> -> memref<125xi32, #tpu.memory_space<vmem>>
    %dma_start3A_49 = arith.constant 0 : i32
    %dma_start3A_50 = arith.constant 0 : i32
    %dma_start3A_51 = tpu.memref_slice %arg2[%dma_start3A_49, %dma_start3A_50] : memref<10000x128xf32, #tpu.memory_space<hbm>> -> memref<10000x128xf32, #tpu.memory_space<hbm>>
    tpu.enqueue_indirect_dma source(%dma_start3A_51 : memref<10000x128xf32, #tpu.memory_space<hbm>>) target(%arg9 : memref<125x128xf32, #tpu.memory_space<vmem>>) offsets(%dma_start3A_48 : memref<125xi32, #tpu.memory_space<vmem>>) semaphore(%arg12 : memref<!tpu.dma_semaphore, #tpu.memory_space<semaphore_mem>>)
    %dma_start3A_52 = arith.constant 1 : i32
    %dma_start3A_53 = arith.constant 0 : i32
    %dma_start3A_54 = tpu.memref_slice %arg7[%dma_start3A_52, %dma_start3A_53] : memref<40x125xi32, #tpu.memory_space<vmem>> -> memref<1x125xi32, #tpu.memory_space<vmem>>
    %dma_start3A_55 = tpu.memref_squeeze %dma_start3A_54 : memref<1x125xi32, #tpu.memory_space<vmem>> -> memref<125xi32, #tpu.memory_space<vmem>>
    %dma_start3A_56 = arith.constant 0 : i32
    %dma_start3A_57 = arith.constant 0 : i32
    %dma_start3A_58 = tpu.memref_slice %arg2[%dma_start3A_56, %dma_start3A_57] : memref<10000x128xf32, #tpu.memory_space<hbm>> -> memref<10000x128xf32, #tpu.memory_space<hbm>>
    tpu.enqueue_indirect_dma source(%dma_start3A_58 : memref<10000x128xf32, #tpu.memory_space<hbm>>) target(%arg10 : memref<125x128xf32, #tpu.memory_space<vmem>>) offsets(%dma_start3A_55 : memref<125xi32, #tpu.memory_space<vmem>>) semaphore(%arg13 : memref<!tpu.dma_semaphore, #tpu.memory_space<semaphore_mem>>)
    %scan3A_59 = arith.constant 0 : i32
    %scan3A_60 = arith.constant 0 : i32
    %scan3A_61 = arith.constant 19 : i32
    %scan3A_62 = arith.addi %scan3A_60, %scan3A_61 : i32
    %scan3A_63 = arith.constant 1 : i32
    scf.for %scan3A_87 = %scan3A_60 to %scan3A_62 step %scan3A_63  : i32 {
      %mul3A_88 = arith.constant 2 : i32
      %mul3A_89 = arith.muli %scan3A_87, %mul3A_88 : i32
      %add3A_90 = arith.constant 0 : i32
      %add3A_91 = arith.addi %mul3A_89, %add3A_90 : i32
      %dma_wait3A_92 = arith.constant 0 : i32
      %dma_wait3A_93 = tpu.memref_slice %arg7[%add3A_91, %dma_wait3A_92] : memref<40x125xi32, #tpu.memory_space<vmem>> -> memref<1x125xi32, #tpu.memory_space<vmem>>
      %dma_wait3A_94 = tpu.memref_squeeze %dma_wait3A_93 : memref<1x125xi32, #tpu.memory_space<vmem>> -> memref<125xi32, #tpu.memory_space<vmem>>
      %dma_wait3A_95 = arith.constant 0 : i32
      %dma_wait3A_96 = arith.constant 0 : i32
      %dma_wait3A_97 = tpu.memref_slice %arg2[%dma_wait3A_95, %dma_wait3A_96] : memref<10000x128xf32, #tpu.memory_space<hbm>> -> memref<10000x128xf32, #tpu.memory_space<hbm>>
      tpu.wait_indirect_dma semaphore(%arg12 : memref<!tpu.dma_semaphore, #tpu.memory_space<semaphore_mem>>) src(%dma_wait3A_97 : memref<10000x128xf32, #tpu.memory_space<hbm>>) dst(%arg9 : memref<125x128xf32, #tpu.memory_space<vmem>>)
      %add3A_98 = arith.constant 0 : i32
      %add3A_99 = arith.addi %mul3A_89, %add3A_98 : i32
      "tpu.region"() ({
        %run_scoped3A_130 = tpu.sem_alloc : memref<!tpu.dma_semaphore, #tpu.memory_space<semaphore_mem>>
        %dma_start3A_131 = arith.constant 0 : i32
        %dma_start3A_132 = tpu.memref_slice %arg8[%add3A_99, %dma_start3A_131] : memref<40x125xi32, #tpu.memory_space<vmem>> -> memref<1x125xi32, #tpu.memory_space<vmem>>
        %dma_start3A_133 = tpu.memref_squeeze %dma_start3A_132 : memref<1x125xi32, #tpu.memory_space<vmem>> -> memref<125xi32, #tpu.memory_space<vmem>>
        %dma_start3A_134 = arith.constant 0 : i32
        %dma_start3A_135 = arith.constant 0 : i32
        %dma_start3A_136 = tpu.memref_slice %arg11[%dma_start3A_134, %dma_start3A_135] : memref<10000x128xf32, #tpu.memory_space<vmem_shared>> -> memref<10000x128xf32, #tpu.memory_space<vmem_shared>>
        tpu.enqueue_indirect_dma source(%arg9 : memref<125x128xf32, #tpu.memory_space<vmem>>) target(%dma_start3A_136 : memref<10000x128xf32, #tpu.memory_space<vmem_shared>>) offsets(%dma_start3A_133 : memref<125xi32, #tpu.memory_space<vmem>>) semaphore(%run_scoped3A_130 : memref<!tpu.dma_semaphore, #tpu.memory_space<semaphore_mem>>) {add = true}
        %dma_wait3A_137 = arith.constant 0 : i32
        %dma_wait3A_138 = tpu.memref_slice %arg8[%add3A_99, %dma_wait3A_137] : memref<40x125xi32, #tpu.memory_space<vmem>> -> memref<1x125xi32, #tpu.memory_space<vmem>>
        %dma_wait3A_139 = tpu.memref_squeeze %dma_wait3A_138 : memref<1x125xi32, #tpu.memory_space<vmem>> -> memref<125xi32, #tpu.memory_space<vmem>>
        %dma_wait3A_140 = arith.constant 0 : i32
        %dma_wait3A_141 = arith.constant 0 : i32
        %dma_wait3A_142 = tpu.memref_slice %arg11[%dma_wait3A_140, %dma_wait3A_141] : memref<10000x128xf32, #tpu.memory_space<vmem_shared>> -> memref<10000x128xf32, #tpu.memory_space<vmem_shared>>
        tpu.wait_indirect_dma semaphore(%run_scoped3A_130 : memref<!tpu.dma_semaphore, #tpu.memory_space<semaphore_mem>>) src(%arg9 : memref<125x128xf32, #tpu.memory_space<vmem>>) dst(%dma_wait3A_142 : memref<10000x128xf32, #tpu.memory_space<vmem_shared>>)
        tpu.yield
      }) : () -> ()
      %add3A_100 = arith.constant 2 : i32
      %add3A_101 = arith.addi %mul3A_89, %add3A_100 : i32
      %add3A_102 = arith.constant 0 : i32
      %add3A_103 = arith.addi %add3A_101, %add3A_102 : i32
      %dma_start3A_104 = arith.constant 0 : i32
      %dma_start3A_105 = tpu.memref_slice %arg7[%add3A_103, %dma_start3A_104] : memref<40x125xi32, #tpu.memory_space<vmem>> -> memref<1x125xi32, #tpu.memory_space<vmem>>
      %dma_start3A_106 = tpu.memref_squeeze %dma_start3A_105 : memref<1x125xi32, #tpu.memory_space<vmem>> -> memref<125xi32, #tpu.memory_space<vmem>>
      %dma_start3A_107 = arith.constant 0 : i32
      %dma_start3A_108 = arith.constant 0 : i32
      %dma_start3A_109 = tpu.memref_slice %arg2[%dma_start3A_107, %dma_start3A_108] : memref<10000x128xf32, #tpu.memory_space<hbm>> -> memref<10000x128xf32, #tpu.memory_space<hbm>>
      tpu.enqueue_indirect_dma source(%dma_start3A_109 : memref<10000x128xf32, #tpu.memory_space<hbm>>) target(%arg9 : memref<125x128xf32, #tpu.memory_space<vmem>>) offsets(%dma_start3A_106 : memref<125xi32, #tpu.memory_space<vmem>>) semaphore(%arg12 : memref<!tpu.dma_semaphore, #tpu.memory_space<semaphore_mem>>)
      %add3A_110 = arith.constant 1 : i32
      %add3A_111 = arith.addi %mul3A_89, %add3A_110 : i32
      %dma_wait3A_112 = arith.constant 0 : i32
      %dma_wait3A_113 = tpu.memref_slice %arg7[%add3A_111, %dma_wait3A_112] : memref<40x125xi32, #tpu.memory_space<vmem>> -> memref<1x125xi32, #tpu.memory_space<vmem>>
      %dma_wait3A_114 = tpu.memref_squeeze %dma_wait3A_113 : memref<1x125xi32, #tpu.memory_space<vmem>> -> memref<125xi32, #tpu.memory_space<vmem>>
      %dma_wait3A_115 = arith.constant 0 : i32
      %dma_wait3A_116 = arith.constant 0 : i32
      %dma_wait3A_117 = tpu.memref_slice %arg2[%dma_wait3A_115, %dma_wait3A_116] : memref<10000x128xf32, #tpu.memory_space<hbm>> -> memref<10000x128xf32, #tpu.memory_space<hbm>>
      tpu.wait_indirect_dma semaphore(%arg13 : memref<!tpu.dma_semaphore, #tpu.memory_space<semaphore_mem>>) src(%dma_wait3A_117 : memref<10000x128xf32, #tpu.memory_space<hbm>>) dst(%arg10 : memref<125x128xf32, #tpu.memory_space<vmem>>)
      %add3A_118 = arith.constant 1 : i32
      %add3A_119 = arith.addi %mul3A_89, %add3A_118 : i32
      "tpu.region"() ({
        %run_scoped3A_130 = tpu.sem_alloc : memref<!tpu.dma_semaphore, #tpu.memory_space<semaphore_mem>>
        %dma_start3A_131 = arith.constant 0 : i32
        %dma_start3A_132 = tpu.memref_slice %arg8[%add3A_119, %dma_start3A_131] : memref<40x125xi32, #tpu.memory_space<vmem>> -> memref<1x125xi32, #tpu.memory_space<vmem>>
        %dma_start3A_133 = tpu.memref_squeeze %dma_start3A_132 : memref<1x125xi32, #tpu.memory_space<vmem>> -> memref<125xi32, #tpu.memory_space<vmem>>
        %dma_start3A_134 = arith.constant 0 : i32
        %dma_start3A_135 = arith.constant 0 : i32
        %dma_start3A_136 = tpu.memref_slice %arg11[%dma_start3A_134, %dma_start3A_135] : memref<10000x128xf32, #tpu.memory_space<vmem_shared>> -> memref<10000x128xf32, #tpu.memory_space<vmem_shared>>
        tpu.enqueue_indirect_dma source(%arg10 : memref<125x128xf32, #tpu.memory_space<vmem>>) target(%dma_start3A_136 : memref<10000x128xf32, #tpu.memory_space<vmem_shared>>) offsets(%dma_start3A_133 : memref<125xi32, #tpu.memory_space<vmem>>) semaphore(%run_scoped3A_130 : memref<!tpu.dma_semaphore, #tpu.memory_space<semaphore_mem>>) {add = true}
        %dma_wait3A_137 = arith.constant 0 : i32
        %dma_wait3A_138 = tpu.memref_slice %arg8[%add3A_119, %dma_wait3A_137] : memref<40x125xi32, #tpu.memory_space<vmem>> -> memref<1x125xi32, #tpu.memory_space<vmem>>
        %dma_wait3A_139 = tpu.memref_squeeze %dma_wait3A_138 : memref<1x125xi32, #tpu.memory_space<vmem>> -> memref<125xi32, #tpu.memory_space<vmem>>
        %dma_wait3A_140 = arith.constant 0 : i32
        %dma_wait3A_141 = arith.constant 0 : i32
        %dma_wait3A_142 = tpu.memref_slice %arg11[%dma_wait3A_140, %dma_wait3A_141] : memref<10000x128xf32, #tpu.memory_space<vmem_shared>> -> memref<10000x128xf32, #tpu.memory_space<vmem_shared>>
        tpu.wait_indirect_dma semaphore(%run_scoped3A_130 : memref<!tpu.dma_semaphore, #tpu.memory_space<semaphore_mem>>) src(%arg10 : memref<125x128xf32, #tpu.memory_space<vmem>>) dst(%dma_wait3A_142 : memref<10000x128xf32, #tpu.memory_space<vmem_shared>>)
        tpu.yield
      }) : () -> ()
      %add3A_120 = arith.constant 2 : i32
      %add3A_121 = arith.addi %mul3A_89, %add3A_120 : i32
      %add3A_122 = arith.constant 1 : i32
      %add3A_123 = arith.addi %add3A_121, %add3A_122 : i32
      %dma_start3A_124 = arith.constant 0 : i32
      %dma_start3A_125 = tpu.memref_slice %arg7[%add3A_123, %dma_start3A_124] : memref<40x125xi32, #tpu.memory_space<vmem>> -> memref<1x125xi32, #tpu.memory_space<vmem>>
      %dma_start3A_126 = tpu.memref_squeeze %dma_start3A_125 : memref<1x125xi32, #tpu.memory_space<vmem>> -> memref<125xi32, #tpu.memory_space<vmem>>
      %dma_start3A_127 = arith.constant 0 : i32
      %dma_start3A_128 = arith.constant 0 : i32
      %dma_start3A_129 = tpu.memref_slice %arg2[%dma_start3A_127, %dma_start3A_128] : memref<10000x128xf32, #tpu.memory_space<hbm>> -> memref<10000x128xf32, #tpu.memory_space<hbm>>
      tpu.enqueue_indirect_dma source(%dma_start3A_129 : memref<10000x128xf32, #tpu.memory_space<hbm>>) target(%arg10 : memref<125x128xf32, #tpu.memory_space<vmem>>) offsets(%dma_start3A_126 : memref<125xi32, #tpu.memory_space<vmem>>) semaphore(%arg13 : memref<!tpu.dma_semaphore, #tpu.memory_space<semaphore_mem>>)
    }
    %scan3A_64 = arith.constant 19 : i32
    %dma_wait3A_65 = arith.constant 38 : i32
    %dma_wait3A_66 = arith.constant 0 : i32
    %dma_wait3A_67 = tpu.memref_slice %arg7[%dma_wait3A_65, %dma_wait3A_66] : memref<40x125xi32, #tpu.memory_space<vmem>> -> memref<1x125xi32, #tpu.memory_space<vmem>>
    %dma_wait3A_68 = tpu.memref_squeeze %dma_wait3A_67 : memref<1x125xi32, #tpu.memory_space<vmem>> -> memref<125xi32, #tpu.memory_space<vmem>>
    %dma_wait3A_69 = arith.constant 0 : i32
    %dma_wait3A_70 = arith.constant 0 : i32
    %dma_wait3A_71 = tpu.memref_slice %arg2[%dma_wait3A_69, %dma_wait3A_70] : memref<10000x128xf32, #tpu.memory_space<hbm>> -> memref<10000x128xf32, #tpu.memory_space<hbm>>
    tpu.wait_indirect_dma semaphore(%arg12 : memref<!tpu.dma_semaphore, #tpu.memory_space<semaphore_mem>>) src(%dma_wait3A_71 : memref<10000x128xf32, #tpu.memory_space<hbm>>) dst(%arg9 : memref<125x128xf32, #tpu.memory_space<vmem>>)
    %run_scoped3A_72 = arith.constant 38 : i32
    "tpu.region"() ({
      %run_scoped3A_87 = tpu.sem_alloc : memref<!tpu.dma_semaphore, #tpu.memory_space<semaphore_mem>>
      %dma_start3A_88 = arith.constant 0 : i32
      %dma_start3A_89 = tpu.memref_slice %arg8[%run_scoped3A_72, %dma_start3A_88] : memref<40x125xi32, #tpu.memory_space<vmem>> -> memref<1x125xi32, #tpu.memory_space<vmem>>
      %dma_start3A_90 = tpu.memref_squeeze %dma_start3A_89 : memref<1x125xi32, #tpu.memory_space<vmem>> -> memref<125xi32, #tpu.memory_space<vmem>>
      %dma_start3A_91 = arith.constant 0 : i32
      %dma_start3A_92 = arith.constant 0 : i32
      %dma_start3A_93 = tpu.memref_slice %arg11[%dma_start3A_91, %dma_start3A_92] : memref<10000x128xf32, #tpu.memory_space<vmem_shared>> -> memref<10000x128xf32, #tpu.memory_space<vmem_shared>>
      tpu.enqueue_indirect_dma source(%arg9 : memref<125x128xf32, #tpu.memory_space<vmem>>) target(%dma_start3A_93 : memref<10000x128xf32, #tpu.memory_space<vmem_shared>>) offsets(%dma_start3A_90 : memref<125xi32, #tpu.memory_space<vmem>>) semaphore(%run_scoped3A_87 : memref<!tpu.dma_semaphore, #tpu.memory_space<semaphore_mem>>) {add = true}
      %dma_wait3A_94 = arith.constant 0 : i32
      %dma_wait3A_95 = tpu.memref_slice %arg8[%run_scoped3A_72, %dma_wait3A_94] : memref<40x125xi32, #tpu.memory_space<vmem>> -> memref<1x125xi32, #tpu.memory_space<vmem>>
      %dma_wait3A_96 = tpu.memref_squeeze %dma_wait3A_95 : memref<1x125xi32, #tpu.memory_space<vmem>> -> memref<125xi32, #tpu.memory_space<vmem>>
      %dma_wait3A_97 = arith.constant 0 : i32
      %dma_wait3A_98 = arith.constant 0 : i32
      %dma_wait3A_99 = tpu.memref_slice %arg11[%dma_wait3A_97, %dma_wait3A_98] : memref<10000x128xf32, #tpu.memory_space<vmem_shared>> -> memref<10000x128xf32, #tpu.memory_space<vmem_shared>>
      tpu.wait_indirect_dma semaphore(%run_scoped3A_87 : memref<!tpu.dma_semaphore, #tpu.memory_space<semaphore_mem>>) src(%arg9 : memref<125x128xf32, #tpu.memory_space<vmem>>) dst(%dma_wait3A_99 : memref<10000x128xf32, #tpu.memory_space<vmem_shared>>)
      tpu.yield
    }) : () -> ()
    %dma_wait3A_73 = arith.constant 39 : i32
    %dma_wait3A_74 = arith.constant 0 : i32
    %dma_wait3A_75 = tpu.memref_slice %arg7[%dma_wait3A_73, %dma_wait3A_74] : memref<40x125xi32, #tpu.memory_space<vmem>> -> memref<1x125xi32, #tpu.memory_space<vmem>>
    %dma_wait3A_76 = tpu.memref_squeeze %dma_wait3A_75 : memref<1x125xi32, #tpu.memory_space<vmem>> -> memref<125xi32, #tpu.memory_space<vmem>>
    %dma_wait3A_77 = arith.constant 0 : i32
    %dma_wait3A_78 = arith.constant 0 : i32
    %dma_wait3A_79 = tpu.memref_slice %arg2[%dma_wait3A_77, %dma_wait3A_78] : memref<10000x128xf32, #tpu.memory_space<hbm>> -> memref<10000x128xf32, #tpu.memory_space<hbm>>
    tpu.wait_indirect_dma semaphore(%arg13 : memref<!tpu.dma_semaphore, #tpu.memory_space<semaphore_mem>>) src(%dma_wait3A_79 : memref<10000x128xf32, #tpu.memory_space<hbm>>) dst(%arg10 : memref<125x128xf32, #tpu.memory_space<vmem>>)
    %run_scoped3A_80 = arith.constant 39 : i32
    "tpu.region"() ({
      %run_scoped3A_87 = tpu.sem_alloc : memref<!tpu.dma_semaphore, #tpu.memory_space<semaphore_mem>>
      %dma_start3A_88 = arith.constant 0 : i32
      %dma_start3A_89 = tpu.memref_slice %arg8[%run_scoped3A_80, %dma_start3A_88] : memref<40x125xi32, #tpu.memory_space<vmem>> -> memref<1x125xi32, #tpu.memory_space<vmem>>
      %dma_start3A_90 = tpu.memref_squeeze %dma_start3A_89 : memref<1x125xi32, #tpu.memory_space<vmem>> -> memref<125xi32, #tpu.memory_space<vmem>>
      %dma_start3A_91 = arith.constant 0 : i32
      %dma_start3A_92 = arith.constant 0 : i32
      %dma_start3A_93 = tpu.memref_slice %arg11[%dma_start3A_91, %dma_start3A_92] : memref<10000x128xf32, #tpu.memory_space<vmem_shared>> -> memref<10000x128xf32, #tpu.memory_space<vmem_shared>>
      tpu.enqueue_indirect_dma source(%arg10 : memref<125x128xf32, #tpu.memory_space<vmem>>) target(%dma_start3A_93 : memref<10000x128xf32, #tpu.memory_space<vmem_shared>>) offsets(%dma_start3A_90 : memref<125xi32, #tpu.memory_space<vmem>>) semaphore(%run_scoped3A_87 : memref<!tpu.dma_semaphore, #tpu.memory_space<semaphore_mem>>) {add = true}
      %dma_wait3A_94 = arith.constant 0 : i32
      %dma_wait3A_95 = tpu.memref_slice %arg8[%run_scoped3A_80, %dma_wait3A_94] : memref<40x125xi32, #tpu.memory_space<vmem>> -> memref<1x125xi32, #tpu.memory_space<vmem>>
      %dma_wait3A_96 = tpu.memref_squeeze %dma_wait3A_95 : memref<1x125xi32, #tpu.memory_space<vmem>> -> memref<125xi32, #tpu.memory_space<vmem>>
      %dma_wait3A_97 = arith.constant 0 : i32
      %dma_wait3A_98 = arith.constant 0 : i32
      %dma_wait3A_99 = tpu.memref_slice %arg11[%dma_wait3A_97, %dma_wait3A_98] : memref<10000x128xf32, #tpu.memory_space<vmem_shared>> -> memref<10000x128xf32, #tpu.memory_space<vmem_shared>>
      tpu.wait_indirect_dma semaphore(%run_scoped3A_87 : memref<!tpu.dma_semaphore, #tpu.memory_space<semaphore_mem>>) src(%arg10 : memref<125x128xf32, #tpu.memory_space<vmem>>) dst(%dma_wait3A_99 : memref<10000x128xf32, #tpu.memory_space<vmem_shared>>)
      tpu.yield
    }) : () -> ()
    %barrier3A_81 = arith.constant 0 : index
    tpu.barrier barrier_id(%barrier3A_81)
    "tpu.region"() ({
      %run_scoped3A_87 = tpu.sem_alloc : memref<!tpu.dma_semaphore, #tpu.memory_space<semaphore_mem>>
      %dma_start3A_88 = arith.constant 0 : i32
      %dma_start3A_89 = arith.constant 0 : i32
      %dma_start3A_90 = tpu.memref_slice %arg6[%arg0, %dma_start3A_88, %dma_start3A_89] : memref<2x10000x128xf32, #tpu.memory_space<hbm>> -> memref<1x10000x128xf32, #tpu.memory_space<hbm>>
      %dma_start3A_91 = tpu.memref_squeeze %dma_start3A_90 : memref<1x10000x128xf32, #tpu.memory_space<hbm>> -> memref<10000x128xf32, #tpu.memory_space<hbm>>
      %dma_start3A_92 = arith.constant 0 : i32
      %dma_start3A_93 = tpu.memref_slice %dma_start3A_91[%mul3A_2, %dma_start3A_92] : memref<10000x128xf32, #tpu.memory_space<hbm>> -> memref<624x128xf32, #tpu.memory_space<hbm>>
      %dma_start3A_94 = arith.constant 0 : i32
      %dma_start3A_95 = tpu.memref_slice %arg11[%mul3A_2, %dma_start3A_94] : memref<10000x128xf32, #tpu.memory_space<vmem_shared>> -> memref<624x128xf32, #tpu.memory_space<vmem_shared>>
      tpu.enqueue_dma source(%dma_start3A_95 : memref<624x128xf32, #tpu.memory_space<vmem_shared>>) target(%dma_start3A_93 : memref<624x128xf32, #tpu.memory_space<hbm>>) target_semaphore(%run_scoped3A_87 : memref<!tpu.dma_semaphore, #tpu.memory_space<semaphore_mem>>)
      %dma_wait3A_96 = arith.constant 0 : i32
      %dma_wait3A_97 = arith.constant 0 : i32
      %dma_wait3A_98 = tpu.memref_slice %arg6[%arg0, %dma_wait3A_96, %dma_wait3A_97] : memref<2x10000x128xf32, #tpu.memory_space<hbm>> -> memref<1x10000x128xf32, #tpu.memory_space<hbm>>
      %dma_wait3A_99 = tpu.memref_squeeze %dma_wait3A_98 : memref<1x10000x128xf32, #tpu.memory_space<hbm>> -> memref<10000x128xf32, #tpu.memory_space<hbm>>
      %dma_wait3A_100 = arith.constant 0 : i32
      %dma_wait3A_101 = tpu.memref_slice %dma_wait3A_99[%mul3A_2, %dma_wait3A_100] : memref<10000x128xf32, #tpu.memory_space<hbm>> -> memref<624x128xf32, #tpu.memory_space<hbm>>
      %dma_wait3A_102 = arith.constant 0 : i32
      %dma_wait3A_103 = tpu.memref_slice %arg11[%mul3A_2, %dma_wait3A_102] : memref<10000x128xf32, #tpu.memory_space<vmem_shared>> -> memref<624x128xf32, #tpu.memory_space<vmem_shared>>
      tpu.wait_dma2 semaphore(%run_scoped3A_87 : memref<!tpu.dma_semaphore, #tpu.memory_space<semaphore_mem>>) src(%dma_wait3A_103 : memref<624x128xf32, #tpu.memory_space<vmem_shared>>) dst(%dma_wait3A_101 : memref<624x128xf32, #tpu.memory_space<hbm>>)
      tpu.yield
    }) : () -> ()
    %eq3A_82 = arith.constant 15 : i32
    %eq3A_83 = arith.cmpi eq, %arg1, %eq3A_82 : i32
    %convert_element_type3A_84 = arith.extui %eq3A_83 : i1 to i32
    %cond3A_85 = arith.constant 0 : i32
    %cond3A_86 = arith.cmpi ne, %convert_element_type3A_84, %cond3A_85 : i32
    scf.if %cond3A_86 {
      "tpu.region"() ({
        %run_scoped3A_87 = tpu.sem_alloc : memref<!tpu.dma_semaphore, #tpu.memory_space<semaphore_mem>>
        %dma_start3A_88 = arith.constant 0 : i32
        %dma_start3A_89 = arith.constant 0 : i32
        %dma_start3A_90 = tpu.memref_slice %arg6[%arg0, %dma_start3A_88, %dma_start3A_89] : memref<2x10000x128xf32, #tpu.memory_space<hbm>> -> memref<1x10000x128xf32, #tpu.memory_space<hbm>>
        %dma_start3A_91 = tpu.memref_squeeze %dma_start3A_90 : memref<1x10000x128xf32, #tpu.memory_space<hbm>> -> memref<10000x128xf32, #tpu.memory_space<hbm>>
        %dma_start3A_92 = arith.constant 9984 : i32
        %dma_start3A_93 = arith.constant 0 : i32
        %dma_start3A_94 = tpu.memref_slice %dma_start3A_91[%dma_start3A_92, %dma_start3A_93] : memref<10000x128xf32, #tpu.memory_space<hbm>> -> memref<16x128xf32, #tpu.memory_space<hbm>>
        %dma_start3A_95 = arith.constant 9984 : i32
        %dma_start3A_96 = arith.constant 0 : i32
        %dma_start3A_97 = tpu.memref_slice %arg11[%dma_start3A_95, %dma_start3A_96] : memref<10000x128xf32, #tpu.memory_space<vmem_shared>> -> memref<16x128xf32, #tpu.memory_space<vmem_shared>>
        tpu.enqueue_dma source(%dma_start3A_97 : memref<16x128xf32, #tpu.memory_space<vmem_shared>>) target(%dma_start3A_94 : memref<16x128xf32, #tpu.memory_space<hbm>>) target_semaphore(%run_scoped3A_87 : memref<!tpu.dma_semaphore, #tpu.memory_space<semaphore_mem>>)
        %dma_wait3A_98 = arith.constant 0 : i32
        %dma_wait3A_99 = arith.constant 0 : i32
        %dma_wait3A_100 = tpu.memref_slice %arg6[%arg0, %dma_wait3A_98, %dma_wait3A_99] : memref<2x10000x128xf32, #tpu.memory_space<hbm>> -> memref<1x10000x128xf32, #tpu.memory_space<hbm>>
        %dma_wait3A_101 = tpu.memref_squeeze %dma_wait3A_100 : memref<1x10000x128xf32, #tpu.memory_space<hbm>> -> memref<10000x128xf32, #tpu.memory_space<hbm>>
        %dma_wait3A_102 = arith.constant 9984 : i32
        %dma_wait3A_103 = arith.constant 0 : i32
        %dma_wait3A_104 = tpu.memref_slice %dma_wait3A_101[%dma_wait3A_102, %dma_wait3A_103] : memref<10000x128xf32, #tpu.memory_space<hbm>> -> memref<16x128xf32, #tpu.memory_space<hbm>>
        %dma_wait3A_105 = arith.constant 9984 : i32
        %dma_wait3A_106 = arith.constant 0 : i32
        %dma_wait3A_107 = tpu.memref_slice %arg11[%dma_wait3A_105, %dma_wait3A_106] : memref<10000x128xf32, #tpu.memory_space<vmem_shared>> -> memref<16x128xf32, #tpu.memory_space<vmem_shared>>
        tpu.wait_dma2 semaphore(%run_scoped3A_87 : memref<!tpu.dma_semaphore, #tpu.memory_space<semaphore_mem>>) src(%dma_wait3A_107 : memref<16x128xf32, #tpu.memory_space<vmem_shared>>) dst(%dma_wait3A_104 : memref<16x128xf32, #tpu.memory_space<hbm>>)
        tpu.yield
      }) : () -> ()
    } else {
    }
    return
  }
}

#map = affine_map<(d0, d1) -> (0, 0)>
#map1 = affine_map<(d0, d1) -> (0, 0, 0)>
module attributes {stable_mosaic.version = 14 : i64} {
  func.func @edge_agg(%arg0: i32, %arg1: i32, %arg2: memref<10000x128xf32, #tpu.memory_space<hbm>>, %arg3: memref<2560x125xi32, #tpu.memory_space<hbm>>, %arg4: memref<2560x125xi32, #tpu.memory_space<hbm>>, %arg5: memref<10000x128xf32, #tpu.memory_space<hbm>>, %arg6: memref<2x10000x128xf32, #tpu.memory_space<hbm>>, %arg7: memref<40x125xi32, #tpu.memory_space<vmem>>, %arg8: memref<40x125xi32, #tpu.memory_space<vmem>>, %arg9: memref<125x128xf32, #tpu.memory_space<vmem>>, %arg10: memref<125x128xf32, #tpu.memory_space<vmem>>, %arg11: memref<10000x128xf32, #tpu.memory_space<vmem_shared>>, %arg12: memref<!tpu.dma_semaphore, #tpu.memory_space<semaphore_mem>>, %arg13: memref<!tpu.dma_semaphore, #tpu.memory_space<semaphore_mem>>) attributes {dimension_semantics = [#tpu.dimension_semantics<core_parallel>, #tpu.dimension_semantics<subcore_parallel>], iteration_bounds = array<i64: 2, 16>, scalar_prefetch = 0 : i64, scratch_operands = 7 : i64, tpu.core_type = #tpu.core_type<sc_vector_subcore>, window_params = [{transform_indices = #map}, {transform_indices = #map}, {transform_indices = #map}, {transform_indices = #map}, {transform_indices = #map1}]} {
    %mul3A = arith.constant 2 : i32
    %mul3A_0 = arith.muli %arg1, %mul3A : i32
    %add3A = arith.addi %mul3A_0, %arg0 : i32
    %mul3A_1 = arith.constant 624 : i32
    %mul3A_2 = arith.muli %arg1, %mul3A_1 : i32
    %mul3A_3 = arith.constant 80 : i32
    %mul3A_4 = arith.muli %add3A, %mul3A_3 : i32
    "tpu.region"() ({
      %run_scoped3A_87 = tpu.sem_alloc : memref<!tpu.dma_semaphore, #tpu.memory_space<semaphore_mem>>
      %dma_start3A_88 = arith.constant 0 : i32
      %dma_start3A_89 = tpu.memref_slice %arg3[%mul3A_4, %dma_start3A_88] : memref<2560x125xi32, #tpu.memory_space<hbm>> -> memref<40x125xi32, #tpu.memory_space<hbm>>
      %dma_start3A_90 = arith.constant 0 : i32
      %dma_start3A_91 = tpu.memref_slice %arg3[%mul3A_4, %dma_start3A_90] : memref<2560x125xi32, #tpu.memory_space<hbm>> -> memref<40x125xi32, #tpu.memory_space<hbm>>
      tpu.enqueue_dma source(%dma_start3A_91 : memref<40x125xi32, #tpu.memory_space<hbm>>) target(%arg7 : memref<40x125xi32, #tpu.memory_space<vmem>>) target_semaphore(%run_scoped3A_87 : memref<!tpu.dma_semaphore, #tpu.memory_space<semaphore_mem>>)
      %dma_wait3A_92 = arith.constant 0 : i32
      %dma_wait3A_93 = tpu.memref_slice %arg3[%mul3A_4, %dma_wait3A_92] : memref<2560x125xi32, #tpu.memory_space<hbm>> -> memref<40x125xi32, #tpu.memory_space<hbm>>
      %dma_wait3A_94 = arith.constant 0 : i32
      %dma_wait3A_95 = tpu.memref_slice %arg3[%mul3A_4, %dma_wait3A_94] : memref<2560x125xi32, #tpu.memory_space<hbm>> -> memref<40x125xi32, #tpu.memory_space<hbm>>
      tpu.wait_dma2 semaphore(%run_scoped3A_87 : memref<!tpu.dma_semaphore, #tpu.memory_space<semaphore_mem>>) src(%dma_wait3A_95 : memref<40x125xi32, #tpu.memory_space<hbm>>) dst(%arg7 : memref<40x125xi32, #tpu.memory_space<vmem>>)
      tpu.yield
    }) : () -> ()
    %mul3A_5 = arith.constant 80 : i32
    %mul3A_6 = arith.muli %add3A, %mul3A_5 : i32
    "tpu.region"() ({
      %run_scoped3A_87 = tpu.sem_alloc : memref<!tpu.dma_semaphore, #tpu.memory_space<semaphore_mem>>
      %dma_start3A_88 = arith.constant 0 : i32
      %dma_start3A_89 = tpu.memref_slice %arg4[%mul3A_6, %dma_start3A_88] : memref<2560x125xi32, #tpu.memory_space<hbm>> -> memref<40x125xi32, #tpu.memory_space<hbm>>
      %dma_start3A_90 = arith.constant 0 : i32
      %dma_start3A_91 = tpu.memref_slice %arg4[%mul3A_6, %dma_start3A_90] : memref<2560x125xi32, #tpu.memory_space<hbm>> -> memref<40x125xi32, #tpu.memory_space<hbm>>
      tpu.enqueue_dma source(%dma_start3A_91 : memref<40x125xi32, #tpu.memory_space<hbm>>) target(%arg8 : memref<40x125xi32, #tpu.memory_space<vmem>>) target_semaphore(%run_scoped3A_87 : memref<!tpu.dma_semaphore, #tpu.memory_space<semaphore_mem>>)
      %dma_wait3A_92 = arith.constant 0 : i32
      %dma_wait3A_93 = tpu.memref_slice %arg4[%mul3A_6, %dma_wait3A_92] : memref<2560x125xi32, #tpu.memory_space<hbm>> -> memref<40x125xi32, #tpu.memory_space<hbm>>
      %dma_wait3A_94 = arith.constant 0 : i32
      %dma_wait3A_95 = tpu.memref_slice %arg4[%mul3A_6, %dma_wait3A_94] : memref<2560x125xi32, #tpu.memory_space<hbm>> -> memref<40x125xi32, #tpu.memory_space<hbm>>
      tpu.wait_dma2 semaphore(%run_scoped3A_87 : memref<!tpu.dma_semaphore, #tpu.memory_space<semaphore_mem>>) src(%dma_wait3A_95 : memref<40x125xi32, #tpu.memory_space<hbm>>) dst(%arg8 : memref<40x125xi32, #tpu.memory_space<vmem>>)
      tpu.yield
    }) : () -> ()
    %dma_start3A = arith.constant 0 : i32
    %dma_start3A_7 = arith.constant 0 : i32
    %dma_start3A_8 = tpu.memref_slice %arg7[%dma_start3A, %dma_start3A_7] : memref<40x125xi32, #tpu.memory_space<vmem>> -> memref<1x125xi32, #tpu.memory_space<vmem>>
    %dma_start3A_9 = tpu.memref_squeeze %dma_start3A_8 : memref<1x125xi32, #tpu.memory_space<vmem>> -> memref<125xi32, #tpu.memory_space<vmem>>
    %dma_start3A_10 = arith.constant 0 : i32
    %dma_start3A_11 = arith.constant 0 : i32
    %dma_start3A_12 = tpu.memref_slice %arg2[%dma_start3A_10, %dma_start3A_11] : memref<10000x128xf32, #tpu.memory_space<hbm>> -> memref<10000x128xf32, #tpu.memory_space<hbm>>
    tpu.enqueue_indirect_dma source(%dma_start3A_12 : memref<10000x128xf32, #tpu.memory_space<hbm>>) target(%arg9 : memref<125x128xf32, #tpu.memory_space<vmem>>) offsets(%dma_start3A_9 : memref<125xi32, #tpu.memory_space<vmem>>) semaphore(%arg12 : memref<!tpu.dma_semaphore, #tpu.memory_space<semaphore_mem>>)
    %dma_start3A_13 = arith.constant 1 : i32
    %dma_start3A_14 = arith.constant 0 : i32
    %dma_start3A_15 = tpu.memref_slice %arg7[%dma_start3A_13, %dma_start3A_14] : memref<40x125xi32, #tpu.memory_space<vmem>> -> memref<1x125xi32, #tpu.memory_space<vmem>>
    %dma_start3A_16 = tpu.memref_squeeze %dma_start3A_15 : memref<1x125xi32, #tpu.memory_space<vmem>> -> memref<125xi32, #tpu.memory_space<vmem>>
    %dma_start3A_17 = arith.constant 0 : i32
    %dma_start3A_18 = arith.constant 0 : i32
    %dma_start3A_19 = tpu.memref_slice %arg2[%dma_start3A_17, %dma_start3A_18] : memref<10000x128xf32, #tpu.memory_space<hbm>> -> memref<10000x128xf32, #tpu.memory_space<hbm>>
    tpu.enqueue_indirect_dma source(%dma_start3A_19 : memref<10000x128xf32, #tpu.memory_space<hbm>>) target(%arg10 : memref<125x128xf32, #tpu.memory_space<vmem>>) offsets(%dma_start3A_16 : memref<125xi32, #tpu.memory_space<vmem>>) semaphore(%arg13 : memref<!tpu.dma_semaphore, #tpu.memory_space<semaphore_mem>>)
    "tpu.region"() ({
      %run_scoped3A_87 = tpu.sem_alloc : memref<!tpu.dma_semaphore, #tpu.memory_space<semaphore_mem>>
      %dma_start3A_88 = arith.constant 0 : i32
      %dma_start3A_89 = tpu.memref_slice %arg11[%mul3A_2, %dma_start3A_88] : memref<10000x128xf32, #tpu.memory_space<vmem_shared>> -> memref<624x128xf32, #tpu.memory_space<vmem_shared>>
      %dma_start3A_90 = arith.constant 0 : i32
      %dma_start3A_91 = tpu.memref_slice %arg5[%mul3A_2, %dma_start3A_90] : memref<10000x128xf32, #tpu.memory_space<hbm>> -> memref<624x128xf32, #tpu.memory_space<hbm>>
      tpu.enqueue_dma source(%dma_start3A_91 : memref<624x128xf32, #tpu.memory_space<hbm>>) target(%dma_start3A_89 : memref<624x128xf32, #tpu.memory_space<vmem_shared>>) target_semaphore(%run_scoped3A_87 : memref<!tpu.dma_semaphore, #tpu.memory_space<semaphore_mem>>)
      %dma_wait3A_92 = arith.constant 0 : i32
      %dma_wait3A_93 = tpu.memref_slice %arg11[%mul3A_2, %dma_wait3A_92] : memref<10000x128xf32, #tpu.memory_space<vmem_shared>> -> memref<624x128xf32, #tpu.memory_space<vmem_shared>>
      %dma_wait3A_94 = arith.constant 0 : i32
      %dma_wait3A_95 = tpu.memref_slice %arg5[%mul3A_2, %dma_wait3A_94] : memref<10000x128xf32, #tpu.memory_space<hbm>> -> memref<624x128xf32, #tpu.memory_space<hbm>>
      tpu.wait_dma2 semaphore(%run_scoped3A_87 : memref<!tpu.dma_semaphore, #tpu.memory_space<semaphore_mem>>) src(%dma_wait3A_95 : memref<624x128xf32, #tpu.memory_space<hbm>>) dst(%dma_wait3A_93 : memref<624x128xf32, #tpu.memory_space<vmem_shared>>)
      tpu.yield
    }) : () -> ()
    %eq3A = arith.constant 15 : i32
    %eq3A_20 = arith.cmpi eq, %arg1, %eq3A : i32
    %convert_element_type3A = arith.extui %eq3A_20 : i1 to i32
    %cond3A = arith.constant 0 : i32
    %cond3A_21 = arith.cmpi ne, %convert_element_type3A, %cond3A : i32
    scf.if %cond3A_21 {
      "tpu.region"() ({
        %run_scoped3A_87 = tpu.sem_alloc : memref<!tpu.dma_semaphore, #tpu.memory_space<semaphore_mem>>
        %dma_start3A_88 = arith.constant 9984 : i32
        %dma_start3A_89 = arith.constant 0 : i32
        %dma_start3A_90 = tpu.memref_slice %arg11[%dma_start3A_88, %dma_start3A_89] : memref<10000x128xf32, #tpu.memory_space<vmem_shared>> -> memref<16x128xf32, #tpu.memory_space<vmem_shared>>
        %dma_start3A_91 = arith.constant 9984 : i32
        %dma_start3A_92 = arith.constant 0 : i32
        %dma_start3A_93 = tpu.memref_slice %arg5[%dma_start3A_91, %dma_start3A_92] : memref<10000x128xf32, #tpu.memory_space<hbm>> -> memref<16x128xf32, #tpu.memory_space<hbm>>
        tpu.enqueue_dma source(%dma_start3A_93 : memref<16x128xf32, #tpu.memory_space<hbm>>) target(%dma_start3A_90 : memref<16x128xf32, #tpu.memory_space<vmem_shared>>) target_semaphore(%run_scoped3A_87 : memref<!tpu.dma_semaphore, #tpu.memory_space<semaphore_mem>>)
        %dma_wait3A_94 = arith.constant 9984 : i32
        %dma_wait3A_95 = arith.constant 0 : i32
        %dma_wait3A_96 = tpu.memref_slice %arg11[%dma_wait3A_94, %dma_wait3A_95] : memref<10000x128xf32, #tpu.memory_space<vmem_shared>> -> memref<16x128xf32, #tpu.memory_space<vmem_shared>>
        %dma_wait3A_97 = arith.constant 9984 : i32
        %dma_wait3A_98 = arith.constant 0 : i32
        %dma_wait3A_99 = tpu.memref_slice %arg5[%dma_wait3A_97, %dma_wait3A_98] : memref<10000x128xf32, #tpu.memory_space<hbm>> -> memref<16x128xf32, #tpu.memory_space<hbm>>
        tpu.wait_dma2 semaphore(%run_scoped3A_87 : memref<!tpu.dma_semaphore, #tpu.memory_space<semaphore_mem>>) src(%dma_wait3A_99 : memref<16x128xf32, #tpu.memory_space<hbm>>) dst(%dma_wait3A_96 : memref<16x128xf32, #tpu.memory_space<vmem_shared>>)
        tpu.yield
      }) : () -> ()
    } else {
    }
    %barrier3A = arith.constant 0 : index
    tpu.barrier barrier_id(%barrier3A)
    %scan3A = arith.constant 0 : i32
    %scan3A_22 = arith.constant 0 : i32
    %scan3A_23 = arith.constant 19 : i32
    %scan3A_24 = arith.addi %scan3A_22, %scan3A_23 : i32
    %scan3A_25 = arith.constant 1 : i32
    scf.for %scan3A_87 = %scan3A_22 to %scan3A_24 step %scan3A_25  : i32 {
      %mul3A_88 = arith.constant 2 : i32
      %mul3A_89 = arith.muli %scan3A_87, %mul3A_88 : i32
      %add3A_90 = arith.constant 0 : i32
      %add3A_91 = arith.addi %mul3A_89, %add3A_90 : i32
      %dma_wait3A_92 = arith.constant 0 : i32
      %dma_wait3A_93 = tpu.memref_slice %arg7[%add3A_91, %dma_wait3A_92] : memref<40x125xi32, #tpu.memory_space<vmem>> -> memref<1x125xi32, #tpu.memory_space<vmem>>
      %dma_wait3A_94 = tpu.memref_squeeze %dma_wait3A_93 : memref<1x125xi32, #tpu.memory_space<vmem>> -> memref<125xi32, #tpu.memory_space<vmem>>
      %dma_wait3A_95 = arith.constant 0 : i32
      %dma_wait3A_96 = arith.constant 0 : i32
      %dma_wait3A_97 = tpu.memref_slice %arg2[%dma_wait3A_95, %dma_wait3A_96] : memref<10000x128xf32, #tpu.memory_space<hbm>> -> memref<10000x128xf32, #tpu.memory_space<hbm>>
      tpu.wait_indirect_dma semaphore(%arg12 : memref<!tpu.dma_semaphore, #tpu.memory_space<semaphore_mem>>) src(%dma_wait3A_97 : memref<10000x128xf32, #tpu.memory_space<hbm>>) dst(%arg9 : memref<125x128xf32, #tpu.memory_space<vmem>>)
      %add3A_98 = arith.constant 0 : i32
      %add3A_99 = arith.addi %mul3A_89, %add3A_98 : i32
      "tpu.region"() ({
        %run_scoped3A_130 = tpu.sem_alloc : memref<!tpu.dma_semaphore, #tpu.memory_space<semaphore_mem>>
        %dma_start3A_131 = arith.constant 0 : i32
        %dma_start3A_132 = tpu.memref_slice %arg8[%add3A_99, %dma_start3A_131] : memref<40x125xi32, #tpu.memory_space<vmem>> -> memref<1x125xi32, #tpu.memory_space<vmem>>
        %dma_start3A_133 = tpu.memref_squeeze %dma_start3A_132 : memref<1x125xi32, #tpu.memory_space<vmem>> -> memref<125xi32, #tpu.memory_space<vmem>>
        %dma_start3A_134 = arith.constant 0 : i32
        %dma_start3A_135 = arith.constant 0 : i32
        %dma_start3A_136 = tpu.memref_slice %arg11[%dma_start3A_134, %dma_start3A_135] : memref<10000x128xf32, #tpu.memory_space<vmem_shared>> -> memref<10000x128xf32, #tpu.memory_space<vmem_shared>>
        tpu.enqueue_indirect_dma source(%arg9 : memref<125x128xf32, #tpu.memory_space<vmem>>) target(%dma_start3A_136 : memref<10000x128xf32, #tpu.memory_space<vmem_shared>>) offsets(%dma_start3A_133 : memref<125xi32, #tpu.memory_space<vmem>>) semaphore(%run_scoped3A_130 : memref<!tpu.dma_semaphore, #tpu.memory_space<semaphore_mem>>) {add = true}
        %dma_wait3A_137 = arith.constant 0 : i32
        %dma_wait3A_138 = tpu.memref_slice %arg8[%add3A_99, %dma_wait3A_137] : memref<40x125xi32, #tpu.memory_space<vmem>> -> memref<1x125xi32, #tpu.memory_space<vmem>>
        %dma_wait3A_139 = tpu.memref_squeeze %dma_wait3A_138 : memref<1x125xi32, #tpu.memory_space<vmem>> -> memref<125xi32, #tpu.memory_space<vmem>>
        %dma_wait3A_140 = arith.constant 0 : i32
        %dma_wait3A_141 = arith.constant 0 : i32
        %dma_wait3A_142 = tpu.memref_slice %arg11[%dma_wait3A_140, %dma_wait3A_141] : memref<10000x128xf32, #tpu.memory_space<vmem_shared>> -> memref<10000x128xf32, #tpu.memory_space<vmem_shared>>
        tpu.wait_indirect_dma semaphore(%run_scoped3A_130 : memref<!tpu.dma_semaphore, #tpu.memory_space<semaphore_mem>>) src(%arg9 : memref<125x128xf32, #tpu.memory_space<vmem>>) dst(%dma_wait3A_142 : memref<10000x128xf32, #tpu.memory_space<vmem_shared>>)
        tpu.yield
      }) : () -> ()
      %add3A_100 = arith.constant 2 : i32
      %add3A_101 = arith.addi %mul3A_89, %add3A_100 : i32
      %add3A_102 = arith.constant 0 : i32
      %add3A_103 = arith.addi %add3A_101, %add3A_102 : i32
      %dma_start3A_104 = arith.constant 0 : i32
      %dma_start3A_105 = tpu.memref_slice %arg7[%add3A_103, %dma_start3A_104] : memref<40x125xi32, #tpu.memory_space<vmem>> -> memref<1x125xi32, #tpu.memory_space<vmem>>
      %dma_start3A_106 = tpu.memref_squeeze %dma_start3A_105 : memref<1x125xi32, #tpu.memory_space<vmem>> -> memref<125xi32, #tpu.memory_space<vmem>>
      %dma_start3A_107 = arith.constant 0 : i32
      %dma_start3A_108 = arith.constant 0 : i32
      %dma_start3A_109 = tpu.memref_slice %arg2[%dma_start3A_107, %dma_start3A_108] : memref<10000x128xf32, #tpu.memory_space<hbm>> -> memref<10000x128xf32, #tpu.memory_space<hbm>>
      tpu.enqueue_indirect_dma source(%dma_start3A_109 : memref<10000x128xf32, #tpu.memory_space<hbm>>) target(%arg9 : memref<125x128xf32, #tpu.memory_space<vmem>>) offsets(%dma_start3A_106 : memref<125xi32, #tpu.memory_space<vmem>>) semaphore(%arg12 : memref<!tpu.dma_semaphore, #tpu.memory_space<semaphore_mem>>)
      %add3A_110 = arith.constant 1 : i32
      %add3A_111 = arith.addi %mul3A_89, %add3A_110 : i32
      %dma_wait3A_112 = arith.constant 0 : i32
      %dma_wait3A_113 = tpu.memref_slice %arg7[%add3A_111, %dma_wait3A_112] : memref<40x125xi32, #tpu.memory_space<vmem>> -> memref<1x125xi32, #tpu.memory_space<vmem>>
      %dma_wait3A_114 = tpu.memref_squeeze %dma_wait3A_113 : memref<1x125xi32, #tpu.memory_space<vmem>> -> memref<125xi32, #tpu.memory_space<vmem>>
      %dma_wait3A_115 = arith.constant 0 : i32
      %dma_wait3A_116 = arith.constant 0 : i32
      %dma_wait3A_117 = tpu.memref_slice %arg2[%dma_wait3A_115, %dma_wait3A_116] : memref<10000x128xf32, #tpu.memory_space<hbm>> -> memref<10000x128xf32, #tpu.memory_space<hbm>>
      tpu.wait_indirect_dma semaphore(%arg13 : memref<!tpu.dma_semaphore, #tpu.memory_space<semaphore_mem>>) src(%dma_wait3A_117 : memref<10000x128xf32, #tpu.memory_space<hbm>>) dst(%arg10 : memref<125x128xf32, #tpu.memory_space<vmem>>)
      %add3A_118 = arith.constant 1 : i32
      %add3A_119 = arith.addi %mul3A_89, %add3A_118 : i32
      "tpu.region"() ({
        %run_scoped3A_130 = tpu.sem_alloc : memref<!tpu.dma_semaphore, #tpu.memory_space<semaphore_mem>>
        %dma_start3A_131 = arith.constant 0 : i32
        %dma_start3A_132 = tpu.memref_slice %arg8[%add3A_119, %dma_start3A_131] : memref<40x125xi32, #tpu.memory_space<vmem>> -> memref<1x125xi32, #tpu.memory_space<vmem>>
        %dma_start3A_133 = tpu.memref_squeeze %dma_start3A_132 : memref<1x125xi32, #tpu.memory_space<vmem>> -> memref<125xi32, #tpu.memory_space<vmem>>
        %dma_start3A_134 = arith.constant 0 : i32
        %dma_start3A_135 = arith.constant 0 : i32
        %dma_start3A_136 = tpu.memref_slice %arg11[%dma_start3A_134, %dma_start3A_135] : memref<10000x128xf32, #tpu.memory_space<vmem_shared>> -> memref<10000x128xf32, #tpu.memory_space<vmem_shared>>
        tpu.enqueue_indirect_dma source(%arg10 : memref<125x128xf32, #tpu.memory_space<vmem>>) target(%dma_start3A_136 : memref<10000x128xf32, #tpu.memory_space<vmem_shared>>) offsets(%dma_start3A_133 : memref<125xi32, #tpu.memory_space<vmem>>) semaphore(%run_scoped3A_130 : memref<!tpu.dma_semaphore, #tpu.memory_space<semaphore_mem>>) {add = true}
        %dma_wait3A_137 = arith.constant 0 : i32
        %dma_wait3A_138 = tpu.memref_slice %arg8[%add3A_119, %dma_wait3A_137] : memref<40x125xi32, #tpu.memory_space<vmem>> -> memref<1x125xi32, #tpu.memory_space<vmem>>
        %dma_wait3A_139 = tpu.memref_squeeze %dma_wait3A_138 : memref<1x125xi32, #tpu.memory_space<vmem>> -> memref<125xi32, #tpu.memory_space<vmem>>
        %dma_wait3A_140 = arith.constant 0 : i32
        %dma_wait3A_141 = arith.constant 0 : i32
        %dma_wait3A_142 = tpu.memref_slice %arg11[%dma_wait3A_140, %dma_wait3A_141] : memref<10000x128xf32, #tpu.memory_space<vmem_shared>> -> memref<10000x128xf32, #tpu.memory_space<vmem_shared>>
        tpu.wait_indirect_dma semaphore(%run_scoped3A_130 : memref<!tpu.dma_semaphore, #tpu.memory_space<semaphore_mem>>) src(%arg10 : memref<125x128xf32, #tpu.memory_space<vmem>>) dst(%dma_wait3A_142 : memref<10000x128xf32, #tpu.memory_space<vmem_shared>>)
        tpu.yield
      }) : () -> ()
      %add3A_120 = arith.constant 2 : i32
      %add3A_121 = arith.addi %mul3A_89, %add3A_120 : i32
      %add3A_122 = arith.constant 1 : i32
      %add3A_123 = arith.addi %add3A_121, %add3A_122 : i32
      %dma_start3A_124 = arith.constant 0 : i32
      %dma_start3A_125 = tpu.memref_slice %arg7[%add3A_123, %dma_start3A_124] : memref<40x125xi32, #tpu.memory_space<vmem>> -> memref<1x125xi32, #tpu.memory_space<vmem>>
      %dma_start3A_126 = tpu.memref_squeeze %dma_start3A_125 : memref<1x125xi32, #tpu.memory_space<vmem>> -> memref<125xi32, #tpu.memory_space<vmem>>
      %dma_start3A_127 = arith.constant 0 : i32
      %dma_start3A_128 = arith.constant 0 : i32
      %dma_start3A_129 = tpu.memref_slice %arg2[%dma_start3A_127, %dma_start3A_128] : memref<10000x128xf32, #tpu.memory_space<hbm>> -> memref<10000x128xf32, #tpu.memory_space<hbm>>
      tpu.enqueue_indirect_dma source(%dma_start3A_129 : memref<10000x128xf32, #tpu.memory_space<hbm>>) target(%arg10 : memref<125x128xf32, #tpu.memory_space<vmem>>) offsets(%dma_start3A_126 : memref<125xi32, #tpu.memory_space<vmem>>) semaphore(%arg13 : memref<!tpu.dma_semaphore, #tpu.memory_space<semaphore_mem>>)
    }
    %scan3A_26 = arith.constant 19 : i32
    %dma_wait3A = arith.constant 38 : i32
    %dma_wait3A_27 = arith.constant 0 : i32
    %dma_wait3A_28 = tpu.memref_slice %arg7[%dma_wait3A, %dma_wait3A_27] : memref<40x125xi32, #tpu.memory_space<vmem>> -> memref<1x125xi32, #tpu.memory_space<vmem>>
    %dma_wait3A_29 = tpu.memref_squeeze %dma_wait3A_28 : memref<1x125xi32, #tpu.memory_space<vmem>> -> memref<125xi32, #tpu.memory_space<vmem>>
    %dma_wait3A_30 = arith.constant 0 : i32
    %dma_wait3A_31 = arith.constant 0 : i32
    %dma_wait3A_32 = tpu.memref_slice %arg2[%dma_wait3A_30, %dma_wait3A_31] : memref<10000x128xf32, #tpu.memory_space<hbm>> -> memref<10000x128xf32, #tpu.memory_space<hbm>>
    tpu.wait_indirect_dma semaphore(%arg12 : memref<!tpu.dma_semaphore, #tpu.memory_space<semaphore_mem>>) src(%dma_wait3A_32 : memref<10000x128xf32, #tpu.memory_space<hbm>>) dst(%arg9 : memref<125x128xf32, #tpu.memory_space<vmem>>)
    %run_scoped3A = arith.constant 38 : i32
    "tpu.region"() ({
      %run_scoped3A_87 = tpu.sem_alloc : memref<!tpu.dma_semaphore, #tpu.memory_space<semaphore_mem>>
      %dma_start3A_88 = arith.constant 0 : i32
      %dma_start3A_89 = tpu.memref_slice %arg8[%run_scoped3A, %dma_start3A_88] : memref<40x125xi32, #tpu.memory_space<vmem>> -> memref<1x125xi32, #tpu.memory_space<vmem>>
      %dma_start3A_90 = tpu.memref_squeeze %dma_start3A_89 : memref<1x125xi32, #tpu.memory_space<vmem>> -> memref<125xi32, #tpu.memory_space<vmem>>
      %dma_start3A_91 = arith.constant 0 : i32
      %dma_start3A_92 = arith.constant 0 : i32
      %dma_start3A_93 = tpu.memref_slice %arg11[%dma_start3A_91, %dma_start3A_92] : memref<10000x128xf32, #tpu.memory_space<vmem_shared>> -> memref<10000x128xf32, #tpu.memory_space<vmem_shared>>
      tpu.enqueue_indirect_dma source(%arg9 : memref<125x128xf32, #tpu.memory_space<vmem>>) target(%dma_start3A_93 : memref<10000x128xf32, #tpu.memory_space<vmem_shared>>) offsets(%dma_start3A_90 : memref<125xi32, #tpu.memory_space<vmem>>) semaphore(%run_scoped3A_87 : memref<!tpu.dma_semaphore, #tpu.memory_space<semaphore_mem>>) {add = true}
      %dma_wait3A_94 = arith.constant 0 : i32
      %dma_wait3A_95 = tpu.memref_slice %arg8[%run_scoped3A, %dma_wait3A_94] : memref<40x125xi32, #tpu.memory_space<vmem>> -> memref<1x125xi32, #tpu.memory_space<vmem>>
      %dma_wait3A_96 = tpu.memref_squeeze %dma_wait3A_95 : memref<1x125xi32, #tpu.memory_space<vmem>> -> memref<125xi32, #tpu.memory_space<vmem>>
      %dma_wait3A_97 = arith.constant 0 : i32
      %dma_wait3A_98 = arith.constant 0 : i32
      %dma_wait3A_99 = tpu.memref_slice %arg11[%dma_wait3A_97, %dma_wait3A_98] : memref<10000x128xf32, #tpu.memory_space<vmem_shared>> -> memref<10000x128xf32, #tpu.memory_space<vmem_shared>>
      tpu.wait_indirect_dma semaphore(%run_scoped3A_87 : memref<!tpu.dma_semaphore, #tpu.memory_space<semaphore_mem>>) src(%arg9 : memref<125x128xf32, #tpu.memory_space<vmem>>) dst(%dma_wait3A_99 : memref<10000x128xf32, #tpu.memory_space<vmem_shared>>)
      tpu.yield
    }) : () -> ()
    %dma_wait3A_33 = arith.constant 39 : i32
    %dma_wait3A_34 = arith.constant 0 : i32
    %dma_wait3A_35 = tpu.memref_slice %arg7[%dma_wait3A_33, %dma_wait3A_34] : memref<40x125xi32, #tpu.memory_space<vmem>> -> memref<1x125xi32, #tpu.memory_space<vmem>>
    %dma_wait3A_36 = tpu.memref_squeeze %dma_wait3A_35 : memref<1x125xi32, #tpu.memory_space<vmem>> -> memref<125xi32, #tpu.memory_space<vmem>>
    %dma_wait3A_37 = arith.constant 0 : i32
    %dma_wait3A_38 = arith.constant 0 : i32
    %dma_wait3A_39 = tpu.memref_slice %arg2[%dma_wait3A_37, %dma_wait3A_38] : memref<10000x128xf32, #tpu.memory_space<hbm>> -> memref<10000x128xf32, #tpu.memory_space<hbm>>
    tpu.wait_indirect_dma semaphore(%arg13 : memref<!tpu.dma_semaphore, #tpu.memory_space<semaphore_mem>>) src(%dma_wait3A_39 : memref<10000x128xf32, #tpu.memory_space<hbm>>) dst(%arg10 : memref<125x128xf32, #tpu.memory_space<vmem>>)
    %run_scoped3A_40 = arith.constant 39 : i32
    "tpu.region"() ({
      %run_scoped3A_87 = tpu.sem_alloc : memref<!tpu.dma_semaphore, #tpu.memory_space<semaphore_mem>>
      %dma_start3A_88 = arith.constant 0 : i32
      %dma_start3A_89 = tpu.memref_slice %arg8[%run_scoped3A_40, %dma_start3A_88] : memref<40x125xi32, #tpu.memory_space<vmem>> -> memref<1x125xi32, #tpu.memory_space<vmem>>
      %dma_start3A_90 = tpu.memref_squeeze %dma_start3A_89 : memref<1x125xi32, #tpu.memory_space<vmem>> -> memref<125xi32, #tpu.memory_space<vmem>>
      %dma_start3A_91 = arith.constant 0 : i32
      %dma_start3A_92 = arith.constant 0 : i32
      %dma_start3A_93 = tpu.memref_slice %arg11[%dma_start3A_91, %dma_start3A_92] : memref<10000x128xf32, #tpu.memory_space<vmem_shared>> -> memref<10000x128xf32, #tpu.memory_space<vmem_shared>>
      tpu.enqueue_indirect_dma source(%arg10 : memref<125x128xf32, #tpu.memory_space<vmem>>) target(%dma_start3A_93 : memref<10000x128xf32, #tpu.memory_space<vmem_shared>>) offsets(%dma_start3A_90 : memref<125xi32, #tpu.memory_space<vmem>>) semaphore(%run_scoped3A_87 : memref<!tpu.dma_semaphore, #tpu.memory_space<semaphore_mem>>) {add = true}
      %dma_wait3A_94 = arith.constant 0 : i32
      %dma_wait3A_95 = tpu.memref_slice %arg8[%run_scoped3A_40, %dma_wait3A_94] : memref<40x125xi32, #tpu.memory_space<vmem>> -> memref<1x125xi32, #tpu.memory_space<vmem>>
      %dma_wait3A_96 = tpu.memref_squeeze %dma_wait3A_95 : memref<1x125xi32, #tpu.memory_space<vmem>> -> memref<125xi32, #tpu.memory_space<vmem>>
      %dma_wait3A_97 = arith.constant 0 : i32
      %dma_wait3A_98 = arith.constant 0 : i32
      %dma_wait3A_99 = tpu.memref_slice %arg11[%dma_wait3A_97, %dma_wait3A_98] : memref<10000x128xf32, #tpu.memory_space<vmem_shared>> -> memref<10000x128xf32, #tpu.memory_space<vmem_shared>>
      tpu.wait_indirect_dma semaphore(%run_scoped3A_87 : memref<!tpu.dma_semaphore, #tpu.memory_space<semaphore_mem>>) src(%arg10 : memref<125x128xf32, #tpu.memory_space<vmem>>) dst(%dma_wait3A_99 : memref<10000x128xf32, #tpu.memory_space<vmem_shared>>)
      tpu.yield
    }) : () -> ()
    %mul3A_41 = arith.constant 80 : i32
    %mul3A_42 = arith.muli %add3A, %mul3A_41 : i32
    %add3A_43 = arith.constant 40 : i32
    %add3A_44 = arith.addi %mul3A_42, %add3A_43 : i32
    "tpu.region"() ({
      %run_scoped3A_87 = tpu.sem_alloc : memref<!tpu.dma_semaphore, #tpu.memory_space<semaphore_mem>>
      %dma_start3A_88 = arith.constant 0 : i32
      %dma_start3A_89 = tpu.memref_slice %arg3[%add3A_44, %dma_start3A_88] : memref<2560x125xi32, #tpu.memory_space<hbm>> -> memref<40x125xi32, #tpu.memory_space<hbm>>
      %dma_start3A_90 = arith.constant 0 : i32
      %dma_start3A_91 = tpu.memref_slice %arg3[%add3A_44, %dma_start3A_90] : memref<2560x125xi32, #tpu.memory_space<hbm>> -> memref<40x125xi32, #tpu.memory_space<hbm>>
      tpu.enqueue_dma source(%dma_start3A_91 : memref<40x125xi32, #tpu.memory_space<hbm>>) target(%arg7 : memref<40x125xi32, #tpu.memory_space<vmem>>) target_semaphore(%run_scoped3A_87 : memref<!tpu.dma_semaphore, #tpu.memory_space<semaphore_mem>>)
      %dma_wait3A_92 = arith.constant 0 : i32
      %dma_wait3A_93 = tpu.memref_slice %arg3[%add3A_44, %dma_wait3A_92] : memref<2560x125xi32, #tpu.memory_space<hbm>> -> memref<40x125xi32, #tpu.memory_space<hbm>>
      %dma_wait3A_94 = arith.constant 0 : i32
      %dma_wait3A_95 = tpu.memref_slice %arg3[%add3A_44, %dma_wait3A_94] : memref<2560x125xi32, #tpu.memory_space<hbm>> -> memref<40x125xi32, #tpu.memory_space<hbm>>
      tpu.wait_dma2 semaphore(%run_scoped3A_87 : memref<!tpu.dma_semaphore, #tpu.memory_space<semaphore_mem>>) src(%dma_wait3A_95 : memref<40x125xi32, #tpu.memory_space<hbm>>) dst(%arg7 : memref<40x125xi32, #tpu.memory_space<vmem>>)
      tpu.yield
    }) : () -> ()
    "tpu.region"() ({
      %run_scoped3A_87 = tpu.sem_alloc : memref<!tpu.dma_semaphore, #tpu.memory_space<semaphore_mem>>
      %dma_start3A_88 = arith.constant 0 : i32
      %dma_start3A_89 = tpu.memref_slice %arg4[%add3A_44, %dma_start3A_88] : memref<2560x125xi32, #tpu.memory_space<hbm>> -> memref<40x125xi32, #tpu.memory_space<hbm>>
      %dma_start3A_90 = arith.constant 0 : i32
      %dma_start3A_91 = tpu.memref_slice %arg4[%add3A_44, %dma_start3A_90] : memref<2560x125xi32, #tpu.memory_space<hbm>> -> memref<40x125xi32, #tpu.memory_space<hbm>>
      tpu.enqueue_dma source(%dma_start3A_91 : memref<40x125xi32, #tpu.memory_space<hbm>>) target(%arg8 : memref<40x125xi32, #tpu.memory_space<vmem>>) target_semaphore(%run_scoped3A_87 : memref<!tpu.dma_semaphore, #tpu.memory_space<semaphore_mem>>)
      %dma_wait3A_92 = arith.constant 0 : i32
      %dma_wait3A_93 = tpu.memref_slice %arg4[%add3A_44, %dma_wait3A_92] : memref<2560x125xi32, #tpu.memory_space<hbm>> -> memref<40x125xi32, #tpu.memory_space<hbm>>
      %dma_wait3A_94 = arith.constant 0 : i32
      %dma_wait3A_95 = tpu.memref_slice %arg4[%add3A_44, %dma_wait3A_94] : memref<2560x125xi32, #tpu.memory_space<hbm>> -> memref<40x125xi32, #tpu.memory_space<hbm>>
      tpu.wait_dma2 semaphore(%run_scoped3A_87 : memref<!tpu.dma_semaphore, #tpu.memory_space<semaphore_mem>>) src(%dma_wait3A_95 : memref<40x125xi32, #tpu.memory_space<hbm>>) dst(%arg8 : memref<40x125xi32, #tpu.memory_space<vmem>>)
      tpu.yield
    }) : () -> ()
    %dma_start3A_45 = arith.constant 0 : i32
    %dma_start3A_46 = arith.constant 0 : i32
    %dma_start3A_47 = tpu.memref_slice %arg7[%dma_start3A_45, %dma_start3A_46] : memref<40x125xi32, #tpu.memory_space<vmem>> -> memref<1x125xi32, #tpu.memory_space<vmem>>
    %dma_start3A_48 = tpu.memref_squeeze %dma_start3A_47 : memref<1x125xi32, #tpu.memory_space<vmem>> -> memref<125xi32, #tpu.memory_space<vmem>>
    %dma_start3A_49 = arith.constant 0 : i32
    %dma_start3A_50 = arith.constant 0 : i32
    %dma_start3A_51 = tpu.memref_slice %arg2[%dma_start3A_49, %dma_start3A_50] : memref<10000x128xf32, #tpu.memory_space<hbm>> -> memref<10000x128xf32, #tpu.memory_space<hbm>>
    tpu.enqueue_indirect_dma source(%dma_start3A_51 : memref<10000x128xf32, #tpu.memory_space<hbm>>) target(%arg9 : memref<125x128xf32, #tpu.memory_space<vmem>>) offsets(%dma_start3A_48 : memref<125xi32, #tpu.memory_space<vmem>>) semaphore(%arg12 : memref<!tpu.dma_semaphore, #tpu.memory_space<semaphore_mem>>)
    %dma_start3A_52 = arith.constant 1 : i32
    %dma_start3A_53 = arith.constant 0 : i32
    %dma_start3A_54 = tpu.memref_slice %arg7[%dma_start3A_52, %dma_start3A_53] : memref<40x125xi32, #tpu.memory_space<vmem>> -> memref<1x125xi32, #tpu.memory_space<vmem>>
    %dma_start3A_55 = tpu.memref_squeeze %dma_start3A_54 : memref<1x125xi32, #tpu.memory_space<vmem>> -> memref<125xi32, #tpu.memory_space<vmem>>
    %dma_start3A_56 = arith.constant 0 : i32
    %dma_start3A_57 = arith.constant 0 : i32
    %dma_start3A_58 = tpu.memref_slice %arg2[%dma_start3A_56, %dma_start3A_57] : memref<10000x128xf32, #tpu.memory_space<hbm>> -> memref<10000x128xf32, #tpu.memory_space<hbm>>
    tpu.enqueue_indirect_dma source(%dma_start3A_58 : memref<10000x128xf32, #tpu.memory_space<hbm>>) target(%arg10 : memref<125x128xf32, #tpu.memory_space<vmem>>) offsets(%dma_start3A_55 : memref<125xi32, #tpu.memory_space<vmem>>) semaphore(%arg13 : memref<!tpu.dma_semaphore, #tpu.memory_space<semaphore_mem>>)
    %scan3A_59 = arith.constant 0 : i32
    %scan3A_60 = arith.constant 0 : i32
    %scan3A_61 = arith.constant 19 : i32
    %scan3A_62 = arith.addi %scan3A_60, %scan3A_61 : i32
    %scan3A_63 = arith.constant 1 : i32
    scf.for %scan3A_87 = %scan3A_60 to %scan3A_62 step %scan3A_63  : i32 {
      %mul3A_88 = arith.constant 2 : i32
      %mul3A_89 = arith.muli %scan3A_87, %mul3A_88 : i32
      %add3A_90 = arith.constant 0 : i32
      %add3A_91 = arith.addi %mul3A_89, %add3A_90 : i32
      %dma_wait3A_92 = arith.constant 0 : i32
      %dma_wait3A_93 = tpu.memref_slice %arg7[%add3A_91, %dma_wait3A_92] : memref<40x125xi32, #tpu.memory_space<vmem>> -> memref<1x125xi32, #tpu.memory_space<vmem>>
      %dma_wait3A_94 = tpu.memref_squeeze %dma_wait3A_93 : memref<1x125xi32, #tpu.memory_space<vmem>> -> memref<125xi32, #tpu.memory_space<vmem>>
      %dma_wait3A_95 = arith.constant 0 : i32
      %dma_wait3A_96 = arith.constant 0 : i32
      %dma_wait3A_97 = tpu.memref_slice %arg2[%dma_wait3A_95, %dma_wait3A_96] : memref<10000x128xf32, #tpu.memory_space<hbm>> -> memref<10000x128xf32, #tpu.memory_space<hbm>>
      tpu.wait_indirect_dma semaphore(%arg12 : memref<!tpu.dma_semaphore, #tpu.memory_space<semaphore_mem>>) src(%dma_wait3A_97 : memref<10000x128xf32, #tpu.memory_space<hbm>>) dst(%arg9 : memref<125x128xf32, #tpu.memory_space<vmem>>)
      %add3A_98 = arith.constant 0 : i32
      %add3A_99 = arith.addi %mul3A_89, %add3A_98 : i32
      "tpu.region"() ({
        %run_scoped3A_130 = tpu.sem_alloc : memref<!tpu.dma_semaphore, #tpu.memory_space<semaphore_mem>>
        %dma_start3A_131 = arith.constant 0 : i32
        %dma_start3A_132 = tpu.memref_slice %arg8[%add3A_99, %dma_start3A_131] : memref<40x125xi32, #tpu.memory_space<vmem>> -> memref<1x125xi32, #tpu.memory_space<vmem>>
        %dma_start3A_133 = tpu.memref_squeeze %dma_start3A_132 : memref<1x125xi32, #tpu.memory_space<vmem>> -> memref<125xi32, #tpu.memory_space<vmem>>
        %dma_start3A_134 = arith.constant 0 : i32
        %dma_start3A_135 = arith.constant 0 : i32
        %dma_start3A_136 = tpu.memref_slice %arg11[%dma_start3A_134, %dma_start3A_135] : memref<10000x128xf32, #tpu.memory_space<vmem_shared>> -> memref<10000x128xf32, #tpu.memory_space<vmem_shared>>
        tpu.enqueue_indirect_dma source(%arg9 : memref<125x128xf32, #tpu.memory_space<vmem>>) target(%dma_start3A_136 : memref<10000x128xf32, #tpu.memory_space<vmem_shared>>) offsets(%dma_start3A_133 : memref<125xi32, #tpu.memory_space<vmem>>) semaphore(%run_scoped3A_130 : memref<!tpu.dma_semaphore, #tpu.memory_space<semaphore_mem>>) {add = true}
        %dma_wait3A_137 = arith.constant 0 : i32
        %dma_wait3A_138 = tpu.memref_slice %arg8[%add3A_99, %dma_wait3A_137] : memref<40x125xi32, #tpu.memory_space<vmem>> -> memref<1x125xi32, #tpu.memory_space<vmem>>
        %dma_wait3A_139 = tpu.memref_squeeze %dma_wait3A_138 : memref<1x125xi32, #tpu.memory_space<vmem>> -> memref<125xi32, #tpu.memory_space<vmem>>
        %dma_wait3A_140 = arith.constant 0 : i32
        %dma_wait3A_141 = arith.constant 0 : i32
        %dma_wait3A_142 = tpu.memref_slice %arg11[%dma_wait3A_140, %dma_wait3A_141] : memref<10000x128xf32, #tpu.memory_space<vmem_shared>> -> memref<10000x128xf32, #tpu.memory_space<vmem_shared>>
        tpu.wait_indirect_dma semaphore(%run_scoped3A_130 : memref<!tpu.dma_semaphore, #tpu.memory_space<semaphore_mem>>) src(%arg9 : memref<125x128xf32, #tpu.memory_space<vmem>>) dst(%dma_wait3A_142 : memref<10000x128xf32, #tpu.memory_space<vmem_shared>>)
        tpu.yield
      }) : () -> ()
      %add3A_100 = arith.constant 2 : i32
      %add3A_101 = arith.addi %mul3A_89, %add3A_100 : i32
      %add3A_102 = arith.constant 0 : i32
      %add3A_103 = arith.addi %add3A_101, %add3A_102 : i32
      %dma_start3A_104 = arith.constant 0 : i32
      %dma_start3A_105 = tpu.memref_slice %arg7[%add3A_103, %dma_start3A_104] : memref<40x125xi32, #tpu.memory_space<vmem>> -> memref<1x125xi32, #tpu.memory_space<vmem>>
      %dma_start3A_106 = tpu.memref_squeeze %dma_start3A_105 : memref<1x125xi32, #tpu.memory_space<vmem>> -> memref<125xi32, #tpu.memory_space<vmem>>
      %dma_start3A_107 = arith.constant 0 : i32
      %dma_start3A_108 = arith.constant 0 : i32
      %dma_start3A_109 = tpu.memref_slice %arg2[%dma_start3A_107, %dma_start3A_108] : memref<10000x128xf32, #tpu.memory_space<hbm>> -> memref<10000x128xf32, #tpu.memory_space<hbm>>
      tpu.enqueue_indirect_dma source(%dma_start3A_109 : memref<10000x128xf32, #tpu.memory_space<hbm>>) target(%arg9 : memref<125x128xf32, #tpu.memory_space<vmem>>) offsets(%dma_start3A_106 : memref<125xi32, #tpu.memory_space<vmem>>) semaphore(%arg12 : memref<!tpu.dma_semaphore, #tpu.memory_space<semaphore_mem>>)
      %add3A_110 = arith.constant 1 : i32
      %add3A_111 = arith.addi %mul3A_89, %add3A_110 : i32
      %dma_wait3A_112 = arith.constant 0 : i32
      %dma_wait3A_113 = tpu.memref_slice %arg7[%add3A_111, %dma_wait3A_112] : memref<40x125xi32, #tpu.memory_space<vmem>> -> memref<1x125xi32, #tpu.memory_space<vmem>>
      %dma_wait3A_114 = tpu.memref_squeeze %dma_wait3A_113 : memref<1x125xi32, #tpu.memory_space<vmem>> -> memref<125xi32, #tpu.memory_space<vmem>>
      %dma_wait3A_115 = arith.constant 0 : i32
      %dma_wait3A_116 = arith.constant 0 : i32
      %dma_wait3A_117 = tpu.memref_slice %arg2[%dma_wait3A_115, %dma_wait3A_116] : memref<10000x128xf32, #tpu.memory_space<hbm>> -> memref<10000x128xf32, #tpu.memory_space<hbm>>
      tpu.wait_indirect_dma semaphore(%arg13 : memref<!tpu.dma_semaphore, #tpu.memory_space<semaphore_mem>>) src(%dma_wait3A_117 : memref<10000x128xf32, #tpu.memory_space<hbm>>) dst(%arg10 : memref<125x128xf32, #tpu.memory_space<vmem>>)
      %add3A_118 = arith.constant 1 : i32
      %add3A_119 = arith.addi %mul3A_89, %add3A_118 : i32
      "tpu.region"() ({
        %run_scoped3A_130 = tpu.sem_alloc : memref<!tpu.dma_semaphore, #tpu.memory_space<semaphore_mem>>
        %dma_start3A_131 = arith.constant 0 : i32
        %dma_start3A_132 = tpu.memref_slice %arg8[%add3A_119, %dma_start3A_131] : memref<40x125xi32, #tpu.memory_space<vmem>> -> memref<1x125xi32, #tpu.memory_space<vmem>>
        %dma_start3A_133 = tpu.memref_squeeze %dma_start3A_132 : memref<1x125xi32, #tpu.memory_space<vmem>> -> memref<125xi32, #tpu.memory_space<vmem>>
        %dma_start3A_134 = arith.constant 0 : i32
        %dma_start3A_135 = arith.constant 0 : i32
        %dma_start3A_136 = tpu.memref_slice %arg11[%dma_start3A_134, %dma_start3A_135] : memref<10000x128xf32, #tpu.memory_space<vmem_shared>> -> memref<10000x128xf32, #tpu.memory_space<vmem_shared>>
        tpu.enqueue_indirect_dma source(%arg10 : memref<125x128xf32, #tpu.memory_space<vmem>>) target(%dma_start3A_136 : memref<10000x128xf32, #tpu.memory_space<vmem_shared>>) offsets(%dma_start3A_133 : memref<125xi32, #tpu.memory_space<vmem>>) semaphore(%run_scoped3A_130 : memref<!tpu.dma_semaphore, #tpu.memory_space<semaphore_mem>>) {add = true}
        %dma_wait3A_137 = arith.constant 0 : i32
        %dma_wait3A_138 = tpu.memref_slice %arg8[%add3A_119, %dma_wait3A_137] : memref<40x125xi32, #tpu.memory_space<vmem>> -> memref<1x125xi32, #tpu.memory_space<vmem>>
        %dma_wait3A_139 = tpu.memref_squeeze %dma_wait3A_138 : memref<1x125xi32, #tpu.memory_space<vmem>> -> memref<125xi32, #tpu.memory_space<vmem>>
        %dma_wait3A_140 = arith.constant 0 : i32
        %dma_wait3A_141 = arith.constant 0 : i32
        %dma_wait3A_142 = tpu.memref_slice %arg11[%dma_wait3A_140, %dma_wait3A_141] : memref<10000x128xf32, #tpu.memory_space<vmem_shared>> -> memref<10000x128xf32, #tpu.memory_space<vmem_shared>>
        tpu.wait_indirect_dma semaphore(%run_scoped3A_130 : memref<!tpu.dma_semaphore, #tpu.memory_space<semaphore_mem>>) src(%arg10 : memref<125x128xf32, #tpu.memory_space<vmem>>) dst(%dma_wait3A_142 : memref<10000x128xf32, #tpu.memory_space<vmem_shared>>)
        tpu.yield
      }) : () -> ()
      %add3A_120 = arith.constant 2 : i32
      %add3A_121 = arith.addi %mul3A_89, %add3A_120 : i32
      %add3A_122 = arith.constant 1 : i32
      %add3A_123 = arith.addi %add3A_121, %add3A_122 : i32
      %dma_start3A_124 = arith.constant 0 : i32
      %dma_start3A_125 = tpu.memref_slice %arg7[%add3A_123, %dma_start3A_124] : memref<40x125xi32, #tpu.memory_space<vmem>> -> memref<1x125xi32, #tpu.memory_space<vmem>>
      %dma_start3A_126 = tpu.memref_squeeze %dma_start3A_125 : memref<1x125xi32, #tpu.memory_space<vmem>> -> memref<125xi32, #tpu.memory_space<vmem>>
      %dma_start3A_127 = arith.constant 0 : i32
      %dma_start3A_128 = arith.constant 0 : i32
      %dma_start3A_129 = tpu.memref_slice %arg2[%dma_start3A_127, %dma_start3A_128] : memref<10000x128xf32, #tpu.memory_space<hbm>> -> memref<10000x128xf32, #tpu.memory_space<hbm>>
      tpu.enqueue_indirect_dma source(%dma_start3A_129 : memref<10000x128xf32, #tpu.memory_space<hbm>>) target(%arg10 : memref<125x128xf32, #tpu.memory_space<vmem>>) offsets(%dma_start3A_126 : memref<125xi32, #tpu.memory_space<vmem>>) semaphore(%arg13 : memref<!tpu.dma_semaphore, #tpu.memory_space<semaphore_mem>>)
    }
    %scan3A_64 = arith.constant 19 : i32
    %dma_wait3A_65 = arith.constant 38 : i32
    %dma_wait3A_66 = arith.constant 0 : i32
    %dma_wait3A_67 = tpu.memref_slice %arg7[%dma_wait3A_65, %dma_wait3A_66] : memref<40x125xi32, #tpu.memory_space<vmem>> -> memref<1x125xi32, #tpu.memory_space<vmem>>
    %dma_wait3A_68 = tpu.memref_squeeze %dma_wait3A_67 : memref<1x125xi32, #tpu.memory_space<vmem>> -> memref<125xi32, #tpu.memory_space<vmem>>
    %dma_wait3A_69 = arith.constant 0 : i32
    %dma_wait3A_70 = arith.constant 0 : i32
    %dma_wait3A_71 = tpu.memref_slice %arg2[%dma_wait3A_69, %dma_wait3A_70] : memref<10000x128xf32, #tpu.memory_space<hbm>> -> memref<10000x128xf32, #tpu.memory_space<hbm>>
    tpu.wait_indirect_dma semaphore(%arg12 : memref<!tpu.dma_semaphore, #tpu.memory_space<semaphore_mem>>) src(%dma_wait3A_71 : memref<10000x128xf32, #tpu.memory_space<hbm>>) dst(%arg9 : memref<125x128xf32, #tpu.memory_space<vmem>>)
    %run_scoped3A_72 = arith.constant 38 : i32
    "tpu.region"() ({
      %run_scoped3A_87 = tpu.sem_alloc : memref<!tpu.dma_semaphore, #tpu.memory_space<semaphore_mem>>
      %dma_start3A_88 = arith.constant 0 : i32
      %dma_start3A_89 = tpu.memref_slice %arg8[%run_scoped3A_72, %dma_start3A_88] : memref<40x125xi32, #tpu.memory_space<vmem>> -> memref<1x125xi32, #tpu.memory_space<vmem>>
      %dma_start3A_90 = tpu.memref_squeeze %dma_start3A_89 : memref<1x125xi32, #tpu.memory_space<vmem>> -> memref<125xi32, #tpu.memory_space<vmem>>
      %dma_start3A_91 = arith.constant 0 : i32
      %dma_start3A_92 = arith.constant 0 : i32
      %dma_start3A_93 = tpu.memref_slice %arg11[%dma_start3A_91, %dma_start3A_92] : memref<10000x128xf32, #tpu.memory_space<vmem_shared>> -> memref<10000x128xf32, #tpu.memory_space<vmem_shared>>
      tpu.enqueue_indirect_dma source(%arg9 : memref<125x128xf32, #tpu.memory_space<vmem>>) target(%dma_start3A_93 : memref<10000x128xf32, #tpu.memory_space<vmem_shared>>) offsets(%dma_start3A_90 : memref<125xi32, #tpu.memory_space<vmem>>) semaphore(%run_scoped3A_87 : memref<!tpu.dma_semaphore, #tpu.memory_space<semaphore_mem>>) {add = true}
      %dma_wait3A_94 = arith.constant 0 : i32
      %dma_wait3A_95 = tpu.memref_slice %arg8[%run_scoped3A_72, %dma_wait3A_94] : memref<40x125xi32, #tpu.memory_space<vmem>> -> memref<1x125xi32, #tpu.memory_space<vmem>>
      %dma_wait3A_96 = tpu.memref_squeeze %dma_wait3A_95 : memref<1x125xi32, #tpu.memory_space<vmem>> -> memref<125xi32, #tpu.memory_space<vmem>>
      %dma_wait3A_97 = arith.constant 0 : i32
      %dma_wait3A_98 = arith.constant 0 : i32
      %dma_wait3A_99 = tpu.memref_slice %arg11[%dma_wait3A_97, %dma_wait3A_98] : memref<10000x128xf32, #tpu.memory_space<vmem_shared>> -> memref<10000x128xf32, #tpu.memory_space<vmem_shared>>
      tpu.wait_indirect_dma semaphore(%run_scoped3A_87 : memref<!tpu.dma_semaphore, #tpu.memory_space<semaphore_mem>>) src(%arg9 : memref<125x128xf32, #tpu.memory_space<vmem>>) dst(%dma_wait3A_99 : memref<10000x128xf32, #tpu.memory_space<vmem_shared>>)
      tpu.yield
    }) : () -> ()
    %dma_wait3A_73 = arith.constant 39 : i32
    %dma_wait3A_74 = arith.constant 0 : i32
    %dma_wait3A_75 = tpu.memref_slice %arg7[%dma_wait3A_73, %dma_wait3A_74] : memref<40x125xi32, #tpu.memory_space<vmem>> -> memref<1x125xi32, #tpu.memory_space<vmem>>
    %dma_wait3A_76 = tpu.memref_squeeze %dma_wait3A_75 : memref<1x125xi32, #tpu.memory_space<vmem>> -> memref<125xi32, #tpu.memory_space<vmem>>
    %dma_wait3A_77 = arith.constant 0 : i32
    %dma_wait3A_78 = arith.constant 0 : i32
    %dma_wait3A_79 = tpu.memref_slice %arg2[%dma_wait3A_77, %dma_wait3A_78] : memref<10000x128xf32, #tpu.memory_space<hbm>> -> memref<10000x128xf32, #tpu.memory_space<hbm>>
    tpu.wait_indirect_dma semaphore(%arg13 : memref<!tpu.dma_semaphore, #tpu.memory_space<semaphore_mem>>) src(%dma_wait3A_79 : memref<10000x128xf32, #tpu.memory_space<hbm>>) dst(%arg10 : memref<125x128xf32, #tpu.memory_space<vmem>>)
    %run_scoped3A_80 = arith.constant 39 : i32
    "tpu.region"() ({
      %run_scoped3A_87 = tpu.sem_alloc : memref<!tpu.dma_semaphore, #tpu.memory_space<semaphore_mem>>
      %dma_start3A_88 = arith.constant 0 : i32
      %dma_start3A_89 = tpu.memref_slice %arg8[%run_scoped3A_80, %dma_start3A_88] : memref<40x125xi32, #tpu.memory_space<vmem>> -> memref<1x125xi32, #tpu.memory_space<vmem>>
      %dma_start3A_90 = tpu.memref_squeeze %dma_start3A_89 : memref<1x125xi32, #tpu.memory_space<vmem>> -> memref<125xi32, #tpu.memory_space<vmem>>
      %dma_start3A_91 = arith.constant 0 : i32
      %dma_start3A_92 = arith.constant 0 : i32
      %dma_start3A_93 = tpu.memref_slice %arg11[%dma_start3A_91, %dma_start3A_92] : memref<10000x128xf32, #tpu.memory_space<vmem_shared>> -> memref<10000x128xf32, #tpu.memory_space<vmem_shared>>
      tpu.enqueue_indirect_dma source(%arg10 : memref<125x128xf32, #tpu.memory_space<vmem>>) target(%dma_start3A_93 : memref<10000x128xf32, #tpu.memory_space<vmem_shared>>) offsets(%dma_start3A_90 : memref<125xi32, #tpu.memory_space<vmem>>) semaphore(%run_scoped3A_87 : memref<!tpu.dma_semaphore, #tpu.memory_space<semaphore_mem>>) {add = true}
      %dma_wait3A_94 = arith.constant 0 : i32
      %dma_wait3A_95 = tpu.memref_slice %arg8[%run_scoped3A_80, %dma_wait3A_94] : memref<40x125xi32, #tpu.memory_space<vmem>> -> memref<1x125xi32, #tpu.memory_space<vmem>>
      %dma_wait3A_96 = tpu.memref_squeeze %dma_wait3A_95 : memref<1x125xi32, #tpu.memory_space<vmem>> -> memref<125xi32, #tpu.memory_space<vmem>>
      %dma_wait3A_97 = arith.constant 0 : i32
      %dma_wait3A_98 = arith.constant 0 : i32
      %dma_wait3A_99 = tpu.memref_slice %arg11[%dma_wait3A_97, %dma_wait3A_98] : memref<10000x128xf32, #tpu.memory_space<vmem_shared>> -> memref<10000x128xf32, #tpu.memory_space<vmem_shared>>
      tpu.wait_indirect_dma semaphore(%run_scoped3A_87 : memref<!tpu.dma_semaphore, #tpu.memory_space<semaphore_mem>>) src(%arg10 : memref<125x128xf32, #tpu.memory_space<vmem>>) dst(%dma_wait3A_99 : memref<10000x128xf32, #tpu.memory_space<vmem_shared>>)
      tpu.yield
    }) : () -> ()
    %barrier3A_81 = arith.constant 0 : index
    tpu.barrier barrier_id(%barrier3A_81)
    "tpu.region"() ({
      %run_scoped3A_87 = tpu.sem_alloc : memref<!tpu.dma_semaphore, #tpu.memory_space<semaphore_mem>>
      %dma_start3A_88 = arith.constant 0 : i32
      %dma_start3A_89 = arith.constant 0 : i32
      %dma_start3A_90 = tpu.memref_slice %arg6[%arg0, %dma_start3A_88, %dma_start3A_89] : memref<2x10000x128xf32, #tpu.memory_space<hbm>> -> memref<1x10000x128xf32, #tpu.memory_space<hbm>>
      %dma_start3A_91 = tpu.memref_squeeze %dma_start3A_90 : memref<1x10000x128xf32, #tpu.memory_space<hbm>> -> memref<10000x128xf32, #tpu.memory_space<hbm>>
      %dma_start3A_92 = arith.constant 0 : i32
      %dma_start3A_93 = tpu.memref_slice %dma_start3A_91[%mul3A_2, %dma_start3A_92] : memref<10000x128xf32, #tpu.memory_space<hbm>> -> memref<624x128xf32, #tpu.memory_space<hbm>>
      %dma_start3A_94 = arith.constant 0 : i32
      %dma_start3A_95 = tpu.memref_slice %arg11[%mul3A_2, %dma_start3A_94] : memref<10000x128xf32, #tpu.memory_space<vmem_shared>> -> memref<624x128xf32, #tpu.memory_space<vmem_shared>>
      tpu.enqueue_dma source(%dma_start3A_95 : memref<624x128xf32, #tpu.memory_space<vmem_shared>>) target(%dma_start3A_93 : memref<624x128xf32, #tpu.memory_space<hbm>>) target_semaphore(%run_scoped3A_87 : memref<!tpu.dma_semaphore, #tpu.memory_space<semaphore_mem>>)
      %dma_wait3A_96 = arith.constant 0 : i32
      %dma_wait3A_97 = arith.constant 0 : i32
      %dma_wait3A_98 = tpu.memref_slice %arg6[%arg0, %dma_wait3A_96, %dma_wait3A_97] : memref<2x10000x128xf32, #tpu.memory_space<hbm>> -> memref<1x10000x128xf32, #tpu.memory_space<hbm>>
      %dma_wait3A_99 = tpu.memref_squeeze %dma_wait3A_98 : memref<1x10000x128xf32, #tpu.memory_space<hbm>> -> memref<10000x128xf32, #tpu.memory_space<hbm>>
      %dma_wait3A_100 = arith.constant 0 : i32
      %dma_wait3A_101 = tpu.memref_slice %dma_wait3A_99[%mul3A_2, %dma_wait3A_100] : memref<10000x128xf32, #tpu.memory_space<hbm>> -> memref<624x128xf32, #tpu.memory_space<hbm>>
      %dma_wait3A_102 = arith.constant 0 : i32
      %dma_wait3A_103 = tpu.memref_slice %arg11[%mul3A_2, %dma_wait3A_102] : memref<10000x128xf32, #tpu.memory_space<vmem_shared>> -> memref<624x128xf32, #tpu.memory_space<vmem_shared>>
      tpu.wait_dma2 semaphore(%run_scoped3A_87 : memref<!tpu.dma_semaphore, #tpu.memory_space<semaphore_mem>>) src(%dma_wait3A_103 : memref<624x128xf32, #tpu.memory_space<vmem_shared>>) dst(%dma_wait3A_101 : memref<624x128xf32, #tpu.memory_space<hbm>>)
      tpu.yield
    }) : () -> ()
    %eq3A_82 = arith.constant 15 : i32
    %eq3A_83 = arith.cmpi eq, %arg1, %eq3A_82 : i32
    %convert_element_type3A_84 = arith.extui %eq3A_83 : i1 to i32
    %cond3A_85 = arith.constant 0 : i32
    %cond3A_86 = arith.cmpi ne, %convert_element_type3A_84, %cond3A_85 : i32
    scf.if %cond3A_86 {
      "tpu.region"() ({
        %run_scoped3A_87 = tpu.sem_alloc : memref<!tpu.dma_semaphore, #tpu.memory_space<semaphore_mem>>
        %dma_start3A_88 = arith.constant 0 : i32
        %dma_start3A_89 = arith.constant 0 : i32
        %dma_start3A_90 = tpu.memref_slice %arg6[%arg0, %dma_start3A_88, %dma_start3A_89] : memref<2x10000x128xf32, #tpu.memory_space<hbm>> -> memref<1x10000x128xf32, #tpu.memory_space<hbm>>
        %dma_start3A_91 = tpu.memref_squeeze %dma_start3A_90 : memref<1x10000x128xf32, #tpu.memory_space<hbm>> -> memref<10000x128xf32, #tpu.memory_space<hbm>>
        %dma_start3A_92 = arith.constant 9984 : i32
        %dma_start3A_93 = arith.constant 0 : i32
        %dma_start3A_94 = tpu.memref_slice %dma_start3A_91[%dma_start3A_92, %dma_start3A_93] : memref<10000x128xf32, #tpu.memory_space<hbm>> -> memref<16x128xf32, #tpu.memory_space<hbm>>
        %dma_start3A_95 = arith.constant 9984 : i32
        %dma_start3A_96 = arith.constant 0 : i32
        %dma_start3A_97 = tpu.memref_slice %arg11[%dma_start3A_95, %dma_start3A_96] : memref<10000x128xf32, #tpu.memory_space<vmem_shared>> -> memref<16x128xf32, #tpu.memory_space<vmem_shared>>
        tpu.enqueue_dma source(%dma_start3A_97 : memref<16x128xf32, #tpu.memory_space<vmem_shared>>) target(%dma_start3A_94 : memref<16x128xf32, #tpu.memory_space<hbm>>) target_semaphore(%run_scoped3A_87 : memref<!tpu.dma_semaphore, #tpu.memory_space<semaphore_mem>>)
        %dma_wait3A_98 = arith.constant 0 : i32
        %dma_wait3A_99 = arith.constant 0 : i32
        %dma_wait3A_100 = tpu.memref_slice %arg6[%arg0, %dma_wait3A_98, %dma_wait3A_99] : memref<2x10000x128xf32, #tpu.memory_space<hbm>> -> memref<1x10000x128xf32, #tpu.memory_space<hbm>>
        %dma_wait3A_101 = tpu.memref_squeeze %dma_wait3A_100 : memref<1x10000x128xf32, #tpu.memory_space<hbm>> -> memref<10000x128xf32, #tpu.memory_space<hbm>>
        %dma_wait3A_102 = arith.constant 9984 : i32
        %dma_wait3A_103 = arith.constant 0 : i32
        %dma_wait3A_104 = tpu.memref_slice %dma_wait3A_101[%dma_wait3A_102, %dma_wait3A_103] : memref<10000x128xf32, #tpu.memory_space<hbm>> -> memref<16x128xf32, #tpu.memory_space<hbm>>
        %dma_wait3A_105 = arith.constant 9984 : i32
        %dma_wait3A_106 = arith.constant 0 : i32
        %dma_wait3A_107 = tpu.memref_slice %arg11[%dma_wait3A_105, %dma_wait3A_106] : memref<10000x128xf32, #tpu.memory_space<vmem_shared>> -> memref<16x128xf32, #tpu.memory_space<vmem_shared>>
        tpu.wait_dma2 semaphore(%run_scoped3A_87 : memref<!tpu.dma_semaphore, #tpu.memory_space<semaphore_mem>>) src(%dma_wait3A_107 : memref<16x128xf32, #tpu.memory_space<vmem_shared>>) dst(%dma_wait3A_104 : memref<16x128xf32, #tpu.memory_space<hbm>>)
        tpu.yield
      }) : () -> ()
    } else {
    }
    return
  }
}

#map = affine_map<(d0, d1) -> (0, 0)>
#map1 = affine_map<(d0, d1) -> (0, 0, 0)>
module attributes {stable_mosaic.version = 14 : i64} {
  func.func @edge_agg(%arg0: i32, %arg1: i32, %arg2: memref<10000x128xf32, #tpu.memory_space<hbm>>, %arg3: memref<2560x125xi32, #tpu.memory_space<hbm>>, %arg4: memref<2560x125xi32, #tpu.memory_space<hbm>>, %arg5: memref<10000x128xf32, #tpu.memory_space<hbm>>, %arg6: memref<2x10000x128xf32, #tpu.memory_space<hbm>>, %arg7: memref<40x125xi32, #tpu.memory_space<vmem>>, %arg8: memref<40x125xi32, #tpu.memory_space<vmem>>, %arg9: memref<125x128xf32, #tpu.memory_space<vmem>>, %arg10: memref<125x128xf32, #tpu.memory_space<vmem>>, %arg11: memref<10000x128xf32, #tpu.memory_space<vmem_shared>>, %arg12: memref<!tpu.dma_semaphore, #tpu.memory_space<semaphore_mem>>, %arg13: memref<!tpu.dma_semaphore, #tpu.memory_space<semaphore_mem>>) attributes {dimension_semantics = [#tpu.dimension_semantics<core_parallel>, #tpu.dimension_semantics<subcore_parallel>], iteration_bounds = array<i64: 2, 16>, scalar_prefetch = 0 : i64, scratch_operands = 7 : i64, tpu.core_type = #tpu.core_type<sc_vector_subcore>, window_params = [{transform_indices = #map}, {transform_indices = #map}, {transform_indices = #map}, {transform_indices = #map}, {transform_indices = #map1}]} {
    %mul3A = arith.constant 2 : i32
    %mul3A_0 = arith.muli %arg1, %mul3A : i32
    %add3A = arith.addi %mul3A_0, %arg0 : i32
    %mul3A_1 = arith.constant 624 : i32
    %mul3A_2 = arith.muli %arg1, %mul3A_1 : i32
    %mul3A_3 = arith.constant 80 : i32
    %mul3A_4 = arith.muli %add3A, %mul3A_3 : i32
    "tpu.region"() ({
      %run_scoped3A_87 = tpu.sem_alloc : memref<!tpu.dma_semaphore, #tpu.memory_space<semaphore_mem>>
      %dma_start3A_88 = arith.constant 0 : i32
      %dma_start3A_89 = tpu.memref_slice %arg3[%mul3A_4, %dma_start3A_88] : memref<2560x125xi32, #tpu.memory_space<hbm>> -> memref<40x125xi32, #tpu.memory_space<hbm>>
      %dma_start3A_90 = arith.constant 0 : i32
      %dma_start3A_91 = tpu.memref_slice %arg3[%mul3A_4, %dma_start3A_90] : memref<2560x125xi32, #tpu.memory_space<hbm>> -> memref<40x125xi32, #tpu.memory_space<hbm>>
      tpu.enqueue_dma source(%dma_start3A_91 : memref<40x125xi32, #tpu.memory_space<hbm>>) target(%arg7 : memref<40x125xi32, #tpu.memory_space<vmem>>) target_semaphore(%run_scoped3A_87 : memref<!tpu.dma_semaphore, #tpu.memory_space<semaphore_mem>>)
      %dma_wait3A_92 = arith.constant 0 : i32
      %dma_wait3A_93 = tpu.memref_slice %arg3[%mul3A_4, %dma_wait3A_92] : memref<2560x125xi32, #tpu.memory_space<hbm>> -> memref<40x125xi32, #tpu.memory_space<hbm>>
      %dma_wait3A_94 = arith.constant 0 : i32
      %dma_wait3A_95 = tpu.memref_slice %arg3[%mul3A_4, %dma_wait3A_94] : memref<2560x125xi32, #tpu.memory_space<hbm>> -> memref<40x125xi32, #tpu.memory_space<hbm>>
      tpu.wait_dma2 semaphore(%run_scoped3A_87 : memref<!tpu.dma_semaphore, #tpu.memory_space<semaphore_mem>>) src(%dma_wait3A_95 : memref<40x125xi32, #tpu.memory_space<hbm>>) dst(%arg7 : memref<40x125xi32, #tpu.memory_space<vmem>>)
      tpu.yield
    }) : () -> ()
    %mul3A_5 = arith.constant 80 : i32
    %mul3A_6 = arith.muli %add3A, %mul3A_5 : i32
    "tpu.region"() ({
      %run_scoped3A_87 = tpu.sem_alloc : memref<!tpu.dma_semaphore, #tpu.memory_space<semaphore_mem>>
      %dma_start3A_88 = arith.constant 0 : i32
      %dma_start3A_89 = tpu.memref_slice %arg4[%mul3A_6, %dma_start3A_88] : memref<2560x125xi32, #tpu.memory_space<hbm>> -> memref<40x125xi32, #tpu.memory_space<hbm>>
      %dma_start3A_90 = arith.constant 0 : i32
      %dma_start3A_91 = tpu.memref_slice %arg4[%mul3A_6, %dma_start3A_90] : memref<2560x125xi32, #tpu.memory_space<hbm>> -> memref<40x125xi32, #tpu.memory_space<hbm>>
      tpu.enqueue_dma source(%dma_start3A_91 : memref<40x125xi32, #tpu.memory_space<hbm>>) target(%arg8 : memref<40x125xi32, #tpu.memory_space<vmem>>) target_semaphore(%run_scoped3A_87 : memref<!tpu.dma_semaphore, #tpu.memory_space<semaphore_mem>>)
      %dma_wait3A_92 = arith.constant 0 : i32
      %dma_wait3A_93 = tpu.memref_slice %arg4[%mul3A_6, %dma_wait3A_92] : memref<2560x125xi32, #tpu.memory_space<hbm>> -> memref<40x125xi32, #tpu.memory_space<hbm>>
      %dma_wait3A_94 = arith.constant 0 : i32
      %dma_wait3A_95 = tpu.memref_slice %arg4[%mul3A_6, %dma_wait3A_94] : memref<2560x125xi32, #tpu.memory_space<hbm>> -> memref<40x125xi32, #tpu.memory_space<hbm>>
      tpu.wait_dma2 semaphore(%run_scoped3A_87 : memref<!tpu.dma_semaphore, #tpu.memory_space<semaphore_mem>>) src(%dma_wait3A_95 : memref<40x125xi32, #tpu.memory_space<hbm>>) dst(%arg8 : memref<40x125xi32, #tpu.memory_space<vmem>>)
      tpu.yield
    }) : () -> ()
    %dma_start3A = arith.constant 0 : i32
    %dma_start3A_7 = arith.constant 0 : i32
    %dma_start3A_8 = tpu.memref_slice %arg7[%dma_start3A, %dma_start3A_7] : memref<40x125xi32, #tpu.memory_space<vmem>> -> memref<1x125xi32, #tpu.memory_space<vmem>>
    %dma_start3A_9 = tpu.memref_squeeze %dma_start3A_8 : memref<1x125xi32, #tpu.memory_space<vmem>> -> memref<125xi32, #tpu.memory_space<vmem>>
    %dma_start3A_10 = arith.constant 0 : i32
    %dma_start3A_11 = arith.constant 0 : i32
    %dma_start3A_12 = tpu.memref_slice %arg2[%dma_start3A_10, %dma_start3A_11] : memref<10000x128xf32, #tpu.memory_space<hbm>> -> memref<10000x128xf32, #tpu.memory_space<hbm>>
    tpu.enqueue_indirect_dma source(%dma_start3A_12 : memref<10000x128xf32, #tpu.memory_space<hbm>>) target(%arg9 : memref<125x128xf32, #tpu.memory_space<vmem>>) offsets(%dma_start3A_9 : memref<125xi32, #tpu.memory_space<vmem>>) semaphore(%arg12 : memref<!tpu.dma_semaphore, #tpu.memory_space<semaphore_mem>>)
    %dma_start3A_13 = arith.constant 1 : i32
    %dma_start3A_14 = arith.constant 0 : i32
    %dma_start3A_15 = tpu.memref_slice %arg7[%dma_start3A_13, %dma_start3A_14] : memref<40x125xi32, #tpu.memory_space<vmem>> -> memref<1x125xi32, #tpu.memory_space<vmem>>
    %dma_start3A_16 = tpu.memref_squeeze %dma_start3A_15 : memref<1x125xi32, #tpu.memory_space<vmem>> -> memref<125xi32, #tpu.memory_space<vmem>>
    %dma_start3A_17 = arith.constant 0 : i32
    %dma_start3A_18 = arith.constant 0 : i32
    %dma_start3A_19 = tpu.memref_slice %arg2[%dma_start3A_17, %dma_start3A_18] : memref<10000x128xf32, #tpu.memory_space<hbm>> -> memref<10000x128xf32, #tpu.memory_space<hbm>>
    tpu.enqueue_indirect_dma source(%dma_start3A_19 : memref<10000x128xf32, #tpu.memory_space<hbm>>) target(%arg10 : memref<125x128xf32, #tpu.memory_space<vmem>>) offsets(%dma_start3A_16 : memref<125xi32, #tpu.memory_space<vmem>>) semaphore(%arg13 : memref<!tpu.dma_semaphore, #tpu.memory_space<semaphore_mem>>)
    "tpu.region"() ({
      %run_scoped3A_87 = tpu.sem_alloc : memref<!tpu.dma_semaphore, #tpu.memory_space<semaphore_mem>>
      %dma_start3A_88 = arith.constant 0 : i32
      %dma_start3A_89 = tpu.memref_slice %arg11[%mul3A_2, %dma_start3A_88] : memref<10000x128xf32, #tpu.memory_space<vmem_shared>> -> memref<624x128xf32, #tpu.memory_space<vmem_shared>>
      %dma_start3A_90 = arith.constant 0 : i32
      %dma_start3A_91 = tpu.memref_slice %arg5[%mul3A_2, %dma_start3A_90] : memref<10000x128xf32, #tpu.memory_space<hbm>> -> memref<624x128xf32, #tpu.memory_space<hbm>>
      tpu.enqueue_dma source(%dma_start3A_91 : memref<624x128xf32, #tpu.memory_space<hbm>>) target(%dma_start3A_89 : memref<624x128xf32, #tpu.memory_space<vmem_shared>>) target_semaphore(%run_scoped3A_87 : memref<!tpu.dma_semaphore, #tpu.memory_space<semaphore_mem>>)
      %dma_wait3A_92 = arith.constant 0 : i32
      %dma_wait3A_93 = tpu.memref_slice %arg11[%mul3A_2, %dma_wait3A_92] : memref<10000x128xf32, #tpu.memory_space<vmem_shared>> -> memref<624x128xf32, #tpu.memory_space<vmem_shared>>
      %dma_wait3A_94 = arith.constant 0 : i32
      %dma_wait3A_95 = tpu.memref_slice %arg5[%mul3A_2, %dma_wait3A_94] : memref<10000x128xf32, #tpu.memory_space<hbm>> -> memref<624x128xf32, #tpu.memory_space<hbm>>
      tpu.wait_dma2 semaphore(%run_scoped3A_87 : memref<!tpu.dma_semaphore, #tpu.memory_space<semaphore_mem>>) src(%dma_wait3A_95 : memref<624x128xf32, #tpu.memory_space<hbm>>) dst(%dma_wait3A_93 : memref<624x128xf32, #tpu.memory_space<vmem_shared>>)
      tpu.yield
    }) : () -> ()
    %eq3A = arith.constant 15 : i32
    %eq3A_20 = arith.cmpi eq, %arg1, %eq3A : i32
    %convert_element_type3A = arith.extui %eq3A_20 : i1 to i32
    %cond3A = arith.constant 0 : i32
    %cond3A_21 = arith.cmpi ne, %convert_element_type3A, %cond3A : i32
    scf.if %cond3A_21 {
      "tpu.region"() ({
        %run_scoped3A_87 = tpu.sem_alloc : memref<!tpu.dma_semaphore, #tpu.memory_space<semaphore_mem>>
        %dma_start3A_88 = arith.constant 9984 : i32
        %dma_start3A_89 = arith.constant 0 : i32
        %dma_start3A_90 = tpu.memref_slice %arg11[%dma_start3A_88, %dma_start3A_89] : memref<10000x128xf32, #tpu.memory_space<vmem_shared>> -> memref<16x128xf32, #tpu.memory_space<vmem_shared>>
        %dma_start3A_91 = arith.constant 9984 : i32
        %dma_start3A_92 = arith.constant 0 : i32
        %dma_start3A_93 = tpu.memref_slice %arg5[%dma_start3A_91, %dma_start3A_92] : memref<10000x128xf32, #tpu.memory_space<hbm>> -> memref<16x128xf32, #tpu.memory_space<hbm>>
        tpu.enqueue_dma source(%dma_start3A_93 : memref<16x128xf32, #tpu.memory_space<hbm>>) target(%dma_start3A_90 : memref<16x128xf32, #tpu.memory_space<vmem_shared>>) target_semaphore(%run_scoped3A_87 : memref<!tpu.dma_semaphore, #tpu.memory_space<semaphore_mem>>)
        %dma_wait3A_94 = arith.constant 9984 : i32
        %dma_wait3A_95 = arith.constant 0 : i32
        %dma_wait3A_96 = tpu.memref_slice %arg11[%dma_wait3A_94, %dma_wait3A_95] : memref<10000x128xf32, #tpu.memory_space<vmem_shared>> -> memref<16x128xf32, #tpu.memory_space<vmem_shared>>
        %dma_wait3A_97 = arith.constant 9984 : i32
        %dma_wait3A_98 = arith.constant 0 : i32
        %dma_wait3A_99 = tpu.memref_slice %arg5[%dma_wait3A_97, %dma_wait3A_98] : memref<10000x128xf32, #tpu.memory_space<hbm>> -> memref<16x128xf32, #tpu.memory_space<hbm>>
        tpu.wait_dma2 semaphore(%run_scoped3A_87 : memref<!tpu.dma_semaphore, #tpu.memory_space<semaphore_mem>>) src(%dma_wait3A_99 : memref<16x128xf32, #tpu.memory_space<hbm>>) dst(%dma_wait3A_96 : memref<16x128xf32, #tpu.memory_space<vmem_shared>>)
        tpu.yield
      }) : () -> ()
    } else {
    }
    %barrier3A = arith.constant 0 : index
    tpu.barrier barrier_id(%barrier3A)
    %scan3A = arith.constant 0 : i32
    %scan3A_22 = arith.constant 0 : i32
    %scan3A_23 = arith.constant 19 : i32
    %scan3A_24 = arith.addi %scan3A_22, %scan3A_23 : i32
    %scan3A_25 = arith.constant 1 : i32
    scf.for %scan3A_87 = %scan3A_22 to %scan3A_24 step %scan3A_25  : i32 {
      %mul3A_88 = arith.constant 2 : i32
      %mul3A_89 = arith.muli %scan3A_87, %mul3A_88 : i32
      %add3A_90 = arith.constant 0 : i32
      %add3A_91 = arith.addi %mul3A_89, %add3A_90 : i32
      %dma_wait3A_92 = arith.constant 0 : i32
      %dma_wait3A_93 = tpu.memref_slice %arg7[%add3A_91, %dma_wait3A_92] : memref<40x125xi32, #tpu.memory_space<vmem>> -> memref<1x125xi32, #tpu.memory_space<vmem>>
      %dma_wait3A_94 = tpu.memref_squeeze %dma_wait3A_93 : memref<1x125xi32, #tpu.memory_space<vmem>> -> memref<125xi32, #tpu.memory_space<vmem>>
      %dma_wait3A_95 = arith.constant 0 : i32
      %dma_wait3A_96 = arith.constant 0 : i32
      %dma_wait3A_97 = tpu.memref_slice %arg2[%dma_wait3A_95, %dma_wait3A_96] : memref<10000x128xf32, #tpu.memory_space<hbm>> -> memref<10000x128xf32, #tpu.memory_space<hbm>>
      tpu.wait_indirect_dma semaphore(%arg12 : memref<!tpu.dma_semaphore, #tpu.memory_space<semaphore_mem>>) src(%dma_wait3A_97 : memref<10000x128xf32, #tpu.memory_space<hbm>>) dst(%arg9 : memref<125x128xf32, #tpu.memory_space<vmem>>)
      %add3A_98 = arith.constant 0 : i32
      %add3A_99 = arith.addi %mul3A_89, %add3A_98 : i32
      "tpu.region"() ({
        %run_scoped3A_130 = tpu.sem_alloc : memref<!tpu.dma_semaphore, #tpu.memory_space<semaphore_mem>>
        %dma_start3A_131 = arith.constant 0 : i32
        %dma_start3A_132 = tpu.memref_slice %arg8[%add3A_99, %dma_start3A_131] : memref<40x125xi32, #tpu.memory_space<vmem>> -> memref<1x125xi32, #tpu.memory_space<vmem>>
        %dma_start3A_133 = tpu.memref_squeeze %dma_start3A_132 : memref<1x125xi32, #tpu.memory_space<vmem>> -> memref<125xi32, #tpu.memory_space<vmem>>
        %dma_start3A_134 = arith.constant 0 : i32
        %dma_start3A_135 = arith.constant 0 : i32
        %dma_start3A_136 = tpu.memref_slice %arg11[%dma_start3A_134, %dma_start3A_135] : memref<10000x128xf32, #tpu.memory_space<vmem_shared>> -> memref<10000x128xf32, #tpu.memory_space<vmem_shared>>
        tpu.enqueue_indirect_dma source(%arg9 : memref<125x128xf32, #tpu.memory_space<vmem>>) target(%dma_start3A_136 : memref<10000x128xf32, #tpu.memory_space<vmem_shared>>) offsets(%dma_start3A_133 : memref<125xi32, #tpu.memory_space<vmem>>) semaphore(%run_scoped3A_130 : memref<!tpu.dma_semaphore, #tpu.memory_space<semaphore_mem>>) {add = true}
        %dma_wait3A_137 = arith.constant 0 : i32
        %dma_wait3A_138 = tpu.memref_slice %arg8[%add3A_99, %dma_wait3A_137] : memref<40x125xi32, #tpu.memory_space<vmem>> -> memref<1x125xi32, #tpu.memory_space<vmem>>
        %dma_wait3A_139 = tpu.memref_squeeze %dma_wait3A_138 : memref<1x125xi32, #tpu.memory_space<vmem>> -> memref<125xi32, #tpu.memory_space<vmem>>
        %dma_wait3A_140 = arith.constant 0 : i32
        %dma_wait3A_141 = arith.constant 0 : i32
        %dma_wait3A_142 = tpu.memref_slice %arg11[%dma_wait3A_140, %dma_wait3A_141] : memref<10000x128xf32, #tpu.memory_space<vmem_shared>> -> memref<10000x128xf32, #tpu.memory_space<vmem_shared>>
        tpu.wait_indirect_dma semaphore(%run_scoped3A_130 : memref<!tpu.dma_semaphore, #tpu.memory_space<semaphore_mem>>) src(%arg9 : memref<125x128xf32, #tpu.memory_space<vmem>>) dst(%dma_wait3A_142 : memref<10000x128xf32, #tpu.memory_space<vmem_shared>>)
        tpu.yield
      }) : () -> ()
      %add3A_100 = arith.constant 2 : i32
      %add3A_101 = arith.addi %mul3A_89, %add3A_100 : i32
      %add3A_102 = arith.constant 0 : i32
      %add3A_103 = arith.addi %add3A_101, %add3A_102 : i32
      %dma_start3A_104 = arith.constant 0 : i32
      %dma_start3A_105 = tpu.memref_slice %arg7[%add3A_103, %dma_start3A_104] : memref<40x125xi32, #tpu.memory_space<vmem>> -> memref<1x125xi32, #tpu.memory_space<vmem>>
      %dma_start3A_106 = tpu.memref_squeeze %dma_start3A_105 : memref<1x125xi32, #tpu.memory_space<vmem>> -> memref<125xi32, #tpu.memory_space<vmem>>
      %dma_start3A_107 = arith.constant 0 : i32
      %dma_start3A_108 = arith.constant 0 : i32
      %dma_start3A_109 = tpu.memref_slice %arg2[%dma_start3A_107, %dma_start3A_108] : memref<10000x128xf32, #tpu.memory_space<hbm>> -> memref<10000x128xf32, #tpu.memory_space<hbm>>
      tpu.enqueue_indirect_dma source(%dma_start3A_109 : memref<10000x128xf32, #tpu.memory_space<hbm>>) target(%arg9 : memref<125x128xf32, #tpu.memory_space<vmem>>) offsets(%dma_start3A_106 : memref<125xi32, #tpu.memory_space<vmem>>) semaphore(%arg12 : memref<!tpu.dma_semaphore, #tpu.memory_space<semaphore_mem>>)
      %add3A_110 = arith.constant 1 : i32
      %add3A_111 = arith.addi %mul3A_89, %add3A_110 : i32
      %dma_wait3A_112 = arith.constant 0 : i32
      %dma_wait3A_113 = tpu.memref_slice %arg7[%add3A_111, %dma_wait3A_112] : memref<40x125xi32, #tpu.memory_space<vmem>> -> memref<1x125xi32, #tpu.memory_space<vmem>>
      %dma_wait3A_114 = tpu.memref_squeeze %dma_wait3A_113 : memref<1x125xi32, #tpu.memory_space<vmem>> -> memref<125xi32, #tpu.memory_space<vmem>>
      %dma_wait3A_115 = arith.constant 0 : i32
      %dma_wait3A_116 = arith.constant 0 : i32
      %dma_wait3A_117 = tpu.memref_slice %arg2[%dma_wait3A_115, %dma_wait3A_116] : memref<10000x128xf32, #tpu.memory_space<hbm>> -> memref<10000x128xf32, #tpu.memory_space<hbm>>
      tpu.wait_indirect_dma semaphore(%arg13 : memref<!tpu.dma_semaphore, #tpu.memory_space<semaphore_mem>>) src(%dma_wait3A_117 : memref<10000x128xf32, #tpu.memory_space<hbm>>) dst(%arg10 : memref<125x128xf32, #tpu.memory_space<vmem>>)
      %add3A_118 = arith.constant 1 : i32
      %add3A_119 = arith.addi %mul3A_89, %add3A_118 : i32
      "tpu.region"() ({
        %run_scoped3A_130 = tpu.sem_alloc : memref<!tpu.dma_semaphore, #tpu.memory_space<semaphore_mem>>
        %dma_start3A_131 = arith.constant 0 : i32
        %dma_start3A_132 = tpu.memref_slice %arg8[%add3A_119, %dma_start3A_131] : memref<40x125xi32, #tpu.memory_space<vmem>> -> memref<1x125xi32, #tpu.memory_space<vmem>>
        %dma_start3A_133 = tpu.memref_squeeze %dma_start3A_132 : memref<1x125xi32, #tpu.memory_space<vmem>> -> memref<125xi32, #tpu.memory_space<vmem>>
        %dma_start3A_134 = arith.constant 0 : i32
        %dma_start3A_135 = arith.constant 0 : i32
        %dma_start3A_136 = tpu.memref_slice %arg11[%dma_start3A_134, %dma_start3A_135] : memref<10000x128xf32, #tpu.memory_space<vmem_shared>> -> memref<10000x128xf32, #tpu.memory_space<vmem_shared>>
        tpu.enqueue_indirect_dma source(%arg10 : memref<125x128xf32, #tpu.memory_space<vmem>>) target(%dma_start3A_136 : memref<10000x128xf32, #tpu.memory_space<vmem_shared>>) offsets(%dma_start3A_133 : memref<125xi32, #tpu.memory_space<vmem>>) semaphore(%run_scoped3A_130 : memref<!tpu.dma_semaphore, #tpu.memory_space<semaphore_mem>>) {add = true}
        %dma_wait3A_137 = arith.constant 0 : i32
        %dma_wait3A_138 = tpu.memref_slice %arg8[%add3A_119, %dma_wait3A_137] : memref<40x125xi32, #tpu.memory_space<vmem>> -> memref<1x125xi32, #tpu.memory_space<vmem>>
        %dma_wait3A_139 = tpu.memref_squeeze %dma_wait3A_138 : memref<1x125xi32, #tpu.memory_space<vmem>> -> memref<125xi32, #tpu.memory_space<vmem>>
        %dma_wait3A_140 = arith.constant 0 : i32
        %dma_wait3A_141 = arith.constant 0 : i32
        %dma_wait3A_142 = tpu.memref_slice %arg11[%dma_wait3A_140, %dma_wait3A_141] : memref<10000x128xf32, #tpu.memory_space<vmem_shared>> -> memref<10000x128xf32, #tpu.memory_space<vmem_shared>>
        tpu.wait_indirect_dma semaphore(%run_scoped3A_130 : memref<!tpu.dma_semaphore, #tpu.memory_space<semaphore_mem>>) src(%arg10 : memref<125x128xf32, #tpu.memory_space<vmem>>) dst(%dma_wait3A_142 : memref<10000x128xf32, #tpu.memory_space<vmem_shared>>)
        tpu.yield
      }) : () -> ()
      %add3A_120 = arith.constant 2 : i32
      %add3A_121 = arith.addi %mul3A_89, %add3A_120 : i32
      %add3A_122 = arith.constant 1 : i32
      %add3A_123 = arith.addi %add3A_121, %add3A_122 : i32
      %dma_start3A_124 = arith.constant 0 : i32
      %dma_start3A_125 = tpu.memref_slice %arg7[%add3A_123, %dma_start3A_124] : memref<40x125xi32, #tpu.memory_space<vmem>> -> memref<1x125xi32, #tpu.memory_space<vmem>>
      %dma_start3A_126 = tpu.memref_squeeze %dma_start3A_125 : memref<1x125xi32, #tpu.memory_space<vmem>> -> memref<125xi32, #tpu.memory_space<vmem>>
      %dma_start3A_127 = arith.constant 0 : i32
      %dma_start3A_128 = arith.constant 0 : i32
      %dma_start3A_129 = tpu.memref_slice %arg2[%dma_start3A_127, %dma_start3A_128] : memref<10000x128xf32, #tpu.memory_space<hbm>> -> memref<10000x128xf32, #tpu.memory_space<hbm>>
      tpu.enqueue_indirect_dma source(%dma_start3A_129 : memref<10000x128xf32, #tpu.memory_space<hbm>>) target(%arg10 : memref<125x128xf32, #tpu.memory_space<vmem>>) offsets(%dma_start3A_126 : memref<125xi32, #tpu.memory_space<vmem>>) semaphore(%arg13 : memref<!tpu.dma_semaphore, #tpu.memory_space<semaphore_mem>>)
    }
    %scan3A_26 = arith.constant 19 : i32
    %dma_wait3A = arith.constant 38 : i32
    %dma_wait3A_27 = arith.constant 0 : i32
    %dma_wait3A_28 = tpu.memref_slice %arg7[%dma_wait3A, %dma_wait3A_27] : memref<40x125xi32, #tpu.memory_space<vmem>> -> memref<1x125xi32, #tpu.memory_space<vmem>>
    %dma_wait3A_29 = tpu.memref_squeeze %dma_wait3A_28 : memref<1x125xi32, #tpu.memory_space<vmem>> -> memref<125xi32, #tpu.memory_space<vmem>>
    %dma_wait3A_30 = arith.constant 0 : i32
    %dma_wait3A_31 = arith.constant 0 : i32
    %dma_wait3A_32 = tpu.memref_slice %arg2[%dma_wait3A_30, %dma_wait3A_31] : memref<10000x128xf32, #tpu.memory_space<hbm>> -> memref<10000x128xf32, #tpu.memory_space<hbm>>
    tpu.wait_indirect_dma semaphore(%arg12 : memref<!tpu.dma_semaphore, #tpu.memory_space<semaphore_mem>>) src(%dma_wait3A_32 : memref<10000x128xf32, #tpu.memory_space<hbm>>) dst(%arg9 : memref<125x128xf32, #tpu.memory_space<vmem>>)
    %run_scoped3A = arith.constant 38 : i32
    "tpu.region"() ({
      %run_scoped3A_87 = tpu.sem_alloc : memref<!tpu.dma_semaphore, #tpu.memory_space<semaphore_mem>>
      %dma_start3A_88 = arith.constant 0 : i32
      %dma_start3A_89 = tpu.memref_slice %arg8[%run_scoped3A, %dma_start3A_88] : memref<40x125xi32, #tpu.memory_space<vmem>> -> memref<1x125xi32, #tpu.memory_space<vmem>>
      %dma_start3A_90 = tpu.memref_squeeze %dma_start3A_89 : memref<1x125xi32, #tpu.memory_space<vmem>> -> memref<125xi32, #tpu.memory_space<vmem>>
      %dma_start3A_91 = arith.constant 0 : i32
      %dma_start3A_92 = arith.constant 0 : i32
      %dma_start3A_93 = tpu.memref_slice %arg11[%dma_start3A_91, %dma_start3A_92] : memref<10000x128xf32, #tpu.memory_space<vmem_shared>> -> memref<10000x128xf32, #tpu.memory_space<vmem_shared>>
      tpu.enqueue_indirect_dma source(%arg9 : memref<125x128xf32, #tpu.memory_space<vmem>>) target(%dma_start3A_93 : memref<10000x128xf32, #tpu.memory_space<vmem_shared>>) offsets(%dma_start3A_90 : memref<125xi32, #tpu.memory_space<vmem>>) semaphore(%run_scoped3A_87 : memref<!tpu.dma_semaphore, #tpu.memory_space<semaphore_mem>>) {add = true}
      %dma_wait3A_94 = arith.constant 0 : i32
      %dma_wait3A_95 = tpu.memref_slice %arg8[%run_scoped3A, %dma_wait3A_94] : memref<40x125xi32, #tpu.memory_space<vmem>> -> memref<1x125xi32, #tpu.memory_space<vmem>>
      %dma_wait3A_96 = tpu.memref_squeeze %dma_wait3A_95 : memref<1x125xi32, #tpu.memory_space<vmem>> -> memref<125xi32, #tpu.memory_space<vmem>>
      %dma_wait3A_97 = arith.constant 0 : i32
      %dma_wait3A_98 = arith.constant 0 : i32
      %dma_wait3A_99 = tpu.memref_slice %arg11[%dma_wait3A_97, %dma_wait3A_98] : memref<10000x128xf32, #tpu.memory_space<vmem_shared>> -> memref<10000x128xf32, #tpu.memory_space<vmem_shared>>
      tpu.wait_indirect_dma semaphore(%run_scoped3A_87 : memref<!tpu.dma_semaphore, #tpu.memory_space<semaphore_mem>>) src(%arg9 : memref<125x128xf32, #tpu.memory_space<vmem>>) dst(%dma_wait3A_99 : memref<10000x128xf32, #tpu.memory_space<vmem_shared>>)
      tpu.yield
    }) : () -> ()
    %dma_wait3A_33 = arith.constant 39 : i32
    %dma_wait3A_34 = arith.constant 0 : i32
    %dma_wait3A_35 = tpu.memref_slice %arg7[%dma_wait3A_33, %dma_wait3A_34] : memref<40x125xi32, #tpu.memory_space<vmem>> -> memref<1x125xi32, #tpu.memory_space<vmem>>
    %dma_wait3A_36 = tpu.memref_squeeze %dma_wait3A_35 : memref<1x125xi32, #tpu.memory_space<vmem>> -> memref<125xi32, #tpu.memory_space<vmem>>
    %dma_wait3A_37 = arith.constant 0 : i32
    %dma_wait3A_38 = arith.constant 0 : i32
    %dma_wait3A_39 = tpu.memref_slice %arg2[%dma_wait3A_37, %dma_wait3A_38] : memref<10000x128xf32, #tpu.memory_space<hbm>> -> memref<10000x128xf32, #tpu.memory_space<hbm>>
    tpu.wait_indirect_dma semaphore(%arg13 : memref<!tpu.dma_semaphore, #tpu.memory_space<semaphore_mem>>) src(%dma_wait3A_39 : memref<10000x128xf32, #tpu.memory_space<hbm>>) dst(%arg10 : memref<125x128xf32, #tpu.memory_space<vmem>>)
    %run_scoped3A_40 = arith.constant 39 : i32
    "tpu.region"() ({
      %run_scoped3A_87 = tpu.sem_alloc : memref<!tpu.dma_semaphore, #tpu.memory_space<semaphore_mem>>
      %dma_start3A_88 = arith.constant 0 : i32
      %dma_start3A_89 = tpu.memref_slice %arg8[%run_scoped3A_40, %dma_start3A_88] : memref<40x125xi32, #tpu.memory_space<vmem>> -> memref<1x125xi32, #tpu.memory_space<vmem>>
      %dma_start3A_90 = tpu.memref_squeeze %dma_start3A_89 : memref<1x125xi32, #tpu.memory_space<vmem>> -> memref<125xi32, #tpu.memory_space<vmem>>
      %dma_start3A_91 = arith.constant 0 : i32
      %dma_start3A_92 = arith.constant 0 : i32
      %dma_start3A_93 = tpu.memref_slice %arg11[%dma_start3A_91, %dma_start3A_92] : memref<10000x128xf32, #tpu.memory_space<vmem_shared>> -> memref<10000x128xf32, #tpu.memory_space<vmem_shared>>
      tpu.enqueue_indirect_dma source(%arg10 : memref<125x128xf32, #tpu.memory_space<vmem>>) target(%dma_start3A_93 : memref<10000x128xf32, #tpu.memory_space<vmem_shared>>) offsets(%dma_start3A_90 : memref<125xi32, #tpu.memory_space<vmem>>) semaphore(%run_scoped3A_87 : memref<!tpu.dma_semaphore, #tpu.memory_space<semaphore_mem>>) {add = true}
      %dma_wait3A_94 = arith.constant 0 : i32
      %dma_wait3A_95 = tpu.memref_slice %arg8[%run_scoped3A_40, %dma_wait3A_94] : memref<40x125xi32, #tpu.memory_space<vmem>> -> memref<1x125xi32, #tpu.memory_space<vmem>>
      %dma_wait3A_96 = tpu.memref_squeeze %dma_wait3A_95 : memref<1x125xi32, #tpu.memory_space<vmem>> -> memref<125xi32, #tpu.memory_space<vmem>>
      %dma_wait3A_97 = arith.constant 0 : i32
      %dma_wait3A_98 = arith.constant 0 : i32
      %dma_wait3A_99 = tpu.memref_slice %arg11[%dma_wait3A_97, %dma_wait3A_98] : memref<10000x128xf32, #tpu.memory_space<vmem_shared>> -> memref<10000x128xf32, #tpu.memory_space<vmem_shared>>
      tpu.wait_indirect_dma semaphore(%run_scoped3A_87 : memref<!tpu.dma_semaphore, #tpu.memory_space<semaphore_mem>>) src(%arg10 : memref<125x128xf32, #tpu.memory_space<vmem>>) dst(%dma_wait3A_99 : memref<10000x128xf32, #tpu.memory_space<vmem_shared>>)
      tpu.yield
    }) : () -> ()
    %mul3A_41 = arith.constant 80 : i32
    %mul3A_42 = arith.muli %add3A, %mul3A_41 : i32
    %add3A_43 = arith.constant 40 : i32
    %add3A_44 = arith.addi %mul3A_42, %add3A_43 : i32
    "tpu.region"() ({
      %run_scoped3A_87 = tpu.sem_alloc : memref<!tpu.dma_semaphore, #tpu.memory_space<semaphore_mem>>
      %dma_start3A_88 = arith.constant 0 : i32
      %dma_start3A_89 = tpu.memref_slice %arg3[%add3A_44, %dma_start3A_88] : memref<2560x125xi32, #tpu.memory_space<hbm>> -> memref<40x125xi32, #tpu.memory_space<hbm>>
      %dma_start3A_90 = arith.constant 0 : i32
      %dma_start3A_91 = tpu.memref_slice %arg3[%add3A_44, %dma_start3A_90] : memref<2560x125xi32, #tpu.memory_space<hbm>> -> memref<40x125xi32, #tpu.memory_space<hbm>>
      tpu.enqueue_dma source(%dma_start3A_91 : memref<40x125xi32, #tpu.memory_space<hbm>>) target(%arg7 : memref<40x125xi32, #tpu.memory_space<vmem>>) target_semaphore(%run_scoped3A_87 : memref<!tpu.dma_semaphore, #tpu.memory_space<semaphore_mem>>)
      %dma_wait3A_92 = arith.constant 0 : i32
      %dma_wait3A_93 = tpu.memref_slice %arg3[%add3A_44, %dma_wait3A_92] : memref<2560x125xi32, #tpu.memory_space<hbm>> -> memref<40x125xi32, #tpu.memory_space<hbm>>
      %dma_wait3A_94 = arith.constant 0 : i32
      %dma_wait3A_95 = tpu.memref_slice %arg3[%add3A_44, %dma_wait3A_94] : memref<2560x125xi32, #tpu.memory_space<hbm>> -> memref<40x125xi32, #tpu.memory_space<hbm>>
      tpu.wait_dma2 semaphore(%run_scoped3A_87 : memref<!tpu.dma_semaphore, #tpu.memory_space<semaphore_mem>>) src(%dma_wait3A_95 : memref<40x125xi32, #tpu.memory_space<hbm>>) dst(%arg7 : memref<40x125xi32, #tpu.memory_space<vmem>>)
      tpu.yield
    }) : () -> ()
    "tpu.region"() ({
      %run_scoped3A_87 = tpu.sem_alloc : memref<!tpu.dma_semaphore, #tpu.memory_space<semaphore_mem>>
      %dma_start3A_88 = arith.constant 0 : i32
      %dma_start3A_89 = tpu.memref_slice %arg4[%add3A_44, %dma_start3A_88] : memref<2560x125xi32, #tpu.memory_space<hbm>> -> memref<40x125xi32, #tpu.memory_space<hbm>>
      %dma_start3A_90 = arith.constant 0 : i32
      %dma_start3A_91 = tpu.memref_slice %arg4[%add3A_44, %dma_start3A_90] : memref<2560x125xi32, #tpu.memory_space<hbm>> -> memref<40x125xi32, #tpu.memory_space<hbm>>
      tpu.enqueue_dma source(%dma_start3A_91 : memref<40x125xi32, #tpu.memory_space<hbm>>) target(%arg8 : memref<40x125xi32, #tpu.memory_space<vmem>>) target_semaphore(%run_scoped3A_87 : memref<!tpu.dma_semaphore, #tpu.memory_space<semaphore_mem>>)
      %dma_wait3A_92 = arith.constant 0 : i32
      %dma_wait3A_93 = tpu.memref_slice %arg4[%add3A_44, %dma_wait3A_92] : memref<2560x125xi32, #tpu.memory_space<hbm>> -> memref<40x125xi32, #tpu.memory_space<hbm>>
      %dma_wait3A_94 = arith.constant 0 : i32
      %dma_wait3A_95 = tpu.memref_slice %arg4[%add3A_44, %dma_wait3A_94] : memref<2560x125xi32, #tpu.memory_space<hbm>> -> memref<40x125xi32, #tpu.memory_space<hbm>>
      tpu.wait_dma2 semaphore(%run_scoped3A_87 : memref<!tpu.dma_semaphore, #tpu.memory_space<semaphore_mem>>) src(%dma_wait3A_95 : memref<40x125xi32, #tpu.memory_space<hbm>>) dst(%arg8 : memref<40x125xi32, #tpu.memory_space<vmem>>)
      tpu.yield
    }) : () -> ()
    %dma_start3A_45 = arith.constant 0 : i32
    %dma_start3A_46 = arith.constant 0 : i32
    %dma_start3A_47 = tpu.memref_slice %arg7[%dma_start3A_45, %dma_start3A_46] : memref<40x125xi32, #tpu.memory_space<vmem>> -> memref<1x125xi32, #tpu.memory_space<vmem>>
    %dma_start3A_48 = tpu.memref_squeeze %dma_start3A_47 : memref<1x125xi32, #tpu.memory_space<vmem>> -> memref<125xi32, #tpu.memory_space<vmem>>
    %dma_start3A_49 = arith.constant 0 : i32
    %dma_start3A_50 = arith.constant 0 : i32
    %dma_start3A_51 = tpu.memref_slice %arg2[%dma_start3A_49, %dma_start3A_50] : memref<10000x128xf32, #tpu.memory_space<hbm>> -> memref<10000x128xf32, #tpu.memory_space<hbm>>
    tpu.enqueue_indirect_dma source(%dma_start3A_51 : memref<10000x128xf32, #tpu.memory_space<hbm>>) target(%arg9 : memref<125x128xf32, #tpu.memory_space<vmem>>) offsets(%dma_start3A_48 : memref<125xi32, #tpu.memory_space<vmem>>) semaphore(%arg12 : memref<!tpu.dma_semaphore, #tpu.memory_space<semaphore_mem>>)
    %dma_start3A_52 = arith.constant 1 : i32
    %dma_start3A_53 = arith.constant 0 : i32
    %dma_start3A_54 = tpu.memref_slice %arg7[%dma_start3A_52, %dma_start3A_53] : memref<40x125xi32, #tpu.memory_space<vmem>> -> memref<1x125xi32, #tpu.memory_space<vmem>>
    %dma_start3A_55 = tpu.memref_squeeze %dma_start3A_54 : memref<1x125xi32, #tpu.memory_space<vmem>> -> memref<125xi32, #tpu.memory_space<vmem>>
    %dma_start3A_56 = arith.constant 0 : i32
    %dma_start3A_57 = arith.constant 0 : i32
    %dma_start3A_58 = tpu.memref_slice %arg2[%dma_start3A_56, %dma_start3A_57] : memref<10000x128xf32, #tpu.memory_space<hbm>> -> memref<10000x128xf32, #tpu.memory_space<hbm>>
    tpu.enqueue_indirect_dma source(%dma_start3A_58 : memref<10000x128xf32, #tpu.memory_space<hbm>>) target(%arg10 : memref<125x128xf32, #tpu.memory_space<vmem>>) offsets(%dma_start3A_55 : memref<125xi32, #tpu.memory_space<vmem>>) semaphore(%arg13 : memref<!tpu.dma_semaphore, #tpu.memory_space<semaphore_mem>>)
    %scan3A_59 = arith.constant 0 : i32
    %scan3A_60 = arith.constant 0 : i32
    %scan3A_61 = arith.constant 19 : i32
    %scan3A_62 = arith.addi %scan3A_60, %scan3A_61 : i32
    %scan3A_63 = arith.constant 1 : i32
    scf.for %scan3A_87 = %scan3A_60 to %scan3A_62 step %scan3A_63  : i32 {
      %mul3A_88 = arith.constant 2 : i32
      %mul3A_89 = arith.muli %scan3A_87, %mul3A_88 : i32
      %add3A_90 = arith.constant 0 : i32
      %add3A_91 = arith.addi %mul3A_89, %add3A_90 : i32
      %dma_wait3A_92 = arith.constant 0 : i32
      %dma_wait3A_93 = tpu.memref_slice %arg7[%add3A_91, %dma_wait3A_92] : memref<40x125xi32, #tpu.memory_space<vmem>> -> memref<1x125xi32, #tpu.memory_space<vmem>>
      %dma_wait3A_94 = tpu.memref_squeeze %dma_wait3A_93 : memref<1x125xi32, #tpu.memory_space<vmem>> -> memref<125xi32, #tpu.memory_space<vmem>>
      %dma_wait3A_95 = arith.constant 0 : i32
      %dma_wait3A_96 = arith.constant 0 : i32
      %dma_wait3A_97 = tpu.memref_slice %arg2[%dma_wait3A_95, %dma_wait3A_96] : memref<10000x128xf32, #tpu.memory_space<hbm>> -> memref<10000x128xf32, #tpu.memory_space<hbm>>
      tpu.wait_indirect_dma semaphore(%arg12 : memref<!tpu.dma_semaphore, #tpu.memory_space<semaphore_mem>>) src(%dma_wait3A_97 : memref<10000x128xf32, #tpu.memory_space<hbm>>) dst(%arg9 : memref<125x128xf32, #tpu.memory_space<vmem>>)
      %add3A_98 = arith.constant 0 : i32
      %add3A_99 = arith.addi %mul3A_89, %add3A_98 : i32
      "tpu.region"() ({
        %run_scoped3A_130 = tpu.sem_alloc : memref<!tpu.dma_semaphore, #tpu.memory_space<semaphore_mem>>
        %dma_start3A_131 = arith.constant 0 : i32
        %dma_start3A_132 = tpu.memref_slice %arg8[%add3A_99, %dma_start3A_131] : memref<40x125xi32, #tpu.memory_space<vmem>> -> memref<1x125xi32, #tpu.memory_space<vmem>>
        %dma_start3A_133 = tpu.memref_squeeze %dma_start3A_132 : memref<1x125xi32, #tpu.memory_space<vmem>> -> memref<125xi32, #tpu.memory_space<vmem>>
        %dma_start3A_134 = arith.constant 0 : i32
        %dma_start3A_135 = arith.constant 0 : i32
        %dma_start3A_136 = tpu.memref_slice %arg11[%dma_start3A_134, %dma_start3A_135] : memref<10000x128xf32, #tpu.memory_space<vmem_shared>> -> memref<10000x128xf32, #tpu.memory_space<vmem_shared>>
        tpu.enqueue_indirect_dma source(%arg9 : memref<125x128xf32, #tpu.memory_space<vmem>>) target(%dma_start3A_136 : memref<10000x128xf32, #tpu.memory_space<vmem_shared>>) offsets(%dma_start3A_133 : memref<125xi32, #tpu.memory_space<vmem>>) semaphore(%run_scoped3A_130 : memref<!tpu.dma_semaphore, #tpu.memory_space<semaphore_mem>>) {add = true}
        %dma_wait3A_137 = arith.constant 0 : i32
        %dma_wait3A_138 = tpu.memref_slice %arg8[%add3A_99, %dma_wait3A_137] : memref<40x125xi32, #tpu.memory_space<vmem>> -> memref<1x125xi32, #tpu.memory_space<vmem>>
        %dma_wait3A_139 = tpu.memref_squeeze %dma_wait3A_138 : memref<1x125xi32, #tpu.memory_space<vmem>> -> memref<125xi32, #tpu.memory_space<vmem>>
        %dma_wait3A_140 = arith.constant 0 : i32
        %dma_wait3A_141 = arith.constant 0 : i32
        %dma_wait3A_142 = tpu.memref_slice %arg11[%dma_wait3A_140, %dma_wait3A_141] : memref<10000x128xf32, #tpu.memory_space<vmem_shared>> -> memref<10000x128xf32, #tpu.memory_space<vmem_shared>>
        tpu.wait_indirect_dma semaphore(%run_scoped3A_130 : memref<!tpu.dma_semaphore, #tpu.memory_space<semaphore_mem>>) src(%arg9 : memref<125x128xf32, #tpu.memory_space<vmem>>) dst(%dma_wait3A_142 : memref<10000x128xf32, #tpu.memory_space<vmem_shared>>)
        tpu.yield
      }) : () -> ()
      %add3A_100 = arith.constant 2 : i32
      %add3A_101 = arith.addi %mul3A_89, %add3A_100 : i32
      %add3A_102 = arith.constant 0 : i32
      %add3A_103 = arith.addi %add3A_101, %add3A_102 : i32
      %dma_start3A_104 = arith.constant 0 : i32
      %dma_start3A_105 = tpu.memref_slice %arg7[%add3A_103, %dma_start3A_104] : memref<40x125xi32, #tpu.memory_space<vmem>> -> memref<1x125xi32, #tpu.memory_space<vmem>>
      %dma_start3A_106 = tpu.memref_squeeze %dma_start3A_105 : memref<1x125xi32, #tpu.memory_space<vmem>> -> memref<125xi32, #tpu.memory_space<vmem>>
      %dma_start3A_107 = arith.constant 0 : i32
      %dma_start3A_108 = arith.constant 0 : i32
      %dma_start3A_109 = tpu.memref_slice %arg2[%dma_start3A_107, %dma_start3A_108] : memref<10000x128xf32, #tpu.memory_space<hbm>> -> memref<10000x128xf32, #tpu.memory_space<hbm>>
      tpu.enqueue_indirect_dma source(%dma_start3A_109 : memref<10000x128xf32, #tpu.memory_space<hbm>>) target(%arg9 : memref<125x128xf32, #tpu.memory_space<vmem>>) offsets(%dma_start3A_106 : memref<125xi32, #tpu.memory_space<vmem>>) semaphore(%arg12 : memref<!tpu.dma_semaphore, #tpu.memory_space<semaphore_mem>>)
      %add3A_110 = arith.constant 1 : i32
      %add3A_111 = arith.addi %mul3A_89, %add3A_110 : i32
      %dma_wait3A_112 = arith.constant 0 : i32
      %dma_wait3A_113 = tpu.memref_slice %arg7[%add3A_111, %dma_wait3A_112] : memref<40x125xi32, #tpu.memory_space<vmem>> -> memref<1x125xi32, #tpu.memory_space<vmem>>
      %dma_wait3A_114 = tpu.memref_squeeze %dma_wait3A_113 : memref<1x125xi32, #tpu.memory_space<vmem>> -> memref<125xi32, #tpu.memory_space<vmem>>
      %dma_wait3A_115 = arith.constant 0 : i32
      %dma_wait3A_116 = arith.constant 0 : i32
      %dma_wait3A_117 = tpu.memref_slice %arg2[%dma_wait3A_115, %dma_wait3A_116] : memref<10000x128xf32, #tpu.memory_space<hbm>> -> memref<10000x128xf32, #tpu.memory_space<hbm>>
      tpu.wait_indirect_dma semaphore(%arg13 : memref<!tpu.dma_semaphore, #tpu.memory_space<semaphore_mem>>) src(%dma_wait3A_117 : memref<10000x128xf32, #tpu.memory_space<hbm>>) dst(%arg10 : memref<125x128xf32, #tpu.memory_space<vmem>>)
      %add3A_118 = arith.constant 1 : i32
      %add3A_119 = arith.addi %mul3A_89, %add3A_118 : i32
      "tpu.region"() ({
        %run_scoped3A_130 = tpu.sem_alloc : memref<!tpu.dma_semaphore, #tpu.memory_space<semaphore_mem>>
        %dma_start3A_131 = arith.constant 0 : i32
        %dma_start3A_132 = tpu.memref_slice %arg8[%add3A_119, %dma_start3A_131] : memref<40x125xi32, #tpu.memory_space<vmem>> -> memref<1x125xi32, #tpu.memory_space<vmem>>
        %dma_start3A_133 = tpu.memref_squeeze %dma_start3A_132 : memref<1x125xi32, #tpu.memory_space<vmem>> -> memref<125xi32, #tpu.memory_space<vmem>>
        %dma_start3A_134 = arith.constant 0 : i32
        %dma_start3A_135 = arith.constant 0 : i32
        %dma_start3A_136 = tpu.memref_slice %arg11[%dma_start3A_134, %dma_start3A_135] : memref<10000x128xf32, #tpu.memory_space<vmem_shared>> -> memref<10000x128xf32, #tpu.memory_space<vmem_shared>>
        tpu.enqueue_indirect_dma source(%arg10 : memref<125x128xf32, #tpu.memory_space<vmem>>) target(%dma_start3A_136 : memref<10000x128xf32, #tpu.memory_space<vmem_shared>>) offsets(%dma_start3A_133 : memref<125xi32, #tpu.memory_space<vmem>>) semaphore(%run_scoped3A_130 : memref<!tpu.dma_semaphore, #tpu.memory_space<semaphore_mem>>) {add = true}
        %dma_wait3A_137 = arith.constant 0 : i32
        %dma_wait3A_138 = tpu.memref_slice %arg8[%add3A_119, %dma_wait3A_137] : memref<40x125xi32, #tpu.memory_space<vmem>> -> memref<1x125xi32, #tpu.memory_space<vmem>>
        %dma_wait3A_139 = tpu.memref_squeeze %dma_wait3A_138 : memref<1x125xi32, #tpu.memory_space<vmem>> -> memref<125xi32, #tpu.memory_space<vmem>>
        %dma_wait3A_140 = arith.constant 0 : i32
        %dma_wait3A_141 = arith.constant 0 : i32
        %dma_wait3A_142 = tpu.memref_slice %arg11[%dma_wait3A_140, %dma_wait3A_141] : memref<10000x128xf32, #tpu.memory_space<vmem_shared>> -> memref<10000x128xf32, #tpu.memory_space<vmem_shared>>
        tpu.wait_indirect_dma semaphore(%run_scoped3A_130 : memref<!tpu.dma_semaphore, #tpu.memory_space<semaphore_mem>>) src(%arg10 : memref<125x128xf32, #tpu.memory_space<vmem>>) dst(%dma_wait3A_142 : memref<10000x128xf32, #tpu.memory_space<vmem_shared>>)
        tpu.yield
      }) : () -> ()
      %add3A_120 = arith.constant 2 : i32
      %add3A_121 = arith.addi %mul3A_89, %add3A_120 : i32
      %add3A_122 = arith.constant 1 : i32
      %add3A_123 = arith.addi %add3A_121, %add3A_122 : i32
      %dma_start3A_124 = arith.constant 0 : i32
      %dma_start3A_125 = tpu.memref_slice %arg7[%add3A_123, %dma_start3A_124] : memref<40x125xi32, #tpu.memory_space<vmem>> -> memref<1x125xi32, #tpu.memory_space<vmem>>
      %dma_start3A_126 = tpu.memref_squeeze %dma_start3A_125 : memref<1x125xi32, #tpu.memory_space<vmem>> -> memref<125xi32, #tpu.memory_space<vmem>>
      %dma_start3A_127 = arith.constant 0 : i32
      %dma_start3A_128 = arith.constant 0 : i32
      %dma_start3A_129 = tpu.memref_slice %arg2[%dma_start3A_127, %dma_start3A_128] : memref<10000x128xf32, #tpu.memory_space<hbm>> -> memref<10000x128xf32, #tpu.memory_space<hbm>>
      tpu.enqueue_indirect_dma source(%dma_start3A_129 : memref<10000x128xf32, #tpu.memory_space<hbm>>) target(%arg10 : memref<125x128xf32, #tpu.memory_space<vmem>>) offsets(%dma_start3A_126 : memref<125xi32, #tpu.memory_space<vmem>>) semaphore(%arg13 : memref<!tpu.dma_semaphore, #tpu.memory_space<semaphore_mem>>)
    }
    %scan3A_64 = arith.constant 19 : i32
    %dma_wait3A_65 = arith.constant 38 : i32
    %dma_wait3A_66 = arith.constant 0 : i32
    %dma_wait3A_67 = tpu.memref_slice %arg7[%dma_wait3A_65, %dma_wait3A_66] : memref<40x125xi32, #tpu.memory_space<vmem>> -> memref<1x125xi32, #tpu.memory_space<vmem>>
    %dma_wait3A_68 = tpu.memref_squeeze %dma_wait3A_67 : memref<1x125xi32, #tpu.memory_space<vmem>> -> memref<125xi32, #tpu.memory_space<vmem>>
    %dma_wait3A_69 = arith.constant 0 : i32
    %dma_wait3A_70 = arith.constant 0 : i32
    %dma_wait3A_71 = tpu.memref_slice %arg2[%dma_wait3A_69, %dma_wait3A_70] : memref<10000x128xf32, #tpu.memory_space<hbm>> -> memref<10000x128xf32, #tpu.memory_space<hbm>>
    tpu.wait_indirect_dma semaphore(%arg12 : memref<!tpu.dma_semaphore, #tpu.memory_space<semaphore_mem>>) src(%dma_wait3A_71 : memref<10000x128xf32, #tpu.memory_space<hbm>>) dst(%arg9 : memref<125x128xf32, #tpu.memory_space<vmem>>)
    %run_scoped3A_72 = arith.constant 38 : i32
    "tpu.region"() ({
      %run_scoped3A_87 = tpu.sem_alloc : memref<!tpu.dma_semaphore, #tpu.memory_space<semaphore_mem>>
      %dma_start3A_88 = arith.constant 0 : i32
      %dma_start3A_89 = tpu.memref_slice %arg8[%run_scoped3A_72, %dma_start3A_88] : memref<40x125xi32, #tpu.memory_space<vmem>> -> memref<1x125xi32, #tpu.memory_space<vmem>>
      %dma_start3A_90 = tpu.memref_squeeze %dma_start3A_89 : memref<1x125xi32, #tpu.memory_space<vmem>> -> memref<125xi32, #tpu.memory_space<vmem>>
      %dma_start3A_91 = arith.constant 0 : i32
      %dma_start3A_92 = arith.constant 0 : i32
      %dma_start3A_93 = tpu.memref_slice %arg11[%dma_start3A_91, %dma_start3A_92] : memref<10000x128xf32, #tpu.memory_space<vmem_shared>> -> memref<10000x128xf32, #tpu.memory_space<vmem_shared>>
      tpu.enqueue_indirect_dma source(%arg9 : memref<125x128xf32, #tpu.memory_space<vmem>>) target(%dma_start3A_93 : memref<10000x128xf32, #tpu.memory_space<vmem_shared>>) offsets(%dma_start3A_90 : memref<125xi32, #tpu.memory_space<vmem>>) semaphore(%run_scoped3A_87 : memref<!tpu.dma_semaphore, #tpu.memory_space<semaphore_mem>>) {add = true}
      %dma_wait3A_94 = arith.constant 0 : i32
      %dma_wait3A_95 = tpu.memref_slice %arg8[%run_scoped3A_72, %dma_wait3A_94] : memref<40x125xi32, #tpu.memory_space<vmem>> -> memref<1x125xi32, #tpu.memory_space<vmem>>
      %dma_wait3A_96 = tpu.memref_squeeze %dma_wait3A_95 : memref<1x125xi32, #tpu.memory_space<vmem>> -> memref<125xi32, #tpu.memory_space<vmem>>
      %dma_wait3A_97 = arith.constant 0 : i32
      %dma_wait3A_98 = arith.constant 0 : i32
      %dma_wait3A_99 = tpu.memref_slice %arg11[%dma_wait3A_97, %dma_wait3A_98] : memref<10000x128xf32, #tpu.memory_space<vmem_shared>> -> memref<10000x128xf32, #tpu.memory_space<vmem_shared>>
      tpu.wait_indirect_dma semaphore(%run_scoped3A_87 : memref<!tpu.dma_semaphore, #tpu.memory_space<semaphore_mem>>) src(%arg9 : memref<125x128xf32, #tpu.memory_space<vmem>>) dst(%dma_wait3A_99 : memref<10000x128xf32, #tpu.memory_space<vmem_shared>>)
      tpu.yield
    }) : () -> ()
    %dma_wait3A_73 = arith.constant 39 : i32
    %dma_wait3A_74 = arith.constant 0 : i32
    %dma_wait3A_75 = tpu.memref_slice %arg7[%dma_wait3A_73, %dma_wait3A_74] : memref<40x125xi32, #tpu.memory_space<vmem>> -> memref<1x125xi32, #tpu.memory_space<vmem>>
    %dma_wait3A_76 = tpu.memref_squeeze %dma_wait3A_75 : memref<1x125xi32, #tpu.memory_space<vmem>> -> memref<125xi32, #tpu.memory_space<vmem>>
    %dma_wait3A_77 = arith.constant 0 : i32
    %dma_wait3A_78 = arith.constant 0 : i32
    %dma_wait3A_79 = tpu.memref_slice %arg2[%dma_wait3A_77, %dma_wait3A_78] : memref<10000x128xf32, #tpu.memory_space<hbm>> -> memref<10000x128xf32, #tpu.memory_space<hbm>>
    tpu.wait_indirect_dma semaphore(%arg13 : memref<!tpu.dma_semaphore, #tpu.memory_space<semaphore_mem>>) src(%dma_wait3A_79 : memref<10000x128xf32, #tpu.memory_space<hbm>>) dst(%arg10 : memref<125x128xf32, #tpu.memory_space<vmem>>)
    %run_scoped3A_80 = arith.constant 39 : i32
    "tpu.region"() ({
      %run_scoped3A_87 = tpu.sem_alloc : memref<!tpu.dma_semaphore, #tpu.memory_space<semaphore_mem>>
      %dma_start3A_88 = arith.constant 0 : i32
      %dma_start3A_89 = tpu.memref_slice %arg8[%run_scoped3A_80, %dma_start3A_88] : memref<40x125xi32, #tpu.memory_space<vmem>> -> memref<1x125xi32, #tpu.memory_space<vmem>>
      %dma_start3A_90 = tpu.memref_squeeze %dma_start3A_89 : memref<1x125xi32, #tpu.memory_space<vmem>> -> memref<125xi32, #tpu.memory_space<vmem>>
      %dma_start3A_91 = arith.constant 0 : i32
      %dma_start3A_92 = arith.constant 0 : i32
      %dma_start3A_93 = tpu.memref_slice %arg11[%dma_start3A_91, %dma_start3A_92] : memref<10000x128xf32, #tpu.memory_space<vmem_shared>> -> memref<10000x128xf32, #tpu.memory_space<vmem_shared>>
      tpu.enqueue_indirect_dma source(%arg10 : memref<125x128xf32, #tpu.memory_space<vmem>>) target(%dma_start3A_93 : memref<10000x128xf32, #tpu.memory_space<vmem_shared>>) offsets(%dma_start3A_90 : memref<125xi32, #tpu.memory_space<vmem>>) semaphore(%run_scoped3A_87 : memref<!tpu.dma_semaphore, #tpu.memory_space<semaphore_mem>>) {add = true}
      %dma_wait3A_94 = arith.constant 0 : i32
      %dma_wait3A_95 = tpu.memref_slice %arg8[%run_scoped3A_80, %dma_wait3A_94] : memref<40x125xi32, #tpu.memory_space<vmem>> -> memref<1x125xi32, #tpu.memory_space<vmem>>
      %dma_wait3A_96 = tpu.memref_squeeze %dma_wait3A_95 : memref<1x125xi32, #tpu.memory_space<vmem>> -> memref<125xi32, #tpu.memory_space<vmem>>
      %dma_wait3A_97 = arith.constant 0 : i32
      %dma_wait3A_98 = arith.constant 0 : i32
      %dma_wait3A_99 = tpu.memref_slice %arg11[%dma_wait3A_97, %dma_wait3A_98] : memref<10000x128xf32, #tpu.memory_space<vmem_shared>> -> memref<10000x128xf32, #tpu.memory_space<vmem_shared>>
      tpu.wait_indirect_dma semaphore(%run_scoped3A_87 : memref<!tpu.dma_semaphore, #tpu.memory_space<semaphore_mem>>) src(%arg10 : memref<125x128xf32, #tpu.memory_space<vmem>>) dst(%dma_wait3A_99 : memref<10000x128xf32, #tpu.memory_space<vmem_shared>>)
      tpu.yield
    }) : () -> ()
    %barrier3A_81 = arith.constant 0 : index
    tpu.barrier barrier_id(%barrier3A_81)
    "tpu.region"() ({
      %run_scoped3A_87 = tpu.sem_alloc : memref<!tpu.dma_semaphore, #tpu.memory_space<semaphore_mem>>
      %dma_start3A_88 = arith.constant 0 : i32
      %dma_start3A_89 = arith.constant 0 : i32
      %dma_start3A_90 = tpu.memref_slice %arg6[%arg0, %dma_start3A_88, %dma_start3A_89] : memref<2x10000x128xf32, #tpu.memory_space<hbm>> -> memref<1x10000x128xf32, #tpu.memory_space<hbm>>
      %dma_start3A_91 = tpu.memref_squeeze %dma_start3A_90 : memref<1x10000x128xf32, #tpu.memory_space<hbm>> -> memref<10000x128xf32, #tpu.memory_space<hbm>>
      %dma_start3A_92 = arith.constant 0 : i32
      %dma_start3A_93 = tpu.memref_slice %dma_start3A_91[%mul3A_2, %dma_start3A_92] : memref<10000x128xf32, #tpu.memory_space<hbm>> -> memref<624x128xf32, #tpu.memory_space<hbm>>
      %dma_start3A_94 = arith.constant 0 : i32
      %dma_start3A_95 = tpu.memref_slice %arg11[%mul3A_2, %dma_start3A_94] : memref<10000x128xf32, #tpu.memory_space<vmem_shared>> -> memref<624x128xf32, #tpu.memory_space<vmem_shared>>
      tpu.enqueue_dma source(%dma_start3A_95 : memref<624x128xf32, #tpu.memory_space<vmem_shared>>) target(%dma_start3A_93 : memref<624x128xf32, #tpu.memory_space<hbm>>) target_semaphore(%run_scoped3A_87 : memref<!tpu.dma_semaphore, #tpu.memory_space<semaphore_mem>>)
      %dma_wait3A_96 = arith.constant 0 : i32
      %dma_wait3A_97 = arith.constant 0 : i32
      %dma_wait3A_98 = tpu.memref_slice %arg6[%arg0, %dma_wait3A_96, %dma_wait3A_97] : memref<2x10000x128xf32, #tpu.memory_space<hbm>> -> memref<1x10000x128xf32, #tpu.memory_space<hbm>>
      %dma_wait3A_99 = tpu.memref_squeeze %dma_wait3A_98 : memref<1x10000x128xf32, #tpu.memory_space<hbm>> -> memref<10000x128xf32, #tpu.memory_space<hbm>>
      %dma_wait3A_100 = arith.constant 0 : i32
      %dma_wait3A_101 = tpu.memref_slice %dma_wait3A_99[%mul3A_2, %dma_wait3A_100] : memref<10000x128xf32, #tpu.memory_space<hbm>> -> memref<624x128xf32, #tpu.memory_space<hbm>>
      %dma_wait3A_102 = arith.constant 0 : i32
      %dma_wait3A_103 = tpu.memref_slice %arg11[%mul3A_2, %dma_wait3A_102] : memref<10000x128xf32, #tpu.memory_space<vmem_shared>> -> memref<624x128xf32, #tpu.memory_space<vmem_shared>>
      tpu.wait_dma2 semaphore(%run_scoped3A_87 : memref<!tpu.dma_semaphore, #tpu.memory_space<semaphore_mem>>) src(%dma_wait3A_103 : memref<624x128xf32, #tpu.memory_space<vmem_shared>>) dst(%dma_wait3A_101 : memref<624x128xf32, #tpu.memory_space<hbm>>)
      tpu.yield
    }) : () -> ()
    %eq3A_82 = arith.constant 15 : i32
    %eq3A_83 = arith.cmpi eq, %arg1, %eq3A_82 : i32
    %convert_element_type3A_84 = arith.extui %eq3A_83 : i1 to i32
    %cond3A_85 = arith.constant 0 : i32
    %cond3A_86 = arith.cmpi ne, %convert_element_type3A_84, %cond3A_85 : i32
    scf.if %cond3A_86 {
      "tpu.region"() ({
        %run_scoped3A_87 = tpu.sem_alloc : memref<!tpu.dma_semaphore, #tpu.memory_space<semaphore_mem>>
        %dma_start3A_88 = arith.constant 0 : i32
        %dma_start3A_89 = arith.constant 0 : i32
        %dma_start3A_90 = tpu.memref_slice %arg6[%arg0, %dma_start3A_88, %dma_start3A_89] : memref<2x10000x128xf32, #tpu.memory_space<hbm>> -> memref<1x10000x128xf32, #tpu.memory_space<hbm>>
        %dma_start3A_91 = tpu.memref_squeeze %dma_start3A_90 : memref<1x10000x128xf32, #tpu.memory_space<hbm>> -> memref<10000x128xf32, #tpu.memory_space<hbm>>
        %dma_start3A_92 = arith.constant 9984 : i32
        %dma_start3A_93 = arith.constant 0 : i32
        %dma_start3A_94 = tpu.memref_slice %dma_start3A_91[%dma_start3A_92, %dma_start3A_93] : memref<10000x128xf32, #tpu.memory_space<hbm>> -> memref<16x128xf32, #tpu.memory_space<hbm>>
        %dma_start3A_95 = arith.constant 9984 : i32
        %dma_start3A_96 = arith.constant 0 : i32
        %dma_start3A_97 = tpu.memref_slice %arg11[%dma_start3A_95, %dma_start3A_96] : memref<10000x128xf32, #tpu.memory_space<vmem_shared>> -> memref<16x128xf32, #tpu.memory_space<vmem_shared>>
        tpu.enqueue_dma source(%dma_start3A_97 : memref<16x128xf32, #tpu.memory_space<vmem_shared>>) target(%dma_start3A_94 : memref<16x128xf32, #tpu.memory_space<hbm>>) target_semaphore(%run_scoped3A_87 : memref<!tpu.dma_semaphore, #tpu.memory_space<semaphore_mem>>)
        %dma_wait3A_98 = arith.constant 0 : i32
        %dma_wait3A_99 = arith.constant 0 : i32
        %dma_wait3A_100 = tpu.memref_slice %arg6[%arg0, %dma_wait3A_98, %dma_wait3A_99] : memref<2x10000x128xf32, #tpu.memory_space<hbm>> -> memref<1x10000x128xf32, #tpu.memory_space<hbm>>
        %dma_wait3A_101 = tpu.memref_squeeze %dma_wait3A_100 : memref<1x10000x128xf32, #tpu.memory_space<hbm>> -> memref<10000x128xf32, #tpu.memory_space<hbm>>
        %dma_wait3A_102 = arith.constant 9984 : i32
        %dma_wait3A_103 = arith.constant 0 : i32
        %dma_wait3A_104 = tpu.memref_slice %dma_wait3A_101[%dma_wait3A_102, %dma_wait3A_103] : memref<10000x128xf32, #tpu.memory_space<hbm>> -> memref<16x128xf32, #tpu.memory_space<hbm>>
        %dma_wait3A_105 = arith.constant 9984 : i32
        %dma_wait3A_106 = arith.constant 0 : i32
        %dma_wait3A_107 = tpu.memref_slice %arg11[%dma_wait3A_105, %dma_wait3A_106] : memref<10000x128xf32, #tpu.memory_space<vmem_shared>> -> memref<16x128xf32, #tpu.memory_space<vmem_shared>>
        tpu.wait_dma2 semaphore(%run_scoped3A_87 : memref<!tpu.dma_semaphore, #tpu.memory_space<semaphore_mem>>) src(%dma_wait3A_107 : memref<16x128xf32, #tpu.memory_space<vmem_shared>>) dst(%dma_wait3A_104 : memref<16x128xf32, #tpu.memory_space<hbm>>)
        tpu.yield
      }) : () -> ()
    } else {
    }
    return
  }
}

module attributes {stable_mosaic.version = 14 : i64} {
  func.func @_init_body(%arg0: i32, %arg1: memref<5000x128xf32, #tpu.memory_space<vmem>>, %arg2: memref<128x128xf32, #tpu.memory_space<vmem>>, %arg3: memref<1x128xf32, #tpu.memory_space<vmem>>, %arg4: memref<128x128xf32, #tpu.memory_space<vmem>>, %arg5: memref<5000x128xf32, #tpu.memory_space<vmem>>, %arg6: memref<5000x128xf32, #tpu.memory_space<vmem>>) attributes {dimension_semantics = [#tpu.dimension_semantics<arbitrary>], iteration_bounds = array<i64: 2>, scalar_prefetch = 0 : i64, scratch_operands = 0 : i64, tpu.core_type = #tpu.core_type<tc>, window_params = [{transform_indices = @transform_0, window_bounds = array<i64: 5000, 128>}, {pipeline_mode = #tpu.pipeline_mode<synchronous>, transform_indices = @transform_1, window_bounds = array<i64: 128, 128>}, {pipeline_mode = #tpu.pipeline_mode<synchronous>, transform_indices = @transform_2, window_bounds = array<i64: 1, 128>}, {pipeline_mode = #tpu.pipeline_mode<synchronous>, transform_indices = @transform_3, window_bounds = array<i64: 128, 128>}, {transform_indices = @transform_4, window_bounds = array<i64: 5000, 128>}, {transform_indices = @transform_5, window_bounds = array<i64: 5000, 128>}]} {
    %get3A = arith.constant 0 : index
    %get3A_0 = arith.constant 0 : index
    %get3A_1 = vector.load %arg1[%get3A, %get3A_0] : memref<5000x128xf32, #tpu.memory_space<vmem>>, vector<5000x128xf32>
    %get3A_2 = arith.constant 0 : index
    %get3A_3 = arith.constant 0 : index
    %get3A_4 = vector.load %arg2[%get3A_2, %get3A_3] : memref<128x128xf32, #tpu.memory_space<vmem>>, vector<128x128xf32>
    %dot_general3A = arith.constant dense<0.000000e+00> : vector<5000x128xf32>
    %dot_general3A_5 = tpu.matmul %get3A_1, %get3A_4, %dot_general3A {dimension_numbers = #tpu.dot_dimension_numbers<[1], [0], [0], [1], [0, 0, 1, 1], [], []>, transpose_lhs_hint = false} : vector<5000x128xf32>, vector<128x128xf32>, vector<5000x128xf32> -> vector<5000x128xf32>
    %get3A_6 = arith.constant 0 : index
    %get3A_7 = arith.constant 0 : index
    %get3A_8 = vector.load %arg3[%get3A_6, %get3A_7] : memref<1x128xf32, #tpu.memory_space<vmem>>, vector<1x128xf32>
    %add3A = vector.broadcast %get3A_8 : vector<1x128xf32> to vector<5000x128xf32>
    %add3A_9 = arith.addf %dot_general3A_5, %add3A : vector<5000x128xf32>
    %swap3A = arith.constant 0 : index
    %swap3A_10 = arith.constant 0 : index
    %swap3A_11 = vector.load %arg5[%swap3A, %swap3A_10] : memref<5000x128xf32, #tpu.memory_space<vmem>>, vector<5000x128xf32>
    tpu.vector_store %arg5[%swap3A, %swap3A_10], %add3A_9 {strides = array<i32>} : memref<5000x128xf32, #tpu.memory_space<vmem>>, vector<5000x128xf32>,
    %get3A_12 = arith.constant 0 : index
    %get3A_13 = arith.constant 0 : index
    %get3A_14 = vector.load %arg4[%get3A_12, %get3A_13] : memref<128x128xf32, #tpu.memory_space<vmem>>, vector<128x128xf32>
    %dot_general3A_15 = arith.constant dense<0.000000e+00> : vector<5000x128xf32>
    %dot_general3A_16 = tpu.matmul %add3A_9, %get3A_14, %dot_general3A_15 {dimension_numbers = #tpu.dot_dimension_numbers<[1], [0], [0], [1], [0, 0, 1, 1], [], []>, transpose_lhs_hint = false} : vector<5000x128xf32>, vector<128x128xf32>, vector<5000x128xf32> -> vector<5000x128xf32>
    %swap3A_17 = arith.constant 0 : index
    %swap3A_18 = arith.constant 0 : index
    %swap3A_19 = vector.load %arg6[%swap3A_17, %swap3A_18] : memref<5000x128xf32, #tpu.memory_space<vmem>>, vector<5000x128xf32>
    tpu.vector_store %arg6[%swap3A_17, %swap3A_18], %dot_general3A_16 {strides = array<i32>} : memref<5000x128xf32, #tpu.memory_space<vmem>>, vector<5000x128xf32>,
    return
  }
  func.func @transform_0(%arg0: i32) -> (i32, i32) {
    %c0_i32 = arith.constant 0 : i32
    %c0_i32_0 = arith.constant 0 : i32
    return %arg0, %c0_i32 : i32, i32
  }
  func.func @transform_1(%arg0: i32) -> (i32, i32) {
    %c0_i32 = arith.constant 0 : i32
    %c0_i32_0 = arith.constant 0 : i32
    %c0_i32_1 = arith.constant 0 : i32
    return %c0_i32, %c0_i32_0 : i32, i32
  }
  func.func @transform_2(%arg0: i32) -> (i32, i32) {
    %c0_i32 = arith.constant 0 : i32
    %c0_i32_0 = arith.constant 0 : i32
    %c0_i32_1 = arith.constant 0 : i32
    return %c0_i32, %c0_i32_0 : i32, i32
  }
  func.func @transform_3(%arg0: i32) -> (i32, i32) {
    %c0_i32 = arith.constant 0 : i32
    %c0_i32_0 = arith.constant 0 : i32
    %c0_i32_1 = arith.constant 0 : i32
    return %c0_i32, %c0_i32_0 : i32, i32
  }
  func.func @transform_4(%arg0: i32) -> (i32, i32) {
    %c0_i32 = arith.constant 0 : i32
    %c0_i32_0 = arith.constant 0 : i32
    return %arg0, %c0_i32 : i32, i32
  }
  func.func @transform_5(%arg0: i32) -> (i32, i32) {
    %c0_i32 = arith.constant 0 : i32
    %c0_i32_0 = arith.constant 0 : i32
    return %arg0, %c0_i32 : i32, i32
  }
}

module attributes {stable_mosaic.version = 14 : i64} {
  func.func @_gru_body(%arg0: i32, %arg1: memref<5000x128xf32, #tpu.memory_space<vmem>>, %arg2: memref<2x5000x128xf32, #tpu.memory_space<vmem>>, %arg3: memref<128x384xf32, #tpu.memory_space<vmem>>, %arg4: memref<128x384xf32, #tpu.memory_space<vmem>>, %arg5: memref<1x384xf32, #tpu.memory_space<vmem>>, %arg6: memref<1x384xf32, #tpu.memory_space<vmem>>, %arg7: memref<128x128xf32, #tpu.memory_space<vmem>>, %arg8: memref<5000x128xf32, #tpu.memory_space<vmem>>, %arg9: memref<5000x128xf32, #tpu.memory_space<vmem>>) attributes {dimension_semantics = [#tpu.dimension_semantics<arbitrary>], iteration_bounds = array<i64: 2>, scalar_prefetch = 0 : i64, scratch_operands = 0 : i64, tpu.core_type = #tpu.core_type<tc>, window_params = [{transform_indices = @transform_0, window_bounds = array<i64: 5000, 128>}, {transform_indices = @transform_1, window_bounds = array<i64: 2, 5000, 128>}, {pipeline_mode = #tpu.pipeline_mode<synchronous>, transform_indices = @transform_2, window_bounds = array<i64: 128, 384>}, {pipeline_mode = #tpu.pipeline_mode<synchronous>, transform_indices = @transform_3, window_bounds = array<i64: 128, 384>}, {pipeline_mode = #tpu.pipeline_mode<synchronous>, transform_indices = @transform_4, window_bounds = array<i64: 1, 384>}, {pipeline_mode = #tpu.pipeline_mode<synchronous>, transform_indices = @transform_5, window_bounds = array<i64: 1, 384>}, {pipeline_mode = #tpu.pipeline_mode<synchronous>, transform_indices = @transform_6, window_bounds = array<i64: 128, 128>}, {transform_indices = @transform_7, window_bounds = array<i64: 5000, 128>}, {transform_indices = @transform_8, window_bounds = array<i64: 5000, 128>}]} {
    %get3A = arith.constant 0 : index
    %get3A_0 = arith.constant 0 : index
    %get3A_1 = vector.load %arg1[%get3A, %get3A_0] : memref<5000x128xf32, #tpu.memory_space<vmem>>, vector<5000x128xf32>
    %get3A_2 = arith.constant 0 : index
    %get3A_3 = arith.constant 0 : index
    %get3A_4 = arith.constant 0 : index
    %get3A_5 = vector.load %arg2[%get3A_2, %get3A_3, %get3A_4] : memref<2x5000x128xf32, #tpu.memory_space<vmem>>, vector<1x5000x128xf32>
    %get3A_6 = vector.shape_cast %get3A_5 : vector<1x5000x128xf32> to vector<5000x128xf32>
    %get3A_7 = arith.constant 1 : index
    %get3A_8 = arith.constant 0 : index
    %get3A_9 = arith.constant 0 : index
    %get3A_10 = vector.load %arg2[%get3A_7, %get3A_8, %get3A_9] : memref<2x5000x128xf32, #tpu.memory_space<vmem>>, vector<1x5000x128xf32>
    %get3A_11 = vector.shape_cast %get3A_10 : vector<1x5000x128xf32> to vector<5000x128xf32>
    %add3A = arith.addf %get3A_6, %get3A_11 : vector<5000x128xf32>
    %get3A_12 = arith.constant 0 : index
    %get3A_13 = arith.constant 0 : index
    %get3A_14 = vector.load %arg3[%get3A_12, %get3A_13] : memref<128x384xf32, #tpu.memory_space<vmem>>, vector<128x384xf32>
    %dot_general3A = arith.constant dense<0.000000e+00> : vector<5000x384xf32>
    %dot_general3A_15 = tpu.matmul %add3A, %get3A_14, %dot_general3A {dimension_numbers = #tpu.dot_dimension_numbers<[1], [0], [0], [1], [0, 0, 1, 1], [], []>, transpose_lhs_hint = false} : vector<5000x128xf32>, vector<128x384xf32>, vector<5000x384xf32> -> vector<5000x384xf32>
    %get3A_16 = arith.constant 0 : index
    %get3A_17 = arith.constant 0 : index
    %get3A_18 = vector.load %arg5[%get3A_16, %get3A_17] : memref<1x384xf32, #tpu.memory_space<vmem>>, vector<1x384xf32>
    %add3A_19 = vector.broadcast %get3A_18 : vector<1x384xf32> to vector<5000x384xf32>
    %add3A_20 = arith.addf %dot_general3A_15, %add3A_19 : vector<5000x384xf32>
    %get3A_21 = arith.constant 0 : index
    %get3A_22 = arith.constant 0 : index
    %get3A_23 = vector.load %arg4[%get3A_21, %get3A_22] : memref<128x384xf32, #tpu.memory_space<vmem>>, vector<128x384xf32>
    %dot_general3A_24 = arith.constant dense<0.000000e+00> : vector<5000x384xf32>
    %dot_general3A_25 = tpu.matmul %get3A_1, %get3A_23, %dot_general3A_24 {dimension_numbers = #tpu.dot_dimension_numbers<[1], [0], [0], [1], [0, 0, 1, 1], [], []>, transpose_lhs_hint = false} : vector<5000x128xf32>, vector<128x384xf32>, vector<5000x384xf32> -> vector<5000x384xf32>
    %get3A_26 = arith.constant 0 : index
    %get3A_27 = arith.constant 0 : index
    %get3A_28 = vector.load %arg6[%get3A_26, %get3A_27] : memref<1x384xf32, #tpu.memory_space<vmem>>, vector<1x384xf32>
    %add3A_29 = vector.broadcast %get3A_28 : vector<1x384xf32> to vector<5000x384xf32>
    %add3A_30 = arith.addf %dot_general3A_25, %add3A_29 : vector<5000x384xf32>
    %slice3A = vector.extract_strided_slice %add3A_20 {offsets = [0, 0], sizes = [5000, 128], strides = [1, 1]} : vector<5000x384xf32> to vector<5000x128xf32>
    %slice3A_31 = vector.extract_strided_slice %add3A_30 {offsets = [0, 0], sizes = [5000, 128], strides = [1, 1]} : vector<5000x384xf32> to vector<5000x128xf32>
    %add3A_32 = arith.addf %slice3A, %slice3A_31 : vector<5000x128xf32>
    %logistic3A = arith.negf %add3A_32 : vector<5000x128xf32>
    %logistic3A_33 = math.exp %logistic3A : vector<5000x128xf32>
    %logistic3A_34 = arith.constant 1.000000e+00 : f32
    %logistic3A_35 = vector.broadcast %logistic3A_34 : f32 to vector<5000x128xf32>
    %logistic3A_36 = arith.addf %logistic3A_35, %logistic3A_33 : vector<5000x128xf32>
    %logistic3A_37 = arith.divf %logistic3A_35, %logistic3A_36 : vector<5000x128xf32>
    %slice3A_38 = vector.extract_strided_slice %add3A_20 {offsets = [0, 128], sizes = [5000, 128], strides = [1, 1]} : vector<5000x384xf32> to vector<5000x128xf32>
    %slice3A_39 = vector.extract_strided_slice %add3A_30 {offsets = [0, 128], sizes = [5000, 128], strides = [1, 1]} : vector<5000x384xf32> to vector<5000x128xf32>
    %add3A_40 = arith.addf %slice3A_38, %slice3A_39 : vector<5000x128xf32>
    %logistic3A_41 = arith.negf %add3A_40 : vector<5000x128xf32>
    %logistic3A_42 = math.exp %logistic3A_41 : vector<5000x128xf32>
    %logistic3A_43 = arith.constant 1.000000e+00 : f32
    %logistic3A_44 = vector.broadcast %logistic3A_43 : f32 to vector<5000x128xf32>
    %logistic3A_45 = arith.addf %logistic3A_44, %logistic3A_42 : vector<5000x128xf32>
    %logistic3A_46 = arith.divf %logistic3A_44, %logistic3A_45 : vector<5000x128xf32>
    %slice3A_47 = vector.extract_strided_slice %add3A_20 {offsets = [0, 256], sizes = [5000, 128], strides = [1, 1]} : vector<5000x384xf32> to vector<5000x128xf32>
    %slice3A_48 = vector.extract_strided_slice %add3A_30 {offsets = [0, 256], sizes = [5000, 128], strides = [1, 1]} : vector<5000x384xf32> to vector<5000x128xf32>
    %mul3A = arith.mulf %logistic3A_37, %slice3A_48 : vector<5000x128xf32>
    %add3A_49 = arith.addf %slice3A_47, %mul3A : vector<5000x128xf32>
    %tanh3A = math.tanh %add3A_49 : vector<5000x128xf32>
    %sub3A = arith.constant 1.000000e+00 : f32
    %sub3A_50 = vector.broadcast %sub3A : f32 to vector<5000x128xf32>
    %sub3A_51 = arith.subf %sub3A_50, %logistic3A_46 : vector<5000x128xf32>
    %mul3A_52 = arith.mulf %sub3A_51, %tanh3A : vector<5000x128xf32>
    %mul3A_53 = arith.mulf %logistic3A_46, %get3A_1 : vector<5000x128xf32>
    %add3A_54 = arith.addf %mul3A_52, %mul3A_53 : vector<5000x128xf32>
    %swap3A = arith.constant 0 : index
    %swap3A_55 = arith.constant 0 : index
    %swap3A_56 = vector.load %arg8[%swap3A, %swap3A_55] : memref<5000x128xf32, #tpu.memory_space<vmem>>, vector<5000x128xf32>
    tpu.vector_store %arg8[%swap3A, %swap3A_55], %add3A_54 {strides = array<i32>} : memref<5000x128xf32, #tpu.memory_space<vmem>>, vector<5000x128xf32>,
    %get3A_57 = arith.constant 0 : index
    %get3A_58 = arith.constant 0 : index
    %get3A_59 = vector.load %arg7[%get3A_57, %get3A_58] : memref<128x128xf32, #tpu.memory_space<vmem>>, vector<128x128xf32>
    %dot_general3A_60 = arith.constant dense<0.000000e+00> : vector<5000x128xf32>
    %dot_general3A_61 = tpu.matmul %add3A_54, %get3A_59, %dot_general3A_60 {dimension_numbers = #tpu.dot_dimension_numbers<[1], [0], [0], [1], [0, 0, 1, 1], [], []>, transpose_lhs_hint = false} : vector<5000x128xf32>, vector<128x128xf32>, vector<5000x128xf32> -> vector<5000x128xf32>
    %swap3A_62 = arith.constant 0 : index
    %swap3A_63 = arith.constant 0 : index
    %swap3A_64 = vector.load %arg9[%swap3A_62, %swap3A_63] : memref<5000x128xf32, #tpu.memory_space<vmem>>, vector<5000x128xf32>
    tpu.vector_store %arg9[%swap3A_62, %swap3A_63], %dot_general3A_61 {strides = array<i32>} : memref<5000x128xf32, #tpu.memory_space<vmem>>, vector<5000x128xf32>,
    return
  }
  func.func @transform_0(%arg0: i32) -> (i32, i32) {
    %c0_i32 = arith.constant 0 : i32
    %c0_i32_0 = arith.constant 0 : i32
    return %arg0, %c0_i32 : i32, i32
  }
  func.func @transform_1(%arg0: i32) -> (i32, i32, i32) {
    %c0_i32 = arith.constant 0 : i32
    %c0_i32_0 = arith.constant 0 : i32
    %c0_i32_1 = arith.constant 0 : i32
    return %c0_i32, %arg0, %c0_i32_0 : i32, i32, i32
  }
  func.func @transform_2(%arg0: i32) -> (i32, i32) {
    %c0_i32 = arith.constant 0 : i32
    %c0_i32_0 = arith.constant 0 : i32
    %c0_i32_1 = arith.constant 0 : i32
    return %c0_i32, %c0_i32_0 : i32, i32
  }
  func.func @transform_3(%arg0: i32) -> (i32, i32) {
    %c0_i32 = arith.constant 0 : i32
    %c0_i32_0 = arith.constant 0 : i32
    %c0_i32_1 = arith.constant 0 : i32
    return %c0_i32, %c0_i32_0 : i32, i32
  }
  func.func @transform_4(%arg0: i32) -> (i32, i32) {
    %c0_i32 = arith.constant 0 : i32
    %c0_i32_0 = arith.constant 0 : i32
    %c0_i32_1 = arith.constant 0 : i32
    return %c0_i32, %c0_i32_0 : i32, i32
  }
  func.func @transform_5(%arg0: i32) -> (i32, i32) {
    %c0_i32 = arith.constant 0 : i32
    %c0_i32_0 = arith.constant 0 : i32
    %c0_i32_1 = arith.constant 0 : i32
    return %c0_i32, %c0_i32_0 : i32, i32
  }
  func.func @transform_6(%arg0: i32) -> (i32, i32) {
    %c0_i32 = arith.constant 0 : i32
    %c0_i32_0 = arith.constant 0 : i32
    %c0_i32_1 = arith.constant 0 : i32
    return %c0_i32, %c0_i32_0 : i32, i32
  }
  func.func @transform_7(%arg0: i32) -> (i32, i32) {
    %c0_i32 = arith.constant 0 : i32
    %c0_i32_0 = arith.constant 0 : i32
    return %arg0, %c0_i32 : i32, i32
  }
  func.func @transform_8(%arg0: i32) -> (i32, i32) {
    %c0_i32 = arith.constant 0 : i32
    %c0_i32_0 = arith.constant 0 : i32
    return %arg0, %c0_i32 : i32, i32
  }
}

module attributes {stable_mosaic.version = 14 : i64} {
  func.func @_final_body(%arg0: i32, %arg1: memref<5000x128xf32, #tpu.memory_space<vmem>>, %arg2: memref<2x5000x128xf32, #tpu.memory_space<vmem>>, %arg3: memref<128x384xf32, #tpu.memory_space<vmem>>, %arg4: memref<128x384xf32, #tpu.memory_space<vmem>>, %arg5: memref<1x384xf32, #tpu.memory_space<vmem>>, %arg6: memref<1x384xf32, #tpu.memory_space<vmem>>, %arg7: memref<1x1x5000xi32, #tpu.memory_space<vmem>>, %arg8: memref<128x128xf32, #tpu.memory_space<vmem>>, %arg9: memref<1x128xf32, #tpu.memory_space<vmem>>, %arg10: memref<128x1xf32, #tpu.memory_space<vmem>>, %arg11: memref<1x1xf32, #tpu.memory_space<vmem>>, %arg12: memref<64x1xf32, #tpu.memory_space<vmem>>, %arg13: memref<64x128xf32, #tpu.memory_space<vmem>>, %arg14: memref<64x1xf32, #tpu.memory_space<vmem>>) attributes {dimension_semantics = [#tpu.dimension_semantics<arbitrary>], iteration_bounds = array<i64: 2>, scalar_prefetch = 0 : i64, scratch_operands = 2 : i64, tpu.core_type = #tpu.core_type<tc>, window_params = [{transform_indices = @transform_0, window_bounds = array<i64: 5000, 128>}, {transform_indices = @transform_1, window_bounds = array<i64: 2, 5000, 128>}, {pipeline_mode = #tpu.pipeline_mode<synchronous>, transform_indices = @transform_2, window_bounds = array<i64: 128, 384>}, {pipeline_mode = #tpu.pipeline_mode<synchronous>, transform_indices = @transform_3, window_bounds = array<i64: 128, 384>}, {pipeline_mode = #tpu.pipeline_mode<synchronous>, transform_indices = @transform_4, window_bounds = array<i64: 1, 384>}, {pipeline_mode = #tpu.pipeline_mode<synchronous>, transform_indices = @transform_5, window_bounds = array<i64: 1, 384>}, {transform_indices = @transform_6, window_bounds = array<i64: 1, 1, 5000>}, {pipeline_mode = #tpu.pipeline_mode<synchronous>, transform_indices = @transform_7, window_bounds = array<i64: 128, 128>}, {pipeline_mode = #tpu.pipeline_mode<synchronous>, transform_indices = @transform_8, window_bounds = array<i64: 1, 128>}, {pipeline_mode = #tpu.pipeline_mode<synchronous>, transform_indices = @transform_9, window_bounds = array<i64: 128, 1>}, {pipeline_mode = #tpu.pipeline_mode<synchronous>, transform_indices = @transform_10, window_bounds = array<i64: 1, 1>}, {pipeline_mode = #tpu.pipeline_mode<synchronous>, transform_indices = @transform_11, window_bounds = array<i64: 64, 1>}]} {
    %eq3A = arith.constant 0 : i32
    %eq3A_0 = arith.cmpi eq, %arg0, %eq3A : i32
    %convert_element_type3A = arith.extui %eq3A_0 : i1 to i32
    %cond3A = arith.constant 0 : i32
    %cond3A_1 = arith.cmpi ne, %convert_element_type3A, %cond3A : i32
    scf.if %cond3A_1 {
      %broadcast_in_dim3A_88 = arith.constant 0.000000e+00 : f32
      %broadcast_in_dim3A_89 = vector.broadcast %broadcast_in_dim3A_88 : f32 to vector<64x128xf32>
      %swap3A_90 = arith.constant 0 : index
      %swap3A_91 = arith.constant 0 : index
      %swap3A_92 = vector.load %arg13[%swap3A_90, %swap3A_91] : memref<64x128xf32, #tpu.memory_space<vmem>>, vector<64x128xf32>
      tpu.vector_store %arg13[%swap3A_90, %swap3A_91], %broadcast_in_dim3A_89 {strides = array<i32>} : memref<64x128xf32, #tpu.memory_space<vmem>>, vector<64x128xf32>,
      %broadcast_in_dim3A_93 = arith.constant 0.000000e+00 : f32
      %broadcast_in_dim3A_94 = vector.broadcast %broadcast_in_dim3A_93 : f32 to vector<64x1xf32>
      %swap3A_95 = arith.constant 0 : index
      %swap3A_96 = arith.constant 0 : index
      %swap3A_97 = vector.load %arg14[%swap3A_95, %swap3A_96] : memref<64x1xf32, #tpu.memory_space<vmem>>, vector<64x1xf32>
      tpu.vector_store %arg14[%swap3A_95, %swap3A_96], %broadcast_in_dim3A_94 {strides = array<i32>} : memref<64x1xf32, #tpu.memory_space<vmem>>, vector<64x1xf32>,
    } else {
    }
    %get3A = arith.constant 0 : index
    %get3A_2 = arith.constant 0 : index
    %get3A_3 = vector.load %arg1[%get3A, %get3A_2] : memref<5000x128xf32, #tpu.memory_space<vmem>>, vector<5000x128xf32>
    %get3A_4 = arith.constant 0 : index
    %get3A_5 = arith.constant 0 : index
    %get3A_6 = arith.constant 0 : index
    %get3A_7 = vector.load %arg2[%get3A_4, %get3A_5, %get3A_6] : memref<2x5000x128xf32, #tpu.memory_space<vmem>>, vector<1x5000x128xf32>
    %get3A_8 = vector.shape_cast %get3A_7 : vector<1x5000x128xf32> to vector<5000x128xf32>
    %get3A_9 = arith.constant 1 : index
    %get3A_10 = arith.constant 0 : index
    %get3A_11 = arith.constant 0 : index
    %get3A_12 = vector.load %arg2[%get3A_9, %get3A_10, %get3A_11] : memref<2x5000x128xf32, #tpu.memory_space<vmem>>, vector<1x5000x128xf32>
    %get3A_13 = vector.shape_cast %get3A_12 : vector<1x5000x128xf32> to vector<5000x128xf32>
    %add3A = arith.addf %get3A_8, %get3A_13 : vector<5000x128xf32>
    %get3A_14 = arith.constant 0 : index
    %get3A_15 = arith.constant 0 : index
    %get3A_16 = vector.load %arg3[%get3A_14, %get3A_15] : memref<128x384xf32, #tpu.memory_space<vmem>>, vector<128x384xf32>
    %dot_general3A = arith.constant dense<0.000000e+00> : vector<5000x384xf32>
    %dot_general3A_17 = tpu.matmul %add3A, %get3A_16, %dot_general3A {dimension_numbers = #tpu.dot_dimension_numbers<[1], [0], [0], [1], [0, 0, 1, 1], [], []>, transpose_lhs_hint = false} : vector<5000x128xf32>, vector<128x384xf32>, vector<5000x384xf32> -> vector<5000x384xf32>
    %get3A_18 = arith.constant 0 : index
    %get3A_19 = arith.constant 0 : index
    %get3A_20 = vector.load %arg5[%get3A_18, %get3A_19] : memref<1x384xf32, #tpu.memory_space<vmem>>, vector<1x384xf32>
    %add3A_21 = vector.broadcast %get3A_20 : vector<1x384xf32> to vector<5000x384xf32>
    %add3A_22 = arith.addf %dot_general3A_17, %add3A_21 : vector<5000x384xf32>
    %get3A_23 = arith.constant 0 : index
    %get3A_24 = arith.constant 0 : index
    %get3A_25 = vector.load %arg4[%get3A_23, %get3A_24] : memref<128x384xf32, #tpu.memory_space<vmem>>, vector<128x384xf32>
    %dot_general3A_26 = arith.constant dense<0.000000e+00> : vector<5000x384xf32>
    %dot_general3A_27 = tpu.matmul %get3A_3, %get3A_25, %dot_general3A_26 {dimension_numbers = #tpu.dot_dimension_numbers<[1], [0], [0], [1], [0, 0, 1, 1], [], []>, transpose_lhs_hint = false} : vector<5000x128xf32>, vector<128x384xf32>, vector<5000x384xf32> -> vector<5000x384xf32>
    %get3A_28 = arith.constant 0 : index
    %get3A_29 = arith.constant 0 : index
    %get3A_30 = vector.load %arg6[%get3A_28, %get3A_29] : memref<1x384xf32, #tpu.memory_space<vmem>>, vector<1x384xf32>
    %add3A_31 = vector.broadcast %get3A_30 : vector<1x384xf32> to vector<5000x384xf32>
    %add3A_32 = arith.addf %dot_general3A_27, %add3A_31 : vector<5000x384xf32>
    %slice3A = vector.extract_strided_slice %add3A_22 {offsets = [0, 0], sizes = [5000, 128], strides = [1, 1]} : vector<5000x384xf32> to vector<5000x128xf32>
    %slice3A_33 = vector.extract_strided_slice %add3A_32 {offsets = [0, 0], sizes = [5000, 128], strides = [1, 1]} : vector<5000x384xf32> to vector<5000x128xf32>
    %add3A_34 = arith.addf %slice3A, %slice3A_33 : vector<5000x128xf32>
    %logistic3A = arith.negf %add3A_34 : vector<5000x128xf32>
    %logistic3A_35 = math.exp %logistic3A : vector<5000x128xf32>
    %logistic3A_36 = arith.constant 1.000000e+00 : f32
    %logistic3A_37 = vector.broadcast %logistic3A_36 : f32 to vector<5000x128xf32>
    %logistic3A_38 = arith.addf %logistic3A_37, %logistic3A_35 : vector<5000x128xf32>
    %logistic3A_39 = arith.divf %logistic3A_37, %logistic3A_38 : vector<5000x128xf32>
    %slice3A_40 = vector.extract_strided_slice %add3A_22 {offsets = [0, 128], sizes = [5000, 128], strides = [1, 1]} : vector<5000x384xf32> to vector<5000x128xf32>
    %slice3A_41 = vector.extract_strided_slice %add3A_32 {offsets = [0, 128], sizes = [5000, 128], strides = [1, 1]} : vector<5000x384xf32> to vector<5000x128xf32>
    %add3A_42 = arith.addf %slice3A_40, %slice3A_41 : vector<5000x128xf32>
    %logistic3A_43 = arith.negf %add3A_42 : vector<5000x128xf32>
    %logistic3A_44 = math.exp %logistic3A_43 : vector<5000x128xf32>
    %logistic3A_45 = arith.constant 1.000000e+00 : f32
    %logistic3A_46 = vector.broadcast %logistic3A_45 : f32 to vector<5000x128xf32>
    %logistic3A_47 = arith.addf %logistic3A_46, %logistic3A_44 : vector<5000x128xf32>
    %logistic3A_48 = arith.divf %logistic3A_46, %logistic3A_47 : vector<5000x128xf32>
    %slice3A_49 = vector.extract_strided_slice %add3A_22 {offsets = [0, 256], sizes = [5000, 128], strides = [1, 1]} : vector<5000x384xf32> to vector<5000x128xf32>
    %slice3A_50 = vector.extract_strided_slice %add3A_32 {offsets = [0, 256], sizes = [5000, 128], strides = [1, 1]} : vector<5000x384xf32> to vector<5000x128xf32>
    %mul3A = arith.mulf %logistic3A_39, %slice3A_50 : vector<5000x128xf32>
    %add3A_51 = arith.addf %slice3A_49, %mul3A : vector<5000x128xf32>
    %tanh3A = math.tanh %add3A_51 : vector<5000x128xf32>
    %sub3A = arith.constant 1.000000e+00 : f32
    %sub3A_52 = vector.broadcast %sub3A : f32 to vector<5000x128xf32>
    %sub3A_53 = arith.subf %sub3A_52, %logistic3A_48 : vector<5000x128xf32>
    %mul3A_54 = arith.mulf %sub3A_53, %tanh3A : vector<5000x128xf32>
    %mul3A_55 = arith.mulf %logistic3A_48, %get3A_3 : vector<5000x128xf32>
    %add3A_56 = arith.addf %mul3A_54, %mul3A_55 : vector<5000x128xf32>
    %get3A_57 = arith.constant 0 : index
    %get3A_58 = arith.constant 0 : index
    %get3A_59 = arith.constant 0 : index
    %get3A_60 = vector.load %arg7[%get3A_57, %get3A_58, %get3A_59] : memref<1x1x5000xi32, #tpu.memory_space<vmem>>, vector<1x1x5000xi32>
    %get3A_61 = vector.shape_cast %get3A_60 : vector<1x1x5000xi32> to vector<5000xi32>
    %iota3A = tpu.iota {dimensions = array<i32: 0>} : vector<64x5000xi32>
    %broadcast_in_dim3A = vector.shape_cast %get3A_61 : vector<5000xi32> to vector<1x5000xi32>
    %eq3A_62 = vector.broadcast %broadcast_in_dim3A : vector<1x5000xi32> to vector<64x5000xi32>
    %eq3A_63 = arith.cmpi eq, %eq3A_62, %iota3A : vector<64x5000xi32>
    %convert_element_type3A_64 = arith.extui %eq3A_63 : vector<64x5000xi1> to vector<64x5000xi32>
    %convert_element_type3A_65 = arith.sitofp %convert_element_type3A_64 : vector<64x5000xi32> to vector<64x5000xf32>
    %get3A_66 = arith.constant 0 : index
    %get3A_67 = arith.constant 0 : index
    %get3A_68 = vector.load %arg13[%get3A_66, %get3A_67] : memref<64x128xf32, #tpu.memory_space<vmem>>, vector<64x128xf32>
    %dot_general3A_69 = arith.constant dense<0.000000e+00> : vector<64x128xf32>
    %dot_general3A_70 = tpu.matmul %convert_element_type3A_65, %add3A_56, %dot_general3A_69 {dimension_numbers = #tpu.dot_dimension_numbers<[1], [0], [0], [1], [0, 0, 1, 1], [], []>, transpose_lhs_hint = false} : vector<64x5000xf32>, vector<5000x128xf32>, vector<64x128xf32> -> vector<64x128xf32>
    %add3A_71 = arith.addf %get3A_68, %dot_general3A_70 : vector<64x128xf32>
    %swap3A = arith.constant 0 : index
    %swap3A_72 = arith.constant 0 : index
    %swap3A_73 = vector.load %arg13[%swap3A, %swap3A_72] : memref<64x128xf32, #tpu.memory_space<vmem>>, vector<64x128xf32>
    tpu.vector_store %arg13[%swap3A, %swap3A_72], %add3A_71 {strides = array<i32>} : memref<64x128xf32, #tpu.memory_space<vmem>>, vector<64x128xf32>,
    %get3A_74 = arith.constant 0 : index
    %get3A_75 = arith.constant 0 : index
    %get3A_76 = vector.load %arg14[%get3A_74, %get3A_75] : memref<64x1xf32, #tpu.memory_space<vmem>>, vector<64x1xf32>
    %reduce_sum3A = arith.constant dense<0.000000e+00> : vector<64xf32>
    %reduce_sum3A_77 = vector.multi_reduction <add>, %convert_element_type3A_65, %reduce_sum3A [1] : vector<64x5000xf32> to vector<64xf32>
    %broadcast_in_dim3A_78 = vector.shape_cast %reduce_sum3A_77 : vector<64xf32> to vector<64x1xf32>
    %add3A_79 = arith.addf %get3A_76, %broadcast_in_dim3A_78 : vector<64x1xf32>
    %swap3A_80 = arith.constant 0 : index
    %swap3A_81 = arith.constant 0 : index
    %swap3A_82 = vector.load %arg14[%swap3A_80, %swap3A_81] : memref<64x1xf32, #tpu.memory_space<vmem>>, vector<64x1xf32>
    tpu.vector_store %arg14[%swap3A_80, %swap3A_81], %add3A_79 {strides = array<i32>} : memref<64x1xf32, #tpu.memory_space<vmem>>, vector<64x1xf32>,
    %eq3A_83 = arith.constant 1 : i32
    %eq3A_84 = arith.cmpi eq, %arg0, %eq3A_83 : i32
    %convert_element_type3A_85 = arith.extui %eq3A_84 : i1 to i32
    %cond3A_86 = arith.constant 0 : i32
    %cond3A_87 = arith.cmpi ne, %convert_element_type3A_85, %cond3A_86 : i32
    scf.if %cond3A_87 {
      %get3A_88 = arith.constant 0 : index
      %get3A_89 = arith.constant 0 : index
      %get3A_90 = vector.load %arg13[%get3A_88, %get3A_89] : memref<64x128xf32, #tpu.memory_space<vmem>>, vector<64x128xf32>
      %get3A_91 = arith.constant 0 : index
      %get3A_92 = arith.constant 0 : index
      %get3A_93 = vector.load %arg14[%get3A_91, %get3A_92] : memref<64x1xf32, #tpu.memory_space<vmem>>, vector<64x1xf32>
      %max3A = arith.constant 1.000000e+00 : f32
      %max3A_94 = vector.broadcast %max3A : f32 to vector<64x1xf32>
      %max3A_95 = arith.maximumf %get3A_93, %max3A_94 : vector<64x1xf32>
      %div3A = vector.broadcast %max3A_95 : vector<64x1xf32> to vector<64x128xf32>
      %div3A_96 = arith.divf %get3A_90, %div3A : vector<64x128xf32>
      %get3A_97 = arith.constant 0 : index
      %get3A_98 = arith.constant 0 : index
      %get3A_99 = vector.load %arg8[%get3A_97, %get3A_98] : memref<128x128xf32, #tpu.memory_space<vmem>>, vector<128x128xf32>
      %dot_general3A_100 = arith.constant dense<0.000000e+00> : vector<64x128xf32>
      %dot_general3A_101 = tpu.matmul %div3A_96, %get3A_99, %dot_general3A_100 {dimension_numbers = #tpu.dot_dimension_numbers<[1], [0], [0], [1], [0, 0, 1, 1], [], []>, transpose_lhs_hint = false} : vector<64x128xf32>, vector<128x128xf32>, vector<64x128xf32> -> vector<64x128xf32>
      %get3A_102 = arith.constant 0 : index
      %get3A_103 = arith.constant 0 : index
      %get3A_104 = vector.load %arg9[%get3A_102, %get3A_103] : memref<1x128xf32, #tpu.memory_space<vmem>>, vector<1x128xf32>
      %add3A_105 = vector.broadcast %get3A_104 : vector<1x128xf32> to vector<64x128xf32>
      %add3A_106 = arith.addf %dot_general3A_101, %add3A_105 : vector<64x128xf32>
      %max3A_107 = arith.constant 0.000000e+00 : f32
      %max3A_108 = vector.broadcast %max3A_107 : f32 to vector<64x128xf32>
      %max3A_109 = arith.maximumf %add3A_106, %max3A_108 : vector<64x128xf32>
      %get3A_110 = arith.constant 0 : index
      %get3A_111 = arith.constant 0 : index
      %get3A_112 = vector.load %arg10[%get3A_110, %get3A_111] : memref<128x1xf32, #tpu.memory_space<vmem>>, vector<128x1xf32>
      %dot_general3A_113 = arith.constant dense<0.000000e+00> : vector<64x1xf32>
      %dot_general3A_114 = tpu.matmul %max3A_109, %get3A_112, %dot_general3A_113 {dimension_numbers = #tpu.dot_dimension_numbers<[1], [0], [0], [1], [0, 0, 1, 1], [], []>, transpose_lhs_hint = false} : vector<64x128xf32>, vector<128x1xf32>, vector<64x1xf32> -> vector<64x1xf32>
      %get3A_115 = arith.constant 0 : index
      %get3A_116 = arith.constant 0 : index
      %get3A_117 = vector.load %arg11[%get3A_115, %get3A_116] : memref<1x1xf32, #tpu.memory_space<vmem>>, vector<1x1xf32>
      %add3A_118 = vector.broadcast %get3A_117 : vector<1x1xf32> to vector<64x1xf32>
      %add3A_119 = arith.addf %dot_general3A_114, %add3A_118 : vector<64x1xf32>
      %logistic3A_120 = arith.negf %add3A_119 : vector<64x1xf32>
      %logistic3A_121 = math.exp %logistic3A_120 : vector<64x1xf32>
      %logistic3A_122 = arith.constant 1.000000e+00 : f32
      %logistic3A_123 = vector.broadcast %logistic3A_122 : f32 to vector<64x1xf32>
      %logistic3A_124 = arith.addf %logistic3A_123, %logistic3A_121 : vector<64x1xf32>
      %logistic3A_125 = arith.divf %logistic3A_123, %logistic3A_124 : vector<64x1xf32>
      %swap3A_126 = arith.constant 0 : index
      %swap3A_127 = arith.constant 0 : index
      %swap3A_128 = vector.load %arg12[%swap3A_126, %swap3A_127] : memref<64x1xf32, #tpu.memory_space<vmem>>, vector<64x1xf32>
      tpu.vector_store %arg12[%swap3A_126, %swap3A_127], %logistic3A_125 {strides = array<i32>} : memref<64x1xf32, #tpu.memory_space<vmem>>, vector<64x1xf32>,
    } else {
    }
    return
  }
  func.func @transform_0(%arg0: i32) -> (i32, i32) {
    %c0_i32 = arith.constant 0 : i32
    %c0_i32_0 = arith.constant 0 : i32
    return %arg0, %c0_i32 : i32, i32
  }
  func.func @transform_1(%arg0: i32) -> (i32, i32, i32) {
    %c0_i32 = arith.constant 0 : i32
    %c0_i32_0 = arith.constant 0 : i32
    %c0_i32_1 = arith.constant 0 : i32
    return %c0_i32, %arg0, %c0_i32_0 : i32, i32, i32
  }
  func.func @transform_2(%arg0: i32) -> (i32, i32) {
    %c0_i32 = arith.constant 0 : i32
    %c0_i32_0 = arith.constant 0 : i32
    %c0_i32_1 = arith.constant 0 : i32
    return %c0_i32, %c0_i32_0 : i32, i32
  }
  func.func @transform_3(%arg0: i32) -> (i32, i32) {
    %c0_i32 = arith.constant 0 : i32
    %c0_i32_0 = arith.constant 0 : i32
    %c0_i32_1 = arith.constant 0 : i32
    return %c0_i32, %c0_i32_0 : i32, i32
  }
  func.func @transform_4(%arg0: i32) -> (i32, i32) {
    %c0_i32 = arith.constant 0 : i32
    %c0_i32_0 = arith.constant 0 : i32
    %c0_i32_1 = arith.constant 0 : i32
    return %c0_i32, %c0_i32_0 : i32, i32
  }
  func.func @transform_5(%arg0: i32) -> (i32, i32) {
    %c0_i32 = arith.constant 0 : i32
    %c0_i32_0 = arith.constant 0 : i32
    %c0_i32_1 = arith.constant 0 : i32
    return %c0_i32, %c0_i32_0 : i32, i32
  }
  func.func @transform_6(%arg0: i32) -> (i32, i32, i32) {
    %c0_i32 = arith.constant 0 : i32
    %c0_i32_0 = arith.constant 0 : i32
    %c0_i32_1 = arith.constant 0 : i32
    return %arg0, %c0_i32, %c0_i32_0 : i32, i32, i32
  }
  func.func @transform_7(%arg0: i32) -> (i32, i32) {
    %c0_i32 = arith.constant 0 : i32
    %c0_i32_0 = arith.constant 0 : i32
    %c0_i32_1 = arith.constant 0 : i32
    return %c0_i32, %c0_i32_0 : i32, i32
  }
  func.func @transform_8(%arg0: i32) -> (i32, i32) {
    %c0_i32 = arith.constant 0 : i32
    %c0_i32_0 = arith.constant 0 : i32
    %c0_i32_1 = arith.constant 0 : i32
    return %c0_i32, %c0_i32_0 : i32, i32
  }
  func.func @transform_9(%arg0: i32) -> (i32, i32) {
    %c0_i32 = arith.constant 0 : i32
    %c0_i32_0 = arith.constant 0 : i32
    %c0_i32_1 = arith.constant 0 : i32
    return %c0_i32, %c0_i32_0 : i32, i32
  }
  func.func @transform_10(%arg0: i32) -> (i32, i32) {
    %c0_i32 = arith.constant 0 : i32
    %c0_i32_0 = arith.constant 0 : i32
    %c0_i32_1 = arith.constant 0 : i32
    return %c0_i32, %c0_i32_0 : i32, i32
  }
  func.func @transform_11(%arg0: i32) -> (i32, i32) {
    %c0_i32 = arith.constant 0 : i32
    %c0_i32_0 = arith.constant 0 : i32
    %c0_i32_1 = arith.constant 0 : i32
    return %c0_i32, %c0_i32_0 : i32, i32
  }
}

</mosaic_0001>

<sc_bundles>
// kernel: kernel.15.cloned.1.call-start
scs
__scs_entry_jumppad:
0x0: {  	(pc) =	sbr.rel $0x88, $3  }
0x1: {  	(tag) =	ssettag $0x0;
	lr =	simm.s32 $0x1  }
0x2: {  	[smem:$0x3F93] =	sst lr;
	_ =	strace $0xD0000000  }
0x3: {  	_ = 	snop  }
0x4: {  	_ = 	snop  }
0x5: {  	_ = 	snop  }
0x6: {  	_ = 	snop  }
0x7: {  	_ = 	snop  }
__scs_overlays_trampoline_lowered:
0x8: {  	[smem:$0x3FA2] =	sst s0  }
0x9: {  	[smem:$0x3FA3] =	sst s1  }
0xa: {  	[smem:$0x3FA4] =	sst s2  }
0xb: {  	[smem:$0x3FA5] =	sst s3  }
0xc: {  	[smem:$0x3FA6] =	sst s4  }
0xd: {  	[smem:$0x3FA7] =	sst s5  }
0xe: {  	[smem:$0x3FA8] =	sst s6  }
0xf: {  	[smem:$0x3FA9] =	sst s7  }
0x10: {  	[smem:$0x3FAA] =	sst s8  }
0x11: {  	[smem:$0x3FAB] =	sst s9;
	s0 =	simm.s32 @!p0 $0x0  }
0x12: {  	s1 =	sld [smem:$0x3F91];
	s0 =	simm.s32 @p0 $0x1  }
0x13: {  	[smem:$0x3FAC] =	sst s0;
	s0 =	simm.s32 @!p1 $0x0  }
0x14: {  	s2 =	sld [smem:$0x3F90];
	s0 =	simm.s32 @p1 $0x1  }
0x15: {  	[smem:$0x3FAD] =	sst s0;
	s0 =	simm.s32 @!p2 $0x0  }
0x16: {  	s3 =	sld [smem:$0x3FDB];
	s0 =	simm.s32 @p2 $0x1  }
0x17: {  	s4 =	simm.s32 $0x1BF5;
	[smem:$0x3FAF] =	sst s0  }
0x18: {  	s0 =	sld [smem:$0x3F92];
	_ =	swait.ge [sflag:s4], $0x0  }
0x19: {  	s7 =	sld [smem:$0x3F93]  }
0x1a: {  	s8 =	sadd.s32 $0xFFFFE003, lr  }
0x1b: {  	s9 =	sadd.s32 $0xFFFFFEF7, lr;
	s5 =	simm.s32 $0xFFFFFFFF;
	p2 =	slt.u32 s8, $0xFFFFF086  }
0x1c: {  	p1 =	slt.u32 s9, $0xF7A;
	s5 =	simm.s32 @!p2 $0x0  }
0x1d: {  	s5 =	simm.s32 @p1 $0x1;
	p0 =	seq.s32 s7, s2  }
0x1e: {  	s7 =	smul.u32 @!p0 $0xF7A, s2;
	p2 =	seq.s32 @!p0 s5, $0x0  }
0x1f: {  	s9 =	smul.u32 $0xF7A, s1;
	s8 =	simm.s32 @!p0 $0x1BF5;
	p2 =	por !p2, p0  }
0x20: {  	[sflag:s8] =	ssyncset.s32 @!p0 $0xFFFFF086;
	s6 =	sadd.s32 @!p0 s3, s7;
	s7 =	simm.s32 @!p0 $0x108  }
0x21: {  	s3 =	sadd.s32 s3, s9;
	s6 =	sadd.s32 @!p0 $0x88, s6;
	s7 =	simm.s32 @p2 $0x1082  }
0x22: {  	[simem:s7], [sflag:s8] =	dma.local @!p0 [hbm:s6], $0xF7A  }
0x23: {  	s9 =	sor.u32 $0xD0000000, s2;
	s6 =	simm.s32 $0x108;
	_ =	swait.ge @!p0 [sflag:s8], $0x0  }
0x24: {  	s3 =	sadd.s32 $0x88, s3;
	s6 =	simm.s32 @!p1 $0x1082;
	[sflag:s4] =	ssyncset.s32 $0xFFFFF086  }
0x25: {  	[simem:s6], [sflag:s4] =	dma.local [hbm:s3], $0xF7A  }
0x26: {  	[smem:$0x3F93] =	sst s1;
	(tag) =	ssettag s2;
	_ =	strace s9  }
0x27: {  	s1 =	sld [smem:$0x3FA3]  }
0x28: {  	s2 =	sld [smem:$0x3FA4]  }
0x29: {  	s4 =	sld [smem:$0x3FA6]  }
0x2a: {  	p0 =	seq.s32 s5, $0x0;
	s5 =	sld [smem:$0x3FA7]  }
0x2b: {  	s6 =	sld [smem:$0x3FA8]  }
0x2c: {  	s7 =	sld [smem:$0x3FA9]  }
0x2d: {  	s3 =	simm.s32 $0x108;
	s8 =	sld [smem:$0x3FAA]  }
0x2e: {  	s3 =	simm.s32 @!p0 $0x1082;
	s9 =	sld [smem:$0x3FAB]  }
0x2f: {  	lr =	sadd.s32 s0, s3;
	s0 =	sld [smem:$0x3FA2]  }
0x30: {  	s3 =	sld [smem:$0x3FA5]  }
0x31: {  	[smem:$0x3FAE] =	sst s10  }
0x32: {  	s10 =	sld [smem:$0x3FAC];
	_ =	sdelay $0x3  }
0x33: {  	p0 =	seq.s32 s10, $0x1;
	s10 =	sld [smem:$0x3FAE];
	_ =	sdelay $0x3  }
0x34: {  	[smem:$0x3FAE] =	sst s10  }
0x35: {  	s10 =	sld [smem:$0x3FAD];
	_ =	sdelay $0x3  }
0x36: {  	p1 =	seq.s32 s10, $0x1;
	s10 =	sld [smem:$0x3FAE];
	_ =	sdelay $0x3  }
0x37: {  	[smem:$0x3FAE] =	sst s10  }
0x38: {  	s10 =	sld [smem:$0x3FAF]  }
0x39: {  	_ = 	snop;
	(pc) =	sbr.ind lr, $3  }
0x3a: {  	_ = 	snop  }
0x3b: {  	_ = 	snop  }
0x3c: {  	p2 =	seq.s32 s10, $0x1;
	s10 =	sld [smem:$0x3FAE]  }
0x3d: {  	_ =	shalt  }
0x3e: {  	_ =	shalt  }
0x3f: {  	_ =	shalt  }
0x40: {  	_ =	shalt  }
0x41: {  	_ =	shalt  }
0x42: {  	_ =	shalt  }
0x43: {  	_ =	shalt  }
0x44: {  	_ =	shalt  }
0x45: {  	_ =	shalt  }
0x46: {  	_ =	shalt  }
0x47: {  	_ =	shalt  }
0x48: {  	_ =	shalt  }
0x49: {  	_ =	shalt  }
0x4a: {  	_ =	shalt  }
0x4b: {  	_ =	shalt  }
0x4c: {  	_ =	shalt  }
0x4d: {  	_ =	shalt  }
0x4e: {  	_ =	shalt  }
0x4f: {  	_ =	shalt  }
0x50: {  	_ =	shalt  }
0x51: {  	_ =	shalt  }
0x52: {  	_ =	shalt  }
0x53: {  	_ =	shalt  }
0x54: {  	_ =	shalt  }
0x55: {  	_ =	shalt  }
0x56: {  	_ =	shalt  }
0x57: {  	_ =	shalt  }
0x58: {  	_ =	shalt  }
0x59: {  	_ =	shalt  }
0x5a: {  	_ =	shalt  }
0x5b: {  	_ =	shalt  }
0x5c: {  	_ =	shalt  }
0x5d: {  	_ =	shalt  }
0x5e: {  	_ =	shalt  }
0x5f: {  	_ =	shalt  }
0x60: {  	_ =	shalt  }
0x61: {  	_ =	shalt  }
0x62: {  	_ =	shalt  }
0x63: {  	_ =	shalt  }
0x64: {  	_ =	shalt  }
0x65: {  	_ =	shalt  }
0x66: {  	_ =	shalt  }
0x67: {  	_ =	shalt  }
0x68: {  	_ =	shalt  }
0x69: {  	_ =	shalt  }
0x6a: {  	_ =	shalt  }
0x6b: {  	_ =	shalt  }
0x6c: {  	_ =	shalt  }
0x6d: {  	_ =	shalt  }
0x6e: {  	_ =	shalt  }
0x6f: {  	_ =	shalt  }
0x70: {  	_ =	shalt  }
0x71: {  	_ =	shalt  }
0x72: {  	_ =	shalt  }
0x73: {  	_ =	shalt  }
0x74: {  	_ =	shalt  }
0x75: {  	_ =	shalt  }
0x76: {  	_ =	shalt  }
0x77: {  	_ =	shalt  }
0x78: {  	_ =	shalt  }
0x79: {  	_ =	shalt  }
0x7a: {  	_ =	shalt  }
0x7b: {  	_ =	shalt  }
0x7c: {  	_ =	shalt  }
0x7d: {  	_ =	shalt  }
0x7e: {  	_ =	shalt  }
0x7f: {  	_ =	shalt  }
0x80: {  	_ =	shalt  }
0x81: {  	_ =	shalt  }
0x82: {  	_ =	shalt  }
0x83: {  	_ =	shalt  }
0x84: {  	_ =	shalt  }
0x85: {  	_ =	shalt  }
0x86: {  	_ =	shalt  }
0x87: {  	_ =	shalt  }
.Lfunc_end0:
.L_simem_size_0:
called_computation_lowered:
.L_overlay_start_0:
0x88: {  	s2 =	sld [smem:$0x3FD9]  }
0x89: {  	s3 =	sld [smem:$0x3FFE];
	_ =	sdelay $0x1  }
0x8a: {  	s1 =	srdreg.scid  }
0x8b: {  	s0 =	sand.u32 $0x1, s1  }
0x8c: {  	s16 =	sshll.u32 s0, $0xA;
	s2 =	sadd.s32 s3, s2  }
0x8d: {  	s2 =	sadd.s32 s2, s16  }
0x8e: {  	[smem:$0x3FBA] =	sst s2  }
0x8f: {  	_ = 	snop  }
0x90: {  	(tm) =	ssettm $0x1  }
0x91: {  	s17 =	sld [smem:$0x3FFB];
	_ =	sdelay $0x3  }
0x92: {  	_ =	strace s17  }
0x93: {  	s2 =	sld [smem:$0x3FFC];
	_ =	sdelay $0x3  }
0x94: {  	_ =	strace s2  }
0x95: {  	s2 =	sld [smem:$0x3FFD];
	_ =	sdelay $0x3  }
0x96: {  	_ =	strace s2  }
0x97: {  	_ =	strace $0x8FFFFFFF  }
0x98: {  	s18 =	sld [smem:$0x3FDB];
	_ =	sdelay $0x1  }
0x99: {  	s19 =	simm.s32 $_scs_section_size  }
0x9a: {  	s4 =	simm.s32 $_size__tile_overlayer_lowered;
	s5 =	simm.s32 $_tile_overlayer_lowered  }
0x9b: {  	s22 =	simm.s32 $0x1BFF;
	s21 =	sshll.u32 s5, $0x1;
	s2 =	sadd.s32 s19, s18  }
0x9c: {  	s6 =	simm.s32 $0x0;
	s20 =	sshll.u32 s4, $0x1;
	s4 =	sadd.s32 s21, s2  }
0x9d: {  	[timem:s6], [sflag:s22] =	dma.local [hbm:s4], s20  }
0x9e: {  	_ =	swait.ge [sflag:s22], s20  }
0x9f: {  	s3 =	ssub.s32 $0x0, s20;
	[sflag:s22] =	ssyncset.done $0x0  }
0xa0: {  	[sflag:s22] =	ssyncadd.s32 s3;
	_ =	sdelay $0x1  }
0xa1: {  	s23 =	simm.s32 $0x1B8B  }
0xa2: {  	_ =	swait.ge [sflag:s23], $0x1  }
0xa3: {  	[sflag:s23] =	ssyncset.done $0x0  }
0xa4: {  	s25 =	simm.s32 $0x1B8E;
	s24 =	sld [smem:$0x3FFE];
	[sflag:s23] =	ssyncadd.s32 $0xFFFFFFFF  }
0xa5: {  	s26 =	simm.s32 $execute0_lowered;
	[smem:$0x3FD2] =	sst s25  }
0xa6: {  	s4 =	sshll.u32 s26, $0x1;
	_ =	strace $0x80000046;
	[dreg:$0x1] =	wrdreg $0xFFFFFFFF  }
0xa7: {  	s28 =	simm.s32 $_size_execute0_lowered;
	s2 =	sadd.s32 s2, s4;
	[dreg:$0x0] =	wrdreg $0x0  }
0xa8: {  	s4 =	sshll.u32 s28, $0x1;
	[dreg:$0x2] =	wrdreg s2  }
0xa9: {  	[dreg:$0x3] =	wrdreg s4  }
0xaa: {  	[dreg:$0x4] =	wrdreg $0xC0  }
0xab: {  	_ =	task [dreg:s6], $0x5FFFF  }
0xac: {  	[dreg:$0x1] =	wrdreg $0xFFFFFFFF  }
0xad: {  	[dreg:$0x0] =	wrdreg $0x60  }
0xae: {  	[dreg:$0x2] =	wrdreg s24  }
0xaf: {  	[dreg:$0x3] =	wrdreg $0xA8000  }
0xb0: {  	[dreg:$0x4] =	wrdreg $0x9  }
0xb1: {  	_ =	task.clear_ibuf [dreg:s6], $0x5FFFF;
	_ =	strace $0x90000046  }
0xb2: {  	s29 =	simm.s32 $0x9;
	_ =	strace $0x80000048  }
0xb3: {  	_ =	swait.ge [sflag:s29], $0x1  }
0xb4: {  	[sflag:s29] =	ssyncadd.s32 $0xFFFFFFFF  }
0xb5: {  	_ =	strace $0x90000048  }
0xb6: {  	_ =	sfence  }
0xb7: {  	s30 =	sld [smem:$0x0];
	_ =	sdelay $0x2  }
0xb8: {  	s31 =	sshll.u32 s1, $0xD;
	s1 =	sshrl.u32 s1, $0x2  }
0xb9: {  	s3 =	sand.u32 $0x4000, s31;
	s1 =	sadd.s32 s1, s30  }
0xba: {  	s0 =	sor.u32 s3, s0;
	s1 =	sshll.u32 s1, $0x11  }
0xbb: {  	s0 =	sor.u32 s1, s0  }
0xbc: {  	s0 =	sadd.s32 $0x8F2B, s0  }
0xbd: {  	[sflag:s0] =	ssyncadd.remote.s32 $0x1  }
0xbe: {  	_ =	sfence.sel $0xFFFF  }
0xbf: {  	[dreg:$0x0] =	wrdreg $0xFFFFFFFF;
	(pc) =	sbr.abs _section_cstart, $3  }
0xc0: {  	[dreg:$0x1] =	wrdreg $0xFFFFFFFF  }
0xc1: {  	_ =	task.clear_ibuf [dreg:s6], $0x2FFFF;
	_ =	strace $0x9FFFFFFF  }
0xc2: {  	(tm) =	ssettm $0x7FFFFFFF  }
0xc3: {  	_ =	shalt  }
tec
execute0_lowered:
.L_overlay_start_1:
0x0: {  	(tag) =	ssettag $0x1  }
0x1: {  	s0 =	rddreg [dreg:$0x0]  }
0x2: {  	s1 =	rddreg [dreg:$0x1]  }
0x3: {  	s3 =	simm.s32 $0x0;
	s2 =	stileid.u32;
	s6 =	srdreg.scid  }
0x4: {  	s17 =	simm.s32 $0x1400;
	s18 =	simm.s32 $0x7D;
	s19 =	simm.s32 $0x2800  }
0x5: {  	s20 =	simm.s32 $0x80;
	s21 =	simm.s32 $0x6800;
	s23 =	simm.s32 $0x1  }
0x6: {  	s24 =	simm.s32 $0x2;
	s28 =	simm.s32 $0x0;
	[smem:$0x7FF] =	sst s3  }
0x7: {  	s4 =	sadd.s32 $0x18600, s0;
	s5 =	smul.u32 $0x2700, s2;
	s6 =	sand.u32 $0x1, s6  }
0x8: {  	s7 =	sshll.u32 s2, $0x1;
	s12 =	sadd.s32 $0x4600, s0;
	s13 =	sadd.s32 $0xE600, s0  }
0x9: {  	s14 =	smul.u32 $0x4E000, s2;
	p0 =	sne.s32 s2, $0xF;
	s31 =	sshll.u32 s2, $0x6  }
0xa: {  	_ =	strace $0x80000047;
	s8 =	smul.u32 $0x27100, s6;
	s7 =	sor.u32 s6, s7  }
0xb: {  	s6 =	ssub.s32 $0x2, s6;
	s22 =	sor.u32 $0x1C03, s31;
	s9 =	smul.u32 $0x500, s7  }
0xc: {  	s10 =	sadd.s32 s5, s0;
	s11 =	sshrl.u32 s6, $0x1;
	s25 =	smul.u32 $0x2800, s7  }
0xd: {  	s26 =	sshrl.u32 s14, $0x2;
	s15 =	sadd.s32 s8, s0;
	s16 =	ssub.s32 s6, s11  }
0xe: {  	s8 =	sadd.s32 s26, s1;
	s11 =	sadd.s32 $0x66800, s0;
	s26 =	simm.s32 $0x2780  }
0xf: {  	s6 =	sadd.s32 s12, s9;
	s7 =	sadd.s32 s13, s9;
	s9 =	sadd.s32 $0x3F800, s10  }
0x10: {  	s29 =	sshrl.u32 s25, $0x3;
	s10 =	sadd.s32 $0x138000, s1;
	s14 =	sadd.s32 $0x66A00, s15  }
0x11: {  	s15 =	smax.u32 s16, $0x1;
	s16 =	simm.s32 $0x3;
	s30 =	sadd.s32 $0x280, s29  }
0x12: {  	s25 =	simm.s32 $0x2700;
	s12 =	sadd.s32 s12, s30;
	s13 =	sadd.s32 s13, s30  }
.LBB2_1:
0x13: {  	[tilespmem:s3], [sflag:$0x3] =	stream.linear.gather [hbm4b:s6+s3], $0x1400, $0x38;
	[tilespmem:$0x1E080] =	vst v63  }
0x14: {  	_ =	swait.ge [sflag:s16], $0x1400  }
0x15: {  	[sflag:s16] =	ssyncset.done $0x0  }
0x16: {  	[sflag:s16] =	ssyncadd.s32 $0xFFFFEC00  }
0x17: {  	[tilespmem:s17], [sflag:$0x3] =	stream.linear.gather [hbm4b:s7+s3], $0x1400, $0x38;
	[tilespmem:$0x1E080] =	vst v63  }
0x18: {  	_ =	swait.ge [sflag:s16], $0x1400  }
0x19: {  	[sflag:s16] =	ssyncset.done $0x0  }
0x1a: {  	[sflag:s16] =	ssyncadd.s32 $0xFFFFEC00  }
0x1b: {  	[tilespmem:s19], [sflag:$0x1] =	stream.indirect.gather [hbm4b:s4+s18], $0x80, s3, s18, $0xb8;
	[tilespmem:$0x1E080] =	vst v63  }
0x1c: {  	s29 =	sshrl.u32 s8, $0x3  }
0x1d: {  	[tilespmem:s21], [sflag:$0x2] =	stream.indirect.gather [hbm4b:s4+s18], $0x80, s20, s18, $0xb8;
	[tilespmem:$0x1E080] =	vst v63  }
0x1e: {  	[spmem:s29], [sflag:s22] =	dma.local [hbm:s9], $0x2700  }
0x1f: {  	_ =	swait.ge [sflag:s16], $0x2700  }
0x20: {  	[sflag:s16] =	ssyncset.done $0x0  }
0x21: {  	s30 =	sshrl.u32 @!p0 s10, $0x3;
	s0 =	simm.s32 @!p0 $0x3;
	[sflag:s16] =	ssyncadd.s32 $0xFFFFD900  }
0x22: {  	[spmem:s30], [sflag:s22] =	dma.local @!p0 [hbm:s11], $0x100  }
0x23: {  	_ =	swait.ge @!p0 [sflag:s0], $0x100  }
0x24: {  	[sflag:s0] =	ssyncset.done @!p0 $0x0  }
0x25: {  	[sflag:s0] =	ssyncadd.s32 @!p0 $0xFFFFFF00  }
0x26: {  	[bflag:$0x0] =	sbarrier.arrive $0xFFFF  }
0x27: {  	_ =	swait.ge [sflag:s23], $0x3E80  }
0x28: {  	[sflag:s23] =	ssyncset.done $0x0  }
0x29: {  	s2 =	simm.s32 $0x1400;
	[sflag:s23] =	ssyncadd.s32 $0xFFFFC180  }
0x2a: {  	[spmem:s1] =	stream.indirect.scatter.add.f32 [tilespmem:s19], [sflag:$0x3], $0x80, s2, s18, $0xb8;
	[tilespmem:$0x1E080] =	vst v63  }
0x2b: {  	_ =	swait.ge [sflag:s16], $0x3E80  }
0x2c: {  	[sflag:s16] =	ssyncset.done $0x0  }
0x2d: {  	s2 =	simm.s32 $0x100;
	[sflag:s16] =	ssyncadd.s32 $0xFFFFC180  }
0x2e: {  	[tilespmem:s19], [sflag:$0x1] =	stream.indirect.gather [hbm4b:s4+s18], $0x80, s2, s18, $0xb8;
	[tilespmem:$0x1E080] =	vst v63  }
0x2f: {  	_ =	swait.ge [sflag:s24], $0x3E80  }
0x30: {  	[sflag:s24] =	ssyncset.done $0x0  }
0x31: {  	s2 =	simm.s32 $0x1480;
	[sflag:s24] =	ssyncadd.s32 $0xFFFFC180  }
0x32: {  	[spmem:s1] =	stream.indirect.scatter.add.f32 [tilespmem:s21], [sflag:$0x3], $0x80, s2, s18, $0xb8;
	[tilespmem:$0x1E080] =	vst v63  }
0x33: {  	_ =	swait.ge [sflag:s16], $0x3E80  }
0x34: {  	[sflag:s16] =	ssyncset.done $0x0  }
0x35: {  	s31 =	simm.s32 $0x400;
	s0 =	simm.s32 $0x180;
	[sflag:s16] =	ssyncadd.s32 $0xFFFFC180  }
.LBB2_2:
0x36: {  	[tilespmem:s21], [sflag:$0x2] =	stream.indirect.gather [hbm4b:s4+s18], $0x80, s0, s18, $0xb8;
	[tilespmem:$0x1E080] =	vst v63  }
0x37: {  	s0 =	smov.u32 s31  }
0x38: {  	p1 =	sne.s32 s31, $0x4800;
	s31 =	sadd.s32 $0x400, s31;
	_ =	swait.ge [sflag:s23], $0x3E80  }
0x39: {  	s0 =	sshra.s32 s0, $0x2;
	[sflag:s23] =	ssyncset.done $0x0  }
0x3a: {  	s2 =	sadd.s32 $0x1400, s0;
	[sflag:s23] =	ssyncadd.s32 $0xFFFFC180  }
0x3b: {  	[spmem:s1] =	stream.indirect.scatter.add.f32 [tilespmem:s19], [sflag:$0x3], $0x80, s2, s18, $0xb8;
	[tilespmem:$0x1E080] =	vst v63  }
0x3c: {  	_ =	swait.ge [sflag:s16], $0x3E80  }
0x3d: {  	[sflag:s16] =	ssyncset.done $0x0  }
0x3e: {  	s2 =	sadd.s32 $0x100, s0;
	[sflag:s16] =	ssyncadd.s32 $0xFFFFC180  }
0x3f: {  	[tilespmem:s19], [sflag:$0x1] =	stream.indirect.gather [hbm4b:s4+s18], $0x80, s2, s18, $0xb8;
	[tilespmem:$0x1E080] =	vst v63  }
0x40: {  	_ =	swait.ge [sflag:s24], $0x3E80  }
0x41: {  	[sflag:s24] =	ssyncset.done $0x0  }
.Ltmp0:
0x42: {  	s2 =	sadd.s32 $0x1480, s0;
	[sflag:s24] =	ssyncadd.s32 $0xFFFFC180;
	(pc) =	sbr.rel @p1 .LBB2_2-.Ltmp0, $4  }
0x43: {  	[spmem:s1] =	stream.indirect.scatter.add.f32 [tilespmem:s21], [sflag:$0x3], $0x80, s2, s18, $0xb8;
	[tilespmem:$0x1E080] =	vst v63  }
0x44: {  	_ =	swait.ge [sflag:s16], $0x3E80  }
0x45: {  	[sflag:s16] =	ssyncset.done $0x0  }
0x46: {  	s0 =	sadd.s32 $0x180, s0;
	[sflag:s16] =	ssyncadd.s32 $0xFFFFC180  }
0x47: {  	[tilespmem:s21], [sflag:$0x2] =	stream.indirect.gather [hbm4b:s4+s18], $0x80, s0, s18, $0xb8;
	[tilespmem:$0x1E080] =	vst v63  }
0x48: {  	_ =	swait.ge [sflag:s23], $0x3E80  }
0x49: {  	[sflag:s23] =	ssyncset.done $0x0  }
0x4a: {  	[sflag:s23] =	ssyncadd.s32 $0xFFFFC180  }
0x4b: {  	[spmem:s1] =	stream.indirect.scatter.add.f32 [tilespmem:s19], [sflag:$0x3], $0x80, s25, s18, $0xb8;
	[tilespmem:$0x1E080] =	vst v63  }
0x4c: {  	_ =	swait.ge [sflag:s16], $0x3E80  }
0x4d: {  	[sflag:s16] =	ssyncset.done $0x0  }
0x4e: {  	[sflag:s16] =	ssyncadd.s32 $0xFFFFC180  }
0x4f: {  	_ =	swait.ge [sflag:s24], $0x3E80  }
0x50: {  	[sflag:s24] =	ssyncset.done $0x0  }
0x51: {  	[sflag:s24] =	ssyncadd.s32 $0xFFFFC180  }
0x52: {  	[spmem:s1] =	stream.indirect.scatter.add.f32 [tilespmem:s21], [sflag:$0x3], $0x80, s26, s18, $0xb8;
	[tilespmem:$0x1E080] =	vst v63  }
0x53: {  	_ =	swait.ge [sflag:s16], $0x3E80  }
0x54: {  	[sflag:s16] =	ssyncset.done $0x0  }
0x55: {  	s2 =	simm.s32 $0x0;
	[sflag:s16] =	ssyncadd.s32 $0xFFFFC180  }
0x56: {  	[tilespmem:s2], [sflag:$0x3] =	stream.linear.gather [hbm4b:s12+s2], $0x1400, $0x38;
	[tilespmem:$0x1E080] =	vst v63  }
0x57: {  	_ =	swait.ge [sflag:s16], $0x1400  }
0x58: {  	[sflag:s16] =	ssyncset.done $0x0  }
0x59: {  	[sflag:s16] =	ssyncadd.s32 $0xFFFFEC00  }
0x5a: {  	[tilespmem:s17], [sflag:$0x3] =	stream.linear.gather [hbm4b:s13+s2], $0x1400, $0x38;
	[tilespmem:$0x1E080] =	vst v63  }
0x5b: {  	_ =	swait.ge [sflag:s16], $0x1400  }
0x5c: {  	[sflag:s16] =	ssyncset.done $0x0  }
0x5d: {  	[sflag:s16] =	ssyncadd.s32 $0xFFFFEC00  }
0x5e: {  	[tilespmem:s19], [sflag:$0x1] =	stream.indirect.gather [hbm4b:s4+s18], $0x80, s2, s18, $0xb8;
	[tilespmem:$0x1E080] =	vst v63  }
0x5f: {  	_ = 	snop  }
0x60: {  	[tilespmem:s21], [sflag:$0x2] =	stream.indirect.gather [hbm4b:s4+s18], $0x80, s20, s18, $0xb8;
	[tilespmem:$0x1E080] =	vst v63  }
0x61: {  	_ =	swait.ge [sflag:s23], $0x3E80  }
0x62: {  	[sflag:s23] =	ssyncset.done $0x0  }
0x63: {  	s2 =	simm.s32 $0x1400;
	[sflag:s23] =	ssyncadd.s32 $0xFFFFC180  }
0x64: {  	[spmem:s1] =	stream.indirect.scatter.add.f32 [tilespmem:s19], [sflag:$0x3], $0x80, s2, s18, $0xb8;
	[tilespmem:$0x1E080] =	vst v63  }
0x65: {  	_ =	swait.ge [sflag:s16], $0x3E80  }
0x66: {  	[sflag:s16] =	ssyncset.done $0x0  }
0x67: {  	s2 =	simm.s32 $0x100;
	[sflag:s16] =	ssyncadd.s32 $0xFFFFC180  }
0x68: {  	[tilespmem:s19], [sflag:$0x1] =	stream.indirect.gather [hbm4b:s4+s18], $0x80, s2, s18, $0xb8;
	[tilespmem:$0x1E080] =	vst v63  }
0x69: {  	_ =	swait.ge [sflag:s24], $0x3E80  }
0x6a: {  	[sflag:s24] =	ssyncset.done $0x0  }
0x6b: {  	s2 =	simm.s32 $0x1480;
	[sflag:s24] =	ssyncadd.s32 $0xFFFFC180  }
0x6c: {  	[spmem:s1] =	stream.indirect.scatter.add.f32 [tilespmem:s21], [sflag:$0x3], $0x80, s2, s18, $0xb8;
	[tilespmem:$0x1E080] =	vst v63  }
0x6d: {  	_ =	swait.ge [sflag:s16], $0x3E80  }
0x6e: {  	[sflag:s16] =	ssyncset.done $0x0  }
0x6f: {  	s31 =	simm.s32 $0x400;
	s0 =	simm.s32 $0x180;
	[sflag:s16] =	ssyncadd.s32 $0xFFFFC180  }
.LBB2_4:
0x70: {  	[tilespmem:s21], [sflag:$0x2] =	stream.indirect.gather [hbm4b:s4+s18], $0x80, s0, s18, $0xb8;
	[tilespmem:$0x1E080] =	vst v63  }
0x71: {  	s0 =	smov.u32 s31  }
0x72: {  	p1 =	sne.s32 s31, $0x4800;
	s31 =	sadd.s32 $0x400, s31;
	_ =	swait.ge [sflag:s23], $0x3E80  }
0x73: {  	s0 =	sshra.s32 s0, $0x2;
	[sflag:s23] =	ssyncset.done $0x0  }
0x74: {  	s2 =	sadd.s32 $0x1400, s0;
	[sflag:s23] =	ssyncadd.s32 $0xFFFFC180  }
0x75: {  	[spmem:s1] =	stream.indirect.scatter.add.f32 [tilespmem:s19], [sflag:$0x3], $0x80, s2, s18, $0xb8;
	[tilespmem:$0x1E080] =	vst v63  }
0x76: {  	_ =	swait.ge [sflag:s16], $0x3E80  }
0x77: {  	[sflag:s16] =	ssyncset.done $0x0  }
0x78: {  	s2 =	sadd.s32 $0x100, s0;
	[sflag:s16] =	ssyncadd.s32 $0xFFFFC180  }
0x79: {  	[tilespmem:s19], [sflag:$0x1] =	stream.indirect.gather [hbm4b:s4+s18], $0x80, s2, s18, $0xb8;
	[tilespmem:$0x1E080] =	vst v63  }
0x7a: {  	_ =	swait.ge [sflag:s24], $0x3E80  }
0x7b: {  	[sflag:s24] =	ssyncset.done $0x0  }
.Ltmp1:
0x7c: {  	s2 =	sadd.s32 $0x1480, s0;
	[sflag:s24] =	ssyncadd.s32 $0xFFFFC180;
	(pc) =	sbr.rel @p1 .LBB2_4-.Ltmp1, $4  }
0x7d: {  	[spmem:s1] =	stream.indirect.scatter.add.f32 [tilespmem:s21], [sflag:$0x3], $0x80, s2, s18, $0xb8;
	[tilespmem:$0x1E080] =	vst v63  }
0x7e: {  	_ =	swait.ge [sflag:s16], $0x3E80  }
0x7f: {  	[sflag:s16] =	ssyncset.done $0x0  }
0x80: {  	s0 =	sadd.s32 $0x180, s0;
	[sflag:s16] =	ssyncadd.s32 $0xFFFFC180  }
0x81: {  	[tilespmem:s21], [sflag:$0x2] =	stream.indirect.gather [hbm4b:s4+s18], $0x80, s0, s18, $0xb8;
	[tilespmem:$0x1E080] =	vst v63  }
0x82: {  	_ =	swait.ge [sflag:s23], $0x3E80  }
0x83: {  	[sflag:s23] =	ssyncset.done $0x0  }
0x84: {  	[sflag:s23] =	ssyncadd.s32 $0xFFFFC180  }
0x85: {  	[spmem:s1] =	stream.indirect.scatter.add.f32 [tilespmem:s19], [sflag:$0x3], $0x80, s25, s18, $0xb8;
	[tilespmem:$0x1E080] =	vst v63  }
0x86: {  	_ =	swait.ge [sflag:s16], $0x3E80  }
0x87: {  	[sflag:s16] =	ssyncset.done $0x0  }
0x88: {  	[sflag:s16] =	ssyncadd.s32 $0xFFFFC180  }
0x89: {  	_ =	swait.ge [sflag:s24], $0x3E80  }
0x8a: {  	[sflag:s24] =	ssyncset.done $0x0  }
0x8b: {  	[sflag:s24] =	ssyncadd.s32 $0xFFFFC180  }
0x8c: {  	[spmem:s1] =	stream.indirect.scatter.add.f32 [tilespmem:s21], [sflag:$0x3], $0x80, s26, s18, $0xb8;
	[tilespmem:$0x1E080] =	vst v63  }
0x8d: {  	_ =	swait.ge [sflag:s16], $0x3E80  }
0x8e: {  	[sflag:s16] =	ssyncset.done $0x0  }
0x8f: {  	[sflag:s16] =	ssyncadd.s32 $0xFFFFC180  }
0x90: {  	s31 =	sadd.s32 s5, s14;
	[bflag:$0x0] =	sbarrier.arrive $0xFFFF  }
0x91: {  	[hbm:s31], [sflag:s22] =	dma.local [spmem:s29], $0x2700  }
0x92: {  	_ =	swait.ge [sflag:s16], $0x2700  }
0x93: {  	s28 =	sadd.s32 $0x1, s28;
	[sflag:s16] =	ssyncset.done $0x0  }
0x94: {  	s0 =	sadd.s32 @!p0 $0x27000, s14;
	p1 =	sne.s32 s28, s15;
	[sflag:s16] =	ssyncadd.s32 $0xFFFFD900  }
0x95: {  	[hbm:s0], [sflag:s22] =	dma.local @!p0 [spmem:s30], $0x100  }
.Ltmp2:
0x96: {  	_ = 	snop;
	(pc) =	sbr.rel @p1 .LBB2_1-.Ltmp2, $4  }
0x97: {  	s0 =	simm.s32 @!p0 $0x3  }
0x98: {  	_ =	swait.ge @!p0 [sflag:s0], $0x100  }
0x99: {  	[sflag:s0] =	ssyncset.done @!p0 $0x0  }
0x9a: {  	[sflag:s0] =	ssyncadd.s32 @!p0 $0xFFFFFF00  }
0x9b: {  	_ =	sfence.sel $0x180000  }
0x9c: {  	[bflag:$0x0] =	sbarrier.arrive $0xFFFF  }
0x9d: {  	_ =	strace $0x90000047  }
0x9e: {  	s0 =	stileid.u32;
	[bflag:$0x2] =	sbarrier.arrive $0xFFFF  }
0x9f: {  	p0 =	sne.s32 s0, $0x0;
	s0 =	rddreg [dreg:$0x2]  }
0xa0: {  	s0 =	sadd.s32 @!p0 $0x100000, s0  }
0xa1: {  	[sflag:s0] =	ssyncadd.tile.s32 @!p0 $0x1;
	_ =	shalt  }
.Lfunc_end2:
_tile_overlayer_lowered:
.L_overlay_start_2:
0xa2: {  	(tag) =	ssettag $0x2  }
0xa3: {  	s0 =	rddreg [dreg:$0x0];
	s2 =	stileid.u32  }
0xa4: {  	s1 =	rddreg [dreg:$0x1];
	p0 =	sne.s32 s2, $0x0  }
0xa5: {  	s3 =	rddreg [dreg:$0x2];
	[bflag:$0x3] =	sbarrier.arrive $0xFFFF;
	s2 =	simm.s32 @!p0 $0x1C03  }
0xa6: {  	[timem:s3], [sflag:s2] =	dma.local @!p0 [hbm:s0], s1  }
0xa7: {  	s0 =	simm.s32 @!p0 $0x3  }
0xa8: {  	_ =	swait.ge @!p0 [sflag:s0], s1  }
0xa9: {  	s1 =	ssub.s32 @!p0 $0x0, s1;
	[sflag:s0] =	ssyncset.done @!p0 $0x0  }
0xaa: {  	[sflag:s0] =	ssyncadd.s32 @!p0 s1  }
0xab: {  	[bflag:$0x3] =	sbarrier.arrive $0xFFFF  }
0xac: {  	_ =	shalt  }

// kernel: kernel.18.cloned.1.call-start
scs
__scs_entry_jumppad:
0x0: {  	(pc) =	sbr.rel $0x88, $3  }
0x1: {  	(tag) =	ssettag $0x0;
	lr =	simm.s32 $0x1  }
0x2: {  	[smem:$0x3F93] =	sst lr;
	_ =	strace $0xD0000000  }
0x3: {  	_ = 	snop  }
0x4: {  	_ = 	snop  }
0x5: {  	_ = 	snop  }
0x6: {  	_ = 	snop  }
0x7: {  	_ = 	snop  }
__scs_overlays_trampoline_lowered:
0x8: {  	[smem:$0x3FA2] =	sst s0  }
0x9: {  	[smem:$0x3FA3] =	sst s1  }
0xa: {  	[smem:$0x3FA4] =	sst s2  }
0xb: {  	[smem:$0x3FA5] =	sst s3  }
0xc: {  	[smem:$0x3FA6] =	sst s4  }
0xd: {  	[smem:$0x3FA7] =	sst s5  }
0xe: {  	[smem:$0x3FA8] =	sst s6  }
0xf: {  	[smem:$0x3FA9] =	sst s7  }
0x10: {  	[smem:$0x3FAA] =	sst s8  }
0x11: {  	[smem:$0x3FAB] =	sst s9;
	s0 =	simm.s32 @!p0 $0x0  }
0x12: {  	s1 =	sld [smem:$0x3F91];
	s0 =	simm.s32 @p0 $0x1  }
0x13: {  	[smem:$0x3FAC] =	sst s0;
	s0 =	simm.s32 @!p1 $0x0  }
0x14: {  	s2 =	sld [smem:$0x3F90];
	s0 =	simm.s32 @p1 $0x1  }
0x15: {  	[smem:$0x3FAD] =	sst s0;
	s0 =	simm.s32 @!p2 $0x0  }
0x16: {  	s3 =	sld [smem:$0x3FDB];
	s0 =	simm.s32 @p2 $0x1  }
0x17: {  	s4 =	simm.s32 $0x1BF5;
	[smem:$0x3FAF] =	sst s0  }
0x18: {  	s0 =	sld [smem:$0x3F92];
	_ =	swait.ge [sflag:s4], $0x0  }
0x19: {  	s7 =	sld [smem:$0x3F93]  }
0x1a: {  	s8 =	sadd.s32 $0xFFFFE003, lr  }
0x1b: {  	s9 =	sadd.s32 $0xFFFFFEF7, lr;
	s5 =	simm.s32 $0xFFFFFFFF;
	p2 =	slt.u32 s8, $0xFFFFF086  }
0x1c: {  	p1 =	slt.u32 s9, $0xF7A;
	s5 =	simm.s32 @!p2 $0x0  }
0x1d: {  	s5 =	simm.s32 @p1 $0x1;
	p0 =	seq.s32 s7, s2  }
0x1e: {  	s7 =	smul.u32 @!p0 $0xF7A, s2;
	p2 =	seq.s32 @!p0 s5, $0x0  }
0x1f: {  	s9 =	smul.u32 $0xF7A, s1;
	s8 =	simm.s32 @!p0 $0x1BF5;
	p2 =	por !p2, p0  }
0x20: {  	[sflag:s8] =	ssyncset.s32 @!p0 $0xFFFFF086;
	s6 =	sadd.s32 @!p0 s3, s7;
	s7 =	simm.s32 @!p0 $0x108  }
0x21: {  	s3 =	sadd.s32 s3, s9;
	s6 =	sadd.s32 @!p0 $0x88, s6;
	s7 =	simm.s32 @p2 $0x1082  }
0x22: {  	[simem:s7], [sflag:s8] =	dma.local @!p0 [hbm:s6], $0xF7A  }
0x23: {  	s9 =	sor.u32 $0xD0000000, s2;
	s6 =	simm.s32 $0x108;
	_ =	swait.ge @!p0 [sflag:s8], $0x0  }
0x24: {  	s3 =	sadd.s32 $0x88, s3;
	s6 =	simm.s32 @!p1 $0x1082;
	[sflag:s4] =	ssyncset.s32 $0xFFFFF086  }
0x25: {  	[simem:s6], [sflag:s4] =	dma.local [hbm:s3], $0xF7A  }
0x26: {  	[smem:$0x3F93] =	sst s1;
	(tag) =	ssettag s2;
	_ =	strace s9  }
0x27: {  	s1 =	sld [smem:$0x3FA3]  }
0x28: {  	s2 =	sld [smem:$0x3FA4]  }
0x29: {  	s4 =	sld [smem:$0x3FA6]  }
0x2a: {  	p0 =	seq.s32 s5, $0x0;
	s5 =	sld [smem:$0x3FA7]  }
0x2b: {  	s6 =	sld [smem:$0x3FA8]  }
0x2c: {  	s7 =	sld [smem:$0x3FA9]  }
0x2d: {  	s3 =	simm.s32 $0x108;
	s8 =	sld [smem:$0x3FAA]  }
0x2e: {  	s3 =	simm.s32 @!p0 $0x1082;
	s9 =	sld [smem:$0x3FAB]  }
0x2f: {  	lr =	sadd.s32 s0, s3;
	s0 =	sld [smem:$0x3FA2]  }
0x30: {  	s3 =	sld [smem:$0x3FA5]  }
0x31: {  	[smem:$0x3FAE] =	sst s10  }
0x32: {  	s10 =	sld [smem:$0x3FAC];
	_ =	sdelay $0x3  }
0x33: {  	p0 =	seq.s32 s10, $0x1;
	s10 =	sld [smem:$0x3FAE];
	_ =	sdelay $0x3  }
0x34: {  	[smem:$0x3FAE] =	sst s10  }
0x35: {  	s10 =	sld [smem:$0x3FAD];
	_ =	sdelay $0x3  }
0x36: {  	p1 =	seq.s32 s10, $0x1;
	s10 =	sld [smem:$0x3FAE];
	_ =	sdelay $0x3  }
0x37: {  	[smem:$0x3FAE] =	sst s10  }
0x38: {  	s10 =	sld [smem:$0x3FAF]  }
0x39: {  	_ = 	snop;
	(pc) =	sbr.ind lr, $3  }
0x3a: {  	_ = 	snop  }
0x3b: {  	_ = 	snop  }
0x3c: {  	p2 =	seq.s32 s10, $0x1;
	s10 =	sld [smem:$0x3FAE]  }
0x3d: {  	_ =	shalt  }
0x3e: {  	_ =	shalt  }
0x3f: {  	_ =	shalt  }
0x40: {  	_ =	shalt  }
0x41: {  	_ =	shalt  }
0x42: {  	_ =	shalt  }
0x43: {  	_ =	shalt  }
0x44: {  	_ =	shalt  }
0x45: {  	_ =	shalt  }
0x46: {  	_ =	shalt  }
0x47: {  	_ =	shalt  }
0x48: {  	_ =	shalt  }
0x49: {  	_ =	shalt  }
0x4a: {  	_ =	shalt  }
0x4b: {  	_ =	shalt  }
0x4c: {  	_ =	shalt  }
0x4d: {  	_ =	shalt  }
0x4e: {  	_ =	shalt  }
0x4f: {  	_ =	shalt  }
0x50: {  	_ =	shalt  }
0x51: {  	_ =	shalt  }
0x52: {  	_ =	shalt  }
0x53: {  	_ =	shalt  }
0x54: {  	_ =	shalt  }
0x55: {  	_ =	shalt  }
0x56: {  	_ =	shalt  }
0x57: {  	_ =	shalt  }
0x58: {  	_ =	shalt  }
0x59: {  	_ =	shalt  }
0x5a: {  	_ =	shalt  }
0x5b: {  	_ =	shalt  }
0x5c: {  	_ =	shalt  }
0x5d: {  	_ =	shalt  }
0x5e: {  	_ =	shalt  }
0x5f: {  	_ =	shalt  }
0x60: {  	_ =	shalt  }
0x61: {  	_ =	shalt  }
0x62: {  	_ =	shalt  }
0x63: {  	_ =	shalt  }
0x64: {  	_ =	shalt  }
0x65: {  	_ =	shalt  }
0x66: {  	_ =	shalt  }
0x67: {  	_ =	shalt  }
0x68: {  	_ =	shalt  }
0x69: {  	_ =	shalt  }
0x6a: {  	_ =	shalt  }
0x6b: {  	_ =	shalt  }
0x6c: {  	_ =	shalt  }
0x6d: {  	_ =	shalt  }
0x6e: {  	_ =	shalt  }
0x6f: {  	_ =	shalt  }
0x70: {  	_ =	shalt  }
0x71: {  	_ =	shalt  }
0x72: {  	_ =	shalt  }
0x73: {  	_ =	shalt  }
0x74: {  	_ =	shalt  }
0x75: {  	_ =	shalt  }
0x76: {  	_ =	shalt  }
0x77: {  	_ =	shalt  }
0x78: {  	_ =	shalt  }
0x79: {  	_ =	shalt  }
0x7a: {  	_ =	shalt  }
0x7b: {  	_ =	shalt  }
0x7c: {  	_ =	shalt  }
0x7d: {  	_ =	shalt  }
0x7e: {  	_ =	shalt  }
0x7f: {  	_ =	shalt  }
0x80: {  	_ =	shalt  }
0x81: {  	_ =	shalt  }
0x82: {  	_ =	shalt  }
0x83: {  	_ =	shalt  }
0x84: {  	_ =	shalt  }
0x85: {  	_ =	shalt  }
0x86: {  	_ =	shalt  }
0x87: {  	_ =	shalt  }
.Lfunc_end0:
.L_simem_size_0:
called_computation.1_lowered:
.L_overlay_start_0:
0x88: {  	s2 =	sld [smem:$0x3FD9]  }
0x89: {  	s3 =	sld [smem:$0x3FFE];
	_ =	sdelay $0x1  }
0x8a: {  	s1 =	srdreg.scid  }
0x8b: {  	s0 =	sand.u32 $0x1, s1  }
0x8c: {  	s16 =	sshll.u32 s0, $0xA;
	s2 =	sadd.s32 s3, s2  }
0x8d: {  	s2 =	sadd.s32 s2, s16  }
0x8e: {  	[smem:$0x3FBA] =	sst s2  }
0x8f: {  	_ = 	snop  }
0x90: {  	(tm) =	ssettm $0x1  }
0x91: {  	s17 =	sld [smem:$0x3FFB];
	_ =	sdelay $0x3  }
0x92: {  	_ =	strace s17  }
0x93: {  	s2 =	sld [smem:$0x3FFC];
	_ =	sdelay $0x3  }
0x94: {  	_ =	strace s2  }
0x95: {  	s2 =	sld [smem:$0x3FFD];
	_ =	sdelay $0x3  }
0x96: {  	_ =	strace s2  }
0x97: {  	_ =	strace $0x8FFFFFFF  }
0x98: {  	s18 =	sld [smem:$0x3FDB];
	_ =	sdelay $0x1  }
0x99: {  	s19 =	simm.s32 $_scs_section_size  }
0x9a: {  	s4 =	simm.s32 $_size__tile_overlayer_lowered;
	s5 =	simm.s32 $_tile_overlayer_lowered  }
0x9b: {  	s22 =	simm.s32 $0x1BFF;
	s21 =	sshll.u32 s5, $0x1;
	s2 =	sadd.s32 s19, s18  }
0x9c: {  	s6 =	simm.s32 $0x0;
	s20 =	sshll.u32 s4, $0x1;
	s4 =	sadd.s32 s21, s2  }
0x9d: {  	[timem:s6], [sflag:s22] =	dma.local [hbm:s4], s20  }
0x9e: {  	_ =	swait.ge [sflag:s22], s20  }
0x9f: {  	s3 =	ssub.s32 $0x0, s20;
	[sflag:s22] =	ssyncset.done $0x0  }
0xa0: {  	[sflag:s22] =	ssyncadd.s32 s3;
	_ =	sdelay $0x1  }
0xa1: {  	s23 =	simm.s32 $0x1B8B  }
0xa2: {  	_ =	swait.ge [sflag:s23], $0x1  }
0xa3: {  	[sflag:s23] =	ssyncset.done $0x0  }
0xa4: {  	s25 =	simm.s32 $0x1B8E;
	s24 =	sld [smem:$0x3FFE];
	[sflag:s23] =	ssyncadd.s32 $0xFFFFFFFF  }
0xa5: {  	s26 =	simm.s32 $execute0_lowered;
	[smem:$0x3FD2] =	sst s25  }
0xa6: {  	s4 =	sshll.u32 s26, $0x1;
	_ =	strace $0x80000049;
	[dreg:$0x1] =	wrdreg $0xFFFFFFFF  }
0xa7: {  	s28 =	simm.s32 $_size_execute0_lowered;
	s2 =	sadd.s32 s2, s4;
	[dreg:$0x0] =	wrdreg $0x0  }
0xa8: {  	s4 =	sshll.u32 s28, $0x1;
	[dreg:$0x2] =	wrdreg s2  }
0xa9: {  	[dreg:$0x3] =	wrdreg s4  }
0xaa: {  	[dreg:$0x4] =	wrdreg $0xC0  }
0xab: {  	_ =	task [dreg:s6], $0x5FFFF  }
0xac: {  	[dreg:$0x1] =	wrdreg $0xFFFFFFFF  }
0xad: {  	[dreg:$0x0] =	wrdreg $0x60  }
0xae: {  	[dreg:$0x2] =	wrdreg s24  }
0xaf: {  	[dreg:$0x3] =	wrdreg $0xA8000  }
0xb0: {  	[dreg:$0x4] =	wrdreg $0x9  }
0xb1: {  	_ =	task.clear_ibuf [dreg:s6], $0x5FFFF;
	_ =	strace $0x90000049  }
0xb2: {  	s29 =	simm.s32 $0x9;
	_ =	strace $0x8000004B  }
0xb3: {  	_ =	swait.ge [sflag:s29], $0x1  }
0xb4: {  	[sflag:s29] =	ssyncadd.s32 $0xFFFFFFFF  }
0xb5: {  	_ =	strace $0x9000004B  }
0xb6: {  	_ =	sfence  }
0xb7: {  	s30 =	sld [smem:$0x0];
	_ =	sdelay $0x2  }
0xb8: {  	s31 =	sshll.u32 s1, $0xD;
	s1 =	sshrl.u32 s1, $0x2  }
0xb9: {  	s3 =	sand.u32 $0x4000, s31;
	s1 =	sadd.s32 s1, s30  }
0xba: {  	s0 =	sor.u32 s3, s0;
	s1 =	sshll.u32 s1, $0x11  }
0xbb: {  	s0 =	sor.u32 s1, s0  }
0xbc: {  	s0 =	sadd.s32 $0x8F2B, s0  }
0xbd: {  	[sflag:s0] =	ssyncadd.remote.s32 $0x1  }
0xbe: {  	_ =	sfence.sel $0xFFFF  }
0xbf: {  	[dreg:$0x0] =	wrdreg $0xFFFFFFFF;
	(pc) =	sbr.abs _section_cstart, $3  }
0xc0: {  	[dreg:$0x1] =	wrdreg $0xFFFFFFFF  }
0xc1: {  	_ =	task.clear_ibuf [dreg:s6], $0x2FFFF;
	_ =	strace $0x9FFFFFFF  }
0xc2: {  	(tm) =	ssettm $0x7FFFFFFF  }
0xc3: {  	_ =	shalt  }
tec
execute0_lowered:
.L_overlay_start_1:
0x0: {  	(tag) =	ssettag $0x1  }
0x1: {  	s0 =	rddreg [dreg:$0x0]  }
0x2: {  	s1 =	rddreg [dreg:$0x1]  }
0x3: {  	s3 =	simm.s32 $0x0;
	s2 =	stileid.u32;
	s6 =	srdreg.scid  }
0x4: {  	s17 =	simm.s32 $0x1400;
	s18 =	simm.s32 $0x7D;
	s19 =	simm.s32 $0x2800  }
0x5: {  	s20 =	simm.s32 $0x80;
	s21 =	simm.s32 $0x6800;
	s23 =	simm.s32 $0x1  }
0x6: {  	s24 =	simm.s32 $0x2;
	s28 =	simm.s32 $0x0;
	[smem:$0x7FF] =	sst s3  }
0x7: {  	s4 =	sadd.s32 $0x18600, s0;
	s5 =	smul.u32 $0x2700, s2;
	s6 =	sand.u32 $0x1, s6  }
0x8: {  	s7 =	sshll.u32 s2, $0x1;
	s12 =	sadd.s32 $0x4600, s0;
	s13 =	sadd.s32 $0xE600, s0  }
0x9: {  	s14 =	smul.u32 $0x4E000, s2;
	p0 =	sne.s32 s2, $0xF;
	s31 =	sshll.u32 s2, $0x6  }
0xa: {  	_ =	strace $0x8000004A;
	s8 =	smul.u32 $0x27100, s6;
	s7 =	sor.u32 s6, s7  }
0xb: {  	s6 =	ssub.s32 $0x2, s6;
	s22 =	sor.u32 $0x1C03, s31;
	s9 =	smul.u32 $0x500, s7  }
0xc: {  	s10 =	sadd.s32 s5, s0;
	s11 =	sshrl.u32 s6, $0x1;
	s25 =	smul.u32 $0x2800, s7  }
0xd: {  	s26 =	sshrl.u32 s14, $0x2;
	s15 =	sadd.s32 s8, s0;
	s16 =	ssub.s32 s6, s11  }
0xe: {  	s8 =	sadd.s32 s26, s1;
	s11 =	sadd.s32 $0x66800, s0;
	s26 =	simm.s32 $0x2780  }
0xf: {  	s6 =	sadd.s32 s12, s9;
	s7 =	sadd.s32 s13, s9;
	s9 =	sadd.s32 $0x3F800, s10  }
0x10: {  	s29 =	sshrl.u32 s25, $0x3;
	s10 =	sadd.s32 $0x138000, s1;
	s14 =	sadd.s32 $0x66A00, s15  }
0x11: {  	s15 =	smax.u32 s16, $0x1;
	s16 =	simm.s32 $0x3;
	s30 =	sadd.s32 $0x280, s29  }
0x12: {  	s25 =	simm.s32 $0x2700;
	s12 =	sadd.s32 s12, s30;
	s13 =	sadd.s32 s13, s30  }
.LBB2_1:
0x13: {  	[tilespmem:s3], [sflag:$0x3] =	stream.linear.gather [hbm4b:s6+s3], $0x1400, $0x38;
	[tilespmem:$0x1E080] =	vst v63  }
0x14: {  	_ =	swait.ge [sflag:s16], $0x1400  }
0x15: {  	[sflag:s16] =	ssyncset.done $0x0  }
0x16: {  	[sflag:s16] =	ssyncadd.s32 $0xFFFFEC00  }
0x17: {  	[tilespmem:s17], [sflag:$0x3] =	stream.linear.gather [hbm4b:s7+s3], $0x1400, $0x38;
	[tilespmem:$0x1E080] =	vst v63  }
0x18: {  	_ =	swait.ge [sflag:s16], $0x1400  }
0x19: {  	[sflag:s16] =	ssyncset.done $0x0  }
0x1a: {  	[sflag:s16] =	ssyncadd.s32 $0xFFFFEC00  }
0x1b: {  	[tilespmem:s19], [sflag:$0x1] =	stream.indirect.gather [hbm4b:s4+s18], $0x80, s3, s18, $0xb8;
	[tilespmem:$0x1E080] =	vst v63  }
0x1c: {  	s29 =	sshrl.u32 s8, $0x3  }
0x1d: {  	[tilespmem:s21], [sflag:$0x2] =	stream.indirect.gather [hbm4b:s4+s18], $0x80, s20, s18, $0xb8;
	[tilespmem:$0x1E080] =	vst v63  }
0x1e: {  	[spmem:s29], [sflag:s22] =	dma.local [hbm:s9], $0x2700  }
0x1f: {  	_ =	swait.ge [sflag:s16], $0x2700  }
0x20: {  	[sflag:s16] =	ssyncset.done $0x0  }
0x21: {  	s30 =	sshrl.u32 @!p0 s10, $0x3;
	s0 =	simm.s32 @!p0 $0x3;
	[sflag:s16] =	ssyncadd.s32 $0xFFFFD900  }
0x22: {  	[spmem:s30], [sflag:s22] =	dma.local @!p0 [hbm:s11], $0x100  }
0x23: {  	_ =	swait.ge @!p0 [sflag:s0], $0x100  }
0x24: {  	[sflag:s0] =	ssyncset.done @!p0 $0x0  }
0x25: {  	[sflag:s0] =	ssyncadd.s32 @!p0 $0xFFFFFF00  }
0x26: {  	[bflag:$0x0] =	sbarrier.arrive $0xFFFF  }
0x27: {  	_ =	swait.ge [sflag:s23], $0x3E80  }
0x28: {  	[sflag:s23] =	ssyncset.done $0x0  }
0x29: {  	s2 =	simm.s32 $0x1400;
	[sflag:s23] =	ssyncadd.s32 $0xFFFFC180  }
0x2a: {  	[spmem:s1] =	stream.indirect.scatter.add.f32 [tilespmem:s19], [sflag:$0x3], $0x80, s2, s18, $0xb8;
	[tilespmem:$0x1E080] =	vst v63  }
0x2b: {  	_ =	swait.ge [sflag:s16], $0x3E80  }
0x2c: {  	[sflag:s16] =	ssyncset.done $0x0  }
0x2d: {  	s2 =	simm.s32 $0x100;
	[sflag:s16] =	ssyncadd.s32 $0xFFFFC180  }
0x2e: {  	[tilespmem:s19], [sflag:$0x1] =	stream.indirect.gather [hbm4b:s4+s18], $0x80, s2, s18, $0xb8;
	[tilespmem:$0x1E080] =	vst v63  }
0x2f: {  	_ =	swait.ge [sflag:s24], $0x3E80  }
0x30: {  	[sflag:s24] =	ssyncset.done $0x0  }
0x31: {  	s2 =	simm.s32 $0x1480;
	[sflag:s24] =	ssyncadd.s32 $0xFFFFC180  }
0x32: {  	[spmem:s1] =	stream.indirect.scatter.add.f32 [tilespmem:s21], [sflag:$0x3], $0x80, s2, s18, $0xb8;
	[tilespmem:$0x1E080] =	vst v63  }
0x33: {  	_ =	swait.ge [sflag:s16], $0x3E80  }
0x34: {  	[sflag:s16] =	ssyncset.done $0x0  }
0x35: {  	s31 =	simm.s32 $0x400;
	s0 =	simm.s32 $0x180;
	[sflag:s16] =	ssyncadd.s32 $0xFFFFC180  }
.LBB2_2:
0x36: {  	[tilespmem:s21], [sflag:$0x2] =	stream.indirect.gather [hbm4b:s4+s18], $0x80, s0, s18, $0xb8;
	[tilespmem:$0x1E080] =	vst v63  }
0x37: {  	s0 =	smov.u32 s31  }
0x38: {  	p1 =	sne.s32 s31, $0x4800;
	s31 =	sadd.s32 $0x400, s31;
	_ =	swait.ge [sflag:s23], $0x3E80  }
0x39: {  	s0 =	sshra.s32 s0, $0x2;
	[sflag:s23] =	ssyncset.done $0x0  }
0x3a: {  	s2 =	sadd.s32 $0x1400, s0;
	[sflag:s23] =	ssyncadd.s32 $0xFFFFC180  }
0x3b: {  	[spmem:s1] =	stream.indirect.scatter.add.f32 [tilespmem:s19], [sflag:$0x3], $0x80, s2, s18, $0xb8;
	[tilespmem:$0x1E080] =	vst v63  }
0x3c: {  	_ =	swait.ge [sflag:s16], $0x3E80  }
0x3d: {  	[sflag:s16] =	ssyncset.done $0x0  }
0x3e: {  	s2 =	sadd.s32 $0x100, s0;
	[sflag:s16] =	ssyncadd.s32 $0xFFFFC180  }
0x3f: {  	[tilespmem:s19], [sflag:$0x1] =	stream.indirect.gather [hbm4b:s4+s18], $0x80, s2, s18, $0xb8;
	[tilespmem:$0x1E080] =	vst v63  }
0x40: {  	_ =	swait.ge [sflag:s24], $0x3E80  }
0x41: {  	[sflag:s24] =	ssyncset.done $0x0  }
.Ltmp0:
0x42: {  	s2 =	sadd.s32 $0x1480, s0;
	[sflag:s24] =	ssyncadd.s32 $0xFFFFC180;
	(pc) =	sbr.rel @p1 .LBB2_2-.Ltmp0, $4  }
0x43: {  	[spmem:s1] =	stream.indirect.scatter.add.f32 [tilespmem:s21], [sflag:$0x3], $0x80, s2, s18, $0xb8;
	[tilespmem:$0x1E080] =	vst v63  }
0x44: {  	_ =	swait.ge [sflag:s16], $0x3E80  }
0x45: {  	[sflag:s16] =	ssyncset.done $0x0  }
0x46: {  	s0 =	sadd.s32 $0x180, s0;
	[sflag:s16] =	ssyncadd.s32 $0xFFFFC180  }
0x47: {  	[tilespmem:s21], [sflag:$0x2] =	stream.indirect.gather [hbm4b:s4+s18], $0x80, s0, s18, $0xb8;
	[tilespmem:$0x1E080] =	vst v63  }
0x48: {  	_ =	swait.ge [sflag:s23], $0x3E80  }
0x49: {  	[sflag:s23] =	ssyncset.done $0x0  }
0x4a: {  	[sflag:s23] =	ssyncadd.s32 $0xFFFFC180  }
0x4b: {  	[spmem:s1] =	stream.indirect.scatter.add.f32 [tilespmem:s19], [sflag:$0x3], $0x80, s25, s18, $0xb8;
	[tilespmem:$0x1E080] =	vst v63  }
0x4c: {  	_ =	swait.ge [sflag:s16], $0x3E80  }
0x4d: {  	[sflag:s16] =	ssyncset.done $0x0  }
0x4e: {  	[sflag:s16] =	ssyncadd.s32 $0xFFFFC180  }
0x4f: {  	_ =	swait.ge [sflag:s24], $0x3E80  }
0x50: {  	[sflag:s24] =	ssyncset.done $0x0  }
0x51: {  	[sflag:s24] =	ssyncadd.s32 $0xFFFFC180  }
0x52: {  	[spmem:s1] =	stream.indirect.scatter.add.f32 [tilespmem:s21], [sflag:$0x3], $0x80, s26, s18, $0xb8;
	[tilespmem:$0x1E080] =	vst v63  }
0x53: {  	_ =	swait.ge [sflag:s16], $0x3E80  }
0x54: {  	[sflag:s16] =	ssyncset.done $0x0  }
0x55: {  	s2 =	simm.s32 $0x0;
	[sflag:s16] =	ssyncadd.s32 $0xFFFFC180  }
0x56: {  	[tilespmem:s2], [sflag:$0x3] =	stream.linear.gather [hbm4b:s12+s2], $0x1400, $0x38;
	[tilespmem:$0x1E080] =	vst v63  }
0x57: {  	_ =	swait.ge [sflag:s16], $0x1400  }
0x58: {  	[sflag:s16] =	ssyncset.done $0x0  }
0x59: {  	[sflag:s16] =	ssyncadd.s32 $0xFFFFEC00  }
0x5a: {  	[tilespmem:s17], [sflag:$0x3] =	stream.linear.gather [hbm4b:s13+s2], $0x1400, $0x38;
	[tilespmem:$0x1E080] =	vst v63  }
0x5b: {  	_ =	swait.ge [sflag:s16], $0x1400  }
0x5c: {  	[sflag:s16] =	ssyncset.done $0x0  }
0x5d: {  	[sflag:s16] =	ssyncadd.s32 $0xFFFFEC00  }
0x5e: {  	[tilespmem:s19], [sflag:$0x1] =	stream.indirect.gather [hbm4b:s4+s18], $0x80, s2, s18, $0xb8;
	[tilespmem:$0x1E080] =	vst v63  }
0x5f: {  	_ = 	snop  }
0x60: {  	[tilespmem:s21], [sflag:$0x2] =	stream.indirect.gather [hbm4b:s4+s18], $0x80, s20, s18, $0xb8;
	[tilespmem:$0x1E080] =	vst v63  }
0x61: {  	_ =	swait.ge [sflag:s23], $0x3E80  }
0x62: {  	[sflag:s23] =	ssyncset.done $0x0  }
0x63: {  	s2 =	simm.s32 $0x1400;
	[sflag:s23] =	ssyncadd.s32 $0xFFFFC180  }
0x64: {  	[spmem:s1] =	stream.indirect.scatter.add.f32 [tilespmem:s19], [sflag:$0x3], $0x80, s2, s18, $0xb8;
	[tilespmem:$0x1E080] =	vst v63  }
0x65: {  	_ =	swait.ge [sflag:s16], $0x3E80  }
0x66: {  	[sflag:s16] =	ssyncset.done $0x0  }
0x67: {  	s2 =	simm.s32 $0x100;
	[sflag:s16] =	ssyncadd.s32 $0xFFFFC180  }
0x68: {  	[tilespmem:s19], [sflag:$0x1] =	stream.indirect.gather [hbm4b:s4+s18], $0x80, s2, s18, $0xb8;
	[tilespmem:$0x1E080] =	vst v63  }
0x69: {  	_ =	swait.ge [sflag:s24], $0x3E80  }
0x6a: {  	[sflag:s24] =	ssyncset.done $0x0  }
0x6b: {  	s2 =	simm.s32 $0x1480;
	[sflag:s24] =	ssyncadd.s32 $0xFFFFC180  }
0x6c: {  	[spmem:s1] =	stream.indirect.scatter.add.f32 [tilespmem:s21], [sflag:$0x3], $0x80, s2, s18, $0xb8;
	[tilespmem:$0x1E080] =	vst v63  }
0x6d: {  	_ =	swait.ge [sflag:s16], $0x3E80  }
0x6e: {  	[sflag:s16] =	ssyncset.done $0x0  }
0x6f: {  	s31 =	simm.s32 $0x400;
	s0 =	simm.s32 $0x180;
	[sflag:s16] =	ssyncadd.s32 $0xFFFFC180  }
.LBB2_4:
0x70: {  	[tilespmem:s21], [sflag:$0x2] =	stream.indirect.gather [hbm4b:s4+s18], $0x80, s0, s18, $0xb8;
	[tilespmem:$0x1E080] =	vst v63  }
0x71: {  	s0 =	smov.u32 s31  }
0x72: {  	p1 =	sne.s32 s31, $0x4800;
	s31 =	sadd.s32 $0x400, s31;
	_ =	swait.ge [sflag:s23], $0x3E80  }
0x73: {  	s0 =	sshra.s32 s0, $0x2;
	[sflag:s23] =	ssyncset.done $0x0  }
0x74: {  	s2 =	sadd.s32 $0x1400, s0;
	[sflag:s23] =	ssyncadd.s32 $0xFFFFC180  }
0x75: {  	[spmem:s1] =	stream.indirect.scatter.add.f32 [tilespmem:s19], [sflag:$0x3], $0x80, s2, s18, $0xb8;
	[tilespmem:$0x1E080] =	vst v63  }
0x76: {  	_ =	swait.ge [sflag:s16], $0x3E80  }
0x77: {  	[sflag:s16] =	ssyncset.done $0x0  }
0x78: {  	s2 =	sadd.s32 $0x100, s0;
	[sflag:s16] =	ssyncadd.s32 $0xFFFFC180  }
0x79: {  	[tilespmem:s19], [sflag:$0x1] =	stream.indirect.gather [hbm4b:s4+s18], $0x80, s2, s18, $0xb8;
	[tilespmem:$0x1E080] =	vst v63  }
0x7a: {  	_ =	swait.ge [sflag:s24], $0x3E80  }
0x7b: {  	[sflag:s24] =	ssyncset.done $0x0  }
.Ltmp1:
0x7c: {  	s2 =	sadd.s32 $0x1480, s0;
	[sflag:s24] =	ssyncadd.s32 $0xFFFFC180;
	(pc) =	sbr.rel @p1 .LBB2_4-.Ltmp1, $4  }
0x7d: {  	[spmem:s1] =	stream.indirect.scatter.add.f32 [tilespmem:s21], [sflag:$0x3], $0x80, s2, s18, $0xb8;
	[tilespmem:$0x1E080] =	vst v63  }
0x7e: {  	_ =	swait.ge [sflag:s16], $0x3E80  }
0x7f: {  	[sflag:s16] =	ssyncset.done $0x0  }
0x80: {  	s0 =	sadd.s32 $0x180, s0;
	[sflag:s16] =	ssyncadd.s32 $0xFFFFC180  }
0x81: {  	[tilespmem:s21], [sflag:$0x2] =	stream.indirect.gather [hbm4b:s4+s18], $0x80, s0, s18, $0xb8;
	[tilespmem:$0x1E080] =	vst v63  }
0x82: {  	_ =	swait.ge [sflag:s23], $0x3E80  }
0x83: {  	[sflag:s23] =	ssyncset.done $0x0  }
0x84: {  	[sflag:s23] =	ssyncadd.s32 $0xFFFFC180  }
0x85: {  	[spmem:s1] =	stream.indirect.scatter.add.f32 [tilespmem:s19], [sflag:$0x3], $0x80, s25, s18, $0xb8;
	[tilespmem:$0x1E080] =	vst v63  }
0x86: {  	_ =	swait.ge [sflag:s16], $0x3E80  }
0x87: {  	[sflag:s16] =	ssyncset.done $0x0  }
0x88: {  	[sflag:s16] =	ssyncadd.s32 $0xFFFFC180  }
0x89: {  	_ =	swait.ge [sflag:s24], $0x3E80  }
0x8a: {  	[sflag:s24] =	ssyncset.done $0x0  }
0x8b: {  	[sflag:s24] =	ssyncadd.s32 $0xFFFFC180  }
0x8c: {  	[spmem:s1] =	stream.indirect.scatter.add.f32 [tilespmem:s21], [sflag:$0x3], $0x80, s26, s18, $0xb8;
	[tilespmem:$0x1E080] =	vst v63  }
0x8d: {  	_ =	swait.ge [sflag:s16], $0x3E80  }
0x8e: {  	[sflag:s16] =	ssyncset.done $0x0  }
0x8f: {  	[sflag:s16] =	ssyncadd.s32 $0xFFFFC180  }
0x90: {  	s31 =	sadd.s32 s5, s14;
	[bflag:$0x0] =	sbarrier.arrive $0xFFFF  }
0x91: {  	[hbm:s31], [sflag:s22] =	dma.local [spmem:s29], $0x2700  }
0x92: {  	_ =	swait.ge [sflag:s16], $0x2700  }
0x93: {  	s28 =	sadd.s32 $0x1, s28;
	[sflag:s16] =	ssyncset.done $0x0  }
0x94: {  	s0 =	sadd.s32 @!p0 $0x27000, s14;
	p1 =	sne.s32 s28, s15;
	[sflag:s16] =	ssyncadd.s32 $0xFFFFD900  }
0x95: {  	[hbm:s0], [sflag:s22] =	dma.local @!p0 [spmem:s30], $0x100  }
.Ltmp2:
0x96: {  	_ = 	snop;
	(pc) =	sbr.rel @p1 .LBB2_1-.Ltmp2, $4  }
0x97: {  	s0 =	simm.s32 @!p0 $0x3  }
0x98: {  	_ =	swait.ge @!p0 [sflag:s0], $0x100  }
0x99: {  	[sflag:s0] =	ssyncset.done @!p0 $0x0  }
0x9a: {  	[sflag:s0] =	ssyncadd.s32 @!p0 $0xFFFFFF00  }
0x9b: {  	_ =	sfence.sel $0x180000  }
0x9c: {  	[bflag:$0x0] =	sbarrier.arrive $0xFFFF  }
0x9d: {  	_ =	strace $0x9000004A  }
0x9e: {  	s0 =	stileid.u32;
	[bflag:$0x2] =	sbarrier.arrive $0xFFFF  }
0x9f: {  	p0 =	sne.s32 s0, $0x0;
	s0 =	rddreg [dreg:$0x2]  }
0xa0: {  	s0 =	sadd.s32 @!p0 $0x100000, s0  }
0xa1: {  	[sflag:s0] =	ssyncadd.tile.s32 @!p0 $0x1;
	_ =	shalt  }
.Lfunc_end2:
_tile_overlayer_lowered:
.L_overlay_start_2:
0xa2: {  	(tag) =	ssettag $0x2  }
0xa3: {  	s0 =	rddreg [dreg:$0x0];
	s2 =	stileid.u32  }
0xa4: {  	s1 =	rddreg [dreg:$0x1];
	p0 =	sne.s32 s2, $0x0  }
0xa5: {  	s3 =	rddreg [dreg:$0x2];
	[bflag:$0x3] =	sbarrier.arrive $0xFFFF;
	s2 =	simm.s32 @!p0 $0x1C03  }
0xa6: {  	[timem:s3], [sflag:s2] =	dma.local @!p0 [hbm:s0], s1  }
0xa7: {  	s0 =	simm.s32 @!p0 $0x3  }
0xa8: {  	_ =	swait.ge @!p0 [sflag:s0], s1  }
0xa9: {  	s1 =	ssub.s32 @!p0 $0x0, s1;
	[sflag:s0] =	ssyncset.done @!p0 $0x0  }
0xaa: {  	[sflag:s0] =	ssyncadd.s32 @!p0 s1  }
0xab: {  	[bflag:$0x3] =	sbarrier.arrive $0xFFFF  }
0xac: {  	_ =	shalt  }

// kernel: kernel.21.cloned.1.call-start
scs
__scs_entry_jumppad:
0x0: {  	(pc) =	sbr.rel $0x88, $3  }
0x1: {  	(tag) =	ssettag $0x0;
	lr =	simm.s32 $0x1  }
0x2: {  	[smem:$0x3F93] =	sst lr;
	_ =	strace $0xD0000000  }
0x3: {  	_ = 	snop  }
0x4: {  	_ = 	snop  }
0x5: {  	_ = 	snop  }
0x6: {  	_ = 	snop  }
0x7: {  	_ = 	snop  }
__scs_overlays_trampoline_lowered:
0x8: {  	[smem:$0x3FA2] =	sst s0  }
0x9: {  	[smem:$0x3FA3] =	sst s1  }
0xa: {  	[smem:$0x3FA4] =	sst s2  }
0xb: {  	[smem:$0x3FA5] =	sst s3  }
0xc: {  	[smem:$0x3FA6] =	sst s4  }
0xd: {  	[smem:$0x3FA7] =	sst s5  }
0xe: {  	[smem:$0x3FA8] =	sst s6  }
0xf: {  	[smem:$0x3FA9] =	sst s7  }
0x10: {  	[smem:$0x3FAA] =	sst s8  }
0x11: {  	[smem:$0x3FAB] =	sst s9;
	s0 =	simm.s32 @!p0 $0x0  }
0x12: {  	s1 =	sld [smem:$0x3F91];
	s0 =	simm.s32 @p0 $0x1  }
0x13: {  	[smem:$0x3FAC] =	sst s0;
	s0 =	simm.s32 @!p1 $0x0  }
0x14: {  	s2 =	sld [smem:$0x3F90];
	s0 =	simm.s32 @p1 $0x1  }
0x15: {  	[smem:$0x3FAD] =	sst s0;
	s0 =	simm.s32 @!p2 $0x0  }
0x16: {  	s3 =	sld [smem:$0x3FDB];
	s0 =	simm.s32 @p2 $0x1  }
0x17: {  	s4 =	simm.s32 $0x1BF5;
	[smem:$0x3FAF] =	sst s0  }
0x18: {  	s0 =	sld [smem:$0x3F92];
	_ =	swait.ge [sflag:s4], $0x0  }
0x19: {  	s7 =	sld [smem:$0x3F93]  }
0x1a: {  	s8 =	sadd.s32 $0xFFFFE003, lr  }
0x1b: {  	s9 =	sadd.s32 $0xFFFFFEF7, lr;
	s5 =	simm.s32 $0xFFFFFFFF;
	p2 =	slt.u32 s8, $0xFFFFF086  }
0x1c: {  	p1 =	slt.u32 s9, $0xF7A;
	s5 =	simm.s32 @!p2 $0x0  }
0x1d: {  	s5 =	simm.s32 @p1 $0x1;
	p0 =	seq.s32 s7, s2  }
0x1e: {  	s7 =	smul.u32 @!p0 $0xF7A, s2;
	p2 =	seq.s32 @!p0 s5, $0x0  }
0x1f: {  	s9 =	smul.u32 $0xF7A, s1;
	s8 =	simm.s32 @!p0 $0x1BF5;
	p2 =	por !p2, p0  }
0x20: {  	[sflag:s8] =	ssyncset.s32 @!p0 $0xFFFFF086;
	s6 =	sadd.s32 @!p0 s3, s7;
	s7 =	simm.s32 @!p0 $0x108  }
0x21: {  	s3 =	sadd.s32 s3, s9;
	s6 =	sadd.s32 @!p0 $0x88, s6;
	s7 =	simm.s32 @p2 $0x1082  }
0x22: {  	[simem:s7], [sflag:s8] =	dma.local @!p0 [hbm:s6], $0xF7A  }
0x23: {  	s9 =	sor.u32 $0xD0000000, s2;
	s6 =	simm.s32 $0x108;
	_ =	swait.ge @!p0 [sflag:s8], $0x0  }
0x24: {  	s3 =	sadd.s32 $0x88, s3;
	s6 =	simm.s32 @!p1 $0x1082;
	[sflag:s4] =	ssyncset.s32 $0xFFFFF086  }
0x25: {  	[simem:s6], [sflag:s4] =	dma.local [hbm:s3], $0xF7A  }
0x26: {  	[smem:$0x3F93] =	sst s1;
	(tag) =	ssettag s2;
	_ =	strace s9  }
0x27: {  	s1 =	sld [smem:$0x3FA3]  }
0x28: {  	s2 =	sld [smem:$0x3FA4]  }
0x29: {  	s4 =	sld [smem:$0x3FA6]  }
0x2a: {  	p0 =	seq.s32 s5, $0x0;
	s5 =	sld [smem:$0x3FA7]  }
0x2b: {  	s6 =	sld [smem:$0x3FA8]  }
0x2c: {  	s7 =	sld [smem:$0x3FA9]  }
0x2d: {  	s3 =	simm.s32 $0x108;
	s8 =	sld [smem:$0x3FAA]  }
0x2e: {  	s3 =	simm.s32 @!p0 $0x1082;
	s9 =	sld [smem:$0x3FAB]  }
0x2f: {  	lr =	sadd.s32 s0, s3;
	s0 =	sld [smem:$0x3FA2]  }
0x30: {  	s3 =	sld [smem:$0x3FA5]  }
0x31: {  	[smem:$0x3FAE] =	sst s10  }
0x32: {  	s10 =	sld [smem:$0x3FAC];
	_ =	sdelay $0x3  }
0x33: {  	p0 =	seq.s32 s10, $0x1;
	s10 =	sld [smem:$0x3FAE];
	_ =	sdelay $0x3  }
0x34: {  	[smem:$0x3FAE] =	sst s10  }
0x35: {  	s10 =	sld [smem:$0x3FAD];
	_ =	sdelay $0x3  }
0x36: {  	p1 =	seq.s32 s10, $0x1;
	s10 =	sld [smem:$0x3FAE];
	_ =	sdelay $0x3  }
0x37: {  	[smem:$0x3FAE] =	sst s10  }
0x38: {  	s10 =	sld [smem:$0x3FAF]  }
0x39: {  	_ = 	snop;
	(pc) =	sbr.ind lr, $3  }
0x3a: {  	_ = 	snop  }
0x3b: {  	_ = 	snop  }
0x3c: {  	p2 =	seq.s32 s10, $0x1;
	s10 =	sld [smem:$0x3FAE]  }
0x3d: {  	_ =	shalt  }
0x3e: {  	_ =	shalt  }
0x3f: {  	_ =	shalt  }
0x40: {  	_ =	shalt  }
0x41: {  	_ =	shalt  }
0x42: {  	_ =	shalt  }
0x43: {  	_ =	shalt  }
0x44: {  	_ =	shalt  }
0x45: {  	_ =	shalt  }
0x46: {  	_ =	shalt  }
0x47: {  	_ =	shalt  }
0x48: {  	_ =	shalt  }
0x49: {  	_ =	shalt  }
0x4a: {  	_ =	shalt  }
0x4b: {  	_ =	shalt  }
0x4c: {  	_ =	shalt  }
0x4d: {  	_ =	shalt  }
0x4e: {  	_ =	shalt  }
0x4f: {  	_ =	shalt  }
0x50: {  	_ =	shalt  }
0x51: {  	_ =	shalt  }
0x52: {  	_ =	shalt  }
0x53: {  	_ =	shalt  }
0x54: {  	_ =	shalt  }
0x55: {  	_ =	shalt  }
0x56: {  	_ =	shalt  }
0x57: {  	_ =	shalt  }
0x58: {  	_ =	shalt  }
0x59: {  	_ =	shalt  }
0x5a: {  	_ =	shalt  }
0x5b: {  	_ =	shalt  }
0x5c: {  	_ =	shalt  }
0x5d: {  	_ =	shalt  }
0x5e: {  	_ =	shalt  }
0x5f: {  	_ =	shalt  }
0x60: {  	_ =	shalt  }
0x61: {  	_ =	shalt  }
0x62: {  	_ =	shalt  }
0x63: {  	_ =	shalt  }
0x64: {  	_ =	shalt  }
0x65: {  	_ =	shalt  }
0x66: {  	_ =	shalt  }
0x67: {  	_ =	shalt  }
0x68: {  	_ =	shalt  }
0x69: {  	_ =	shalt  }
0x6a: {  	_ =	shalt  }
0x6b: {  	_ =	shalt  }
0x6c: {  	_ =	shalt  }
0x6d: {  	_ =	shalt  }
0x6e: {  	_ =	shalt  }
0x6f: {  	_ =	shalt  }
0x70: {  	_ =	shalt  }
0x71: {  	_ =	shalt  }
0x72: {  	_ =	shalt  }
0x73: {  	_ =	shalt  }
0x74: {  	_ =	shalt  }
0x75: {  	_ =	shalt  }
0x76: {  	_ =	shalt  }
0x77: {  	_ =	shalt  }
0x78: {  	_ =	shalt  }
0x79: {  	_ =	shalt  }
0x7a: {  	_ =	shalt  }
0x7b: {  	_ =	shalt  }
0x7c: {  	_ =	shalt  }
0x7d: {  	_ =	shalt  }
0x7e: {  	_ =	shalt  }
0x7f: {  	_ =	shalt  }
0x80: {  	_ =	shalt  }
0x81: {  	_ =	shalt  }
0x82: {  	_ =	shalt  }
0x83: {  	_ =	shalt  }
0x84: {  	_ =	shalt  }
0x85: {  	_ =	shalt  }
0x86: {  	_ =	shalt  }
0x87: {  	_ =	shalt  }
.Lfunc_end0:
.L_simem_size_0:
called_computation.2_lowered:
.L_overlay_start_0:
0x88: {  	s2 =	sld [smem:$0x3FD9]  }
0x89: {  	s3 =	sld [smem:$0x3FFE];
	_ =	sdelay $0x1  }
0x8a: {  	s1 =	srdreg.scid  }
0x8b: {  	s0 =	sand.u32 $0x1, s1  }
0x8c: {  	s16 =	sshll.u32 s0, $0xA;
	s2 =	sadd.s32 s3, s2  }
0x8d: {  	s2 =	sadd.s32 s2, s16  }
0x8e: {  	[smem:$0x3FBA] =	sst s2  }
0x8f: {  	_ = 	snop  }
0x90: {  	(tm) =	ssettm $0x1  }
0x91: {  	s17 =	sld [smem:$0x3FFB];
	_ =	sdelay $0x3  }
0x92: {  	_ =	strace s17  }
0x93: {  	s2 =	sld [smem:$0x3FFC];
	_ =	sdelay $0x3  }
0x94: {  	_ =	strace s2  }
0x95: {  	s2 =	sld [smem:$0x3FFD];
	_ =	sdelay $0x3  }
0x96: {  	_ =	strace s2  }
0x97: {  	_ =	strace $0x8FFFFFFF  }
0x98: {  	s18 =	sld [smem:$0x3FDB];
	_ =	sdelay $0x1  }
0x99: {  	s19 =	simm.s32 $_scs_section_size  }
0x9a: {  	s4 =	simm.s32 $_size__tile_overlayer_lowered;
	s5 =	simm.s32 $_tile_overlayer_lowered  }
0x9b: {  	s22 =	simm.s32 $0x1BFF;
	s21 =	sshll.u32 s5, $0x1;
	s2 =	sadd.s32 s19, s18  }
0x9c: {  	s6 =	simm.s32 $0x0;
	s20 =	sshll.u32 s4, $0x1;
	s4 =	sadd.s32 s21, s2  }
0x9d: {  	[timem:s6], [sflag:s22] =	dma.local [hbm:s4], s20  }
0x9e: {  	_ =	swait.ge [sflag:s22], s20  }
0x9f: {  	s3 =	ssub.s32 $0x0, s20;
	[sflag:s22] =	ssyncset.done $0x0  }
0xa0: {  	[sflag:s22] =	ssyncadd.s32 s3;
	_ =	sdelay $0x1  }
0xa1: {  	s23 =	simm.s32 $0x1B8B  }
0xa2: {  	_ =	swait.ge [sflag:s23], $0x1  }
0xa3: {  	[sflag:s23] =	ssyncset.done $0x0  }
0xa4: {  	s25 =	simm.s32 $0x1B8E;
	s24 =	sld [smem:$0x3FFE];
	[sflag:s23] =	ssyncadd.s32 $0xFFFFFFFF  }
0xa5: {  	s26 =	simm.s32 $execute0_lowered;
	[smem:$0x3FD2] =	sst s25  }
0xa6: {  	s4 =	sshll.u32 s26, $0x1;
	_ =	strace $0x8000004C;
	[dreg:$0x1] =	wrdreg $0xFFFFFFFF  }
0xa7: {  	s28 =	simm.s32 $_size_execute0_lowered;
	s2 =	sadd.s32 s2, s4;
	[dreg:$0x0] =	wrdreg $0x0  }
0xa8: {  	s4 =	sshll.u32 s28, $0x1;
	[dreg:$0x2] =	wrdreg s2  }
0xa9: {  	[dreg:$0x3] =	wrdreg s4  }
0xaa: {  	[dreg:$0x4] =	wrdreg $0xC0  }
0xab: {  	_ =	task [dreg:s6], $0x5FFFF  }
0xac: {  	[dreg:$0x1] =	wrdreg $0xFFFFFFFF  }
0xad: {  	[dreg:$0x0] =	wrdreg $0x60  }
0xae: {  	[dreg:$0x2] =	wrdreg s24  }
0xaf: {  	[dreg:$0x3] =	wrdreg $0xA8000  }
0xb0: {  	[dreg:$0x4] =	wrdreg $0x9  }
0xb1: {  	_ =	task.clear_ibuf [dreg:s6], $0x5FFFF;
	_ =	strace $0x9000004C  }
0xb2: {  	s29 =	simm.s32 $0x9;
	_ =	strace $0x8000004E  }
0xb3: {  	_ =	swait.ge [sflag:s29], $0x1  }
0xb4: {  	[sflag:s29] =	ssyncadd.s32 $0xFFFFFFFF  }
0xb5: {  	_ =	strace $0x9000004E  }
0xb6: {  	_ =	sfence  }
0xb7: {  	s30 =	sld [smem:$0x0];
	_ =	sdelay $0x2  }
0xb8: {  	s31 =	sshll.u32 s1, $0xD;
	s1 =	sshrl.u32 s1, $0x2  }
0xb9: {  	s3 =	sand.u32 $0x4000, s31;
	s1 =	sadd.s32 s1, s30  }
0xba: {  	s0 =	sor.u32 s3, s0;
	s1 =	sshll.u32 s1, $0x11  }
0xbb: {  	s0 =	sor.u32 s1, s0  }
0xbc: {  	s0 =	sadd.s32 $0x8F2B, s0  }
0xbd: {  	[sflag:s0] =	ssyncadd.remote.s32 $0x1  }
0xbe: {  	_ =	sfence.sel $0xFFFF  }
0xbf: {  	[dreg:$0x0] =	wrdreg $0xFFFFFFFF;
	(pc) =	sbr.abs _section_cstart, $3  }
0xc0: {  	[dreg:$0x1] =	wrdreg $0xFFFFFFFF  }
0xc1: {  	_ =	task.clear_ibuf [dreg:s6], $0x2FFFF;
	_ =	strace $0x9FFFFFFF  }
0xc2: {  	(tm) =	ssettm $0x7FFFFFFF  }
0xc3: {  	_ =	shalt  }
tec
execute0_lowered:
.L_overlay_start_1:
0x0: {  	(tag) =	ssettag $0x1  }
0x1: {  	s0 =	rddreg [dreg:$0x0]  }
0x2: {  	s1 =	rddreg [dreg:$0x1]  }
0x3: {  	s3 =	simm.s32 $0x0;
	s2 =	stileid.u32;
	s6 =	srdreg.scid  }
0x4: {  	s17 =	simm.s32 $0x1400;
	s18 =	simm.s32 $0x7D;
	s19 =	simm.s32 $0x2800  }
0x5: {  	s20 =	simm.s32 $0x80;
	s21 =	simm.s32 $0x6800;
	s23 =	simm.s32 $0x1  }
0x6: {  	s24 =	simm.s32 $0x2;
	s28 =	simm.s32 $0x0;
	[smem:$0x7FF] =	sst s3  }
0x7: {  	s4 =	sadd.s32 $0x18600, s0;
	s5 =	smul.u32 $0x2700, s2;
	s6 =	sand.u32 $0x1, s6  }
0x8: {  	s7 =	sshll.u32 s2, $0x1;
	s12 =	sadd.s32 $0x4600, s0;
	s13 =	sadd.s32 $0xE600, s0  }
0x9: {  	s14 =	smul.u32 $0x4E000, s2;
	p0 =	sne.s32 s2, $0xF;
	s31 =	sshll.u32 s2, $0x6  }
0xa: {  	_ =	strace $0x8000004D;
	s8 =	smul.u32 $0x27100, s6;
	s7 =	sor.u32 s6, s7  }
0xb: {  	s6 =	ssub.s32 $0x2, s6;
	s22 =	sor.u32 $0x1C03, s31;
	s9 =	smul.u32 $0x500, s7  }
0xc: {  	s10 =	sadd.s32 s5, s0;
	s11 =	sshrl.u32 s6, $0x1;
	s25 =	smul.u32 $0x2800, s7  }
0xd: {  	s26 =	sshrl.u32 s14, $0x2;
	s15 =	sadd.s32 s8, s0;
	s16 =	ssub.s32 s6, s11  }
0xe: {  	s8 =	sadd.s32 s26, s1;
	s11 =	sadd.s32 $0x66800, s0;
	s26 =	simm.s32 $0x2780  }
0xf: {  	s6 =	sadd.s32 s12, s9;
	s7 =	sadd.s32 s13, s9;
	s9 =	sadd.s32 $0x3F800, s10  }
0x10: {  	s29 =	sshrl.u32 s25, $0x3;
	s10 =	sadd.s32 $0x138000, s1;
	s14 =	sadd.s32 $0x66A00, s15  }
0x11: {  	s15 =	smax.u32 s16, $0x1;
	s16 =	simm.s32 $0x3;
	s30 =	sadd.s32 $0x280, s29  }
0x12: {  	s25 =	simm.s32 $0x2700;
	s12 =	sadd.s32 s12, s30;
	s13 =	sadd.s32 s13, s30  }
.LBB2_1:
0x13: {  	[tilespmem:s3], [sflag:$0x3] =	stream.linear.gather [hbm4b:s6+s3], $0x1400, $0x38;
	[tilespmem:$0x1E080] =	vst v63  }
0x14: {  	_ =	swait.ge [sflag:s16], $0x1400  }
0x15: {  	[sflag:s16] =	ssyncset.done $0x0  }
0x16: {  	[sflag:s16] =	ssyncadd.s32 $0xFFFFEC00  }
0x17: {  	[tilespmem:s17], [sflag:$0x3] =	stream.linear.gather [hbm4b:s7+s3], $0x1400, $0x38;
	[tilespmem:$0x1E080] =	vst v63  }
0x18: {  	_ =	swait.ge [sflag:s16], $0x1400  }
0x19: {  	[sflag:s16] =	ssyncset.done $0x0  }
0x1a: {  	[sflag:s16] =	ssyncadd.s32 $0xFFFFEC00  }
0x1b: {  	[tilespmem:s19], [sflag:$0x1] =	stream.indirect.gather [hbm4b:s4+s18], $0x80, s3, s18, $0xb8;
	[tilespmem:$0x1E080] =	vst v63  }
0x1c: {  	s29 =	sshrl.u32 s8, $0x3  }
0x1d: {  	[tilespmem:s21], [sflag:$0x2] =	stream.indirect.gather [hbm4b:s4+s18], $0x80, s20, s18, $0xb8;
	[tilespmem:$0x1E080] =	vst v63  }
0x1e: {  	[spmem:s29], [sflag:s22] =	dma.local [hbm:s9], $0x2700  }
0x1f: {  	_ =	swait.ge [sflag:s16], $0x2700  }
0x20: {  	[sflag:s16] =	ssyncset.done $0x0  }
0x21: {  	s30 =	sshrl.u32 @!p0 s10, $0x3;
	s0 =	simm.s32 @!p0 $0x3;
	[sflag:s16] =	ssyncadd.s32 $0xFFFFD900  }
0x22: {  	[spmem:s30], [sflag:s22] =	dma.local @!p0 [hbm:s11], $0x100  }
0x23: {  	_ =	swait.ge @!p0 [sflag:s0], $0x100  }
0x24: {  	[sflag:s0] =	ssyncset.done @!p0 $0x0  }
0x25: {  	[sflag:s0] =	ssyncadd.s32 @!p0 $0xFFFFFF00  }
0x26: {  	[bflag:$0x0] =	sbarrier.arrive $0xFFFF  }
0x27: {  	_ =	swait.ge [sflag:s23], $0x3E80  }
0x28: {  	[sflag:s23] =	ssyncset.done $0x0  }
0x29: {  	s2 =	simm.s32 $0x1400;
	[sflag:s23] =	ssyncadd.s32 $0xFFFFC180  }
0x2a: {  	[spmem:s1] =	stream.indirect.scatter.add.f32 [tilespmem:s19], [sflag:$0x3], $0x80, s2, s18, $0xb8;
	[tilespmem:$0x1E080] =	vst v63  }
0x2b: {  	_ =	swait.ge [sflag:s16], $0x3E80  }
0x2c: {  	[sflag:s16] =	ssyncset.done $0x0  }
0x2d: {  	s2 =	simm.s32 $0x100;
	[sflag:s16] =	ssyncadd.s32 $0xFFFFC180  }
0x2e: {  	[tilespmem:s19], [sflag:$0x1] =	stream.indirect.gather [hbm4b:s4+s18], $0x80, s2, s18, $0xb8;
	[tilespmem:$0x1E080] =	vst v63  }
0x2f: {  	_ =	swait.ge [sflag:s24], $0x3E80  }
0x30: {  	[sflag:s24] =	ssyncset.done $0x0  }
0x31: {  	s2 =	simm.s32 $0x1480;
	[sflag:s24] =	ssyncadd.s32 $0xFFFFC180  }
0x32: {  	[spmem:s1] =	stream.indirect.scatter.add.f32 [tilespmem:s21], [sflag:$0x3], $0x80, s2, s18, $0xb8;
	[tilespmem:$0x1E080] =	vst v63  }
0x33: {  	_ =	swait.ge [sflag:s16], $0x3E80  }
0x34: {  	[sflag:s16] =	ssyncset.done $0x0  }
0x35: {  	s31 =	simm.s32 $0x400;
	s0 =	simm.s32 $0x180;
	[sflag:s16] =	ssyncadd.s32 $0xFFFFC180  }
.LBB2_2:
0x36: {  	[tilespmem:s21], [sflag:$0x2] =	stream.indirect.gather [hbm4b:s4+s18], $0x80, s0, s18, $0xb8;
	[tilespmem:$0x1E080] =	vst v63  }
0x37: {  	s0 =	smov.u32 s31  }
0x38: {  	p1 =	sne.s32 s31, $0x4800;
	s31 =	sadd.s32 $0x400, s31;
	_ =	swait.ge [sflag:s23], $0x3E80  }
0x39: {  	s0 =	sshra.s32 s0, $0x2;
	[sflag:s23] =	ssyncset.done $0x0  }
0x3a: {  	s2 =	sadd.s32 $0x1400, s0;
	[sflag:s23] =	ssyncadd.s32 $0xFFFFC180  }
0x3b: {  	[spmem:s1] =	stream.indirect.scatter.add.f32 [tilespmem:s19], [sflag:$0x3], $0x80, s2, s18, $0xb8;
	[tilespmem:$0x1E080] =	vst v63  }
0x3c: {  	_ =	swait.ge [sflag:s16], $0x3E80  }
0x3d: {  	[sflag:s16] =	ssyncset.done $0x0  }
0x3e: {  	s2 =	sadd.s32 $0x100, s0;
	[sflag:s16] =	ssyncadd.s32 $0xFFFFC180  }
0x3f: {  	[tilespmem:s19], [sflag:$0x1] =	stream.indirect.gather [hbm4b:s4+s18], $0x80, s2, s18, $0xb8;
	[tilespmem:$0x1E080] =	vst v63  }
0x40: {  	_ =	swait.ge [sflag:s24], $0x3E80  }
0x41: {  	[sflag:s24] =	ssyncset.done $0x0  }
.Ltmp0:
0x42: {  	s2 =	sadd.s32 $0x1480, s0;
	[sflag:s24] =	ssyncadd.s32 $0xFFFFC180;
	(pc) =	sbr.rel @p1 .LBB2_2-.Ltmp0, $4  }
0x43: {  	[spmem:s1] =	stream.indirect.scatter.add.f32 [tilespmem:s21], [sflag:$0x3], $0x80, s2, s18, $0xb8;
	[tilespmem:$0x1E080] =	vst v63  }
0x44: {  	_ =	swait.ge [sflag:s16], $0x3E80  }
0x45: {  	[sflag:s16] =	ssyncset.done $0x0  }
0x46: {  	s0 =	sadd.s32 $0x180, s0;
	[sflag:s16] =	ssyncadd.s32 $0xFFFFC180  }
0x47: {  	[tilespmem:s21], [sflag:$0x2] =	stream.indirect.gather [hbm4b:s4+s18], $0x80, s0, s18, $0xb8;
	[tilespmem:$0x1E080] =	vst v63  }
0x48: {  	_ =	swait.ge [sflag:s23], $0x3E80  }
0x49: {  	[sflag:s23] =	ssyncset.done $0x0  }
0x4a: {  	[sflag:s23] =	ssyncadd.s32 $0xFFFFC180  }
0x4b: {  	[spmem:s1] =	stream.indirect.scatter.add.f32 [tilespmem:s19], [sflag:$0x3], $0x80, s25, s18, $0xb8;
	[tilespmem:$0x1E080] =	vst v63  }
0x4c: {  	_ =	swait.ge [sflag:s16], $0x3E80  }
0x4d: {  	[sflag:s16] =	ssyncset.done $0x0  }
0x4e: {  	[sflag:s16] =	ssyncadd.s32 $0xFFFFC180  }
0x4f: {  	_ =	swait.ge [sflag:s24], $0x3E80  }
0x50: {  	[sflag:s24] =	ssyncset.done $0x0  }
0x51: {  	[sflag:s24] =	ssyncadd.s32 $0xFFFFC180  }
0x52: {  	[spmem:s1] =	stream.indirect.scatter.add.f32 [tilespmem:s21], [sflag:$0x3], $0x80, s26, s18, $0xb8;
	[tilespmem:$0x1E080] =	vst v63  }
0x53: {  	_ =	swait.ge [sflag:s16], $0x3E80  }
0x54: {  	[sflag:s16] =	ssyncset.done $0x0  }
0x55: {  	s2 =	simm.s32 $0x0;
	[sflag:s16] =	ssyncadd.s32 $0xFFFFC180  }
0x56: {  	[tilespmem:s2], [sflag:$0x3] =	stream.linear.gather [hbm4b:s12+s2], $0x1400, $0x38;
	[tilespmem:$0x1E080] =	vst v63  }
0x57: {  	_ =	swait.ge [sflag:s16], $0x1400  }
0x58: {  	[sflag:s16] =	ssyncset.done $0x0  }
0x59: {  	[sflag:s16] =	ssyncadd.s32 $0xFFFFEC00  }
0x5a: {  	[tilespmem:s17], [sflag:$0x3] =	stream.linear.gather [hbm4b:s13+s2], $0x1400, $0x38;
	[tilespmem:$0x1E080] =	vst v63  }
0x5b: {  	_ =	swait.ge [sflag:s16], $0x1400  }
0x5c: {  	[sflag:s16] =	ssyncset.done $0x0  }
0x5d: {  	[sflag:s16] =	ssyncadd.s32 $0xFFFFEC00  }
0x5e: {  	[tilespmem:s19], [sflag:$0x1] =	stream.indirect.gather [hbm4b:s4+s18], $0x80, s2, s18, $0xb8;
	[tilespmem:$0x1E080] =	vst v63  }
0x5f: {  	_ = 	snop  }
0x60: {  	[tilespmem:s21], [sflag:$0x2] =	stream.indirect.gather [hbm4b:s4+s18], $0x80, s20, s18, $0xb8;
	[tilespmem:$0x1E080] =	vst v63  }
0x61: {  	_ =	swait.ge [sflag:s23], $0x3E80  }
0x62: {  	[sflag:s23] =	ssyncset.done $0x0  }
0x63: {  	s2 =	simm.s32 $0x1400;
	[sflag:s23] =	ssyncadd.s32 $0xFFFFC180  }
0x64: {  	[spmem:s1] =	stream.indirect.scatter.add.f32 [tilespmem:s19], [sflag:$0x3], $0x80, s2, s18, $0xb8;
	[tilespmem:$0x1E080] =	vst v63  }
0x65: {  	_ =	swait.ge [sflag:s16], $0x3E80  }
0x66: {  	[sflag:s16] =	ssyncset.done $0x0  }
0x67: {  	s2 =	simm.s32 $0x100;
	[sflag:s16] =	ssyncadd.s32 $0xFFFFC180  }
0x68: {  	[tilespmem:s19], [sflag:$0x1] =	stream.indirect.gather [hbm4b:s4+s18], $0x80, s2, s18, $0xb8;
	[tilespmem:$0x1E080] =	vst v63  }
0x69: {  	_ =	swait.ge [sflag:s24], $0x3E80  }
0x6a: {  	[sflag:s24] =	ssyncset.done $0x0  }
0x6b: {  	s2 =	simm.s32 $0x1480;
	[sflag:s24] =	ssyncadd.s32 $0xFFFFC180  }
0x6c: {  	[spmem:s1] =	stream.indirect.scatter.add.f32 [tilespmem:s21], [sflag:$0x3], $0x80, s2, s18, $0xb8;
	[tilespmem:$0x1E080] =	vst v63  }
0x6d: {  	_ =	swait.ge [sflag:s16], $0x3E80  }
0x6e: {  	[sflag:s16] =	ssyncset.done $0x0  }
0x6f: {  	s31 =	simm.s32 $0x400;
	s0 =	simm.s32 $0x180;
	[sflag:s16] =	ssyncadd.s32 $0xFFFFC180  }
.LBB2_4:
0x70: {  	[tilespmem:s21], [sflag:$0x2] =	stream.indirect.gather [hbm4b:s4+s18], $0x80, s0, s18, $0xb8;
	[tilespmem:$0x1E080] =	vst v63  }
0x71: {  	s0 =	smov.u32 s31  }
0x72: {  	p1 =	sne.s32 s31, $0x4800;
	s31 =	sadd.s32 $0x400, s31;
	_ =	swait.ge [sflag:s23], $0x3E80  }
0x73: {  	s0 =	sshra.s32 s0, $0x2;
	[sflag:s23] =	ssyncset.done $0x0  }
0x74: {  	s2 =	sadd.s32 $0x1400, s0;
	[sflag:s23] =	ssyncadd.s32 $0xFFFFC180  }
0x75: {  	[spmem:s1] =	stream.indirect.scatter.add.f32 [tilespmem:s19], [sflag:$0x3], $0x80, s2, s18, $0xb8;
	[tilespmem:$0x1E080] =	vst v63  }
0x76: {  	_ =	swait.ge [sflag:s16], $0x3E80  }
0x77: {  	[sflag:s16] =	ssyncset.done $0x0  }
0x78: {  	s2 =	sadd.s32 $0x100, s0;
	[sflag:s16] =	ssyncadd.s32 $0xFFFFC180  }
0x79: {  	[tilespmem:s19], [sflag:$0x1] =	stream.indirect.gather [hbm4b:s4+s18], $0x80, s2, s18, $0xb8;
	[tilespmem:$0x1E080] =	vst v63  }
0x7a: {  	_ =	swait.ge [sflag:s24], $0x3E80  }
0x7b: {  	[sflag:s24] =	ssyncset.done $0x0  }
.Ltmp1:
0x7c: {  	s2 =	sadd.s32 $0x1480, s0;
	[sflag:s24] =	ssyncadd.s32 $0xFFFFC180;
	(pc) =	sbr.rel @p1 .LBB2_4-.Ltmp1, $4  }
0x7d: {  	[spmem:s1] =	stream.indirect.scatter.add.f32 [tilespmem:s21], [sflag:$0x3], $0x80, s2, s18, $0xb8;
	[tilespmem:$0x1E080] =	vst v63  }
0x7e: {  	_ =	swait.ge [sflag:s16], $0x3E80  }
0x7f: {  	[sflag:s16] =	ssyncset.done $0x0  }
0x80: {  	s0 =	sadd.s32 $0x180, s0;
	[sflag:s16] =	ssyncadd.s32 $0xFFFFC180  }
0x81: {  	[tilespmem:s21], [sflag:$0x2] =	stream.indirect.gather [hbm4b:s4+s18], $0x80, s0, s18, $0xb8;
	[tilespmem:$0x1E080] =	vst v63  }
0x82: {  	_ =	swait.ge [sflag:s23], $0x3E80  }
0x83: {  	[sflag:s23] =	ssyncset.done $0x0  }
0x84: {  	[sflag:s23] =	ssyncadd.s32 $0xFFFFC180  }
0x85: {  	[spmem:s1] =	stream.indirect.scatter.add.f32 [tilespmem:s19], [sflag:$0x3], $0x80, s25, s18, $0xb8;
	[tilespmem:$0x1E080] =	vst v63  }
0x86: {  	_ =	swait.ge [sflag:s16], $0x3E80  }
0x87: {  	[sflag:s16] =	ssyncset.done $0x0  }
0x88: {  	[sflag:s16] =	ssyncadd.s32 $0xFFFFC180  }
0x89: {  	_ =	swait.ge [sflag:s24], $0x3E80  }
0x8a: {  	[sflag:s24] =	ssyncset.done $0x0  }
0x8b: {  	[sflag:s24] =	ssyncadd.s32 $0xFFFFC180  }
0x8c: {  	[spmem:s1] =	stream.indirect.scatter.add.f32 [tilespmem:s21], [sflag:$0x3], $0x80, s26, s18, $0xb8;
	[tilespmem:$0x1E080] =	vst v63  }
0x8d: {  	_ =	swait.ge [sflag:s16], $0x3E80  }
0x8e: {  	[sflag:s16] =	ssyncset.done $0x0  }
0x8f: {  	[sflag:s16] =	ssyncadd.s32 $0xFFFFC180  }
0x90: {  	s31 =	sadd.s32 s5, s14;
	[bflag:$0x0] =	sbarrier.arrive $0xFFFF  }
0x91: {  	[hbm:s31], [sflag:s22] =	dma.local [spmem:s29], $0x2700  }
0x92: {  	_ =	swait.ge [sflag:s16], $0x2700  }
0x93: {  	s28 =	sadd.s32 $0x1, s28;
	[sflag:s16] =	ssyncset.done $0x0  }
0x94: {  	s0 =	sadd.s32 @!p0 $0x27000, s14;
	p1 =	sne.s32 s28, s15;
	[sflag:s16] =	ssyncadd.s32 $0xFFFFD900  }
0x95: {  	[hbm:s0], [sflag:s22] =	dma.local @!p0 [spmem:s30], $0x100  }
.Ltmp2:
0x96: {  	_ = 	snop;
	(pc) =	sbr.rel @p1 .LBB2_1-.Ltmp2, $4  }
0x97: {  	s0 =	simm.s32 @!p0 $0x3  }
0x98: {  	_ =	swait.ge @!p0 [sflag:s0], $0x100  }
0x99: {  	[sflag:s0] =	ssyncset.done @!p0 $0x0  }
0x9a: {  	[sflag:s0] =	ssyncadd.s32 @!p0 $0xFFFFFF00  }
0x9b: {  	_ =	sfence.sel $0x180000  }
0x9c: {  	[bflag:$0x0] =	sbarrier.arrive $0xFFFF  }
0x9d: {  	_ =	strace $0x9000004D  }
0x9e: {  	s0 =	stileid.u32;
	[bflag:$0x2] =	sbarrier.arrive $0xFFFF  }
0x9f: {  	p0 =	sne.s32 s0, $0x0;
	s0 =	rddreg [dreg:$0x2]  }
0xa0: {  	s0 =	sadd.s32 @!p0 $0x100000, s0  }
0xa1: {  	[sflag:s0] =	ssyncadd.tile.s32 @!p0 $0x1;
	_ =	shalt  }
.Lfunc_end2:
_tile_overlayer_lowered:
.L_overlay_start_2:
0xa2: {  	(tag) =	ssettag $0x2  }
0xa3: {  	s0 =	rddreg [dreg:$0x0];
	s2 =	stileid.u32  }
0xa4: {  	s1 =	rddreg [dreg:$0x1];
	p0 =	sne.s32 s2, $0x0  }
0xa5: {  	s3 =	rddreg [dreg:$0x2];
	[bflag:$0x3] =	sbarrier.arrive $0xFFFF;
	s2 =	simm.s32 @!p0 $0x1C03  }
0xa6: {  	[timem:s3], [sflag:s2] =	dma.local @!p0 [hbm:s0], s1  }
0xa7: {  	s0 =	simm.s32 @!p0 $0x3  }
0xa8: {  	_ =	swait.ge @!p0 [sflag:s0], s1  }
0xa9: {  	s1 =	ssub.s32 @!p0 $0x0, s1;
	[sflag:s0] =	ssyncset.done @!p0 $0x0  }
0xaa: {  	[sflag:s0] =	ssyncadd.s32 @!p0 s1  }
0xab: {  	[bflag:$0x3] =	sbarrier.arrive $0xFFFF  }
0xac: {  	_ =	shalt  }

// kernel: kernel.24.cloned.1.call-start
scs
__scs_entry_jumppad:
0x0: {  	(pc) =	sbr.rel $0x88, $3  }
0x1: {  	(tag) =	ssettag $0x0;
	lr =	simm.s32 $0x1  }
0x2: {  	[smem:$0x3F93] =	sst lr;
	_ =	strace $0xD0000000  }
0x3: {  	_ = 	snop  }
0x4: {  	_ = 	snop  }
0x5: {  	_ = 	snop  }
0x6: {  	_ = 	snop  }
0x7: {  	_ = 	snop  }
__scs_overlays_trampoline_lowered:
0x8: {  	[smem:$0x3FA2] =	sst s0  }
0x9: {  	[smem:$0x3FA3] =	sst s1  }
0xa: {  	[smem:$0x3FA4] =	sst s2  }
0xb: {  	[smem:$0x3FA5] =	sst s3  }
0xc: {  	[smem:$0x3FA6] =	sst s4  }
0xd: {  	[smem:$0x3FA7] =	sst s5  }
0xe: {  	[smem:$0x3FA8] =	sst s6  }
0xf: {  	[smem:$0x3FA9] =	sst s7  }
0x10: {  	[smem:$0x3FAA] =	sst s8  }
0x11: {  	[smem:$0x3FAB] =	sst s9;
	s0 =	simm.s32 @!p0 $0x0  }
0x12: {  	s1 =	sld [smem:$0x3F91];
	s0 =	simm.s32 @p0 $0x1  }
0x13: {  	[smem:$0x3FAC] =	sst s0;
	s0 =	simm.s32 @!p1 $0x0  }
0x14: {  	s2 =	sld [smem:$0x3F90];
	s0 =	simm.s32 @p1 $0x1  }
0x15: {  	[smem:$0x3FAD] =	sst s0;
	s0 =	simm.s32 @!p2 $0x0  }
0x16: {  	s3 =	sld [smem:$0x3FDB];
	s0 =	simm.s32 @p2 $0x1  }
0x17: {  	s4 =	simm.s32 $0x1BF5;
	[smem:$0x3FAF] =	sst s0  }
0x18: {  	s0 =	sld [smem:$0x3F92];
	_ =	swait.ge [sflag:s4], $0x0  }
0x19: {  	s7 =	sld [smem:$0x3F93]  }
0x1a: {  	s8 =	sadd.s32 $0xFFFFE003, lr  }
0x1b: {  	s9 =	sadd.s32 $0xFFFFFEF7, lr;
	s5 =	simm.s32 $0xFFFFFFFF;
	p2 =	slt.u32 s8, $0xFFFFF086  }
0x1c: {  	p1 =	slt.u32 s9, $0xF7A;
	s5 =	simm.s32 @!p2 $0x0  }
0x1d: {  	s5 =	simm.s32 @p1 $0x1;
	p0 =	seq.s32 s7, s2  }
0x1e: {  	s7 =	smul.u32 @!p0 $0xF7A, s2;
	p2 =	seq.s32 @!p0 s5, $0x0  }
0x1f: {  	s9 =	smul.u32 $0xF7A, s1;
	s8 =	simm.s32 @!p0 $0x1BF5;
	p2 =	por !p2, p0  }
0x20: {  	[sflag:s8] =	ssyncset.s32 @!p0 $0xFFFFF086;
	s6 =	sadd.s32 @!p0 s3, s7;
	s7 =	simm.s32 @!p0 $0x108  }
0x21: {  	s3 =	sadd.s32 s3, s9;
	s6 =	sadd.s32 @!p0 $0x88, s6;
	s7 =	simm.s32 @p2 $0x1082  }
0x22: {  	[simem:s7], [sflag:s8] =	dma.local @!p0 [hbm:s6], $0xF7A  }
0x23: {  	s9 =	sor.u32 $0xD0000000, s2;
	s6 =	simm.s32 $0x108;
	_ =	swait.ge @!p0 [sflag:s8], $0x0  }
0x24: {  	s3 =	sadd.s32 $0x88, s3;
	s6 =	simm.s32 @!p1 $0x1082;
	[sflag:s4] =	ssyncset.s32 $0xFFFFF086  }
0x25: {  	[simem:s6], [sflag:s4] =	dma.local [hbm:s3], $0xF7A  }
0x26: {  	[smem:$0x3F93] =	sst s1;
	(tag) =	ssettag s2;
	_ =	strace s9  }
0x27: {  	s1 =	sld [smem:$0x3FA3]  }
0x28: {  	s2 =	sld [smem:$0x3FA4]  }
0x29: {  	s4 =	sld [smem:$0x3FA6]  }
0x2a: {  	p0 =	seq.s32 s5, $0x0;
	s5 =	sld [smem:$0x3FA7]  }
0x2b: {  	s6 =	sld [smem:$0x3FA8]  }
0x2c: {  	s7 =	sld [smem:$0x3FA9]  }
0x2d: {  	s3 =	simm.s32 $0x108;
	s8 =	sld [smem:$0x3FAA]  }
0x2e: {  	s3 =	simm.s32 @!p0 $0x1082;
	s9 =	sld [smem:$0x3FAB]  }
0x2f: {  	lr =	sadd.s32 s0, s3;
	s0 =	sld [smem:$0x3FA2]  }
0x30: {  	s3 =	sld [smem:$0x3FA5]  }
0x31: {  	[smem:$0x3FAE] =	sst s10  }
0x32: {  	s10 =	sld [smem:$0x3FAC];
	_ =	sdelay $0x3  }
0x33: {  	p0 =	seq.s32 s10, $0x1;
	s10 =	sld [smem:$0x3FAE];
	_ =	sdelay $0x3  }
0x34: {  	[smem:$0x3FAE] =	sst s10  }
0x35: {  	s10 =	sld [smem:$0x3FAD];
	_ =	sdelay $0x3  }
0x36: {  	p1 =	seq.s32 s10, $0x1;
	s10 =	sld [smem:$0x3FAE];
	_ =	sdelay $0x3  }
0x37: {  	[smem:$0x3FAE] =	sst s10  }
0x38: {  	s10 =	sld [smem:$0x3FAF]  }
0x39: {  	_ = 	snop;
	(pc) =	sbr.ind lr, $3  }
0x3a: {  	_ = 	snop  }
0x3b: {  	_ = 	snop  }
0x3c: {  	p2 =	seq.s32 s10, $0x1;
	s10 =	sld [smem:$0x3FAE]  }
0x3d: {  	_ =	shalt  }
0x3e: {  	_ =	shalt  }
0x3f: {  	_ =	shalt  }
0x40: {  	_ =	shalt  }
0x41: {  	_ =	shalt  }
0x42: {  	_ =	shalt  }
0x43: {  	_ =	shalt  }
0x44: {  	_ =	shalt  }
0x45: {  	_ =	shalt  }
0x46: {  	_ =	shalt  }
0x47: {  	_ =	shalt  }
0x48: {  	_ =	shalt  }
0x49: {  	_ =	shalt  }
0x4a: {  	_ =	shalt  }
0x4b: {  	_ =	shalt  }
0x4c: {  	_ =	shalt  }
0x4d: {  	_ =	shalt  }
0x4e: {  	_ =	shalt  }
0x4f: {  	_ =	shalt  }
0x50: {  	_ =	shalt  }
0x51: {  	_ =	shalt  }
0x52: {  	_ =	shalt  }
0x53: {  	_ =	shalt  }
0x54: {  	_ =	shalt  }
0x55: {  	_ =	shalt  }
0x56: {  	_ =	shalt  }
0x57: {  	_ =	shalt  }
0x58: {  	_ =	shalt  }
0x59: {  	_ =	shalt  }
0x5a: {  	_ =	shalt  }
0x5b: {  	_ =	shalt  }
0x5c: {  	_ =	shalt  }
0x5d: {  	_ =	shalt  }
0x5e: {  	_ =	shalt  }
0x5f: {  	_ =	shalt  }
0x60: {  	_ =	shalt  }
0x61: {  	_ =	shalt  }
0x62: {  	_ =	shalt  }
0x63: {  	_ =	shalt  }
0x64: {  	_ =	shalt  }
0x65: {  	_ =	shalt  }
0x66: {  	_ =	shalt  }
0x67: {  	_ =	shalt  }
0x68: {  	_ =	shalt  }
0x69: {  	_ =	shalt  }
0x6a: {  	_ =	shalt  }
0x6b: {  	_ =	shalt  }
0x6c: {  	_ =	shalt  }
0x6d: {  	_ =	shalt  }
0x6e: {  	_ =	shalt  }
0x6f: {  	_ =	shalt  }
0x70: {  	_ =	shalt  }
0x71: {  	_ =	shalt  }
0x72: {  	_ =	shalt  }
0x73: {  	_ =	shalt  }
0x74: {  	_ =	shalt  }
0x75: {  	_ =	shalt  }
0x76: {  	_ =	shalt  }
0x77: {  	_ =	shalt  }
0x78: {  	_ =	shalt  }
0x79: {  	_ =	shalt  }
0x7a: {  	_ =	shalt  }
0x7b: {  	_ =	shalt  }
0x7c: {  	_ =	shalt  }
0x7d: {  	_ =	shalt  }
0x7e: {  	_ =	shalt  }
0x7f: {  	_ =	shalt  }
0x80: {  	_ =	shalt  }
0x81: {  	_ =	shalt  }
0x82: {  	_ =	shalt  }
0x83: {  	_ =	shalt  }
0x84: {  	_ =	shalt  }
0x85: {  	_ =	shalt  }
0x86: {  	_ =	shalt  }
0x87: {  	_ =	shalt  }
.Lfunc_end0:
.L_simem_size_0:
called_computation.3_lowered:
.L_overlay_start_0:
0x88: {  	s2 =	sld [smem:$0x3FD9]  }
0x89: {  	s3 =	sld [smem:$0x3FFE];
	_ =	sdelay $0x1  }
0x8a: {  	s1 =	srdreg.scid  }
0x8b: {  	s0 =	sand.u32 $0x1, s1  }
0x8c: {  	s16 =	sshll.u32 s0, $0xA;
	s2 =	sadd.s32 s3, s2  }
0x8d: {  	s2 =	sadd.s32 s2, s16  }
0x8e: {  	[smem:$0x3FBA] =	sst s2  }
0x8f: {  	_ = 	snop  }
0x90: {  	(tm) =	ssettm $0x1  }
0x91: {  	s17 =	sld [smem:$0x3FFB];
	_ =	sdelay $0x3  }
0x92: {  	_ =	strace s17  }
0x93: {  	s2 =	sld [smem:$0x3FFC];
	_ =	sdelay $0x3  }
0x94: {  	_ =	strace s2  }
0x95: {  	s2 =	sld [smem:$0x3FFD];
	_ =	sdelay $0x3  }
0x96: {  	_ =	strace s2  }
0x97: {  	_ =	strace $0x8FFFFFFF  }
0x98: {  	s18 =	sld [smem:$0x3FDB];
	_ =	sdelay $0x1  }
0x99: {  	s19 =	simm.s32 $_scs_section_size  }
0x9a: {  	s4 =	simm.s32 $_size__tile_overlayer_lowered;
	s5 =	simm.s32 $_tile_overlayer_lowered  }
0x9b: {  	s22 =	simm.s32 $0x1BFF;
	s21 =	sshll.u32 s5, $0x1;
	s2 =	sadd.s32 s19, s18  }
0x9c: {  	s6 =	simm.s32 $0x0;
	s20 =	sshll.u32 s4, $0x1;
	s4 =	sadd.s32 s21, s2  }
0x9d: {  	[timem:s6], [sflag:s22] =	dma.local [hbm:s4], s20  }
0x9e: {  	_ =	swait.ge [sflag:s22], s20  }
0x9f: {  	s3 =	ssub.s32 $0x0, s20;
	[sflag:s22] =	ssyncset.done $0x0  }
0xa0: {  	[sflag:s22] =	ssyncadd.s32 s3;
	_ =	sdelay $0x1  }
0xa1: {  	s23 =	simm.s32 $0x1B8B  }
0xa2: {  	_ =	swait.ge [sflag:s23], $0x1  }
0xa3: {  	[sflag:s23] =	ssyncset.done $0x0  }
0xa4: {  	s25 =	simm.s32 $0x1B8E;
	s24 =	sld [smem:$0x3FFE];
	[sflag:s23] =	ssyncadd.s32 $0xFFFFFFFF  }
0xa5: {  	s26 =	simm.s32 $execute0_lowered;
	[smem:$0x3FD2] =	sst s25  }
0xa6: {  	s4 =	sshll.u32 s26, $0x1;
	_ =	strace $0x8000004F;
	[dreg:$0x1] =	wrdreg $0xFFFFFFFF  }
0xa7: {  	s28 =	simm.s32 $_size_execute0_lowered;
	s2 =	sadd.s32 s2, s4;
	[dreg:$0x0] =	wrdreg $0x0  }
0xa8: {  	s4 =	sshll.u32 s28, $0x1;
	[dreg:$0x2] =	wrdreg s2  }
0xa9: {  	[dreg:$0x3] =	wrdreg s4  }
0xaa: {  	[dreg:$0x4] =	wrdreg $0xC0  }
0xab: {  	_ =	task [dreg:s6], $0x5FFFF  }
0xac: {  	[dreg:$0x1] =	wrdreg $0xFFFFFFFF  }
0xad: {  	[dreg:$0x0] =	wrdreg $0x60  }
0xae: {  	[dreg:$0x2] =	wrdreg s24  }
0xaf: {  	[dreg:$0x3] =	wrdreg $0xA8000  }
0xb0: {  	[dreg:$0x4] =	wrdreg $0x9  }
0xb1: {  	_ =	task.clear_ibuf [dreg:s6], $0x5FFFF;
	_ =	strace $0x9000004F  }
0xb2: {  	s29 =	simm.s32 $0x9;
	_ =	strace $0x80000051  }
0xb3: {  	_ =	swait.ge [sflag:s29], $0x1  }
0xb4: {  	[sflag:s29] =	ssyncadd.s32 $0xFFFFFFFF  }
0xb5: {  	_ =	strace $0x90000051  }
0xb6: {  	_ =	sfence  }
0xb7: {  	s30 =	sld [smem:$0x0];
	_ =	sdelay $0x2  }
0xb8: {  	s31 =	sshll.u32 s1, $0xD;
	s1 =	sshrl.u32 s1, $0x2  }
0xb9: {  	s3 =	sand.u32 $0x4000, s31;
	s1 =	sadd.s32 s1, s30  }
0xba: {  	s0 =	sor.u32 s3, s0;
	s1 =	sshll.u32 s1, $0x11  }
0xbb: {  	s0 =	sor.u32 s1, s0  }
0xbc: {  	s0 =	sadd.s32 $0x8F2B, s0  }
0xbd: {  	[sflag:s0] =	ssyncadd.remote.s32 $0x1  }
0xbe: {  	_ =	sfence.sel $0xFFFF  }
0xbf: {  	[dreg:$0x0] =	wrdreg $0xFFFFFFFF;
	(pc) =	sbr.abs _section_cstart, $3  }
0xc0: {  	[dreg:$0x1] =	wrdreg $0xFFFFFFFF  }
0xc1: {  	_ =	task.clear_ibuf [dreg:s6], $0x2FFFF;
	_ =	strace $0x9FFFFFFF  }
0xc2: {  	(tm) =	ssettm $0x7FFFFFFF  }
0xc3: {  	_ =	shalt  }
tec
execute0_lowered:
.L_overlay_start_1:
0x0: {  	(tag) =	ssettag $0x1  }
0x1: {  	s0 =	rddreg [dreg:$0x0]  }
0x2: {  	s1 =	rddreg [dreg:$0x1]  }
0x3: {  	s3 =	simm.s32 $0x0;
	s2 =	stileid.u32;
	s6 =	srdreg.scid  }
0x4: {  	s17 =	simm.s32 $0x1400;
	s18 =	simm.s32 $0x7D;
	s19 =	simm.s32 $0x2800  }
0x5: {  	s20 =	simm.s32 $0x80;
	s21 =	simm.s32 $0x6800;
	s23 =	simm.s32 $0x1  }
0x6: {  	s24 =	simm.s32 $0x2;
	s28 =	simm.s32 $0x0;
	[smem:$0x7FF] =	sst s3  }
0x7: {  	s4 =	sadd.s32 $0x18600, s0;
	s5 =	smul.u32 $0x2700, s2;
	s6 =	sand.u32 $0x1, s6  }
0x8: {  	s7 =	sshll.u32 s2, $0x1;
	s12 =	sadd.s32 $0x4600, s0;
	s13 =	sadd.s32 $0xE600, s0  }
0x9: {  	s14 =	smul.u32 $0x4E000, s2;
	p0 =	sne.s32 s2, $0xF;
	s31 =	sshll.u32 s2, $0x6  }
0xa: {  	_ =	strace $0x80000050;
	s8 =	smul.u32 $0x27100, s6;
	s7 =	sor.u32 s6, s7  }
0xb: {  	s6 =	ssub.s32 $0x2, s6;
	s22 =	sor.u32 $0x1C03, s31;
	s9 =	smul.u32 $0x500, s7  }
0xc: {  	s10 =	sadd.s32 s5, s0;
	s11 =	sshrl.u32 s6, $0x1;
	s25 =	smul.u32 $0x2800, s7  }
0xd: {  	s26 =	sshrl.u32 s14, $0x2;
	s15 =	sadd.s32 s8, s0;
	s16 =	ssub.s32 s6, s11  }
0xe: {  	s8 =	sadd.s32 s26, s1;
	s11 =	sadd.s32 $0x66800, s0;
	s26 =	simm.s32 $0x2780  }
0xf: {  	s6 =	sadd.s32 s12, s9;
	s7 =	sadd.s32 s13, s9;
	s9 =	sadd.s32 $0x3F800, s10  }
0x10: {  	s29 =	sshrl.u32 s25, $0x3;
	s10 =	sadd.s32 $0x138000, s1;
	s14 =	sadd.s32 $0x66A00, s15  }
0x11: {  	s15 =	smax.u32 s16, $0x1;
	s16 =	simm.s32 $0x3;
	s30 =	sadd.s32 $0x280, s29  }
0x12: {  	s25 =	simm.s32 $0x2700;
	s12 =	sadd.s32 s12, s30;
	s13 =	sadd.s32 s13, s30  }
.LBB2_1:
0x13: {  	[tilespmem:s3], [sflag:$0x3] =	stream.linear.gather [hbm4b:s6+s3], $0x1400, $0x38;
	[tilespmem:$0x1E080] =	vst v63  }
0x14: {  	_ =	swait.ge [sflag:s16], $0x1400  }
0x15: {  	[sflag:s16] =	ssyncset.done $0x0  }
0x16: {  	[sflag:s16] =	ssyncadd.s32 $0xFFFFEC00  }
0x17: {  	[tilespmem:s17], [sflag:$0x3] =	stream.linear.gather [hbm4b:s7+s3], $0x1400, $0x38;
	[tilespmem:$0x1E080] =	vst v63  }
0x18: {  	_ =	swait.ge [sflag:s16], $0x1400  }
0x19: {  	[sflag:s16] =	ssyncset.done $0x0  }
0x1a: {  	[sflag:s16] =	ssyncadd.s32 $0xFFFFEC00  }
0x1b: {  	[tilespmem:s19], [sflag:$0x1] =	stream.indirect.gather [hbm4b:s4+s18], $0x80, s3, s18, $0xb8;
	[tilespmem:$0x1E080] =	vst v63  }
0x1c: {  	s29 =	sshrl.u32 s8, $0x3  }
0x1d: {  	[tilespmem:s21], [sflag:$0x2] =	stream.indirect.gather [hbm4b:s4+s18], $0x80, s20, s18, $0xb8;
	[tilespmem:$0x1E080] =	vst v63  }
0x1e: {  	[spmem:s29], [sflag:s22] =	dma.local [hbm:s9], $0x2700  }
0x1f: {  	_ =	swait.ge [sflag:s16], $0x2700  }
0x20: {  	[sflag:s16] =	ssyncset.done $0x0  }
0x21: {  	s30 =	sshrl.u32 @!p0 s10, $0x3;
	s0 =	simm.s32 @!p0 $0x3;
	[sflag:s16] =	ssyncadd.s32 $0xFFFFD900  }
0x22: {  	[spmem:s30], [sflag:s22] =	dma.local @!p0 [hbm:s11], $0x100  }
0x23: {  	_ =	swait.ge @!p0 [sflag:s0], $0x100  }
0x24: {  	[sflag:s0] =	ssyncset.done @!p0 $0x0  }
0x25: {  	[sflag:s0] =	ssyncadd.s32 @!p0 $0xFFFFFF00  }
0x26: {  	[bflag:$0x0] =	sbarrier.arrive $0xFFFF  }
0x27: {  	_ =	swait.ge [sflag:s23], $0x3E80  }
0x28: {  	[sflag:s23] =	ssyncset.done $0x0  }
0x29: {  	s2 =	simm.s32 $0x1400;
	[sflag:s23] =	ssyncadd.s32 $0xFFFFC180  }
0x2a: {  	[spmem:s1] =	stream.indirect.scatter.add.f32 [tilespmem:s19], [sflag:$0x3], $0x80, s2, s18, $0xb8;
	[tilespmem:$0x1E080] =	vst v63  }
0x2b: {  	_ =	swait.ge [sflag:s16], $0x3E80  }
0x2c: {  	[sflag:s16] =	ssyncset.done $0x0  }
0x2d: {  	s2 =	simm.s32 $0x100;
	[sflag:s16] =	ssyncadd.s32 $0xFFFFC180  }
0x2e: {  	[tilespmem:s19], [sflag:$0x1] =	stream.indirect.gather [hbm4b:s4+s18], $0x80, s2, s18, $0xb8;
	[tilespmem:$0x1E080] =	vst v63  }
0x2f: {  	_ =	swait.ge [sflag:s24], $0x3E80  }
0x30: {  	[sflag:s24] =	ssyncset.done $0x0  }
0x31: {  	s2 =	simm.s32 $0x1480;
	[sflag:s24] =	ssyncadd.s32 $0xFFFFC180  }
0x32: {  	[spmem:s1] =	stream.indirect.scatter.add.f32 [tilespmem:s21], [sflag:$0x3], $0x80, s2, s18, $0xb8;
	[tilespmem:$0x1E080] =	vst v63  }
0x33: {  	_ =	swait.ge [sflag:s16], $0x3E80  }
0x34: {  	[sflag:s16] =	ssyncset.done $0x0  }
0x35: {  	s31 =	simm.s32 $0x400;
	s0 =	simm.s32 $0x180;
	[sflag:s16] =	ssyncadd.s32 $0xFFFFC180  }
.LBB2_2:
0x36: {  	[tilespmem:s21], [sflag:$0x2] =	stream.indirect.gather [hbm4b:s4+s18], $0x80, s0, s18, $0xb8;
	[tilespmem:$0x1E080] =	vst v63  }
0x37: {  	s0 =	smov.u32 s31  }
0x38: {  	p1 =	sne.s32 s31, $0x4800;
	s31 =	sadd.s32 $0x400, s31;
	_ =	swait.ge [sflag:s23], $0x3E80  }
0x39: {  	s0 =	sshra.s32 s0, $0x2;
	[sflag:s23] =	ssyncset.done $0x0  }
0x3a: {  	s2 =	sadd.s32 $0x1400, s0;
	[sflag:s23] =	ssyncadd.s32 $0xFFFFC180  }
0x3b: {  	[spmem:s1] =	stream.indirect.scatter.add.f32 [tilespmem:s19], [sflag:$0x3], $0x80, s2, s18, $0xb8;
	[tilespmem:$0x1E080] =	vst v63  }
0x3c: {  	_ =	swait.ge [sflag:s16], $0x3E80  }
0x3d: {  	[sflag:s16] =	ssyncset.done $0x0  }
0x3e: {  	s2 =	sadd.s32 $0x100, s0;
	[sflag:s16] =	ssyncadd.s32 $0xFFFFC180  }
0x3f: {  	[tilespmem:s19], [sflag:$0x1] =	stream.indirect.gather [hbm4b:s4+s18], $0x80, s2, s18, $0xb8;
	[tilespmem:$0x1E080] =	vst v63  }
0x40: {  	_ =	swait.ge [sflag:s24], $0x3E80  }
0x41: {  	[sflag:s24] =	ssyncset.done $0x0  }
.Ltmp0:
0x42: {  	s2 =	sadd.s32 $0x1480, s0;
	[sflag:s24] =	ssyncadd.s32 $0xFFFFC180;
	(pc) =	sbr.rel @p1 .LBB2_2-.Ltmp0, $4  }
0x43: {  	[spmem:s1] =	stream.indirect.scatter.add.f32 [tilespmem:s21], [sflag:$0x3], $0x80, s2, s18, $0xb8;
	[tilespmem:$0x1E080] =	vst v63  }
0x44: {  	_ =	swait.ge [sflag:s16], $0x3E80  }
0x45: {  	[sflag:s16] =	ssyncset.done $0x0  }
0x46: {  	s0 =	sadd.s32 $0x180, s0;
	[sflag:s16] =	ssyncadd.s32 $0xFFFFC180  }
0x47: {  	[tilespmem:s21], [sflag:$0x2] =	stream.indirect.gather [hbm4b:s4+s18], $0x80, s0, s18, $0xb8;
	[tilespmem:$0x1E080] =	vst v63  }
0x48: {  	_ =	swait.ge [sflag:s23], $0x3E80  }
0x49: {  	[sflag:s23] =	ssyncset.done $0x0  }
0x4a: {  	[sflag:s23] =	ssyncadd.s32 $0xFFFFC180  }
0x4b: {  	[spmem:s1] =	stream.indirect.scatter.add.f32 [tilespmem:s19], [sflag:$0x3], $0x80, s25, s18, $0xb8;
	[tilespmem:$0x1E080] =	vst v63  }
0x4c: {  	_ =	swait.ge [sflag:s16], $0x3E80  }
0x4d: {  	[sflag:s16] =	ssyncset.done $0x0  }
0x4e: {  	[sflag:s16] =	ssyncadd.s32 $0xFFFFC180  }
0x4f: {  	_ =	swait.ge [sflag:s24], $0x3E80  }
0x50: {  	[sflag:s24] =	ssyncset.done $0x0  }
0x51: {  	[sflag:s24] =	ssyncadd.s32 $0xFFFFC180  }
0x52: {  	[spmem:s1] =	stream.indirect.scatter.add.f32 [tilespmem:s21], [sflag:$0x3], $0x80, s26, s18, $0xb8;
	[tilespmem:$0x1E080] =	vst v63  }
0x53: {  	_ =	swait.ge [sflag:s16], $0x3E80  }
0x54: {  	[sflag:s16] =	ssyncset.done $0x0  }
0x55: {  	s2 =	simm.s32 $0x0;
	[sflag:s16] =	ssyncadd.s32 $0xFFFFC180  }
0x56: {  	[tilespmem:s2], [sflag:$0x3] =	stream.linear.gather [hbm4b:s12+s2], $0x1400, $0x38;
	[tilespmem:$0x1E080] =	vst v63  }
0x57: {  	_ =	swait.ge [sflag:s16], $0x1400  }
0x58: {  	[sflag:s16] =	ssyncset.done $0x0  }
0x59: {  	[sflag:s16] =	ssyncadd.s32 $0xFFFFEC00  }
0x5a: {  	[tilespmem:s17], [sflag:$0x3] =	stream.linear.gather [hbm4b:s13+s2], $0x1400, $0x38;
	[tilespmem:$0x1E080] =	vst v63  }
0x5b: {  	_ =	swait.ge [sflag:s16], $0x1400  }
0x5c: {  	[sflag:s16] =	ssyncset.done $0x0  }
0x5d: {  	[sflag:s16] =	ssyncadd.s32 $0xFFFFEC00  }
0x5e: {  	[tilespmem:s19], [sflag:$0x1] =	stream.indirect.gather [hbm4b:s4+s18], $0x80, s2, s18, $0xb8;
	[tilespmem:$0x1E080] =	vst v63  }
0x5f: {  	_ = 	snop  }
0x60: {  	[tilespmem:s21], [sflag:$0x2] =	stream.indirect.gather [hbm4b:s4+s18], $0x80, s20, s18, $0xb8;
	[tilespmem:$0x1E080] =	vst v63  }
0x61: {  	_ =	swait.ge [sflag:s23], $0x3E80  }
0x62: {  	[sflag:s23] =	ssyncset.done $0x0  }
0x63: {  	s2 =	simm.s32 $0x1400;
	[sflag:s23] =	ssyncadd.s32 $0xFFFFC180  }
0x64: {  	[spmem:s1] =	stream.indirect.scatter.add.f32 [tilespmem:s19], [sflag:$0x3], $0x80, s2, s18, $0xb8;
	[tilespmem:$0x1E080] =	vst v63  }
0x65: {  	_ =	swait.ge [sflag:s16], $0x3E80  }
0x66: {  	[sflag:s16] =	ssyncset.done $0x0  }
0x67: {  	s2 =	simm.s32 $0x100;
	[sflag:s16] =	ssyncadd.s32 $0xFFFFC180  }
0x68: {  	[tilespmem:s19], [sflag:$0x1] =	stream.indirect.gather [hbm4b:s4+s18], $0x80, s2, s18, $0xb8;
	[tilespmem:$0x1E080] =	vst v63  }
0x69: {  	_ =	swait.ge [sflag:s24], $0x3E80  }
0x6a: {  	[sflag:s24] =	ssyncset.done $0x0  }
0x6b: {  	s2 =	simm.s32 $0x1480;
	[sflag:s24] =	ssyncadd.s32 $0xFFFFC180  }
0x6c: {  	[spmem:s1] =	stream.indirect.scatter.add.f32 [tilespmem:s21], [sflag:$0x3], $0x80, s2, s18, $0xb8;
	[tilespmem:$0x1E080] =	vst v63  }
0x6d: {  	_ =	swait.ge [sflag:s16], $0x3E80  }
0x6e: {  	[sflag:s16] =	ssyncset.done $0x0  }
0x6f: {  	s31 =	simm.s32 $0x400;
	s0 =	simm.s32 $0x180;
	[sflag:s16] =	ssyncadd.s32 $0xFFFFC180  }
.LBB2_4:
0x70: {  	[tilespmem:s21], [sflag:$0x2] =	stream.indirect.gather [hbm4b:s4+s18], $0x80, s0, s18, $0xb8;
	[tilespmem:$0x1E080] =	vst v63  }
0x71: {  	s0 =	smov.u32 s31  }
0x72: {  	p1 =	sne.s32 s31, $0x4800;
	s31 =	sadd.s32 $0x400, s31;
	_ =	swait.ge [sflag:s23], $0x3E80  }
0x73: {  	s0 =	sshra.s32 s0, $0x2;
	[sflag:s23] =	ssyncset.done $0x0  }
0x74: {  	s2 =	sadd.s32 $0x1400, s0;
	[sflag:s23] =	ssyncadd.s32 $0xFFFFC180  }
0x75: {  	[spmem:s1] =	stream.indirect.scatter.add.f32 [tilespmem:s19], [sflag:$0x3], $0x80, s2, s18, $0xb8;
	[tilespmem:$0x1E080] =	vst v63  }
0x76: {  	_ =	swait.ge [sflag:s16], $0x3E80  }
0x77: {  	[sflag:s16] =	ssyncset.done $0x0  }
0x78: {  	s2 =	sadd.s32 $0x100, s0;
	[sflag:s16] =	ssyncadd.s32 $0xFFFFC180  }
0x79: {  	[tilespmem:s19], [sflag:$0x1] =	stream.indirect.gather [hbm4b:s4+s18], $0x80, s2, s18, $0xb8;
	[tilespmem:$0x1E080] =	vst v63  }
0x7a: {  	_ =	swait.ge [sflag:s24], $0x3E80  }
0x7b: {  	[sflag:s24] =	ssyncset.done $0x0  }
.Ltmp1:
0x7c: {  	s2 =	sadd.s32 $0x1480, s0;
	[sflag:s24] =	ssyncadd.s32 $0xFFFFC180;
	(pc) =	sbr.rel @p1 .LBB2_4-.Ltmp1, $4  }
0x7d: {  	[spmem:s1] =	stream.indirect.scatter.add.f32 [tilespmem:s21], [sflag:$0x3], $0x80, s2, s18, $0xb8;
	[tilespmem:$0x1E080] =	vst v63  }
0x7e: {  	_ =	swait.ge [sflag:s16], $0x3E80  }
0x7f: {  	[sflag:s16] =	ssyncset.done $0x0  }
0x80: {  	s0 =	sadd.s32 $0x180, s0;
	[sflag:s16] =	ssyncadd.s32 $0xFFFFC180  }
0x81: {  	[tilespmem:s21], [sflag:$0x2] =	stream.indirect.gather [hbm4b:s4+s18], $0x80, s0, s18, $0xb8;
	[tilespmem:$0x1E080] =	vst v63  }
0x82: {  	_ =	swait.ge [sflag:s23], $0x3E80  }
0x83: {  	[sflag:s23] =	ssyncset.done $0x0  }
0x84: {  	[sflag:s23] =	ssyncadd.s32 $0xFFFFC180  }
0x85: {  	[spmem:s1] =	stream.indirect.scatter.add.f32 [tilespmem:s19], [sflag:$0x3], $0x80, s25, s18, $0xb8;
	[tilespmem:$0x1E080] =	vst v63  }
0x86: {  	_ =	swait.ge [sflag:s16], $0x3E80  }
0x87: {  	[sflag:s16] =	ssyncset.done $0x0  }
0x88: {  	[sflag:s16] =	ssyncadd.s32 $0xFFFFC180  }
0x89: {  	_ =	swait.ge [sflag:s24], $0x3E80  }
0x8a: {  	[sflag:s24] =	ssyncset.done $0x0  }
0x8b: {  	[sflag:s24] =	ssyncadd.s32 $0xFFFFC180  }
0x8c: {  	[spmem:s1] =	stream.indirect.scatter.add.f32 [tilespmem:s21], [sflag:$0x3], $0x80, s26, s18, $0xb8;
	[tilespmem:$0x1E080] =	vst v63  }
0x8d: {  	_ =	swait.ge [sflag:s16], $0x3E80  }
0x8e: {  	[sflag:s16] =	ssyncset.done $0x0  }
0x8f: {  	[sflag:s16] =	ssyncadd.s32 $0xFFFFC180  }
0x90: {  	s31 =	sadd.s32 s5, s14;
	[bflag:$0x0] =	sbarrier.arrive $0xFFFF  }
0x91: {  	[hbm:s31], [sflag:s22] =	dma.local [spmem:s29], $0x2700  }
0x92: {  	_ =	swait.ge [sflag:s16], $0x2700  }
0x93: {  	s28 =	sadd.s32 $0x1, s28;
	[sflag:s16] =	ssyncset.done $0x0  }
0x94: {  	s0 =	sadd.s32 @!p0 $0x27000, s14;
	p1 =	sne.s32 s28, s15;
	[sflag:s16] =	ssyncadd.s32 $0xFFFFD900  }
0x95: {  	[hbm:s0], [sflag:s22] =	dma.local @!p0 [spmem:s30], $0x100  }
.Ltmp2:
0x96: {  	_ = 	snop;
	(pc) =	sbr.rel @p1 .LBB2_1-.Ltmp2, $4  }
0x97: {  	s0 =	simm.s32 @!p0 $0x3  }
0x98: {  	_ =	swait.ge @!p0 [sflag:s0], $0x100  }
0x99: {  	[sflag:s0] =	ssyncset.done @!p0 $0x0  }
0x9a: {  	[sflag:s0] =	ssyncadd.s32 @!p0 $0xFFFFFF00  }
0x9b: {  	_ =	sfence.sel $0x180000  }
0x9c: {  	[bflag:$0x0] =	sbarrier.arrive $0xFFFF  }
0x9d: {  	_ =	strace $0x90000050  }
0x9e: {  	s0 =	stileid.u32;
	[bflag:$0x2] =	sbarrier.arrive $0xFFFF  }
0x9f: {  	p0 =	sne.s32 s0, $0x0;
	s0 =	rddreg [dreg:$0x2]  }
0xa0: {  	s0 =	sadd.s32 @!p0 $0x100000, s0  }
0xa1: {  	[sflag:s0] =	ssyncadd.tile.s32 @!p0 $0x1;
	_ =	shalt  }
.Lfunc_end2:
_tile_overlayer_lowered:
.L_overlay_start_2:
0xa2: {  	(tag) =	ssettag $0x2  }
0xa3: {  	s0 =	rddreg [dreg:$0x0];
	s2 =	stileid.u32  }
0xa4: {  	s1 =	rddreg [dreg:$0x1];
	p0 =	sne.s32 s2, $0x0  }
0xa5: {  	s3 =	rddreg [dreg:$0x2];
	[bflag:$0x3] =	sbarrier.arrive $0xFFFF;
	s2 =	simm.s32 @!p0 $0x1C03  }
0xa6: {  	[timem:s3], [sflag:s2] =	dma.local @!p0 [hbm:s0], s1  }
0xa7: {  	s0 =	simm.s32 @!p0 $0x3  }
0xa8: {  	_ =	swait.ge @!p0 [sflag:s0], s1  }
0xa9: {  	s1 =	ssub.s32 @!p0 $0x0, s1;
	[sflag:s0] =	ssyncset.done @!p0 $0x0  }
0xaa: {  	[sflag:s0] =	ssyncadd.s32 @!p0 s1  }
0xab: {  	[bflag:$0x3] =	sbarrier.arrive $0xFFFF  }
0xac: {  	_ =	shalt  }

// kernel: kernel.27.cloned.1.call-start
scs
__scs_entry_jumppad:
0x0: {  	(pc) =	sbr.rel $0x88, $3  }
0x1: {  	(tag) =	ssettag $0x0;
	lr =	simm.s32 $0x1  }
0x2: {  	[smem:$0x3F93] =	sst lr;
	_ =	strace $0xD0000000  }
0x3: {  	_ = 	snop  }
0x4: {  	_ = 	snop  }
0x5: {  	_ = 	snop  }
0x6: {  	_ = 	snop  }
0x7: {  	_ = 	snop  }
__scs_overlays_trampoline_lowered:
0x8: {  	[smem:$0x3FA2] =	sst s0  }
0x9: {  	[smem:$0x3FA3] =	sst s1  }
0xa: {  	[smem:$0x3FA4] =	sst s2  }
0xb: {  	[smem:$0x3FA5] =	sst s3  }
0xc: {  	[smem:$0x3FA6] =	sst s4  }
0xd: {  	[smem:$0x3FA7] =	sst s5  }
0xe: {  	[smem:$0x3FA8] =	sst s6  }
0xf: {  	[smem:$0x3FA9] =	sst s7  }
0x10: {  	[smem:$0x3FAA] =	sst s8  }
0x11: {  	[smem:$0x3FAB] =	sst s9;
	s0 =	simm.s32 @!p0 $0x0  }
0x12: {  	s1 =	sld [smem:$0x3F91];
	s0 =	simm.s32 @p0 $0x1  }
0x13: {  	[smem:$0x3FAC] =	sst s0;
	s0 =	simm.s32 @!p1 $0x0  }
0x14: {  	s2 =	sld [smem:$0x3F90];
	s0 =	simm.s32 @p1 $0x1  }
0x15: {  	[smem:$0x3FAD] =	sst s0;
	s0 =	simm.s32 @!p2 $0x0  }
0x16: {  	s3 =	sld [smem:$0x3FDB];
	s0 =	simm.s32 @p2 $0x1  }
0x17: {  	s4 =	simm.s32 $0x1BF5;
	[smem:$0x3FAF] =	sst s0  }
0x18: {  	s0 =	sld [smem:$0x3F92];
	_ =	swait.ge [sflag:s4], $0x0  }
0x19: {  	s7 =	sld [smem:$0x3F93]  }
0x1a: {  	s8 =	sadd.s32 $0xFFFFE003, lr  }
0x1b: {  	s9 =	sadd.s32 $0xFFFFFEF7, lr;
	s5 =	simm.s32 $0xFFFFFFFF;
	p2 =	slt.u32 s8, $0xFFFFF086  }
0x1c: {  	p1 =	slt.u32 s9, $0xF7A;
	s5 =	simm.s32 @!p2 $0x0  }
0x1d: {  	s5 =	simm.s32 @p1 $0x1;
	p0 =	seq.s32 s7, s2  }
0x1e: {  	s7 =	smul.u32 @!p0 $0xF7A, s2;
	p2 =	seq.s32 @!p0 s5, $0x0  }
0x1f: {  	s9 =	smul.u32 $0xF7A, s1;
	s8 =	simm.s32 @!p0 $0x1BF5;
	p2 =	por !p2, p0  }
0x20: {  	[sflag:s8] =	ssyncset.s32 @!p0 $0xFFFFF086;
	s6 =	sadd.s32 @!p0 s3, s7;
	s7 =	simm.s32 @!p0 $0x108  }
0x21: {  	s3 =	sadd.s32 s3, s9;
	s6 =	sadd.s32 @!p0 $0x88, s6;
	s7 =	simm.s32 @p2 $0x1082  }
0x22: {  	[simem:s7], [sflag:s8] =	dma.local @!p0 [hbm:s6], $0xF7A  }
0x23: {  	s9 =	sor.u32 $0xD0000000, s2;
	s6 =	simm.s32 $0x108;
	_ =	swait.ge @!p0 [sflag:s8], $0x0  }
0x24: {  	s3 =	sadd.s32 $0x88, s3;
	s6 =	simm.s32 @!p1 $0x1082;
	[sflag:s4] =	ssyncset.s32 $0xFFFFF086  }
0x25: {  	[simem:s6], [sflag:s4] =	dma.local [hbm:s3], $0xF7A  }
0x26: {  	[smem:$0x3F93] =	sst s1;
	(tag) =	ssettag s2;
	_ =	strace s9  }
0x27: {  	s1 =	sld [smem:$0x3FA3]  }
0x28: {  	s2 =	sld [smem:$0x3FA4]  }
0x29: {  	s4 =	sld [smem:$0x3FA6]  }
0x2a: {  	p0 =	seq.s32 s5, $0x0;
	s5 =	sld [smem:$0x3FA7]  }
0x2b: {  	s6 =	sld [smem:$0x3FA8]  }
0x2c: {  	s7 =	sld [smem:$0x3FA9]  }
0x2d: {  	s3 =	simm.s32 $0x108;
	s8 =	sld [smem:$0x3FAA]  }
0x2e: {  	s3 =	simm.s32 @!p0 $0x1082;
	s9 =	sld [smem:$0x3FAB]  }
0x2f: {  	lr =	sadd.s32 s0, s3;
	s0 =	sld [smem:$0x3FA2]  }
0x30: {  	s3 =	sld [smem:$0x3FA5]  }
0x31: {  	[smem:$0x3FAE] =	sst s10  }
0x32: {  	s10 =	sld [smem:$0x3FAC];
	_ =	sdelay $0x3  }
0x33: {  	p0 =	seq.s32 s10, $0x1;
	s10 =	sld [smem:$0x3FAE];
	_ =	sdelay $0x3  }
0x34: {  	[smem:$0x3FAE] =	sst s10  }
0x35: {  	s10 =	sld [smem:$0x3FAD];
	_ =	sdelay $0x3  }
0x36: {  	p1 =	seq.s32 s10, $0x1;
	s10 =	sld [smem:$0x3FAE];
	_ =	sdelay $0x3  }
0x37: {  	[smem:$0x3FAE] =	sst s10  }
0x38: {  	s10 =	sld [smem:$0x3FAF]  }
0x39: {  	_ = 	snop;
	(pc) =	sbr.ind lr, $3  }
0x3a: {  	_ = 	snop  }
0x3b: {  	_ = 	snop  }
0x3c: {  	p2 =	seq.s32 s10, $0x1;
	s10 =	sld [smem:$0x3FAE]  }
0x3d: {  	_ =	shalt  }
0x3e: {  	_ =	shalt  }
0x3f: {  	_ =	shalt  }
0x40: {  	_ =	shalt  }
0x41: {  	_ =	shalt  }
0x42: {  	_ =	shalt  }
0x43: {  	_ =	shalt  }
0x44: {  	_ =	shalt  }
0x45: {  	_ =	shalt  }
0x46: {  	_ =	shalt  }
0x47: {  	_ =	shalt  }
0x48: {  	_ =	shalt  }
0x49: {  	_ =	shalt  }
0x4a: {  	_ =	shalt  }
0x4b: {  	_ =	shalt  }
0x4c: {  	_ =	shalt  }
0x4d: {  	_ =	shalt  }
0x4e: {  	_ =	shalt  }
0x4f: {  	_ =	shalt  }
0x50: {  	_ =	shalt  }
0x51: {  	_ =	shalt  }
0x52: {  	_ =	shalt  }
0x53: {  	_ =	shalt  }
0x54: {  	_ =	shalt  }
0x55: {  	_ =	shalt  }
0x56: {  	_ =	shalt  }
0x57: {  	_ =	shalt  }
0x58: {  	_ =	shalt  }
0x59: {  	_ =	shalt  }
0x5a: {  	_ =	shalt  }
0x5b: {  	_ =	shalt  }
0x5c: {  	_ =	shalt  }
0x5d: {  	_ =	shalt  }
0x5e: {  	_ =	shalt  }
0x5f: {  	_ =	shalt  }
0x60: {  	_ =	shalt  }
0x61: {  	_ =	shalt  }
0x62: {  	_ =	shalt  }
0x63: {  	_ =	shalt  }
0x64: {  	_ =	shalt  }
0x65: {  	_ =	shalt  }
0x66: {  	_ =	shalt  }
0x67: {  	_ =	shalt  }
0x68: {  	_ =	shalt  }
0x69: {  	_ =	shalt  }
0x6a: {  	_ =	shalt  }
0x6b: {  	_ =	shalt  }
0x6c: {  	_ =	shalt  }
0x6d: {  	_ =	shalt  }
0x6e: {  	_ =	shalt  }
0x6f: {  	_ =	shalt  }
0x70: {  	_ =	shalt  }
0x71: {  	_ =	shalt  }
0x72: {  	_ =	shalt  }
0x73: {  	_ =	shalt  }
0x74: {  	_ =	shalt  }
0x75: {  	_ =	shalt  }
0x76: {  	_ =	shalt  }
0x77: {  	_ =	shalt  }
0x78: {  	_ =	shalt  }
0x79: {  	_ =	shalt  }
0x7a: {  	_ =	shalt  }
0x7b: {  	_ =	shalt  }
0x7c: {  	_ =	shalt  }
0x7d: {  	_ =	shalt  }
0x7e: {  	_ =	shalt  }
0x7f: {  	_ =	shalt  }
0x80: {  	_ =	shalt  }
0x81: {  	_ =	shalt  }
0x82: {  	_ =	shalt  }
0x83: {  	_ =	shalt  }
0x84: {  	_ =	shalt  }
0x85: {  	_ =	shalt  }
0x86: {  	_ =	shalt  }
0x87: {  	_ =	shalt  }
.Lfunc_end0:
.L_simem_size_0:
called_computation.4_lowered:
.L_overlay_start_0:
0x88: {  	s2 =	sld [smem:$0x3FD9]  }
0x89: {  	s3 =	sld [smem:$0x3FFE];
	_ =	sdelay $0x1  }
0x8a: {  	s1 =	srdreg.scid  }
0x8b: {  	s0 =	sand.u32 $0x1, s1  }
0x8c: {  	s16 =	sshll.u32 s0, $0xA;
	s2 =	sadd.s32 s3, s2  }
0x8d: {  	s2 =	sadd.s32 s2, s16  }
0x8e: {  	[smem:$0x3FBA] =	sst s2  }
0x8f: {  	_ = 	snop  }
0x90: {  	(tm) =	ssettm $0x1  }
0x91: {  	s17 =	sld [smem:$0x3FFB];
	_ =	sdelay $0x3  }
0x92: {  	_ =	strace s17  }
0x93: {  	s2 =	sld [smem:$0x3FFC];
	_ =	sdelay $0x3  }
0x94: {  	_ =	strace s2  }
0x95: {  	s2 =	sld [smem:$0x3FFD];
	_ =	sdelay $0x3  }
0x96: {  	_ =	strace s2  }
0x97: {  	_ =	strace $0x8FFFFFFF  }
0x98: {  	s18 =	sld [smem:$0x3FDB];
	_ =	sdelay $0x1  }
0x99: {  	s19 =	simm.s32 $_scs_section_size  }
0x9a: {  	s4 =	simm.s32 $_size__tile_overlayer_lowered;
	s5 =	simm.s32 $_tile_overlayer_lowered  }
0x9b: {  	s22 =	simm.s32 $0x1BFF;
	s21 =	sshll.u32 s5, $0x1;
	s2 =	sadd.s32 s19, s18  }
0x9c: {  	s6 =	simm.s32 $0x0;
	s20 =	sshll.u32 s4, $0x1;
	s4 =	sadd.s32 s21, s2  }
0x9d: {  	[timem:s6], [sflag:s22] =	dma.local [hbm:s4], s20  }
0x9e: {  	_ =	swait.ge [sflag:s22], s20  }
0x9f: {  	s3 =	ssub.s32 $0x0, s20;
	[sflag:s22] =	ssyncset.done $0x0  }
0xa0: {  	[sflag:s22] =	ssyncadd.s32 s3;
	_ =	sdelay $0x1  }
0xa1: {  	s23 =	simm.s32 $0x1B8B  }
0xa2: {  	_ =	swait.ge [sflag:s23], $0x1  }
0xa3: {  	[sflag:s23] =	ssyncset.done $0x0  }
0xa4: {  	s25 =	simm.s32 $0x1B8E;
	s24 =	sld [smem:$0x3FFE];
	[sflag:s23] =	ssyncadd.s32 $0xFFFFFFFF  }
0xa5: {  	s26 =	simm.s32 $execute0_lowered;
	[smem:$0x3FD2] =	sst s25  }
0xa6: {  	s4 =	sshll.u32 s26, $0x1;
	_ =	strace $0x80000052;
	[dreg:$0x1] =	wrdreg $0xFFFFFFFF  }
0xa7: {  	s28 =	simm.s32 $_size_execute0_lowered;
	s2 =	sadd.s32 s2, s4;
	[dreg:$0x0] =	wrdreg $0x0  }
0xa8: {  	s4 =	sshll.u32 s28, $0x1;
	[dreg:$0x2] =	wrdreg s2  }
0xa9: {  	[dreg:$0x3] =	wrdreg s4  }
0xaa: {  	[dreg:$0x4] =	wrdreg $0xC0  }
0xab: {  	_ =	task [dreg:s6], $0x5FFFF  }
0xac: {  	[dreg:$0x1] =	wrdreg $0xFFFFFFFF  }
0xad: {  	[dreg:$0x0] =	wrdreg $0x60  }
0xae: {  	[dreg:$0x2] =	wrdreg s24  }
0xaf: {  	[dreg:$0x3] =	wrdreg $0xA8000  }
0xb0: {  	[dreg:$0x4] =	wrdreg $0x9  }
0xb1: {  	_ =	task.clear_ibuf [dreg:s6], $0x5FFFF;
	_ =	strace $0x90000052  }
0xb2: {  	s29 =	simm.s32 $0x9;
	_ =	strace $0x80000054  }
0xb3: {  	_ =	swait.ge [sflag:s29], $0x1  }
0xb4: {  	[sflag:s29] =	ssyncadd.s32 $0xFFFFFFFF  }
0xb5: {  	_ =	strace $0x90000054  }
0xb6: {  	_ =	sfence  }
0xb7: {  	s30 =	sld [smem:$0x0];
	_ =	sdelay $0x2  }
0xb8: {  	s31 =	sshll.u32 s1, $0xD;
	s1 =	sshrl.u32 s1, $0x2  }
0xb9: {  	s3 =	sand.u32 $0x4000, s31;
	s1 =	sadd.s32 s1, s30  }
0xba: {  	s0 =	sor.u32 s3, s0;
	s1 =	sshll.u32 s1, $0x11  }
0xbb: {  	s0 =	sor.u32 s1, s0  }
0xbc: {  	s0 =	sadd.s32 $0x8F2B, s0  }
0xbd: {  	[sflag:s0] =	ssyncadd.remote.s32 $0x1  }
0xbe: {  	_ =	sfence.sel $0xFFFF  }
0xbf: {  	[dreg:$0x0] =	wrdreg $0xFFFFFFFF;
	(pc) =	sbr.abs _section_cstart, $3  }
0xc0: {  	[dreg:$0x1] =	wrdreg $0xFFFFFFFF  }
0xc1: {  	_ =	task.clear_ibuf [dreg:s6], $0x2FFFF;
	_ =	strace $0x9FFFFFFF  }
0xc2: {  	(tm) =	ssettm $0x7FFFFFFF  }
0xc3: {  	_ =	shalt  }
tec
execute0_lowered:
.L_overlay_start_1:
0x0: {  	(tag) =	ssettag $0x1  }
0x1: {  	s0 =	rddreg [dreg:$0x0]  }
0x2: {  	s1 =	rddreg [dreg:$0x1]  }
0x3: {  	s3 =	simm.s32 $0x0;
	s2 =	stileid.u32;
	s6 =	srdreg.scid  }
0x4: {  	s17 =	simm.s32 $0x1400;
	s18 =	simm.s32 $0x7D;
	s19 =	simm.s32 $0x2800  }
0x5: {  	s20 =	simm.s32 $0x80;
	s21 =	simm.s32 $0x6800;
	s23 =	simm.s32 $0x1  }
0x6: {  	s24 =	simm.s32 $0x2;
	s28 =	simm.s32 $0x0;
	[smem:$0x7FF] =	sst s3  }
0x7: {  	s4 =	sadd.s32 $0x18600, s0;
	s5 =	smul.u32 $0x2700, s2;
	s6 =	sand.u32 $0x1, s6  }
0x8: {  	s7 =	sshll.u32 s2, $0x1;
	s12 =	sadd.s32 $0x4600, s0;
	s13 =	sadd.s32 $0xE600, s0  }
0x9: {  	s14 =	smul.u32 $0x4E000, s2;
	p0 =	sne.s32 s2, $0xF;
	s31 =	sshll.u32 s2, $0x6  }
0xa: {  	_ =	strace $0x80000053;
	s8 =	smul.u32 $0x27100, s6;
	s7 =	sor.u32 s6, s7  }
0xb: {  	s6 =	ssub.s32 $0x2, s6;
	s22 =	sor.u32 $0x1C03, s31;
	s9 =	smul.u32 $0x500, s7  }
0xc: {  	s10 =	sadd.s32 s5, s0;
	s11 =	sshrl.u32 s6, $0x1;
	s25 =	smul.u32 $0x2800, s7  }
0xd: {  	s26 =	sshrl.u32 s14, $0x2;
	s15 =	sadd.s32 s8, s0;
	s16 =	ssub.s32 s6, s11  }
0xe: {  	s8 =	sadd.s32 s26, s1;
	s11 =	sadd.s32 $0x66800, s0;
	s26 =	simm.s32 $0x2780  }
0xf: {  	s6 =	sadd.s32 s12, s9;
	s7 =	sadd.s32 s13, s9;
	s9 =	sadd.s32 $0x3F800, s10  }
0x10: {  	s29 =	sshrl.u32 s25, $0x3;
	s10 =	sadd.s32 $0x138000, s1;
	s14 =	sadd.s32 $0x66A00, s15  }
0x11: {  	s15 =	smax.u32 s16, $0x1;
	s16 =	simm.s32 $0x3;
	s30 =	sadd.s32 $0x280, s29  }
0x12: {  	s25 =	simm.s32 $0x2700;
	s12 =	sadd.s32 s12, s30;
	s13 =	sadd.s32 s13, s30  }
.LBB2_1:
0x13: {  	[tilespmem:s3], [sflag:$0x3] =	stream.linear.gather [hbm4b:s6+s3], $0x1400, $0x38;
	[tilespmem:$0x1E080] =	vst v63  }
0x14: {  	_ =	swait.ge [sflag:s16], $0x1400  }
0x15: {  	[sflag:s16] =	ssyncset.done $0x0  }
0x16: {  	[sflag:s16] =	ssyncadd.s32 $0xFFFFEC00  }
0x17: {  	[tilespmem:s17], [sflag:$0x3] =	stream.linear.gather [hbm4b:s7+s3], $0x1400, $0x38;
	[tilespmem:$0x1E080] =	vst v63  }
0x18: {  	_ =	swait.ge [sflag:s16], $0x1400  }
0x19: {  	[sflag:s16] =	ssyncset.done $0x0  }
0x1a: {  	[sflag:s16] =	ssyncadd.s32 $0xFFFFEC00  }
0x1b: {  	[tilespmem:s19], [sflag:$0x1] =	stream.indirect.gather [hbm4b:s4+s18], $0x80, s3, s18, $0xb8;
	[tilespmem:$0x1E080] =	vst v63  }
0x1c: {  	s29 =	sshrl.u32 s8, $0x3  }
0x1d: {  	[tilespmem:s21], [sflag:$0x2] =	stream.indirect.gather [hbm4b:s4+s18], $0x80, s20, s18, $0xb8;
	[tilespmem:$0x1E080] =	vst v63  }
0x1e: {  	[spmem:s29], [sflag:s22] =	dma.local [hbm:s9], $0x2700  }
0x1f: {  	_ =	swait.ge [sflag:s16], $0x2700  }
0x20: {  	[sflag:s16] =	ssyncset.done $0x0  }
0x21: {  	s30 =	sshrl.u32 @!p0 s10, $0x3;
	s0 =	simm.s32 @!p0 $0x3;
	[sflag:s16] =	ssyncadd.s32 $0xFFFFD900  }
0x22: {  	[spmem:s30], [sflag:s22] =	dma.local @!p0 [hbm:s11], $0x100  }
0x23: {  	_ =	swait.ge @!p0 [sflag:s0], $0x100  }
0x24: {  	[sflag:s0] =	ssyncset.done @!p0 $0x0  }
0x25: {  	[sflag:s0] =	ssyncadd.s32 @!p0 $0xFFFFFF00  }
0x26: {  	[bflag:$0x0] =	sbarrier.arrive $0xFFFF  }
0x27: {  	_ =	swait.ge [sflag:s23], $0x3E80  }
0x28: {  	[sflag:s23] =	ssyncset.done $0x0  }
0x29: {  	s2 =	simm.s32 $0x1400;
	[sflag:s23] =	ssyncadd.s32 $0xFFFFC180  }
0x2a: {  	[spmem:s1] =	stream.indirect.scatter.add.f32 [tilespmem:s19], [sflag:$0x3], $0x80, s2, s18, $0xb8;
	[tilespmem:$0x1E080] =	vst v63  }
0x2b: {  	_ =	swait.ge [sflag:s16], $0x3E80  }
0x2c: {  	[sflag:s16] =	ssyncset.done $0x0  }
0x2d: {  	s2 =	simm.s32 $0x100;
	[sflag:s16] =	ssyncadd.s32 $0xFFFFC180  }
0x2e: {  	[tilespmem:s19], [sflag:$0x1] =	stream.indirect.gather [hbm4b:s4+s18], $0x80, s2, s18, $0xb8;
	[tilespmem:$0x1E080] =	vst v63  }
0x2f: {  	_ =	swait.ge [sflag:s24], $0x3E80  }
0x30: {  	[sflag:s24] =	ssyncset.done $0x0  }
0x31: {  	s2 =	simm.s32 $0x1480;
	[sflag:s24] =	ssyncadd.s32 $0xFFFFC180  }
0x32: {  	[spmem:s1] =	stream.indirect.scatter.add.f32 [tilespmem:s21], [sflag:$0x3], $0x80, s2, s18, $0xb8;
	[tilespmem:$0x1E080] =	vst v63  }
0x33: {  	_ =	swait.ge [sflag:s16], $0x3E80  }
0x34: {  	[sflag:s16] =	ssyncset.done $0x0  }
0x35: {  	s31 =	simm.s32 $0x400;
	s0 =	simm.s32 $0x180;
	[sflag:s16] =	ssyncadd.s32 $0xFFFFC180  }
.LBB2_2:
0x36: {  	[tilespmem:s21], [sflag:$0x2] =	stream.indirect.gather [hbm4b:s4+s18], $0x80, s0, s18, $0xb8;
	[tilespmem:$0x1E080] =	vst v63  }
0x37: {  	s0 =	smov.u32 s31  }
0x38: {  	p1 =	sne.s32 s31, $0x4800;
	s31 =	sadd.s32 $0x400, s31;
	_ =	swait.ge [sflag:s23], $0x3E80  }
0x39: {  	s0 =	sshra.s32 s0, $0x2;
	[sflag:s23] =	ssyncset.done $0x0  }
0x3a: {  	s2 =	sadd.s32 $0x1400, s0;
	[sflag:s23] =	ssyncadd.s32 $0xFFFFC180  }
0x3b: {  	[spmem:s1] =	stream.indirect.scatter.add.f32 [tilespmem:s19], [sflag:$0x3], $0x80, s2, s18, $0xb8;
	[tilespmem:$0x1E080] =	vst v63  }
0x3c: {  	_ =	swait.ge [sflag:s16], $0x3E80  }
0x3d: {  	[sflag:s16] =	ssyncset.done $0x0  }
0x3e: {  	s2 =	sadd.s32 $0x100, s0;
	[sflag:s16] =	ssyncadd.s32 $0xFFFFC180  }
0x3f: {  	[tilespmem:s19], [sflag:$0x1] =	stream.indirect.gather [hbm4b:s4+s18], $0x80, s2, s18, $0xb8;
	[tilespmem:$0x1E080] =	vst v63  }
0x40: {  	_ =	swait.ge [sflag:s24], $0x3E80  }
0x41: {  	[sflag:s24] =	ssyncset.done $0x0  }
.Ltmp0:
0x42: {  	s2 =	sadd.s32 $0x1480, s0;
	[sflag:s24] =	ssyncadd.s32 $0xFFFFC180;
	(pc) =	sbr.rel @p1 .LBB2_2-.Ltmp0, $4  }
0x43: {  	[spmem:s1] =	stream.indirect.scatter.add.f32 [tilespmem:s21], [sflag:$0x3], $0x80, s2, s18, $0xb8;
	[tilespmem:$0x1E080] =	vst v63  }
0x44: {  	_ =	swait.ge [sflag:s16], $0x3E80  }
0x45: {  	[sflag:s16] =	ssyncset.done $0x0  }
0x46: {  	s0 =	sadd.s32 $0x180, s0;
	[sflag:s16] =	ssyncadd.s32 $0xFFFFC180  }
0x47: {  	[tilespmem:s21], [sflag:$0x2] =	stream.indirect.gather [hbm4b:s4+s18], $0x80, s0, s18, $0xb8;
	[tilespmem:$0x1E080] =	vst v63  }
0x48: {  	_ =	swait.ge [sflag:s23], $0x3E80  }
0x49: {  	[sflag:s23] =	ssyncset.done $0x0  }
0x4a: {  	[sflag:s23] =	ssyncadd.s32 $0xFFFFC180  }
0x4b: {  	[spmem:s1] =	stream.indirect.scatter.add.f32 [tilespmem:s19], [sflag:$0x3], $0x80, s25, s18, $0xb8;
	[tilespmem:$0x1E080] =	vst v63  }
0x4c: {  	_ =	swait.ge [sflag:s16], $0x3E80  }
0x4d: {  	[sflag:s16] =	ssyncset.done $0x0  }
0x4e: {  	[sflag:s16] =	ssyncadd.s32 $0xFFFFC180  }
0x4f: {  	_ =	swait.ge [sflag:s24], $0x3E80  }
0x50: {  	[sflag:s24] =	ssyncset.done $0x0  }
0x51: {  	[sflag:s24] =	ssyncadd.s32 $0xFFFFC180  }
0x52: {  	[spmem:s1] =	stream.indirect.scatter.add.f32 [tilespmem:s21], [sflag:$0x3], $0x80, s26, s18, $0xb8;
	[tilespmem:$0x1E080] =	vst v63  }
0x53: {  	_ =	swait.ge [sflag:s16], $0x3E80  }
0x54: {  	[sflag:s16] =	ssyncset.done $0x0  }
0x55: {  	s2 =	simm.s32 $0x0;
	[sflag:s16] =	ssyncadd.s32 $0xFFFFC180  }
0x56: {  	[tilespmem:s2], [sflag:$0x3] =	stream.linear.gather [hbm4b:s12+s2], $0x1400, $0x38;
	[tilespmem:$0x1E080] =	vst v63  }
0x57: {  	_ =	swait.ge [sflag:s16], $0x1400  }
0x58: {  	[sflag:s16] =	ssyncset.done $0x0  }
0x59: {  	[sflag:s16] =	ssyncadd.s32 $0xFFFFEC00  }
0x5a: {  	[tilespmem:s17], [sflag:$0x3] =	stream.linear.gather [hbm4b:s13+s2], $0x1400, $0x38;
	[tilespmem:$0x1E080] =	vst v63  }
0x5b: {  	_ =	swait.ge [sflag:s16], $0x1400  }
0x5c: {  	[sflag:s16] =	ssyncset.done $0x0  }
0x5d: {  	[sflag:s16] =	ssyncadd.s32 $0xFFFFEC00  }
0x5e: {  	[tilespmem:s19], [sflag:$0x1] =	stream.indirect.gather [hbm4b:s4+s18], $0x80, s2, s18, $0xb8;
	[tilespmem:$0x1E080] =	vst v63  }
0x5f: {  	_ = 	snop  }
0x60: {  	[tilespmem:s21], [sflag:$0x2] =	stream.indirect.gather [hbm4b:s4+s18], $0x80, s20, s18, $0xb8;
	[tilespmem:$0x1E080] =	vst v63  }
0x61: {  	_ =	swait.ge [sflag:s23], $0x3E80  }
0x62: {  	[sflag:s23] =	ssyncset.done $0x0  }
0x63: {  	s2 =	simm.s32 $0x1400;
	[sflag:s23] =	ssyncadd.s32 $0xFFFFC180  }
0x64: {  	[spmem:s1] =	stream.indirect.scatter.add.f32 [tilespmem:s19], [sflag:$0x3], $0x80, s2, s18, $0xb8;
	[tilespmem:$0x1E080] =	vst v63  }
0x65: {  	_ =	swait.ge [sflag:s16], $0x3E80  }
0x66: {  	[sflag:s16] =	ssyncset.done $0x0  }
0x67: {  	s2 =	simm.s32 $0x100;
	[sflag:s16] =	ssyncadd.s32 $0xFFFFC180  }
0x68: {  	[tilespmem:s19], [sflag:$0x1] =	stream.indirect.gather [hbm4b:s4+s18], $0x80, s2, s18, $0xb8;
	[tilespmem:$0x1E080] =	vst v63  }
0x69: {  	_ =	swait.ge [sflag:s24], $0x3E80  }
0x6a: {  	[sflag:s24] =	ssyncset.done $0x0  }
0x6b: {  	s2 =	simm.s32 $0x1480;
	[sflag:s24] =	ssyncadd.s32 $0xFFFFC180  }
0x6c: {  	[spmem:s1] =	stream.indirect.scatter.add.f32 [tilespmem:s21], [sflag:$0x3], $0x80, s2, s18, $0xb8;
	[tilespmem:$0x1E080] =	vst v63  }
0x6d: {  	_ =	swait.ge [sflag:s16], $0x3E80  }
0x6e: {  	[sflag:s16] =	ssyncset.done $0x0  }
0x6f: {  	s31 =	simm.s32 $0x400;
	s0 =	simm.s32 $0x180;
	[sflag:s16] =	ssyncadd.s32 $0xFFFFC180  }
.LBB2_4:
0x70: {  	[tilespmem:s21], [sflag:$0x2] =	stream.indirect.gather [hbm4b:s4+s18], $0x80, s0, s18, $0xb8;
	[tilespmem:$0x1E080] =	vst v63  }
0x71: {  	s0 =	smov.u32 s31  }
0x72: {  	p1 =	sne.s32 s31, $0x4800;
	s31 =	sadd.s32 $0x400, s31;
	_ =	swait.ge [sflag:s23], $0x3E80  }
0x73: {  	s0 =	sshra.s32 s0, $0x2;
	[sflag:s23] =	ssyncset.done $0x0  }
0x74: {  	s2 =	sadd.s32 $0x1400, s0;
	[sflag:s23] =	ssyncadd.s32 $0xFFFFC180  }
0x75: {  	[spmem:s1] =	stream.indirect.scatter.add.f32 [tilespmem:s19], [sflag:$0x3], $0x80, s2, s18, $0xb8;
	[tilespmem:$0x1E080] =	vst v63  }
0x76: {  	_ =	swait.ge [sflag:s16], $0x3E80  }
0x77: {  	[sflag:s16] =	ssyncset.done $0x0  }
0x78: {  	s2 =	sadd.s32 $0x100, s0;
	[sflag:s16] =	ssyncadd.s32 $0xFFFFC180  }
0x79: {  	[tilespmem:s19], [sflag:$0x1] =	stream.indirect.gather [hbm4b:s4+s18], $0x80, s2, s18, $0xb8;
	[tilespmem:$0x1E080] =	vst v63  }
0x7a: {  	_ =	swait.ge [sflag:s24], $0x3E80  }
0x7b: {  	[sflag:s24] =	ssyncset.done $0x0  }
.Ltmp1:
0x7c: {  	s2 =	sadd.s32 $0x1480, s0;
	[sflag:s24] =	ssyncadd.s32 $0xFFFFC180;
	(pc) =	sbr.rel @p1 .LBB2_4-.Ltmp1, $4  }
0x7d: {  	[spmem:s1] =	stream.indirect.scatter.add.f32 [tilespmem:s21], [sflag:$0x3], $0x80, s2, s18, $0xb8;
	[tilespmem:$0x1E080] =	vst v63  }
0x7e: {  	_ =	swait.ge [sflag:s16], $0x3E80  }
0x7f: {  	[sflag:s16] =	ssyncset.done $0x0  }
0x80: {  	s0 =	sadd.s32 $0x180, s0;
	[sflag:s16] =	ssyncadd.s32 $0xFFFFC180  }
0x81: {  	[tilespmem:s21], [sflag:$0x2] =	stream.indirect.gather [hbm4b:s4+s18], $0x80, s0, s18, $0xb8;
	[tilespmem:$0x1E080] =	vst v63  }
0x82: {  	_ =	swait.ge [sflag:s23], $0x3E80  }
0x83: {  	[sflag:s23] =	ssyncset.done $0x0  }
0x84: {  	[sflag:s23] =	ssyncadd.s32 $0xFFFFC180  }
0x85: {  	[spmem:s1] =	stream.indirect.scatter.add.f32 [tilespmem:s19], [sflag:$0x3], $0x80, s25, s18, $0xb8;
	[tilespmem:$0x1E080] =	vst v63  }
0x86: {  	_ =	swait.ge [sflag:s16], $0x3E80  }
0x87: {  	[sflag:s16] =	ssyncset.done $0x0  }
0x88: {  	[sflag:s16] =	ssyncadd.s32 $0xFFFFC180  }
0x89: {  	_ =	swait.ge [sflag:s24], $0x3E80  }
0x8a: {  	[sflag:s24] =	ssyncset.done $0x0  }
0x8b: {  	[sflag:s24] =	ssyncadd.s32 $0xFFFFC180  }
0x8c: {  	[spmem:s1] =	stream.indirect.scatter.add.f32 [tilespmem:s21], [sflag:$0x3], $0x80, s26, s18, $0xb8;
	[tilespmem:$0x1E080] =	vst v63  }
0x8d: {  	_ =	swait.ge [sflag:s16], $0x3E80  }
0x8e: {  	[sflag:s16] =	ssyncset.done $0x0  }
0x8f: {  	[sflag:s16] =	ssyncadd.s32 $0xFFFFC180  }
0x90: {  	s31 =	sadd.s32 s5, s14;
	[bflag:$0x0] =	sbarrier.arrive $0xFFFF  }
0x91: {  	[hbm:s31], [sflag:s22] =	dma.local [spmem:s29], $0x2700  }
0x92: {  	_ =	swait.ge [sflag:s16], $0x2700  }
0x93: {  	s28 =	sadd.s32 $0x1, s28;
	[sflag:s16] =	ssyncset.done $0x0  }
0x94: {  	s0 =	sadd.s32 @!p0 $0x27000, s14;
	p1 =	sne.s32 s28, s15;
	[sflag:s16] =	ssyncadd.s32 $0xFFFFD900  }
0x95: {  	[hbm:s0], [sflag:s22] =	dma.local @!p0 [spmem:s30], $0x100  }
.Ltmp2:
0x96: {  	_ = 	snop;
	(pc) =	sbr.rel @p1 .LBB2_1-.Ltmp2, $4  }
0x97: {  	s0 =	simm.s32 @!p0 $0x3  }
0x98: {  	_ =	swait.ge @!p0 [sflag:s0], $0x100  }
0x99: {  	[sflag:s0] =	ssyncset.done @!p0 $0x0  }
0x9a: {  	[sflag:s0] =	ssyncadd.s32 @!p0 $0xFFFFFF00  }
0x9b: {  	_ =	sfence.sel $0x180000  }
0x9c: {  	[bflag:$0x0] =	sbarrier.arrive $0xFFFF  }
0x9d: {  	_ =	strace $0x90000053  }
0x9e: {  	s0 =	stileid.u32;
	[bflag:$0x2] =	sbarrier.arrive $0xFFFF  }
0x9f: {  	p0 =	sne.s32 s0, $0x0;
	s0 =	rddreg [dreg:$0x2]  }
0xa0: {  	s0 =	sadd.s32 @!p0 $0x100000, s0  }
0xa1: {  	[sflag:s0] =	ssyncadd.tile.s32 @!p0 $0x1;
	_ =	shalt  }
.Lfunc_end2:
_tile_overlayer_lowered:
.L_overlay_start_2:
0xa2: {  	(tag) =	ssettag $0x2  }
0xa3: {  	s0 =	rddreg [dreg:$0x0];
	s2 =	stileid.u32  }
0xa4: {  	s1 =	rddreg [dreg:$0x1];
	p0 =	sne.s32 s2, $0x0  }
0xa5: {  	s3 =	rddreg [dreg:$0x2];
	[bflag:$0x3] =	sbarrier.arrive $0xFFFF;
	s2 =	simm.s32 @!p0 $0x1C03  }
0xa6: {  	[timem:s3], [sflag:s2] =	dma.local @!p0 [hbm:s0], s1  }
0xa7: {  	s0 =	simm.s32 @!p0 $0x3  }
0xa8: {  	_ =	swait.ge @!p0 [sflag:s0], s1  }
0xa9: {  	s1 =	ssub.s32 @!p0 $0x0, s1;
	[sflag:s0] =	ssyncset.done @!p0 $0x0  }
0xaa: {  	[sflag:s0] =	ssyncadd.s32 @!p0 s1  }
0xab: {  	[bflag:$0x3] =	sbarrier.arrive $0xFFFF  }
0xac: {  	_ =	shalt  }

// kernel: kernel.30.cloned.1.call-start
scs
__scs_entry_jumppad:
0x0: {  	(pc) =	sbr.rel $0x88, $3  }
0x1: {  	(tag) =	ssettag $0x0;
	lr =	simm.s32 $0x1  }
0x2: {  	[smem:$0x3F93] =	sst lr;
	_ =	strace $0xD0000000  }
0x3: {  	_ = 	snop  }
0x4: {  	_ = 	snop  }
0x5: {  	_ = 	snop  }
0x6: {  	_ = 	snop  }
0x7: {  	_ = 	snop  }
__scs_overlays_trampoline_lowered:
0x8: {  	[smem:$0x3FA2] =	sst s0  }
0x9: {  	[smem:$0x3FA3] =	sst s1  }
0xa: {  	[smem:$0x3FA4] =	sst s2  }
0xb: {  	[smem:$0x3FA5] =	sst s3  }
0xc: {  	[smem:$0x3FA6] =	sst s4  }
0xd: {  	[smem:$0x3FA7] =	sst s5  }
0xe: {  	[smem:$0x3FA8] =	sst s6  }
0xf: {  	[smem:$0x3FA9] =	sst s7  }
0x10: {  	[smem:$0x3FAA] =	sst s8  }
0x11: {  	[smem:$0x3FAB] =	sst s9;
	s0 =	simm.s32 @!p0 $0x0  }
0x12: {  	s1 =	sld [smem:$0x3F91];
	s0 =	simm.s32 @p0 $0x1  }
0x13: {  	[smem:$0x3FAC] =	sst s0;
	s0 =	simm.s32 @!p1 $0x0  }
0x14: {  	s2 =	sld [smem:$0x3F90];
	s0 =	simm.s32 @p1 $0x1  }
0x15: {  	[smem:$0x3FAD] =	sst s0;
	s0 =	simm.s32 @!p2 $0x0  }
0x16: {  	s3 =	sld [smem:$0x3FDB];
	s0 =	simm.s32 @p2 $0x1  }
0x17: {  	s4 =	simm.s32 $0x1BF5;
	[smem:$0x3FAF] =	sst s0  }
0x18: {  	s0 =	sld [smem:$0x3F92];
	_ =	swait.ge [sflag:s4], $0x0  }
0x19: {  	s7 =	sld [smem:$0x3F93]  }
0x1a: {  	s8 =	sadd.s32 $0xFFFFE003, lr  }
0x1b: {  	s9 =	sadd.s32 $0xFFFFFEF7, lr;
	s5 =	simm.s32 $0xFFFFFFFF;
	p2 =	slt.u32 s8, $0xFFFFF086  }
0x1c: {  	p1 =	slt.u32 s9, $0xF7A;
	s5 =	simm.s32 @!p2 $0x0  }
0x1d: {  	s5 =	simm.s32 @p1 $0x1;
	p0 =	seq.s32 s7, s2  }
0x1e: {  	s7 =	smul.u32 @!p0 $0xF7A, s2;
	p2 =	seq.s32 @!p0 s5, $0x0  }
0x1f: {  	s9 =	smul.u32 $0xF7A, s1;
	s8 =	simm.s32 @!p0 $0x1BF5;
	p2 =	por !p2, p0  }
0x20: {  	[sflag:s8] =	ssyncset.s32 @!p0 $0xFFFFF086;
	s6 =	sadd.s32 @!p0 s3, s7;
	s7 =	simm.s32 @!p0 $0x108  }
0x21: {  	s3 =	sadd.s32 s3, s9;
	s6 =	sadd.s32 @!p0 $0x88, s6;
	s7 =	simm.s32 @p2 $0x1082  }
0x22: {  	[simem:s7], [sflag:s8] =	dma.local @!p0 [hbm:s6], $0xF7A  }
0x23: {  	s9 =	sor.u32 $0xD0000000, s2;
	s6 =	simm.s32 $0x108;
	_ =	swait.ge @!p0 [sflag:s8], $0x0  }
0x24: {  	s3 =	sadd.s32 $0x88, s3;
	s6 =	simm.s32 @!p1 $0x1082;
	[sflag:s4] =	ssyncset.s32 $0xFFFFF086  }
0x25: {  	[simem:s6], [sflag:s4] =	dma.local [hbm:s3], $0xF7A  }
0x26: {  	[smem:$0x3F93] =	sst s1;
	(tag) =	ssettag s2;
	_ =	strace s9  }
0x27: {  	s1 =	sld [smem:$0x3FA3]  }
0x28: {  	s2 =	sld [smem:$0x3FA4]  }
0x29: {  	s4 =	sld [smem:$0x3FA6]  }
0x2a: {  	p0 =	seq.s32 s5, $0x0;
	s5 =	sld [smem:$0x3FA7]  }
0x2b: {  	s6 =	sld [smem:$0x3FA8]  }
0x2c: {  	s7 =	sld [smem:$0x3FA9]  }
0x2d: {  	s3 =	simm.s32 $0x108;
	s8 =	sld [smem:$0x3FAA]  }
0x2e: {  	s3 =	simm.s32 @!p0 $0x1082;
	s9 =	sld [smem:$0x3FAB]  }
0x2f: {  	lr =	sadd.s32 s0, s3;
	s0 =	sld [smem:$0x3FA2]  }
0x30: {  	s3 =	sld [smem:$0x3FA5]  }
0x31: {  	[smem:$0x3FAE] =	sst s10  }
0x32: {  	s10 =	sld [smem:$0x3FAC];
	_ =	sdelay $0x3  }
0x33: {  	p0 =	seq.s32 s10, $0x1;
	s10 =	sld [smem:$0x3FAE];
	_ =	sdelay $0x3  }
0x34: {  	[smem:$0x3FAE] =	sst s10  }
0x35: {  	s10 =	sld [smem:$0x3FAD];
	_ =	sdelay $0x3  }
0x36: {  	p1 =	seq.s32 s10, $0x1;
	s10 =	sld [smem:$0x3FAE];
	_ =	sdelay $0x3  }
0x37: {  	[smem:$0x3FAE] =	sst s10  }
0x38: {  	s10 =	sld [smem:$0x3FAF]  }
0x39: {  	_ = 	snop;
	(pc) =	sbr.ind lr, $3  }
0x3a: {  	_ = 	snop  }
0x3b: {  	_ = 	snop  }
0x3c: {  	p2 =	seq.s32 s10, $0x1;
	s10 =	sld [smem:$0x3FAE]  }
0x3d: {  	_ =	shalt  }
0x3e: {  	_ =	shalt  }
0x3f: {  	_ =	shalt  }
0x40: {  	_ =	shalt  }
0x41: {  	_ =	shalt  }
0x42: {  	_ =	shalt  }
0x43: {  	_ =	shalt  }
0x44: {  	_ =	shalt  }
0x45: {  	_ =	shalt  }
0x46: {  	_ =	shalt  }
0x47: {  	_ =	shalt  }
0x48: {  	_ =	shalt  }
0x49: {  	_ =	shalt  }
0x4a: {  	_ =	shalt  }
0x4b: {  	_ =	shalt  }
0x4c: {  	_ =	shalt  }
0x4d: {  	_ =	shalt  }
0x4e: {  	_ =	shalt  }
0x4f: {  	_ =	shalt  }
0x50: {  	_ =	shalt  }
0x51: {  	_ =	shalt  }
0x52: {  	_ =	shalt  }
0x53: {  	_ =	shalt  }
0x54: {  	_ =	shalt  }
0x55: {  	_ =	shalt  }
0x56: {  	_ =	shalt  }
0x57: {  	_ =	shalt  }
0x58: {  	_ =	shalt  }
0x59: {  	_ =	shalt  }
0x5a: {  	_ =	shalt  }
0x5b: {  	_ =	shalt  }
0x5c: {  	_ =	shalt  }
0x5d: {  	_ =	shalt  }
0x5e: {  	_ =	shalt  }
0x5f: {  	_ =	shalt  }
0x60: {  	_ =	shalt  }
0x61: {  	_ =	shalt  }
0x62: {  	_ =	shalt  }
0x63: {  	_ =	shalt  }
0x64: {  	_ =	shalt  }
0x65: {  	_ =	shalt  }
0x66: {  	_ =	shalt  }
0x67: {  	_ =	shalt  }
0x68: {  	_ =	shalt  }
0x69: {  	_ =	shalt  }
0x6a: {  	_ =	shalt  }
0x6b: {  	_ =	shalt  }
0x6c: {  	_ =	shalt  }
0x6d: {  	_ =	shalt  }
0x6e: {  	_ =	shalt  }
0x6f: {  	_ =	shalt  }
0x70: {  	_ =	shalt  }
0x71: {  	_ =	shalt  }
0x72: {  	_ =	shalt  }
0x73: {  	_ =	shalt  }
0x74: {  	_ =	shalt  }
0x75: {  	_ =	shalt  }
0x76: {  	_ =	shalt  }
0x77: {  	_ =	shalt  }
0x78: {  	_ =	shalt  }
0x79: {  	_ =	shalt  }
0x7a: {  	_ =	shalt  }
0x7b: {  	_ =	shalt  }
0x7c: {  	_ =	shalt  }
0x7d: {  	_ =	shalt  }
0x7e: {  	_ =	shalt  }
0x7f: {  	_ =	shalt  }
0x80: {  	_ =	shalt  }
0x81: {  	_ =	shalt  }
0x82: {  	_ =	shalt  }
0x83: {  	_ =	shalt  }
0x84: {  	_ =	shalt  }
0x85: {  	_ =	shalt  }
0x86: {  	_ =	shalt  }
0x87: {  	_ =	shalt  }
.Lfunc_end0:
.L_simem_size_0:
called_computation.5_lowered:
.L_overlay_start_0:
0x88: {  	s2 =	sld [smem:$0x3FD9]  }
0x89: {  	s3 =	sld [smem:$0x3FFE];
	_ =	sdelay $0x1  }
0x8a: {  	s1 =	srdreg.scid  }
0x8b: {  	s0 =	sand.u32 $0x1, s1  }
0x8c: {  	s16 =	sshll.u32 s0, $0xA;
	s2 =	sadd.s32 s3, s2  }
0x8d: {  	s2 =	sadd.s32 s2, s16  }
0x8e: {  	[smem:$0x3FBA] =	sst s2  }
0x8f: {  	_ = 	snop  }
0x90: {  	(tm) =	ssettm $0x1  }
0x91: {  	s17 =	sld [smem:$0x3FFB];
	_ =	sdelay $0x3  }
0x92: {  	_ =	strace s17  }
0x93: {  	s2 =	sld [smem:$0x3FFC];
	_ =	sdelay $0x3  }
0x94: {  	_ =	strace s2  }
0x95: {  	s2 =	sld [smem:$0x3FFD];
	_ =	sdelay $0x3  }
0x96: {  	_ =	strace s2  }
0x97: {  	_ =	strace $0x8FFFFFFF  }
0x98: {  	s18 =	sld [smem:$0x3FDB];
	_ =	sdelay $0x1  }
0x99: {  	s19 =	simm.s32 $_scs_section_size  }
0x9a: {  	s4 =	simm.s32 $_size__tile_overlayer_lowered;
	s5 =	simm.s32 $_tile_overlayer_lowered  }
0x9b: {  	s22 =	simm.s32 $0x1BFF;
	s21 =	sshll.u32 s5, $0x1;
	s2 =	sadd.s32 s19, s18  }
0x9c: {  	s6 =	simm.s32 $0x0;
	s20 =	sshll.u32 s4, $0x1;
	s4 =	sadd.s32 s21, s2  }
0x9d: {  	[timem:s6], [sflag:s22] =	dma.local [hbm:s4], s20  }
0x9e: {  	_ =	swait.ge [sflag:s22], s20  }
0x9f: {  	s3 =	ssub.s32 $0x0, s20;
	[sflag:s22] =	ssyncset.done $0x0  }
0xa0: {  	[sflag:s22] =	ssyncadd.s32 s3;
	_ =	sdelay $0x1  }
0xa1: {  	s23 =	simm.s32 $0x1B8B  }
0xa2: {  	_ =	swait.ge [sflag:s23], $0x1  }
0xa3: {  	[sflag:s23] =	ssyncset.done $0x0  }
0xa4: {  	s25 =	simm.s32 $0x1B8E;
	s24 =	sld [smem:$0x3FFE];
	[sflag:s23] =	ssyncadd.s32 $0xFFFFFFFF  }
0xa5: {  	s26 =	simm.s32 $execute0_lowered;
	[smem:$0x3FD2] =	sst s25  }
0xa6: {  	s4 =	sshll.u32 s26, $0x1;
	_ =	strace $0x80000055;
	[dreg:$0x1] =	wrdreg $0xFFFFFFFF  }
0xa7: {  	s28 =	simm.s32 $_size_execute0_lowered;
	s2 =	sadd.s32 s2, s4;
	[dreg:$0x0] =	wrdreg $0x0  }
0xa8: {  	s4 =	sshll.u32 s28, $0x1;
	[dreg:$0x2] =	wrdreg s2  }
0xa9: {  	[dreg:$0x3] =	wrdreg s4  }
0xaa: {  	[dreg:$0x4] =	wrdreg $0xC0  }
0xab: {  	_ =	task [dreg:s6], $0x5FFFF  }
0xac: {  	[dreg:$0x1] =	wrdreg $0xFFFFFFFF  }
0xad: {  	[dreg:$0x0] =	wrdreg $0x60  }
0xae: {  	[dreg:$0x2] =	wrdreg s24  }
0xaf: {  	[dreg:$0x3] =	wrdreg $0xA8000  }
0xb0: {  	[dreg:$0x4] =	wrdreg $0x9  }
0xb1: {  	_ =	task.clear_ibuf [dreg:s6], $0x5FFFF;
	_ =	strace $0x90000055  }
0xb2: {  	s29 =	simm.s32 $0x9;
	_ =	strace $0x80000057  }
0xb3: {  	_ =	swait.ge [sflag:s29], $0x1  }
0xb4: {  	[sflag:s29] =	ssyncadd.s32 $0xFFFFFFFF  }
0xb5: {  	_ =	strace $0x90000057  }
0xb6: {  	_ =	sfence  }
0xb7: {  	s30 =	sld [smem:$0x0];
	_ =	sdelay $0x2  }
0xb8: {  	s31 =	sshll.u32 s1, $0xD;
	s1 =	sshrl.u32 s1, $0x2  }
0xb9: {  	s3 =	sand.u32 $0x4000, s31;
	s1 =	sadd.s32 s1, s30  }
0xba: {  	s0 =	sor.u32 s3, s0;
	s1 =	sshll.u32 s1, $0x11  }
0xbb: {  	s0 =	sor.u32 s1, s0  }
0xbc: {  	s0 =	sadd.s32 $0x8F2B, s0  }
0xbd: {  	[sflag:s0] =	ssyncadd.remote.s32 $0x1  }
0xbe: {  	_ =	sfence.sel $0xFFFF  }
0xbf: {  	[dreg:$0x0] =	wrdreg $0xFFFFFFFF;
	(pc) =	sbr.abs _section_cstart, $3  }
0xc0: {  	[dreg:$0x1] =	wrdreg $0xFFFFFFFF  }
0xc1: {  	_ =	task.clear_ibuf [dreg:s6], $0x2FFFF;
	_ =	strace $0x9FFFFFFF  }
0xc2: {  	(tm) =	ssettm $0x7FFFFFFF  }
0xc3: {  	_ =	shalt  }
tec
execute0_lowered:
.L_overlay_start_1:
0x0: {  	(tag) =	ssettag $0x1  }
0x1: {  	s0 =	rddreg [dreg:$0x0]  }
0x2: {  	s1 =	rddreg [dreg:$0x1]  }
0x3: {  	s3 =	simm.s32 $0x0;
	s2 =	stileid.u32;
	s6 =	srdreg.scid  }
0x4: {  	s17 =	simm.s32 $0x1400;
	s18 =	simm.s32 $0x7D;
	s19 =	simm.s32 $0x2800  }
0x5: {  	s20 =	simm.s32 $0x80;
	s21 =	simm.s32 $0x6800;
	s23 =	simm.s32 $0x1  }
0x6: {  	s24 =	simm.s32 $0x2;
	s28 =	simm.s32 $0x0;
	[smem:$0x7FF] =	sst s3  }
0x7: {  	s4 =	sadd.s32 $0x18600, s0;
	s5 =	smul.u32 $0x2700, s2;
	s6 =	sand.u32 $0x1, s6  }
0x8: {  	s7 =	sshll.u32 s2, $0x1;
	s12 =	sadd.s32 $0x4600, s0;
	s13 =	sadd.s32 $0xE600, s0  }
0x9: {  	s14 =	smul.u32 $0x4E000, s2;
	p0 =	sne.s32 s2, $0xF;
	s31 =	sshll.u32 s2, $0x6  }
0xa: {  	_ =	strace $0x80000056;
	s8 =	smul.u32 $0x27100, s6;
	s7 =	sor.u32 s6, s7  }
0xb: {  	s6 =	ssub.s32 $0x2, s6;
	s22 =	sor.u32 $0x1C03, s31;
	s9 =	smul.u32 $0x500, s7  }
0xc: {  	s10 =	sadd.s32 s5, s0;
	s11 =	sshrl.u32 s6, $0x1;
	s25 =	smul.u32 $0x2800, s7  }
0xd: {  	s26 =	sshrl.u32 s14, $0x2;
	s15 =	sadd.s32 s8, s0;
	s16 =	ssub.s32 s6, s11  }
0xe: {  	s8 =	sadd.s32 s26, s1;
	s11 =	sadd.s32 $0x66800, s0;
	s26 =	simm.s32 $0x2780  }
0xf: {  	s6 =	sadd.s32 s12, s9;
	s7 =	sadd.s32 s13, s9;
	s9 =	sadd.s32 $0x3F800, s10  }
0x10: {  	s29 =	sshrl.u32 s25, $0x3;
	s10 =	sadd.s32 $0x138000, s1;
	s14 =	sadd.s32 $0x66A00, s15  }
0x11: {  	s15 =	smax.u32 s16, $0x1;
	s16 =	simm.s32 $0x3;
	s30 =	sadd.s32 $0x280, s29  }
0x12: {  	s25 =	simm.s32 $0x2700;
	s12 =	sadd.s32 s12, s30;
	s13 =	sadd.s32 s13, s30  }
.LBB2_1:
0x13: {  	[tilespmem:s3], [sflag:$0x3] =	stream.linear.gather [hbm4b:s6+s3], $0x1400, $0x38;
	[tilespmem:$0x1E080] =	vst v63  }
0x14: {  	_ =	swait.ge [sflag:s16], $0x1400  }
0x15: {  	[sflag:s16] =	ssyncset.done $0x0  }
0x16: {  	[sflag:s16] =	ssyncadd.s32 $0xFFFFEC00  }
0x17: {  	[tilespmem:s17], [sflag:$0x3] =	stream.linear.gather [hbm4b:s7+s3], $0x1400, $0x38;
	[tilespmem:$0x1E080] =	vst v63  }
0x18: {  	_ =	swait.ge [sflag:s16], $0x1400  }
0x19: {  	[sflag:s16] =	ssyncset.done $0x0  }
0x1a: {  	[sflag:s16] =	ssyncadd.s32 $0xFFFFEC00  }
0x1b: {  	[tilespmem:s19], [sflag:$0x1] =	stream.indirect.gather [hbm4b:s4+s18], $0x80, s3, s18, $0xb8;
	[tilespmem:$0x1E080] =	vst v63  }
0x1c: {  	s29 =	sshrl.u32 s8, $0x3  }
0x1d: {  	[tilespmem:s21], [sflag:$0x2] =	stream.indirect.gather [hbm4b:s4+s18], $0x80, s20, s18, $0xb8;
	[tilespmem:$0x1E080] =	vst v63  }
0x1e: {  	[spmem:s29], [sflag:s22] =	dma.local [hbm:s9], $0x2700  }
0x1f: {  	_ =	swait.ge [sflag:s16], $0x2700  }
0x20: {  	[sflag:s16] =	ssyncset.done $0x0  }
0x21: {  	s30 =	sshrl.u32 @!p0 s10, $0x3;
	s0 =	simm.s32 @!p0 $0x3;
	[sflag:s16] =	ssyncadd.s32 $0xFFFFD900  }
0x22: {  	[spmem:s30], [sflag:s22] =	dma.local @!p0 [hbm:s11], $0x100  }
0x23: {  	_ =	swait.ge @!p0 [sflag:s0], $0x100  }
0x24: {  	[sflag:s0] =	ssyncset.done @!p0 $0x0  }
0x25: {  	[sflag:s0] =	ssyncadd.s32 @!p0 $0xFFFFFF00  }
0x26: {  	[bflag:$0x0] =	sbarrier.arrive $0xFFFF  }
0x27: {  	_ =	swait.ge [sflag:s23], $0x3E80  }
0x28: {  	[sflag:s23] =	ssyncset.done $0x0  }
0x29: {  	s2 =	simm.s32 $0x1400;
	[sflag:s23] =	ssyncadd.s32 $0xFFFFC180  }
0x2a: {  	[spmem:s1] =	stream.indirect.scatter.add.f32 [tilespmem:s19], [sflag:$0x3], $0x80, s2, s18, $0xb8;
	[tilespmem:$0x1E080] =	vst v63  }
0x2b: {  	_ =	swait.ge [sflag:s16], $0x3E80  }
0x2c: {  	[sflag:s16] =	ssyncset.done $0x0  }
0x2d: {  	s2 =	simm.s32 $0x100;
	[sflag:s16] =	ssyncadd.s32 $0xFFFFC180  }
0x2e: {  	[tilespmem:s19], [sflag:$0x1] =	stream.indirect.gather [hbm4b:s4+s18], $0x80, s2, s18, $0xb8;
	[tilespmem:$0x1E080] =	vst v63  }
0x2f: {  	_ =	swait.ge [sflag:s24], $0x3E80  }
0x30: {  	[sflag:s24] =	ssyncset.done $0x0  }
0x31: {  	s2 =	simm.s32 $0x1480;
	[sflag:s24] =	ssyncadd.s32 $0xFFFFC180  }
0x32: {  	[spmem:s1] =	stream.indirect.scatter.add.f32 [tilespmem:s21], [sflag:$0x3], $0x80, s2, s18, $0xb8;
	[tilespmem:$0x1E080] =	vst v63  }
0x33: {  	_ =	swait.ge [sflag:s16], $0x3E80  }
0x34: {  	[sflag:s16] =	ssyncset.done $0x0  }
0x35: {  	s31 =	simm.s32 $0x400;
	s0 =	simm.s32 $0x180;
	[sflag:s16] =	ssyncadd.s32 $0xFFFFC180  }
.LBB2_2:
0x36: {  	[tilespmem:s21], [sflag:$0x2] =	stream.indirect.gather [hbm4b:s4+s18], $0x80, s0, s18, $0xb8;
	[tilespmem:$0x1E080] =	vst v63  }
0x37: {  	s0 =	smov.u32 s31  }
0x38: {  	p1 =	sne.s32 s31, $0x4800;
	s31 =	sadd.s32 $0x400, s31;
	_ =	swait.ge [sflag:s23], $0x3E80  }
0x39: {  	s0 =	sshra.s32 s0, $0x2;
	[sflag:s23] =	ssyncset.done $0x0  }
0x3a: {  	s2 =	sadd.s32 $0x1400, s0;
	[sflag:s23] =	ssyncadd.s32 $0xFFFFC180  }
0x3b: {  	[spmem:s1] =	stream.indirect.scatter.add.f32 [tilespmem:s19], [sflag:$0x3], $0x80, s2, s18, $0xb8;
	[tilespmem:$0x1E080] =	vst v63  }
0x3c: {  	_ =	swait.ge [sflag:s16], $0x3E80  }
0x3d: {  	[sflag:s16] =	ssyncset.done $0x0  }
0x3e: {  	s2 =	sadd.s32 $0x100, s0;
	[sflag:s16] =	ssyncadd.s32 $0xFFFFC180  }
0x3f: {  	[tilespmem:s19], [sflag:$0x1] =	stream.indirect.gather [hbm4b:s4+s18], $0x80, s2, s18, $0xb8;
	[tilespmem:$0x1E080] =	vst v63  }
0x40: {  	_ =	swait.ge [sflag:s24], $0x3E80  }
0x41: {  	[sflag:s24] =	ssyncset.done $0x0  }
.Ltmp0:
0x42: {  	s2 =	sadd.s32 $0x1480, s0;
	[sflag:s24] =	ssyncadd.s32 $0xFFFFC180;
	(pc) =	sbr.rel @p1 .LBB2_2-.Ltmp0, $4  }
0x43: {  	[spmem:s1] =	stream.indirect.scatter.add.f32 [tilespmem:s21], [sflag:$0x3], $0x80, s2, s18, $0xb8;
	[tilespmem:$0x1E080] =	vst v63  }
0x44: {  	_ =	swait.ge [sflag:s16], $0x3E80  }
0x45: {  	[sflag:s16] =	ssyncset.done $0x0  }
0x46: {  	s0 =	sadd.s32 $0x180, s0;
	[sflag:s16] =	ssyncadd.s32 $0xFFFFC180  }
0x47: {  	[tilespmem:s21], [sflag:$0x2] =	stream.indirect.gather [hbm4b:s4+s18], $0x80, s0, s18, $0xb8;
	[tilespmem:$0x1E080] =	vst v63  }
0x48: {  	_ =	swait.ge [sflag:s23], $0x3E80  }
0x49: {  	[sflag:s23] =	ssyncset.done $0x0  }
0x4a: {  	[sflag:s23] =	ssyncadd.s32 $0xFFFFC180  }
0x4b: {  	[spmem:s1] =	stream.indirect.scatter.add.f32 [tilespmem:s19], [sflag:$0x3], $0x80, s25, s18, $0xb8;
	[tilespmem:$0x1E080] =	vst v63  }
0x4c: {  	_ =	swait.ge [sflag:s16], $0x3E80  }
0x4d: {  	[sflag:s16] =	ssyncset.done $0x0  }
0x4e: {  	[sflag:s16] =	ssyncadd.s32 $0xFFFFC180  }
0x4f: {  	_ =	swait.ge [sflag:s24], $0x3E80  }
0x50: {  	[sflag:s24] =	ssyncset.done $0x0  }
0x51: {  	[sflag:s24] =	ssyncadd.s32 $0xFFFFC180  }
0x52: {  	[spmem:s1] =	stream.indirect.scatter.add.f32 [tilespmem:s21], [sflag:$0x3], $0x80, s26, s18, $0xb8;
	[tilespmem:$0x1E080] =	vst v63  }
0x53: {  	_ =	swait.ge [sflag:s16], $0x3E80  }
0x54: {  	[sflag:s16] =	ssyncset.done $0x0  }
0x55: {  	s2 =	simm.s32 $0x0;
	[sflag:s16] =	ssyncadd.s32 $0xFFFFC180  }
0x56: {  	[tilespmem:s2], [sflag:$0x3] =	stream.linear.gather [hbm4b:s12+s2], $0x1400, $0x38;
	[tilespmem:$0x1E080] =	vst v63  }
0x57: {  	_ =	swait.ge [sflag:s16], $0x1400  }
0x58: {  	[sflag:s16] =	ssyncset.done $0x0  }
0x59: {  	[sflag:s16] =	ssyncadd.s32 $0xFFFFEC00  }
0x5a: {  	[tilespmem:s17], [sflag:$0x3] =	stream.linear.gather [hbm4b:s13+s2], $0x1400, $0x38;
	[tilespmem:$0x1E080] =	vst v63  }
0x5b: {  	_ =	swait.ge [sflag:s16], $0x1400  }
0x5c: {  	[sflag:s16] =	ssyncset.done $0x0  }
0x5d: {  	[sflag:s16] =	ssyncadd.s32 $0xFFFFEC00  }
0x5e: {  	[tilespmem:s19], [sflag:$0x1] =	stream.indirect.gather [hbm4b:s4+s18], $0x80, s2, s18, $0xb8;
	[tilespmem:$0x1E080] =	vst v63  }
0x5f: {  	_ = 	snop  }
0x60: {  	[tilespmem:s21], [sflag:$0x2] =	stream.indirect.gather [hbm4b:s4+s18], $0x80, s20, s18, $0xb8;
	[tilespmem:$0x1E080] =	vst v63  }
0x61: {  	_ =	swait.ge [sflag:s23], $0x3E80  }
0x62: {  	[sflag:s23] =	ssyncset.done $0x0  }
0x63: {  	s2 =	simm.s32 $0x1400;
	[sflag:s23] =	ssyncadd.s32 $0xFFFFC180  }
0x64: {  	[spmem:s1] =	stream.indirect.scatter.add.f32 [tilespmem:s19], [sflag:$0x3], $0x80, s2, s18, $0xb8;
	[tilespmem:$0x1E080] =	vst v63  }
0x65: {  	_ =	swait.ge [sflag:s16], $0x3E80  }
0x66: {  	[sflag:s16] =	ssyncset.done $0x0  }
0x67: {  	s2 =	simm.s32 $0x100;
	[sflag:s16] =	ssyncadd.s32 $0xFFFFC180  }
0x68: {  	[tilespmem:s19], [sflag:$0x1] =	stream.indirect.gather [hbm4b:s4+s18], $0x80, s2, s18, $0xb8;
	[tilespmem:$0x1E080] =	vst v63  }
0x69: {  	_ =	swait.ge [sflag:s24], $0x3E80  }
0x6a: {  	[sflag:s24] =	ssyncset.done $0x0  }
0x6b: {  	s2 =	simm.s32 $0x1480;
	[sflag:s24] =	ssyncadd.s32 $0xFFFFC180  }
0x6c: {  	[spmem:s1] =	stream.indirect.scatter.add.f32 [tilespmem:s21], [sflag:$0x3], $0x80, s2, s18, $0xb8;
	[tilespmem:$0x1E080] =	vst v63  }
0x6d: {  	_ =	swait.ge [sflag:s16], $0x3E80  }
0x6e: {  	[sflag:s16] =	ssyncset.done $0x0  }
0x6f: {  	s31 =	simm.s32 $0x400;
	s0 =	simm.s32 $0x180;
	[sflag:s16] =	ssyncadd.s32 $0xFFFFC180  }
.LBB2_4:
0x70: {  	[tilespmem:s21], [sflag:$0x2] =	stream.indirect.gather [hbm4b:s4+s18], $0x80, s0, s18, $0xb8;
	[tilespmem:$0x1E080] =	vst v63  }
0x71: {  	s0 =	smov.u32 s31  }
0x72: {  	p1 =	sne.s32 s31, $0x4800;
	s31 =	sadd.s32 $0x400, s31;
	_ =	swait.ge [sflag:s23], $0x3E80  }
0x73: {  	s0 =	sshra.s32 s0, $0x2;
	[sflag:s23] =	ssyncset.done $0x0  }
0x74: {  	s2 =	sadd.s32 $0x1400, s0;
	[sflag:s23] =	ssyncadd.s32 $0xFFFFC180  }
0x75: {  	[spmem:s1] =	stream.indirect.scatter.add.f32 [tilespmem:s19], [sflag:$0x3], $0x80, s2, s18, $0xb8;
	[tilespmem:$0x1E080] =	vst v63  }
0x76: {  	_ =	swait.ge [sflag:s16], $0x3E80  }
0x77: {  	[sflag:s16] =	ssyncset.done $0x0  }
0x78: {  	s2 =	sadd.s32 $0x100, s0;
	[sflag:s16] =	ssyncadd.s32 $0xFFFFC180  }
0x79: {  	[tilespmem:s19], [sflag:$0x1] =	stream.indirect.gather [hbm4b:s4+s18], $0x80, s2, s18, $0xb8;
	[tilespmem:$0x1E080] =	vst v63  }
0x7a: {  	_ =	swait.ge [sflag:s24], $0x3E80  }
0x7b: {  	[sflag:s24] =	ssyncset.done $0x0  }
.Ltmp1:
0x7c: {  	s2 =	sadd.s32 $0x1480, s0;
	[sflag:s24] =	ssyncadd.s32 $0xFFFFC180;
	(pc) =	sbr.rel @p1 .LBB2_4-.Ltmp1, $4  }
0x7d: {  	[spmem:s1] =	stream.indirect.scatter.add.f32 [tilespmem:s21], [sflag:$0x3], $0x80, s2, s18, $0xb8;
	[tilespmem:$0x1E080] =	vst v63  }
0x7e: {  	_ =	swait.ge [sflag:s16], $0x3E80  }
0x7f: {  	[sflag:s16] =	ssyncset.done $0x0  }
0x80: {  	s0 =	sadd.s32 $0x180, s0;
	[sflag:s16] =	ssyncadd.s32 $0xFFFFC180  }
0x81: {  	[tilespmem:s21], [sflag:$0x2] =	stream.indirect.gather [hbm4b:s4+s18], $0x80, s0, s18, $0xb8;
	[tilespmem:$0x1E080] =	vst v63  }
0x82: {  	_ =	swait.ge [sflag:s23], $0x3E80  }
0x83: {  	[sflag:s23] =	ssyncset.done $0x0  }
0x84: {  	[sflag:s23] =	ssyncadd.s32 $0xFFFFC180  }
0x85: {  	[spmem:s1] =	stream.indirect.scatter.add.f32 [tilespmem:s19], [sflag:$0x3], $0x80, s25, s18, $0xb8;
	[tilespmem:$0x1E080] =	vst v63  }
0x86: {  	_ =	swait.ge [sflag:s16], $0x3E80  }
0x87: {  	[sflag:s16] =	ssyncset.done $0x0  }
0x88: {  	[sflag:s16] =	ssyncadd.s32 $0xFFFFC180  }
0x89: {  	_ =	swait.ge [sflag:s24], $0x3E80  }
0x8a: {  	[sflag:s24] =	ssyncset.done $0x0  }
0x8b: {  	[sflag:s24] =	ssyncadd.s32 $0xFFFFC180  }
0x8c: {  	[spmem:s1] =	stream.indirect.scatter.add.f32 [tilespmem:s21], [sflag:$0x3], $0x80, s26, s18, $0xb8;
	[tilespmem:$0x1E080] =	vst v63  }
0x8d: {  	_ =	swait.ge [sflag:s16], $0x3E80  }
0x8e: {  	[sflag:s16] =	ssyncset.done $0x0  }
0x8f: {  	[sflag:s16] =	ssyncadd.s32 $0xFFFFC180  }
0x90: {  	s31 =	sadd.s32 s5, s14;
	[bflag:$0x0] =	sbarrier.arrive $0xFFFF  }
0x91: {  	[hbm:s31], [sflag:s22] =	dma.local [spmem:s29], $0x2700  }
0x92: {  	_ =	swait.ge [sflag:s16], $0x2700  }
0x93: {  	s28 =	sadd.s32 $0x1, s28;
	[sflag:s16] =	ssyncset.done $0x0  }
0x94: {  	s0 =	sadd.s32 @!p0 $0x27000, s14;
	p1 =	sne.s32 s28, s15;
	[sflag:s16] =	ssyncadd.s32 $0xFFFFD900  }
0x95: {  	[hbm:s0], [sflag:s22] =	dma.local @!p0 [spmem:s30], $0x100  }
.Ltmp2:
0x96: {  	_ = 	snop;
	(pc) =	sbr.rel @p1 .LBB2_1-.Ltmp2, $4  }
0x97: {  	s0 =	simm.s32 @!p0 $0x3  }
0x98: {  	_ =	swait.ge @!p0 [sflag:s0], $0x100  }
0x99: {  	[sflag:s0] =	ssyncset.done @!p0 $0x0  }
0x9a: {  	[sflag:s0] =	ssyncadd.s32 @!p0 $0xFFFFFF00  }
0x9b: {  	_ =	sfence.sel $0x180000  }
0x9c: {  	[bflag:$0x0] =	sbarrier.arrive $0xFFFF  }
0x9d: {  	_ =	strace $0x90000056  }
0x9e: {  	s0 =	stileid.u32;
	[bflag:$0x2] =	sbarrier.arrive $0xFFFF  }
0x9f: {  	p0 =	sne.s32 s0, $0x0;
	s0 =	rddreg [dreg:$0x2]  }
0xa0: {  	s0 =	sadd.s32 @!p0 $0x100000, s0  }
0xa1: {  	[sflag:s0] =	ssyncadd.tile.s32 @!p0 $0x1;
	_ =	shalt  }
.Lfunc_end2:
_tile_overlayer_lowered:
.L_overlay_start_2:
0xa2: {  	(tag) =	ssettag $0x2  }
0xa3: {  	s0 =	rddreg [dreg:$0x0];
	s2 =	stileid.u32  }
0xa4: {  	s1 =	rddreg [dreg:$0x1];
	p0 =	sne.s32 s2, $0x0  }
0xa5: {  	s3 =	rddreg [dreg:$0x2];
	[bflag:$0x3] =	sbarrier.arrive $0xFFFF;
	s2 =	simm.s32 @!p0 $0x1C03  }
0xa6: {  	[timem:s3], [sflag:s2] =	dma.local @!p0 [hbm:s0], s1  }
0xa7: {  	s0 =	simm.s32 @!p0 $0x3  }
0xa8: {  	_ =	swait.ge @!p0 [sflag:s0], s1  }
0xa9: {  	s1 =	ssub.s32 @!p0 $0x0, s1;
	[sflag:s0] =	ssyncset.done @!p0 $0x0  }
0xaa: {  	[sflag:s0] =	ssyncadd.s32 @!p0 s1  }
0xab: {  	[bflag:$0x3] =	sbarrier.arrive $0xFFFF  }
0xac: {  	_ =	shalt  }

</sc_bundles>
